<compile_context>
chip_gen: v7x
topology: tpu7x:2x2x1
jax: 0.10.2.dev20260603
libtpu: 0.0.44.dev20260713+nightly
codegen_flags: <defaults>
</compile_context>

<pallas_src>
import functools

import jax
import jax.numpy as jnp
from jax import lax
from jax.experimental import pallas as pl
from jax.experimental.pallas import tpu as pltpu
from jax.experimental.pallas import tpu_sc as plsc

N = 10000
F = 128
NC = 2
NS = 16
NW = NC * NS
CHUNK = 128
N_PAD = 10112
RPT = N_PAD // NS
RB = 1000
GRID = N // RB

_E = 320000
NBUF = 3
CPW0 = 123
CPW1 = 34
E_PAD = NS * (CPW0 + CPW1) * CHUNK
CPWS = 2 * (-(-_E // (NW * CHUNK * 2)))
E_PADS = NW * CPWS * CHUNK

_mesh = plsc.VectorSubcoreMesh(core_axis_name="c", subcore_axis_name="s")



def _zero_tile(buf):

    def zrow(i, _):
        for j in range(F // 16):
            buf[i, pl.ds(j * 16, 16)] = jnp.zeros((16,), jnp.float32)
        return 0

    lax.fori_loop(0, CHUNK, zrow, 0)


def _deg_body(idx_hbm, out_hbm, idx0, idx1, ones_v, acc_sh, isem0, isem1):
    c = lax.axis_index("c")
    s = lax.axis_index("s")
    w = c * NS + s
    idxb = (idx0, idx1)
    isems = (isem0, isem1)

    _zero_tile(ones_v)
    base = s * RPT
    for k in range(RPT // CHUNK):
        pltpu.sync_copy(ones_v, acc_sh.at[pl.ds(base + k * CHUNK, CHUNK)])
    if RPT % CHUNK:
        pltpu.sync_copy(ones_v.at[pl.ds(0, RPT % CHUNK)],
                        acc_sh.at[pl.ds(base + (RPT // CHUNK) * CHUNK,
                                        RPT % CHUNK)])
    plsc.subcore_barrier()

    def frow(i, _):
        for j in range(F // 16):
            ones_v[i, pl.ds(j * 16, 16)] = jnp.full((16,), 1.0, jnp.float32)
        return 0

    lax.fori_loop(0, CHUNK, frow, 0)

    def istart(j, b):
        pltpu.async_copy(idx_hbm.at[w, j], idxb[b], isems[b])

    def iwait(b):
        pltpu.make_async_copy(idx_hbm.at[w, 0], idxb[b], isems[b]).wait()

    istart(0, 0)
    istart(1, 1)

    def chunk_step(j, b):
        iwait(b)
        pltpu.sync_copy(ones_v, acc_sh.at[idxb[b].at[0]], add=True)

        @pl.when(j + 2 < CPWS)
        def _():
            istart(j + 2, b)

    def pair(i, _):
        chunk_step(2 * i, 0)
        chunk_step(2 * i + 1, 1)
        return 0

    lax.fori_loop(0, CPWS // 2, pair, 0)
    plsc.subcore_barrier()
    pltpu.sync_copy(acc_sh.at[pl.ds(base, RPT)], out_hbm.at[c, pl.ds(base, RPT)])


def _sc_degrees(idx4):
    return pl.kernel(
        _deg_body,
        out_type=jax.ShapeDtypeStruct((NC, N_PAD, F), jnp.float32),
        mesh=_mesh,
        scratch_types=[
            pltpu.VMEM((1, CHUNK), jnp.int32),
            pltpu.VMEM((1, CHUNK), jnp.int32),
            pltpu.VMEM((CHUNK, F), jnp.float32),
            pltpu.VMEM_SHARED((N_PAD, F), jnp.float32),
            pltpu.SemaphoreType.DMA,
            pltpu.SemaphoreType.DMA,
        ],
    )(idx4)


def _agg_body(y_hbm, idx_hbm, out_hbm,
              idx0, idx1, idx2, rows0, rows1, rows2, acc_sh,
              isem0, isem1, isem2, gsem0, gsem1, gsem2):
    c = lax.axis_index("c")
    s = lax.axis_index("s")
    w = c * NS + s
    idxb = (idx0, idx1, idx2)
    rowsb = (rows0, rows1, rows2)
    isems = (isem0, isem1, isem2)
    gsems = (gsem0, gsem1, gsem2)

    _zero_tile(rows0)
    base = s * RPT
    for k in range(RPT // CHUNK):
        pltpu.sync_copy(rows0, acc_sh.at[pl.ds(base + k * CHUNK, CHUNK)])
    if RPT % CHUNK:
        pltpu.sync_copy(rows0.at[pl.ds(0, RPT % CHUNK)],
                        acc_sh.at[pl.ds(base + (RPT // CHUNK) * CHUNK,
                                        RPT % CHUNK)])
    plsc.subcore_barrier()

    def istart(j, b):
        pltpu.async_copy(idx_hbm.at[w, j], idxb[b], isems[b])

    def iwait(b):
        pltpu.make_async_copy(idx_hbm.at[w, 0], idxb[b], isems[b]).wait()

    def gstart(b):
        pltpu.async_copy(y_hbm.at[idxb[b].at[0]], rowsb[b], gsems[b])

    def gwait(b):
        pltpu.make_async_copy(y_hbm.at[idxb[b].at[0]], rowsb[b], gsems[b]).wait()

    @pl.when(c == 0)
    def _ring():
        for k in range(NBUF):
            istart(k, k)
        for k in range(NBUF - 1):
            iwait(k)
            gstart(k)

        def chunk_step(j, b):
            gwait(b)

            @pl.when(j + NBUF - 1 < CPW0)
            def _():
                iwait((b + NBUF - 1) % NBUF)
                gstart((b + NBUF - 1) % NBUF)

            pltpu.sync_copy(rowsb[b], acc_sh.at[idxb[b].at[1]], add=True)

            @pl.when(j + NBUF < CPW0)
            def _():
                istart(j + NBUF, b)

        def group(i, _):
            for k in range(NBUF):
                chunk_step(NBUF * i + k, k)
            return 0

        lax.fori_loop(0, CPW0 // NBUF, group, 0)

    @pl.when(c == 1)
    def _seq():
        istart(0, 0)
        istart(1, 1)

        def cstep(j, b):
            iwait(b)
            gstart(b)
            gwait(b)
            pltpu.sync_copy(rowsb[b], acc_sh.at[idxb[b].at[1]], add=True)

            @pl.when(j + 2 < CPW1)
            def _():
                istart(j + 2, b)

        def pair(i, _):
            cstep(2 * i, 0)
            cstep(2 * i + 1, 1)
            return 0

        lax.fori_loop(0, CPW1 // 2, pair, 0)
    plsc.subcore_barrier()
    pltpu.sync_copy(acc_sh.at[pl.ds(base, RPT)], out_hbm.at[c, pl.ds(base, RPT)])


def _sc_aggregate(y, idx4):
    return pl.kernel(
        _agg_body,
        out_type=jax.ShapeDtypeStruct((NC, N_PAD, F), jnp.float32),
        mesh=_mesh,
        scratch_types=(
            [pltpu.VMEM((2, CHUNK), jnp.int32)] * NBUF
            + [pltpu.VMEM((CHUNK, F), jnp.float32)] * NBUF
            + [pltpu.VMEM_SHARED((N_PAD, F), jnp.float32)]
            + [pltpu.SemaphoreType.DMA] * (2 * NBUF)
        ),
    )(y, idx4)



def _bn_block(t, st, g, bt):
    inv_n = 1.0 / N
    mean = st[0:1, :] * inv_n
    var = st[1:2, :] * inv_n - mean * mean
    istd = lax.rsqrt(var + 1e-5)
    return (t - mean) * istd * g + bt


_spec_p0 = pl.BlockSpec((1, RB, F), lambda i: (0, i, 0))
_spec_p1 = pl.BlockSpec((1, RB, F), lambda i: (1, i, 0))
_spec_d0 = pl.BlockSpec((1, RB, 16), lambda i: (0, i, 0))
_spec_d1 = pl.BlockSpec((1, RB, 16), lambda i: (1, i, 0))
_spec_row = pl.BlockSpec((RB, F), lambda i: (i, 0))
_spec_w = pl.BlockSpec((F, F), lambda i: (0, 0))
_spec_vec = pl.BlockSpec((1, F), lambda i: (0, 0))
_spec_st = pl.BlockSpec((8, F), lambda i: (0, 0))
_spec_dis = pl.BlockSpec((RB, 1), lambda i: (i, 0))


def _dis_y1_body(d0_ref, d1_ref, xw_ref, dis_ref, y_ref):
    dis = lax.rsqrt(1.0 + d0_ref[0][:, :1] + d1_ref[0][:, :1])
    dis_ref[...] = dis
    y_ref[...] = dis * xw_ref[...]


def _tc_dis_y1(degp, xw1):
    return pl.pallas_call(
        _dis_y1_body,
        grid=(GRID,),
        in_specs=[_spec_p0, _spec_p1, _spec_row],
        out_specs=[_spec_dis, _spec_row],
        out_shape=[jax.ShapeDtypeStruct((N, 1), jnp.float32),
                   jax.ShapeDtypeStruct((N, F), jnp.float32)],
    )(degp, degp, xw1)


def _mm_body(h_ref, w_ref, y_ref):
    y_ref[...] = jnp.dot(h_ref[...], w_ref[...],
                         preferred_element_type=jnp.float32)


def _tc_matmul(h, W):
    return pl.pallas_call(
        _mm_body,
        grid=(GRID,),
        in_specs=[_spec_row, _spec_w],
        out_specs=_spec_row,
        out_shape=jax.ShapeDtypeStruct((N, F), jnp.float32),
    )(h, W)


def _mm_bn_body(t_ref, st_ref, g_ref, bt_ref, w_ref, dis_ref, y_ref):
    h = _bn_block(t_ref[...], st_ref[...], g_ref[...], bt_ref[...])
    y_ref[...] = dis_ref[...] * jnp.dot(h, w_ref[...],
                                        preferred_element_type=jnp.float32)


def _tc_matmul_bn(t, st, g, bt, W, dis):
    return pl.pallas_call(
        _mm_bn_body,
        grid=(GRID,),
        in_specs=[_spec_row, _spec_st, _spec_vec, _spec_vec, _spec_w,
                  _spec_dis],
        out_specs=_spec_row,
        out_shape=jax.ShapeDtypeStruct((N, F), jnp.float32),
    )(t, st, g, bt, W, dis)


def _mm3_body(x_ref, t1_ref, st1_ref, t2_ref, st2_ref, g_ref, bt_ref,
              w0_ref, w1_ref, w2_ref, dis_ref, y_ref):
    h1 = _bn_block(t1_ref[...], st1_ref[...], g_ref[...], bt_ref[...])
    h2 = _bn_block(t2_ref[...], st2_ref[...], g_ref[...], bt_ref[...])
    acc = jnp.dot(x_ref[...], w0_ref[...], preferred_element_type=jnp.float32)
    acc += jnp.dot(h1, w1_ref[...], preferred_element_type=jnp.float32)
    acc += jnp.dot(h2, w2_ref[...], preferred_element_type=jnp.float32)
    y_ref[...] = dis_ref[...] * acc


def _tc_matmul3_bn(x, t1, st1, t2, st2, g, bt, w0, w1, w2, dis):
    return pl.pallas_call(
        _mm3_body,
        grid=(GRID,),
        in_specs=[_spec_row, _spec_row, _spec_st, _spec_row, _spec_st,
                  _spec_vec, _spec_vec, _spec_w, _spec_w, _spec_w, _spec_dis],
        out_specs=_spec_row,
        out_shape=jax.ShapeDtypeStruct((N, F), jnp.float32),
    )(x, t1, st1, t2, st2, g, bt, w0, w1, w2, dis)


def _post_body(p0_ref, p1_ref, y_ref, dis_ref, b_ref, t_ref, st_ref):
    i = pl.program_id(0)
    pre = dis_ref[...] * (p0_ref[0] + p1_ref[0] + y_ref[...]) + b_ref[...]
    t = jnp.maximum(pre, 0.0)
    t_ref[...] = t
    ssum = jnp.sum(t, axis=0, keepdims=True)
    ssq = jnp.sum(t * t, axis=0, keepdims=True)
    st = jnp.concatenate([ssum, ssq, jnp.zeros((6, F), jnp.float32)], axis=0)

    @pl.when(i == 0)
    def _():
        st_ref[...] = st

    @pl.when(i != 0)
    def _():
        st_ref[...] += st


def _tc_post(p, y, dis, b):
    return pl.pallas_call(
        _post_body,
        grid=(GRID,),
        in_specs=[_spec_p0, _spec_p1, _spec_row, _spec_dis, _spec_vec],
        out_specs=[_spec_row, _spec_st],
        out_shape=[jax.ShapeDtypeStruct((N, F), jnp.float32),
                   jax.ShapeDtypeStruct((8, F), jnp.float32)],
    )(p, p, y, dis, b)


def _final_body(p0_ref, p1_ref, y_ref, dis_ref, b_ref, o_ref):
    pre = dis_ref[...] * (p0_ref[0] + p1_ref[0] + y_ref[...]) + b_ref[...]
    o_ref[...] = jnp.maximum(pre, 0.0)


def _tc_final(p, y, dis, b):
    return pl.pallas_call(
        _final_body,
        grid=(GRID,),
        in_specs=[_spec_p0, _spec_p1, _spec_row, _spec_dis, _spec_vec],
        out_specs=_spec_row,
        out_shape=jax.ShapeDtypeStruct((N, F), jnp.float32),
    )(p, p, y, dis, b)



def kernel(x, edge_index, W1, b1, W2, b2, gamma, beta, W_out, b_out):
    src = edge_index[0].astype(jnp.int32)
    dst = edge_index[1].astype(jnp.int32)
    e = src.shape[0]

    pad = E_PAD - e
    src_p = jnp.concatenate([src, jnp.zeros((pad,), jnp.int32)])
    dst_p = jnp.concatenate([dst, jnp.full((pad,), N, jnp.int32)])
    e0 = NS * CPW0 * CHUNK
    core0 = jnp.concatenate(
        [src_p[:e0].reshape(NS, CPW0, 1, CHUNK),
         dst_p[:e0].reshape(NS, CPW0, 1, CHUNK)], axis=2)
    core1 = jnp.concatenate(
        [src_p[e0:].reshape(NS, CPW1, 1, CHUNK),
         dst_p[e0:].reshape(NS, CPW1, 1, CHUNK)], axis=2)
    core1 = jnp.pad(core1, ((0, 0), (0, CPW0 - CPW1), (0, 0), (0, 0)))
    idx4 = jnp.concatenate([core0, core1], axis=0)

    pads = E_PADS - e
    dst_s = jnp.concatenate([dst, jnp.full((pads,), N, jnp.int32)])
    dst4 = dst_s.reshape(NW, CPWS, 1, CHUNK)

    b1r = b1.reshape(1, F)
    b2r = b2.reshape(1, F)
    bor = b_out.reshape(1, F)
    gr = gamma.reshape(1, F)
    btr = beta.reshape(1, F)

    degp = _sc_degrees(dst4)
    xw1 = _tc_matmul(x, W1)
    dis, y1 = _tc_dis_y1(degp, xw1)

    p1 = _sc_aggregate(y1, idx4)
    t1, st1 = _tc_post(p1, y1, dis, b1r)

    y2 = _tc_matmul_bn(t1, st1, gr, btr, W2, dis)
    p2 = _sc_aggregate(y2, idx4)
    t2, st2 = _tc_post(p2, y2, dis, b2r)

    y3 = _tc_matmul3_bn(x, t1, st1, t2, st2, gr, btr,
                        W_out[:F], W_out[F:2 * F], W_out[2 * F:], dis)
    p3 = _sc_aggregate(y3, idx4)
    return _tc_final(p3, y3, dis, bor)

# --- scband reference (transcript-rebuilt; emitter-appended) ---
"""Pipeline reference for scband-gnn-nodes-49469433315362 (READ-ONLY COPY).

The authoritative reference and input builder live on the scoring server;
editing this copy changes nothing except your own understanding.
"""

import jax, jax.numpy as jnp
import numpy as np

N = 10000
E = 320000
F = 128
H = 128
C = 128


def gcn_conv(x, edge_index, W, b):
    n = x.shape[0]
    x = x @ W
    loop = jnp.arange(n, dtype=edge_index.dtype)
    src = jnp.concatenate([edge_index[0], loop])
    dst = jnp.concatenate([edge_index[1], loop])
    ew = jnp.ones(src.shape[0], dtype=x.dtype)
    deg = jnp.zeros(n, dtype=x.dtype).at[dst].add(ew)
    dis = jnp.where(deg > 0, jax.lax.rsqrt(jnp.maximum(deg, 1e-12)), 0.0)
    norm = dis[src] * ew * dis[dst]
    out = jnp.zeros_like(x).at[dst].add(norm[:, None] * x[src])
    return out + b


def batchnorm(x, gamma, beta, eps=1e-5):
    mean = jnp.mean(x, axis=0)
    var = jnp.var(x, axis=0)
    return (x - mean) * jax.lax.rsqrt(var + eps) * gamma + beta


def setup_inputs(seed: int = 0) -> dict:
    key = jax.random.key(seed)
    ks = jax.random.split(key, 10)
    x = jax.random.normal(ks[0], (N, F), dtype=jnp.float32)
    edge_index = jax.random.randint(ks[1], (2, E), 0, N, dtype=jnp.int64)
    W1 = jax.random.normal(ks[2], (F, H), dtype=jnp.float32) * 0.05
    b1 = jnp.zeros((H,), dtype=jnp.float32)
    W2 = jax.random.normal(ks[3], (H, H), dtype=jnp.float32) * 0.05
    b2 = jnp.zeros((H,), dtype=jnp.float32)
    gamma = jnp.ones((H,), dtype=jnp.float32)
    beta = jnp.zeros((H,), dtype=jnp.float32)
    W_out = jax.random.normal(ks[4], (F + 2 * H, C), dtype=jnp.float32) * 0.05
    b_out = jnp.zeros((C,), dtype=jnp.float32)
    return {"x": x, "edge_index": edge_index, "W1": W1, "b1": b1, "W2": W2, "b2": b2, "gamma": gamma, "beta": beta, "W_out": W_out, "b_out": b_out}


def reference(x, edge_index, W1, b1, W2, b2, gamma, beta, W_out, b_out):
    l = [x]
    h = x
    for (W, b) in [(W1, b1), (W2, b2)]:
        h = gcn_conv(h, edge_index, W, b)
        h = jax.nn.relu(h)
        h = batchnorm(h, gamma, beta)
        # dropout p=0.0 -> identity
        l.append(h)
    h = jnp.concatenate(l, axis=1)
    h = gcn_conv(h, edge_index, W_out, b_out)
    h = jax.nn.relu(h)
    return h

if __name__ == "__main__":
    import jax
    _d = setup_inputs()
    print(jax.jit(kernel)(*tuple(_d.values())))

</pallas_src>

<mosaic_0001>
#map = affine_map<(d0, d1) -> (0, 0)>
#map1 = affine_map<(d0, d1) -> (0, 0, 0, 0)>
#map2 = affine_map<(d0, d1) -> (0, 0, 0)>
module attributes {stable_mosaic.version = 14 : i64} {
  func.func @_agg_body(%arg0: i32, %arg1: i32, %arg2: memref<10000x128xf32, #tpu.memory_space<hbm>>, %arg3: memref<32x123x2x128xi32, #tpu.memory_space<hbm>>, %arg4: memref<2x10112x128xf32, #tpu.memory_space<hbm>>, %arg5: memref<2x128xi32, #tpu.memory_space<vmem>>, %arg6: memref<2x128xi32, #tpu.memory_space<vmem>>, %arg7: memref<2x128xi32, #tpu.memory_space<vmem>>, %arg8: memref<128x128xf32, #tpu.memory_space<vmem>>, %arg9: memref<128x128xf32, #tpu.memory_space<vmem>>, %arg10: memref<128x128xf32, #tpu.memory_space<vmem>>, %arg11: memref<10112x128xf32, #tpu.memory_space<vmem_shared>>, %arg12: memref<!tpu.dma_semaphore, #tpu.memory_space<semaphore_mem>>, %arg13: memref<!tpu.dma_semaphore, #tpu.memory_space<semaphore_mem>>, %arg14: memref<!tpu.dma_semaphore, #tpu.memory_space<semaphore_mem>>, %arg15: memref<!tpu.dma_semaphore, #tpu.memory_space<semaphore_mem>>, %arg16: memref<!tpu.dma_semaphore, #tpu.memory_space<semaphore_mem>>, %arg17: memref<!tpu.dma_semaphore, #tpu.memory_space<semaphore_mem>>) attributes {dimension_semantics = [#tpu.dimension_semantics<core_parallel>, #tpu.dimension_semantics<subcore_parallel>], iteration_bounds = array<i64: 2, 16>, scalar_prefetch = 0 : i64, scratch_operands = 13 : i64, tpu.core_type = #tpu.core_type<sc_vector_subcore>, window_params = [{transform_indices = #map}, {transform_indices = #map1}, {transform_indices = #map2}]} {
    %mul3A = arith.constant 16 : i32
    %mul3A_0 = arith.muli %arg0, %mul3A : i32
    %add3A = arith.addi %mul3A_0, %arg1 : i32
    %scan3A = arith.constant 0 : i32
    %scan3A_1 = arith.constant 0 : i32
    %scan3A_2 = arith.constant 128 : i32
    %scan3A_3 = arith.addi %scan3A_1, %scan3A_2 : i32
    %scan3A_4 = arith.constant 1 : i32
    %scan3A_5 = scf.for %scan3A_27 = %scan3A_1 to %scan3A_3 step %scan3A_4 iter_args(%scan3A_28 = %scan3A) -> (i32)  : i32 {
      %broadcast_in_dim3A = arith.constant 0.000000e+00 : f32
      %broadcast_in_dim3A_29 = vector.broadcast %broadcast_in_dim3A : f32 to vector<16xf32>
      %swap3A = arith.index_cast %scan3A_27 : i32 to index
      %swap3A_30 = arith.constant 0 : index
      %swap3A_31 = tpu.vector_load %arg8[%swap3A, %swap3A_30] {strides = array<i32>} : memref<128x128xf32, #tpu.memory_space<vmem>>, vector<1x16xf32>,
      %swap3A_32 = vector.shape_cast %swap3A_31 : vector<1x16xf32> to vector<16xf32>
      %swap3A_33 = vector.shape_cast %broadcast_in_dim3A_29 : vector<16xf32> to vector<1x16xf32>
      tpu.vector_store %arg8[%swap3A, %swap3A_30], %swap3A_33 {strides = array<i32>} : memref<128x128xf32, #tpu.memory_space<vmem>>, vector<1x16xf32>,
      %broadcast_in_dim3A_34 = arith.constant 0.000000e+00 : f32
      %broadcast_in_dim3A_35 = vector.broadcast %broadcast_in_dim3A_34 : f32 to vector<16xf32>
      %swap3A_36 = arith.index_cast %scan3A_27 : i32 to index
      %swap3A_37 = arith.constant 16 : index
      %swap3A_38 = tpu.vector_load %arg8[%swap3A_36, %swap3A_37] {strides = array<i32>} : memref<128x128xf32, #tpu.memory_space<vmem>>, vector<1x16xf32>,
      %swap3A_39 = vector.shape_cast %swap3A_38 : vector<1x16xf32> to vector<16xf32>
      %swap3A_40 = vector.shape_cast %broadcast_in_dim3A_35 : vector<16xf32> to vector<1x16xf32>
      tpu.vector_store %arg8[%swap3A_36, %swap3A_37], %swap3A_40 {strides = array<i32>} : memref<128x128xf32, #tpu.memory_space<vmem>>, vector<1x16xf32>,
      %broadcast_in_dim3A_41 = arith.constant 0.000000e+00 : f32
      %broadcast_in_dim3A_42 = vector.broadcast %broadcast_in_dim3A_41 : f32 to vector<16xf32>
      %swap3A_43 = arith.index_cast %scan3A_27 : i32 to index
      %swap3A_44 = arith.constant 32 : index
      %swap3A_45 = tpu.vector_load %arg8[%swap3A_43, %swap3A_44] {strides = array<i32>} : memref<128x128xf32, #tpu.memory_space<vmem>>, vector<1x16xf32>,
      %swap3A_46 = vector.shape_cast %swap3A_45 : vector<1x16xf32> to vector<16xf32>
      %swap3A_47 = vector.shape_cast %broadcast_in_dim3A_42 : vector<16xf32> to vector<1x16xf32>
      tpu.vector_store %arg8[%swap3A_43, %swap3A_44], %swap3A_47 {strides = array<i32>} : memref<128x128xf32, #tpu.memory_space<vmem>>, vector<1x16xf32>,
      %broadcast_in_dim3A_48 = arith.constant 0.000000e+00 : f32
      %broadcast_in_dim3A_49 = vector.broadcast %broadcast_in_dim3A_48 : f32 to vector<16xf32>
      %swap3A_50 = arith.index_cast %scan3A_27 : i32 to index
      %swap3A_51 = arith.constant 48 : index
      %swap3A_52 = tpu.vector_load %arg8[%swap3A_50, %swap3A_51] {strides = array<i32>} : memref<128x128xf32, #tpu.memory_space<vmem>>, vector<1x16xf32>,
      %swap3A_53 = vector.shape_cast %swap3A_52 : vector<1x16xf32> to vector<16xf32>
      %swap3A_54 = vector.shape_cast %broadcast_in_dim3A_49 : vector<16xf32> to vector<1x16xf32>
      tpu.vector_store %arg8[%swap3A_50, %swap3A_51], %swap3A_54 {strides = array<i32>} : memref<128x128xf32, #tpu.memory_space<vmem>>, vector<1x16xf32>,
      %broadcast_in_dim3A_55 = arith.constant 0.000000e+00 : f32
      %broadcast_in_dim3A_56 = vector.broadcast %broadcast_in_dim3A_55 : f32 to vector<16xf32>
      %swap3A_57 = arith.index_cast %scan3A_27 : i32 to index
      %swap3A_58 = arith.constant 64 : index
      %swap3A_59 = tpu.vector_load %arg8[%swap3A_57, %swap3A_58] {strides = array<i32>} : memref<128x128xf32, #tpu.memory_space<vmem>>, vector<1x16xf32>,
      %swap3A_60 = vector.shape_cast %swap3A_59 : vector<1x16xf32> to vector<16xf32>
      %swap3A_61 = vector.shape_cast %broadcast_in_dim3A_56 : vector<16xf32> to vector<1x16xf32>
      tpu.vector_store %arg8[%swap3A_57, %swap3A_58], %swap3A_61 {strides = array<i32>} : memref<128x128xf32, #tpu.memory_space<vmem>>, vector<1x16xf32>,
      %broadcast_in_dim3A_62 = arith.constant 0.000000e+00 : f32
      %broadcast_in_dim3A_63 = vector.broadcast %broadcast_in_dim3A_62 : f32 to vector<16xf32>
      %swap3A_64 = arith.index_cast %scan3A_27 : i32 to index
      %swap3A_65 = arith.constant 80 : index
      %swap3A_66 = tpu.vector_load %arg8[%swap3A_64, %swap3A_65] {strides = array<i32>} : memref<128x128xf32, #tpu.memory_space<vmem>>, vector<1x16xf32>,
      %swap3A_67 = vector.shape_cast %swap3A_66 : vector<1x16xf32> to vector<16xf32>
      %swap3A_68 = vector.shape_cast %broadcast_in_dim3A_63 : vector<16xf32> to vector<1x16xf32>
      tpu.vector_store %arg8[%swap3A_64, %swap3A_65], %swap3A_68 {strides = array<i32>} : memref<128x128xf32, #tpu.memory_space<vmem>>, vector<1x16xf32>,
      %broadcast_in_dim3A_69 = arith.constant 0.000000e+00 : f32
      %broadcast_in_dim3A_70 = vector.broadcast %broadcast_in_dim3A_69 : f32 to vector<16xf32>
      %swap3A_71 = arith.index_cast %scan3A_27 : i32 to index
      %swap3A_72 = arith.constant 96 : index
      %swap3A_73 = tpu.vector_load %arg8[%swap3A_71, %swap3A_72] {strides = array<i32>} : memref<128x128xf32, #tpu.memory_space<vmem>>, vector<1x16xf32>,
      %swap3A_74 = vector.shape_cast %swap3A_73 : vector<1x16xf32> to vector<16xf32>
      %swap3A_75 = vector.shape_cast %broadcast_in_dim3A_70 : vector<16xf32> to vector<1x16xf32>
      tpu.vector_store %arg8[%swap3A_71, %swap3A_72], %swap3A_75 {strides = array<i32>} : memref<128x128xf32, #tpu.memory_space<vmem>>, vector<1x16xf32>,
      %broadcast_in_dim3A_76 = arith.constant 0.000000e+00 : f32
      %broadcast_in_dim3A_77 = vector.broadcast %broadcast_in_dim3A_76 : f32 to vector<16xf32>
      %swap3A_78 = arith.index_cast %scan3A_27 : i32 to index
      %swap3A_79 = arith.constant 112 : index
      %swap3A_80 = tpu.vector_load %arg8[%swap3A_78, %swap3A_79] {strides = array<i32>} : memref<128x128xf32, #tpu.memory_space<vmem>>, vector<1x16xf32>,
      %swap3A_81 = vector.shape_cast %swap3A_80 : vector<1x16xf32> to vector<16xf32>
      %swap3A_82 = vector.shape_cast %broadcast_in_dim3A_77 : vector<16xf32> to vector<1x16xf32>
      tpu.vector_store %arg8[%swap3A_78, %swap3A_79], %swap3A_82 {strides = array<i32>} : memref<128x128xf32, #tpu.memory_space<vmem>>, vector<1x16xf32>,
      %scan3A_83 = arith.constant 0 : i32
      scf.yield %scan3A_83 : i32
    }
    %scan3A_6 = arith.constant 128 : i32
    %mul3A_7 = arith.constant 632 : i32
    %mul3A_8 = arith.muli %arg1, %mul3A_7 : i32
    %add3A_9 = arith.constant 0 : i32
    %add3A_10 = arith.addi %mul3A_8, %add3A_9 : i32
    "tpu.region"() ({
      %run_scoped3A = tpu.sem_alloc : memref<!tpu.dma_semaphore, #tpu.memory_space<semaphore_mem>>
      %dma_start3A = arith.constant 0 : i32
      %dma_start3A_27 = tpu.memref_slice %arg11[%add3A_10, %dma_start3A] : memref<10112x128xf32, #tpu.memory_space<vmem_shared>> -> memref<128x128xf32, #tpu.memory_space<vmem_shared>>
      %dma_start3A_28 = arith.constant 0 : i32
      %dma_start3A_29 = tpu.memref_slice %arg11[%add3A_10, %dma_start3A_28] : memref<10112x128xf32, #tpu.memory_space<vmem_shared>> -> memref<128x128xf32, #tpu.memory_space<vmem_shared>>
      tpu.enqueue_dma source(%arg8 : memref<128x128xf32, #tpu.memory_space<vmem>>) target(%dma_start3A_29 : memref<128x128xf32, #tpu.memory_space<vmem_shared>>) target_semaphore(%run_scoped3A : memref<!tpu.dma_semaphore, #tpu.memory_space<semaphore_mem>>)
      %dma_wait3A = arith.constant 0 : i32
      %dma_wait3A_30 = tpu.memref_slice %arg11[%add3A_10, %dma_wait3A] : memref<10112x128xf32, #tpu.memory_space<vmem_shared>> -> memref<128x128xf32, #tpu.memory_space<vmem_shared>>
      %dma_wait3A_31 = arith.constant 0 : i32
      %dma_wait3A_32 = tpu.memref_slice %arg11[%add3A_10, %dma_wait3A_31] : memref<10112x128xf32, #tpu.memory_space<vmem_shared>> -> memref<128x128xf32, #tpu.memory_space<vmem_shared>>
      tpu.wait_dma2 semaphore(%run_scoped3A : memref<!tpu.dma_semaphore, #tpu.memory_space<semaphore_mem>>) src(%arg8 : memref<128x128xf32, #tpu.memory_space<vmem>>) dst(%dma_wait3A_32 : memref<128x128xf32, #tpu.memory_space<vmem_shared>>)
      tpu.yield
    }) : () -> ()
    %add3A_11 = arith.constant 128 : i32
    %add3A_12 = arith.addi %mul3A_8, %add3A_11 : i32
    "tpu.region"() ({
      %run_scoped3A = tpu.sem_alloc : memref<!tpu.dma_semaphore, #tpu.memory_space<semaphore_mem>>
      %dma_start3A = arith.constant 0 : i32
      %dma_start3A_27 = tpu.memref_slice %arg11[%add3A_12, %dma_start3A] : memref<10112x128xf32, #tpu.memory_space<vmem_shared>> -> memref<128x128xf32, #tpu.memory_space<vmem_shared>>
      %dma_start3A_28 = arith.constant 0 : i32
      %dma_start3A_29 = tpu.memref_slice %arg11[%add3A_12, %dma_start3A_28] : memref<10112x128xf32, #tpu.memory_space<vmem_shared>> -> memref<128x128xf32, #tpu.memory_space<vmem_shared>>
      tpu.enqueue_dma source(%arg8 : memref<128x128xf32, #tpu.memory_space<vmem>>) target(%dma_start3A_29 : memref<128x128xf32, #tpu.memory_space<vmem_shared>>) target_semaphore(%run_scoped3A : memref<!tpu.dma_semaphore, #tpu.memory_space<semaphore_mem>>)
      %dma_wait3A = arith.constant 0 : i32
      %dma_wait3A_30 = tpu.memref_slice %arg11[%add3A_12, %dma_wait3A] : memref<10112x128xf32, #tpu.memory_space<vmem_shared>> -> memref<128x128xf32, #tpu.memory_space<vmem_shared>>
      %dma_wait3A_31 = arith.constant 0 : i32
      %dma_wait3A_32 = tpu.memref_slice %arg11[%add3A_12, %dma_wait3A_31] : memref<10112x128xf32, #tpu.memory_space<vmem_shared>> -> memref<128x128xf32, #tpu.memory_space<vmem_shared>>
      tpu.wait_dma2 semaphore(%run_scoped3A : memref<!tpu.dma_semaphore, #tpu.memory_space<semaphore_mem>>) src(%arg8 : memref<128x128xf32, #tpu.memory_space<vmem>>) dst(%dma_wait3A_32 : memref<128x128xf32, #tpu.memory_space<vmem_shared>>)
      tpu.yield
    }) : () -> ()
    %add3A_13 = arith.constant 256 : i32
    %add3A_14 = arith.addi %mul3A_8, %add3A_13 : i32
    "tpu.region"() ({
      %run_scoped3A = tpu.sem_alloc : memref<!tpu.dma_semaphore, #tpu.memory_space<semaphore_mem>>
      %dma_start3A = arith.constant 0 : i32
      %dma_start3A_27 = tpu.memref_slice %arg11[%add3A_14, %dma_start3A] : memref<10112x128xf32, #tpu.memory_space<vmem_shared>> -> memref<128x128xf32, #tpu.memory_space<vmem_shared>>
      %dma_start3A_28 = arith.constant 0 : i32
      %dma_start3A_29 = tpu.memref_slice %arg11[%add3A_14, %dma_start3A_28] : memref<10112x128xf32, #tpu.memory_space<vmem_shared>> -> memref<128x128xf32, #tpu.memory_space<vmem_shared>>
      tpu.enqueue_dma source(%arg8 : memref<128x128xf32, #tpu.memory_space<vmem>>) target(%dma_start3A_29 : memref<128x128xf32, #tpu.memory_space<vmem_shared>>) target_semaphore(%run_scoped3A : memref<!tpu.dma_semaphore, #tpu.memory_space<semaphore_mem>>)
      %dma_wait3A = arith.constant 0 : i32
      %dma_wait3A_30 = tpu.memref_slice %arg11[%add3A_14, %dma_wait3A] : memref<10112x128xf32, #tpu.memory_space<vmem_shared>> -> memref<128x128xf32, #tpu.memory_space<vmem_shared>>
      %dma_wait3A_31 = arith.constant 0 : i32
      %dma_wait3A_32 = tpu.memref_slice %arg11[%add3A_14, %dma_wait3A_31] : memref<10112x128xf32, #tpu.memory_space<vmem_shared>> -> memref<128x128xf32, #tpu.memory_space<vmem_shared>>
      tpu.wait_dma2 semaphore(%run_scoped3A : memref<!tpu.dma_semaphore, #tpu.memory_space<semaphore_mem>>) src(%arg8 : memref<128x128xf32, #tpu.memory_space<vmem>>) dst(%dma_wait3A_32 : memref<128x128xf32, #tpu.memory_space<vmem_shared>>)
      tpu.yield
    }) : () -> ()
    %add3A_15 = arith.constant 384 : i32
    %add3A_16 = arith.addi %mul3A_8, %add3A_15 : i32
    "tpu.region"() ({
      %run_scoped3A = tpu.sem_alloc : memref<!tpu.dma_semaphore, #tpu.memory_space<semaphore_mem>>
      %dma_start3A = arith.constant 0 : i32
      %dma_start3A_27 = tpu.memref_slice %arg11[%add3A_16, %dma_start3A] : memref<10112x128xf32, #tpu.memory_space<vmem_shared>> -> memref<128x128xf32, #tpu.memory_space<vmem_shared>>
      %dma_start3A_28 = arith.constant 0 : i32
      %dma_start3A_29 = tpu.memref_slice %arg11[%add3A_16, %dma_start3A_28] : memref<10112x128xf32, #tpu.memory_space<vmem_shared>> -> memref<128x128xf32, #tpu.memory_space<vmem_shared>>
      tpu.enqueue_dma source(%arg8 : memref<128x128xf32, #tpu.memory_space<vmem>>) target(%dma_start3A_29 : memref<128x128xf32, #tpu.memory_space<vmem_shared>>) target_semaphore(%run_scoped3A : memref<!tpu.dma_semaphore, #tpu.memory_space<semaphore_mem>>)
      %dma_wait3A = arith.constant 0 : i32
      %dma_wait3A_30 = tpu.memref_slice %arg11[%add3A_16, %dma_wait3A] : memref<10112x128xf32, #tpu.memory_space<vmem_shared>> -> memref<128x128xf32, #tpu.memory_space<vmem_shared>>
      %dma_wait3A_31 = arith.constant 0 : i32
      %dma_wait3A_32 = tpu.memref_slice %arg11[%add3A_16, %dma_wait3A_31] : memref<10112x128xf32, #tpu.memory_space<vmem_shared>> -> memref<128x128xf32, #tpu.memory_space<vmem_shared>>
      tpu.wait_dma2 semaphore(%run_scoped3A : memref<!tpu.dma_semaphore, #tpu.memory_space<semaphore_mem>>) src(%arg8 : memref<128x128xf32, #tpu.memory_space<vmem>>) dst(%dma_wait3A_32 : memref<128x128xf32, #tpu.memory_space<vmem_shared>>)
      tpu.yield
    }) : () -> ()
    %add3A_17 = arith.constant 512 : i32
    %add3A_18 = arith.addi %mul3A_8, %add3A_17 : i32
    "tpu.region"() ({
      %run_scoped3A = tpu.sem_alloc : memref<!tpu.dma_semaphore, #tpu.memory_space<semaphore_mem>>
      %dma_start3A = arith.constant 0 : i32
      %dma_start3A_27 = arith.constant 0 : i32
      %dma_start3A_28 = tpu.memref_slice %arg8[%dma_start3A, %dma_start3A_27] : memref<128x128xf32, #tpu.memory_space<vmem>> -> memref<120x128xf32, #tpu.memory_space<vmem>>
      %dma_start3A_29 = arith.constant 0 : i32
      %dma_start3A_30 = tpu.memref_slice %arg11[%add3A_18, %dma_start3A_29] : memref<10112x128xf32, #tpu.memory_space<vmem_shared>> -> memref<120x128xf32, #tpu.memory_space<vmem_shared>>
      %dma_start3A_31 = arith.constant 0 : i32
      %dma_start3A_32 = tpu.memref_slice %arg11[%add3A_18, %dma_start3A_31] : memref<10112x128xf32, #tpu.memory_space<vmem_shared>> -> memref<120x128xf32, #tpu.memory_space<vmem_shared>>
      %dma_start3A_33 = arith.constant 0 : i32
      %dma_start3A_34 = arith.constant 0 : i32
      %dma_start3A_35 = tpu.memref_slice %arg8[%dma_start3A_33, %dma_start3A_34] : memref<128x128xf32, #tpu.memory_space<vmem>> -> memref<120x128xf32, #tpu.memory_space<vmem>>
      tpu.enqueue_dma source(%dma_start3A_35 : memref<120x128xf32, #tpu.memory_space<vmem>>) target(%dma_start3A_32 : memref<120x128xf32, #tpu.memory_space<vmem_shared>>) target_semaphore(%run_scoped3A : memref<!tpu.dma_semaphore, #tpu.memory_space<semaphore_mem>>)
      %dma_wait3A = arith.constant 0 : i32
      %dma_wait3A_36 = arith.constant 0 : i32
      %dma_wait3A_37 = tpu.memref_slice %arg8[%dma_wait3A, %dma_wait3A_36] : memref<128x128xf32, #tpu.memory_space<vmem>> -> memref<120x128xf32, #tpu.memory_space<vmem>>
      %dma_wait3A_38 = arith.constant 0 : i32
      %dma_wait3A_39 = tpu.memref_slice %arg11[%add3A_18, %dma_wait3A_38] : memref<10112x128xf32, #tpu.memory_space<vmem_shared>> -> memref<120x128xf32, #tpu.memory_space<vmem_shared>>
      %dma_wait3A_40 = arith.constant 0 : i32
      %dma_wait3A_41 = tpu.memref_slice %arg11[%add3A_18, %dma_wait3A_40] : memref<10112x128xf32, #tpu.memory_space<vmem_shared>> -> memref<120x128xf32, #tpu.memory_space<vmem_shared>>
      %dma_wait3A_42 = arith.constant 0 : i32
      %dma_wait3A_43 = arith.constant 0 : i32
      %dma_wait3A_44 = tpu.memref_slice %arg8[%dma_wait3A_42, %dma_wait3A_43] : memref<128x128xf32, #tpu.memory_space<vmem>> -> memref<120x128xf32, #tpu.memory_space<vmem>>
      tpu.wait_dma2 semaphore(%run_scoped3A : memref<!tpu.dma_semaphore, #tpu.memory_space<semaphore_mem>>) src(%dma_wait3A_44 : memref<120x128xf32, #tpu.memory_space<vmem>>) dst(%dma_wait3A_41 : memref<120x128xf32, #tpu.memory_space<vmem_shared>>)
      tpu.yield
    }) : () -> ()
    %barrier3A = arith.constant 0 : index
    tpu.barrier barrier_id(%barrier3A)
    %eq3A = arith.constant 0 : i32
    %eq3A_19 = arith.cmpi eq, %arg0, %eq3A : i32
    %convert_element_type3A = arith.extui %eq3A_19 : i1 to i32
    %cond3A = arith.constant 0 : i32
    %cond3A_20 = arith.cmpi ne, %convert_element_type3A, %cond3A : i32
    scf.if %cond3A_20 {
      %dma_start3A = arith.constant 0 : i32
      %dma_start3A_27 = arith.constant 0 : i32
      %dma_start3A_28 = arith.constant 0 : i32
      %dma_start3A_29 = tpu.memref_slice %arg3[%add3A, %dma_start3A, %dma_start3A_27, %dma_start3A_28] : memref<32x123x2x128xi32, #tpu.memory_space<hbm>> -> memref<1x1x2x128xi32, #tpu.memory_space<hbm>>
      %dma_start3A_30 = tpu.memref_squeeze %dma_start3A_29 : memref<1x1x2x128xi32, #tpu.memory_space<hbm>> -> memref<2x128xi32, #tpu.memory_space<hbm>>
      %dma_start3A_31 = arith.constant 0 : i32
      %dma_start3A_32 = arith.constant 0 : i32
      %dma_start3A_33 = tpu.memref_slice %arg3[%add3A, %dma_start3A, %dma_start3A_31, %dma_start3A_32] : memref<32x123x2x128xi32, #tpu.memory_space<hbm>> -> memref<1x1x2x128xi32, #tpu.memory_space<hbm>>
      %dma_start3A_34 = tpu.memref_squeeze %dma_start3A_33 : memref<1x1x2x128xi32, #tpu.memory_space<hbm>> -> memref<2x128xi32, #tpu.memory_space<hbm>>
      tpu.enqueue_dma source(%dma_start3A_34 : memref<2x128xi32, #tpu.memory_space<hbm>>) target(%arg5 : memref<2x128xi32, #tpu.memory_space<vmem>>) target_semaphore(%arg12 : memref<!tpu.dma_semaphore, #tpu.memory_space<semaphore_mem>>)
      %dma_start3A_35 = arith.constant 1 : i32
      %dma_start3A_36 = arith.constant 0 : i32
      %dma_start3A_37 = arith.constant 0 : i32
      %dma_start3A_38 = tpu.memref_slice %arg3[%add3A, %dma_start3A_35, %dma_start3A_36, %dma_start3A_37] : memref<32x123x2x128xi32, #tpu.memory_space<hbm>> -> memref<1x1x2x128xi32, #tpu.memory_space<hbm>>
      %dma_start3A_39 = tpu.memref_squeeze %dma_start3A_38 : memref<1x1x2x128xi32, #tpu.memory_space<hbm>> -> memref<2x128xi32, #tpu.memory_space<hbm>>
      %dma_start3A_40 = arith.constant 0 : i32
      %dma_start3A_41 = arith.constant 0 : i32
      %dma_start3A_42 = tpu.memref_slice %arg3[%add3A, %dma_start3A_35, %dma_start3A_40, %dma_start3A_41] : memref<32x123x2x128xi32, #tpu.memory_space<hbm>> -> memref<1x1x2x128xi32, #tpu.memory_space<hbm>>
      %dma_start3A_43 = tpu.memref_squeeze %dma_start3A_42 : memref<1x1x2x128xi32, #tpu.memory_space<hbm>> -> memref<2x128xi32, #tpu.memory_space<hbm>>
      tpu.enqueue_dma source(%dma_start3A_43 : memref<2x128xi32, #tpu.memory_space<hbm>>) target(%arg6 : memref<2x128xi32, #tpu.memory_space<vmem>>) target_semaphore(%arg13 : memref<!tpu.dma_semaphore, #tpu.memory_space<semaphore_mem>>)
      %dma_start3A_44 = arith.constant 2 : i32
      %dma_start3A_45 = arith.constant 0 : i32
      %dma_start3A_46 = arith.constant 0 : i32
      %dma_start3A_47 = tpu.memref_slice %arg3[%add3A, %dma_start3A_44, %dma_start3A_45, %dma_start3A_46] : memref<32x123x2x128xi32, #tpu.memory_space<hbm>> -> memref<1x1x2x128xi32, #tpu.memory_space<hbm>>
      %dma_start3A_48 = tpu.memref_squeeze %dma_start3A_47 : memref<1x1x2x128xi32, #tpu.memory_space<hbm>> -> memref<2x128xi32, #tpu.memory_space<hbm>>
      %dma_start3A_49 = arith.constant 0 : i32
      %dma_start3A_50 = arith.constant 0 : i32
      %dma_start3A_51 = tpu.memref_slice %arg3[%add3A, %dma_start3A_44, %dma_start3A_49, %dma_start3A_50] : memref<32x123x2x128xi32, #tpu.memory_space<hbm>> -> memref<1x1x2x128xi32, #tpu.memory_space<hbm>>
      %dma_start3A_52 = tpu.memref_squeeze %dma_start3A_51 : memref<1x1x2x128xi32, #tpu.memory_space<hbm>> -> memref<2x128xi32, #tpu.memory_space<hbm>>
      tpu.enqueue_dma source(%dma_start3A_52 : memref<2x128xi32, #tpu.memory_space<hbm>>) target(%arg7 : memref<2x128xi32, #tpu.memory_space<vmem>>) target_semaphore(%arg14 : memref<!tpu.dma_semaphore, #tpu.memory_space<semaphore_mem>>)
      %dma_wait3A = arith.constant 0 : i32
      %dma_wait3A_53 = arith.constant 0 : i32
      %dma_wait3A_54 = arith.constant 0 : i32
      %dma_wait3A_55 = tpu.memref_slice %arg3[%add3A, %dma_wait3A, %dma_wait3A_53, %dma_wait3A_54] : memref<32x123x2x128xi32, #tpu.memory_space<hbm>> -> memref<1x1x2x128xi32, #tpu.memory_space<hbm>>
      %dma_wait3A_56 = tpu.memref_squeeze %dma_wait3A_55 : memref<1x1x2x128xi32, #tpu.memory_space<hbm>> -> memref<2x128xi32, #tpu.memory_space<hbm>>
      %dma_wait3A_57 = arith.constant 0 : i32
      %dma_wait3A_58 = arith.constant 0 : i32
      %dma_wait3A_59 = tpu.memref_slice %arg3[%add3A, %dma_wait3A, %dma_wait3A_57, %dma_wait3A_58] : memref<32x123x2x128xi32, #tpu.memory_space<hbm>> -> memref<1x1x2x128xi32, #tpu.memory_space<hbm>>
      %dma_wait3A_60 = tpu.memref_squeeze %dma_wait3A_59 : memref<1x1x2x128xi32, #tpu.memory_space<hbm>> -> memref<2x128xi32, #tpu.memory_space<hbm>>
      tpu.wait_dma2 semaphore(%arg12 : memref<!tpu.dma_semaphore, #tpu.memory_space<semaphore_mem>>) src(%dma_wait3A_60 : memref<2x128xi32, #tpu.memory_space<hbm>>) dst(%arg5 : memref<2x128xi32, #tpu.memory_space<vmem>>)
      %dma_start3A_61 = arith.constant 0 : i32
      %dma_start3A_62 = arith.constant 0 : i32
      %dma_start3A_63 = tpu.memref_slice %arg5[%dma_start3A_61, %dma_start3A_62] : memref<2x128xi32, #tpu.memory_space<vmem>> -> memref<1x128xi32, #tpu.memory_space<vmem>>
      %dma_start3A_64 = tpu.memref_squeeze %dma_start3A_63 : memref<1x128xi32, #tpu.memory_space<vmem>> -> memref<128xi32, #tpu.memory_space<vmem>>
      %dma_start3A_65 = arith.constant 0 : i32
      %dma_start3A_66 = arith.constant 0 : i32
      %dma_start3A_67 = tpu.memref_slice %arg2[%dma_start3A_65, %dma_start3A_66] : memref<10000x128xf32, #tpu.memory_space<hbm>> -> memref<10000x128xf32, #tpu.memory_space<hbm>>
      tpu.enqueue_indirect_dma source(%dma_start3A_67 : memref<10000x128xf32, #tpu.memory_space<hbm>>) target(%arg8 : memref<128x128xf32, #tpu.memory_space<vmem>>) offsets(%dma_start3A_64 : memref<128xi32, #tpu.memory_space<vmem>>) semaphore(%arg15 : memref<!tpu.dma_semaphore, #tpu.memory_space<semaphore_mem>>)
      %dma_wait3A_68 = arith.constant 0 : i32
      %dma_wait3A_69 = arith.constant 0 : i32
      %dma_wait3A_70 = arith.constant 0 : i32
      %dma_wait3A_71 = tpu.memref_slice %arg3[%add3A, %dma_wait3A_68, %dma_wait3A_69, %dma_wait3A_70] : memref<32x123x2x128xi32, #tpu.memory_space<hbm>> -> memref<1x1x2x128xi32, #tpu.memory_space<hbm>>
      %dma_wait3A_72 = tpu.memref_squeeze %dma_wait3A_71 : memref<1x1x2x128xi32, #tpu.memory_space<hbm>> -> memref<2x128xi32, #tpu.memory_space<hbm>>
      %dma_wait3A_73 = arith.constant 0 : i32
      %dma_wait3A_74 = arith.constant 0 : i32
      %dma_wait3A_75 = tpu.memref_slice %arg3[%add3A, %dma_wait3A_68, %dma_wait3A_73, %dma_wait3A_74] : memref<32x123x2x128xi32, #tpu.memory_space<hbm>> -> memref<1x1x2x128xi32, #tpu.memory_space<hbm>>
      %dma_wait3A_76 = tpu.memref_squeeze %dma_wait3A_75 : memref<1x1x2x128xi32, #tpu.memory_space<hbm>> -> memref<2x128xi32, #tpu.memory_space<hbm>>
      tpu.wait_dma2 semaphore(%arg13 : memref<!tpu.dma_semaphore, #tpu.memory_space<semaphore_mem>>) src(%dma_wait3A_76 : memref<2x128xi32, #tpu.memory_space<hbm>>) dst(%arg6 : memref<2x128xi32, #tpu.memory_space<vmem>>)
      %dma_start3A_77 = arith.constant 0 : i32
      %dma_start3A_78 = arith.constant 0 : i32
      %dma_start3A_79 = tpu.memref_slice %arg6[%dma_start3A_77, %dma_start3A_78] : memref<2x128xi32, #tpu.memory_space<vmem>> -> memref<1x128xi32, #tpu.memory_space<vmem>>
      %dma_start3A_80 = tpu.memref_squeeze %dma_start3A_79 : memref<1x128xi32, #tpu.memory_space<vmem>> -> memref<128xi32, #tpu.memory_space<vmem>>
      %dma_start3A_81 = arith.constant 0 : i32
      %dma_start3A_82 = arith.constant 0 : i32
      %dma_start3A_83 = tpu.memref_slice %arg2[%dma_start3A_81, %dma_start3A_82] : memref<10000x128xf32, #tpu.memory_space<hbm>> -> memref<10000x128xf32, #tpu.memory_space<hbm>>
      tpu.enqueue_indirect_dma source(%dma_start3A_83 : memref<10000x128xf32, #tpu.memory_space<hbm>>) target(%arg9 : memref<128x128xf32, #tpu.memory_space<vmem>>) offsets(%dma_start3A_80 : memref<128xi32, #tpu.memory_space<vmem>>) semaphore(%arg16 : memref<!tpu.dma_semaphore, #tpu.memory_space<semaphore_mem>>)
      %scan3A_84 = arith.constant 0 : i32
      %scan3A_85 = arith.constant 0 : i32
      %scan3A_86 = arith.constant 41 : i32
      %scan3A_87 = arith.addi %scan3A_85, %scan3A_86 : i32
      %scan3A_88 = arith.constant 1 : i32
      %scan3A_89 = scf.for %scan3A_91 = %scan3A_85 to %scan3A_87 step %scan3A_88 iter_args(%scan3A_92 = %scan3A_84) -> (i32)  : i32 {
        %mul3A_93 = arith.constant 3 : i32
        %mul3A_94 = arith.muli %mul3A_93, %scan3A_91 : i32
        %add3A_95 = arith.constant 0 : i32
        %add3A_96 = arith.addi %mul3A_94, %add3A_95 : i32
        %dma_wait3A_97 = arith.constant 0 : i32
        %dma_wait3A_98 = arith.constant 0 : i32
        %dma_wait3A_99 = tpu.memref_slice %arg5[%dma_wait3A_97, %dma_wait3A_98] : memref<2x128xi32, #tpu.memory_space<vmem>> -> memref<1x128xi32, #tpu.memory_space<vmem>>
        %dma_wait3A_100 = tpu.memref_squeeze %dma_wait3A_99 : memref<1x128xi32, #tpu.memory_space<vmem>> -> memref<128xi32, #tpu.memory_space<vmem>>
        %dma_wait3A_101 = arith.constant 0 : i32
        %dma_wait3A_102 = arith.constant 0 : i32
        %dma_wait3A_103 = tpu.memref_slice %arg2[%dma_wait3A_101, %dma_wait3A_102] : memref<10000x128xf32, #tpu.memory_space<hbm>> -> memref<10000x128xf32, #tpu.memory_space<hbm>>
        tpu.wait_indirect_dma semaphore(%arg15 : memref<!tpu.dma_semaphore, #tpu.memory_space<semaphore_mem>>) src(%dma_wait3A_103 : memref<10000x128xf32, #tpu.memory_space<hbm>>) dst(%arg8 : memref<128x128xf32, #tpu.memory_space<vmem>>)
        %add3A_104 = arith.constant 3 : i32
        %add3A_105 = arith.addi %add3A_96, %add3A_104 : i32
        %sub3A = arith.constant 1 : i32
        %sub3A_106 = arith.subi %add3A_105, %sub3A : i32
        %lt3A = arith.constant 123 : i32
        %lt3A_107 = arith.cmpi slt, %sub3A_106, %lt3A : i32
        %convert_element_type3A_108 = arith.extui %lt3A_107 : i1 to i32
        %cond3A_109 = arith.constant 0 : i32
        %cond3A_110 = arith.cmpi ne, %convert_element_type3A_108, %cond3A_109 : i32
        scf.if %cond3A_110 {
          %dma_wait3A_175 = arith.constant 0 : i32
          %dma_wait3A_176 = arith.constant 0 : i32
          %dma_wait3A_177 = arith.constant 0 : i32
          %dma_wait3A_178 = tpu.memref_slice %arg3[%add3A, %dma_wait3A_175, %dma_wait3A_176, %dma_wait3A_177] : memref<32x123x2x128xi32, #tpu.memory_space<hbm>> -> memref<1x1x2x128xi32, #tpu.memory_space<hbm>>
          %dma_wait3A_179 = tpu.memref_squeeze %dma_wait3A_178 : memref<1x1x2x128xi32, #tpu.memory_space<hbm>> -> memref<2x128xi32, #tpu.memory_space<hbm>>
          %dma_wait3A_180 = arith.constant 0 : i32
          %dma_wait3A_181 = arith.constant 0 : i32
          %dma_wait3A_182 = tpu.memref_slice %arg3[%add3A, %dma_wait3A_175, %dma_wait3A_180, %dma_wait3A_181] : memref<32x123x2x128xi32, #tpu.memory_space<hbm>> -> memref<1x1x2x128xi32, #tpu.memory_space<hbm>>
          %dma_wait3A_183 = tpu.memref_squeeze %dma_wait3A_182 : memref<1x1x2x128xi32, #tpu.memory_space<hbm>> -> memref<2x128xi32, #tpu.memory_space<hbm>>
          tpu.wait_dma2 semaphore(%arg14 : memref<!tpu.dma_semaphore, #tpu.memory_space<semaphore_mem>>) src(%dma_wait3A_183 : memref<2x128xi32, #tpu.memory_space<hbm>>) dst(%arg7 : memref<2x128xi32, #tpu.memory_space<vmem>>)
          %dma_start3A_184 = arith.constant 0 : i32
          %dma_start3A_185 = arith.constant 0 : i32
          %dma_start3A_186 = tpu.memref_slice %arg7[%dma_start3A_184, %dma_start3A_185] : memref<2x128xi32, #tpu.memory_space<vmem>> -> memref<1x128xi32, #tpu.memory_space<vmem>>
          %dma_start3A_187 = tpu.memref_squeeze %dma_start3A_186 : memref<1x128xi32, #tpu.memory_space<vmem>> -> memref<128xi32, #tpu.memory_space<vmem>>
          %dma_start3A_188 = arith.constant 0 : i32
          %dma_start3A_189 = arith.constant 0 : i32
          %dma_start3A_190 = tpu.memref_slice %arg2[%dma_start3A_188, %dma_start3A_189] : memref<10000x128xf32, #tpu.memory_space<hbm>> -> memref<10000x128xf32, #tpu.memory_space<hbm>>
          tpu.enqueue_indirect_dma source(%dma_start3A_190 : memref<10000x128xf32, #tpu.memory_space<hbm>>) target(%arg10 : memref<128x128xf32, #tpu.memory_space<vmem>>) offsets(%dma_start3A_187 : memref<128xi32, #tpu.memory_space<vmem>>) semaphore(%arg17 : memref<!tpu.dma_semaphore, #tpu.memory_space<semaphore_mem>>)
        } else {
        }
        %run_scoped3A = arith.constant 1 : i32
        "tpu.region"() ({
          %run_scoped3A_175 = tpu.sem_alloc : memref<!tpu.dma_semaphore, #tpu.memory_space<semaphore_mem>>
          %dma_start3A_176 = arith.constant 0 : i32
          %dma_start3A_177 = tpu.memref_slice %arg5[%run_scoped3A, %dma_start3A_176] : memref<2x128xi32, #tpu.memory_space<vmem>> -> memref<1x128xi32, #tpu.memory_space<vmem>>
          %dma_start3A_178 = tpu.memref_squeeze %dma_start3A_177 : memref<1x128xi32, #tpu.memory_space<vmem>> -> memref<128xi32, #tpu.memory_space<vmem>>
          %dma_start3A_179 = arith.constant 0 : i32
          %dma_start3A_180 = arith.constant 0 : i32
          %dma_start3A_181 = tpu.memref_slice %arg11[%dma_start3A_179, %dma_start3A_180] : memref<10112x128xf32, #tpu.memory_space<vmem_shared>> -> memref<10112x128xf32, #tpu.memory_space<vmem_shared>>
          tpu.enqueue_indirect_dma source(%arg8 : memref<128x128xf32, #tpu.memory_space<vmem>>) target(%dma_start3A_181 : memref<10112x128xf32, #tpu.memory_space<vmem_shared>>) offsets(%dma_start3A_178 : memref<128xi32, #tpu.memory_space<vmem>>) semaphore(%run_scoped3A_175 : memref<!tpu.dma_semaphore, #tpu.memory_space<semaphore_mem>>) {add = true}
          %dma_wait3A_182 = arith.constant 0 : i32
          %dma_wait3A_183 = tpu.memref_slice %arg5[%run_scoped3A, %dma_wait3A_182] : memref<2x128xi32, #tpu.memory_space<vmem>> -> memref<1x128xi32, #tpu.memory_space<vmem>>
          %dma_wait3A_184 = tpu.memref_squeeze %dma_wait3A_183 : memref<1x128xi32, #tpu.memory_space<vmem>> -> memref<128xi32, #tpu.memory_space<vmem>>
          %dma_wait3A_185 = arith.constant 0 : i32
          %dma_wait3A_186 = arith.constant 0 : i32
          %dma_wait3A_187 = tpu.memref_slice %arg11[%dma_wait3A_185, %dma_wait3A_186] : memref<10112x128xf32, #tpu.memory_space<vmem_shared>> -> memref<10112x128xf32, #tpu.memory_space<vmem_shared>>
          tpu.wait_indirect_dma semaphore(%run_scoped3A_175 : memref<!tpu.dma_semaphore, #tpu.memory_space<semaphore_mem>>) src(%arg8 : memref<128x128xf32, #tpu.memory_space<vmem>>) dst(%dma_wait3A_187 : memref<10112x128xf32, #tpu.memory_space<vmem_shared>>)
          tpu.yield
        }) : () -> ()
        %add3A_111 = arith.constant 3 : i32
        %add3A_112 = arith.addi %add3A_96, %add3A_111 : i32
        %lt3A_113 = arith.constant 123 : i32
        %lt3A_114 = arith.cmpi slt, %add3A_112, %lt3A_113 : i32
        %convert_element_type3A_115 = arith.extui %lt3A_114 : i1 to i32
        %cond3A_116 = arith.constant 0 : i32
        %cond3A_117 = arith.cmpi ne, %convert_element_type3A_115, %cond3A_116 : i32
        scf.if %cond3A_117 {
          %add3A_175 = arith.constant 3 : i32
          %add3A_176 = arith.addi %add3A_96, %add3A_175 : i32
          %dma_start3A_177 = arith.constant 0 : i32
          %dma_start3A_178 = arith.constant 0 : i32
          %dma_start3A_179 = tpu.memref_slice %arg3[%add3A, %add3A_176, %dma_start3A_177, %dma_start3A_178] : memref<32x123x2x128xi32, #tpu.memory_space<hbm>> -> memref<1x1x2x128xi32, #tpu.memory_space<hbm>>
          %dma_start3A_180 = tpu.memref_squeeze %dma_start3A_179 : memref<1x1x2x128xi32, #tpu.memory_space<hbm>> -> memref<2x128xi32, #tpu.memory_space<hbm>>
          %dma_start3A_181 = arith.constant 0 : i32
          %dma_start3A_182 = arith.constant 0 : i32
          %dma_start3A_183 = tpu.memref_slice %arg3[%add3A, %add3A_176, %dma_start3A_181, %dma_start3A_182] : memref<32x123x2x128xi32, #tpu.memory_space<hbm>> -> memref<1x1x2x128xi32, #tpu.memory_space<hbm>>
          %dma_start3A_184 = tpu.memref_squeeze %dma_start3A_183 : memref<1x1x2x128xi32, #tpu.memory_space<hbm>> -> memref<2x128xi32, #tpu.memory_space<hbm>>
          tpu.enqueue_dma source(%dma_start3A_184 : memref<2x128xi32, #tpu.memory_space<hbm>>) target(%arg5 : memref<2x128xi32, #tpu.memory_space<vmem>>) target_semaphore(%arg12 : memref<!tpu.dma_semaphore, #tpu.memory_space<semaphore_mem>>)
        } else {
        }
        %mul3A_118 = arith.constant 3 : i32
        %mul3A_119 = arith.muli %mul3A_118, %scan3A_91 : i32
        %add3A_120 = arith.constant 1 : i32
        %add3A_121 = arith.addi %mul3A_119, %add3A_120 : i32
        %dma_wait3A_122 = arith.constant 0 : i32
        %dma_wait3A_123 = arith.constant 0 : i32
        %dma_wait3A_124 = tpu.memref_slice %arg6[%dma_wait3A_122, %dma_wait3A_123] : memref<2x128xi32, #tpu.memory_space<vmem>> -> memref<1x128xi32, #tpu.memory_space<vmem>>
        %dma_wait3A_125 = tpu.memref_squeeze %dma_wait3A_124 : memref<1x128xi32, #tpu.memory_space<vmem>> -> memref<128xi32, #tpu.memory_space<vmem>>
        %dma_wait3A_126 = arith.constant 0 : i32
        %dma_wait3A_127 = arith.constant 0 : i32
        %dma_wait3A_128 = tpu.memref_slice %arg2[%dma_wait3A_126, %dma_wait3A_127] : memref<10000x128xf32, #tpu.memory_space<hbm>> -> memref<10000x128xf32, #tpu.memory_space<hbm>>
        tpu.wait_indirect_dma semaphore(%arg16 : memref<!tpu.dma_semaphore, #tpu.memory_space<semaphore_mem>>) src(%dma_wait3A_128 : memref<10000x128xf32, #tpu.memory_space<hbm>>) dst(%arg9 : memref<128x128xf32, #tpu.memory_space<vmem>>)
        %add3A_129 = arith.constant 3 : i32
        %add3A_130 = arith.addi %add3A_121, %add3A_129 : i32
        %sub3A_131 = arith.constant 1 : i32
        %sub3A_132 = arith.subi %add3A_130, %sub3A_131 : i32
        %lt3A_133 = arith.constant 123 : i32
        %lt3A_134 = arith.cmpi slt, %sub3A_132, %lt3A_133 : i32
        %convert_element_type3A_135 = arith.extui %lt3A_134 : i1 to i32
        %cond3A_136 = arith.constant 0 : i32
        %cond3A_137 = arith.cmpi ne, %convert_element_type3A_135, %cond3A_136 : i32
        scf.if %cond3A_137 {
          %dma_wait3A_175 = arith.constant 0 : i32
          %dma_wait3A_176 = arith.constant 0 : i32
          %dma_wait3A_177 = arith.constant 0 : i32
          %dma_wait3A_178 = tpu.memref_slice %arg3[%add3A, %dma_wait3A_175, %dma_wait3A_176, %dma_wait3A_177] : memref<32x123x2x128xi32, #tpu.memory_space<hbm>> -> memref<1x1x2x128xi32, #tpu.memory_space<hbm>>
          %dma_wait3A_179 = tpu.memref_squeeze %dma_wait3A_178 : memref<1x1x2x128xi32, #tpu.memory_space<hbm>> -> memref<2x128xi32, #tpu.memory_space<hbm>>
          %dma_wait3A_180 = arith.constant 0 : i32
          %dma_wait3A_181 = arith.constant 0 : i32
          %dma_wait3A_182 = tpu.memref_slice %arg3[%add3A, %dma_wait3A_175, %dma_wait3A_180, %dma_wait3A_181] : memref<32x123x2x128xi32, #tpu.memory_space<hbm>> -> memref<1x1x2x128xi32, #tpu.memory_space<hbm>>
          %dma_wait3A_183 = tpu.memref_squeeze %dma_wait3A_182 : memref<1x1x2x128xi32, #tpu.memory_space<hbm>> -> memref<2x128xi32, #tpu.memory_space<hbm>>
          tpu.wait_dma2 semaphore(%arg12 : memref<!tpu.dma_semaphore, #tpu.memory_space<semaphore_mem>>) src(%dma_wait3A_183 : memref<2x128xi32, #tpu.memory_space<hbm>>) dst(%arg5 : memref<2x128xi32, #tpu.memory_space<vmem>>)
          %dma_start3A_184 = arith.constant 0 : i32
          %dma_start3A_185 = arith.constant 0 : i32
          %dma_start3A_186 = tpu.memref_slice %arg5[%dma_start3A_184, %dma_start3A_185] : memref<2x128xi32, #tpu.memory_space<vmem>> -> memref<1x128xi32, #tpu.memory_space<vmem>>
          %dma_start3A_187 = tpu.memref_squeeze %dma_start3A_186 : memref<1x128xi32, #tpu.memory_space<vmem>> -> memref<128xi32, #tpu.memory_space<vmem>>
          %dma_start3A_188 = arith.constant 0 : i32
          %dma_start3A_189 = arith.constant 0 : i32
          %dma_start3A_190 = tpu.memref_slice %arg2[%dma_start3A_188, %dma_start3A_189] : memref<10000x128xf32, #tpu.memory_space<hbm>> -> memref<10000x128xf32, #tpu.memory_space<hbm>>
          tpu.enqueue_indirect_dma source(%dma_start3A_190 : memref<10000x128xf32, #tpu.memory_space<hbm>>) target(%arg8 : memref<128x128xf32, #tpu.memory_space<vmem>>) offsets(%dma_start3A_187 : memref<128xi32, #tpu.memory_space<vmem>>) semaphore(%arg15 : memref<!tpu.dma_semaphore, #tpu.memory_space<semaphore_mem>>)
        } else {
        }
        %run_scoped3A_138 = arith.constant 1 : i32
        "tpu.region"() ({
          %run_scoped3A_175 = tpu.sem_alloc : memref<!tpu.dma_semaphore, #tpu.memory_space<semaphore_mem>>
          %dma_start3A_176 = arith.constant 0 : i32
          %dma_start3A_177 = tpu.memref_slice %arg6[%run_scoped3A_138, %dma_start3A_176] : memref<2x128xi32, #tpu.memory_space<vmem>> -> memref<1x128xi32, #tpu.memory_space<vmem>>
          %dma_start3A_178 = tpu.memref_squeeze %dma_start3A_177 : memref<1x128xi32, #tpu.memory_space<vmem>> -> memref<128xi32, #tpu.memory_space<vmem>>
          %dma_start3A_179 = arith.constant 0 : i32
          %dma_start3A_180 = arith.constant 0 : i32
          %dma_start3A_181 = tpu.memref_slice %arg11[%dma_start3A_179, %dma_start3A_180] : memref<10112x128xf32, #tpu.memory_space<vmem_shared>> -> memref<10112x128xf32, #tpu.memory_space<vmem_shared>>
          tpu.enqueue_indirect_dma source(%arg9 : memref<128x128xf32, #tpu.memory_space<vmem>>) target(%dma_start3A_181 : memref<10112x128xf32, #tpu.memory_space<vmem_shared>>) offsets(%dma_start3A_178 : memref<128xi32, #tpu.memory_space<vmem>>) semaphore(%run_scoped3A_175 : memref<!tpu.dma_semaphore, #tpu.memory_space<semaphore_mem>>) {add = true}
          %dma_wait3A_182 = arith.constant 0 : i32
          %dma_wait3A_183 = tpu.memref_slice %arg6[%run_scoped3A_138, %dma_wait3A_182] : memref<2x128xi32, #tpu.memory_space<vmem>> -> memref<1x128xi32, #tpu.memory_space<vmem>>
          %dma_wait3A_184 = tpu.memref_squeeze %dma_wait3A_183 : memref<1x128xi32, #tpu.memory_space<vmem>> -> memref<128xi32, #tpu.memory_space<vmem>>
          %dma_wait3A_185 = arith.constant 0 : i32
          %dma_wait3A_186 = arith.constant 0 : i32
          %dma_wait3A_187 = tpu.memref_slice %arg11[%dma_wait3A_185, %dma_wait3A_186] : memref<10112x128xf32, #tpu.memory_space<vmem_shared>> -> memref<10112x128xf32, #tpu.memory_space<vmem_shared>>
          tpu.wait_indirect_dma semaphore(%run_scoped3A_175 : memref<!tpu.dma_semaphore, #tpu.memory_space<semaphore_mem>>) src(%arg9 : memref<128x128xf32, #tpu.memory_space<vmem>>) dst(%dma_wait3A_187 : memref<10112x128xf32, #tpu.memory_space<vmem_shared>>)
          tpu.yield
        }) : () -> ()
        %add3A_139 = arith.constant 3 : i32
        %add3A_140 = arith.addi %add3A_121, %add3A_139 : i32
        %lt3A_141 = arith.constant 123 : i32
        %lt3A_142 = arith.cmpi slt, %add3A_140, %lt3A_141 : i32
        %convert_element_type3A_143 = arith.extui %lt3A_142 : i1 to i32
        %cond3A_144 = arith.constant 0 : i32
        %cond3A_145 = arith.cmpi ne, %convert_element_type3A_143, %cond3A_144 : i32
        scf.if %cond3A_145 {
          %add3A_175 = arith.constant 3 : i32
          %add3A_176 = arith.addi %add3A_121, %add3A_175 : i32
          %dma_start3A_177 = arith.constant 0 : i32
          %dma_start3A_178 = arith.constant 0 : i32
          %dma_start3A_179 = tpu.memref_slice %arg3[%add3A, %add3A_176, %dma_start3A_177, %dma_start3A_178] : memref<32x123x2x128xi32, #tpu.memory_space<hbm>> -> memref<1x1x2x128xi32, #tpu.memory_space<hbm>>
          %dma_start3A_180 = tpu.memref_squeeze %dma_start3A_179 : memref<1x1x2x128xi32, #tpu.memory_space<hbm>> -> memref<2x128xi32, #tpu.memory_space<hbm>>
          %dma_start3A_181 = arith.constant 0 : i32
          %dma_start3A_182 = arith.constant 0 : i32
          %dma_start3A_183 = tpu.memref_slice %arg3[%add3A, %add3A_176, %dma_start3A_181, %dma_start3A_182] : memref<32x123x2x128xi32, #tpu.memory_space<hbm>> -> memref<1x1x2x128xi32, #tpu.memory_space<hbm>>
          %dma_start3A_184 = tpu.memref_squeeze %dma_start3A_183 : memref<1x1x2x128xi32, #tpu.memory_space<hbm>> -> memref<2x128xi32, #tpu.memory_space<hbm>>
          tpu.enqueue_dma source(%dma_start3A_184 : memref<2x128xi32, #tpu.memory_space<hbm>>) target(%arg6 : memref<2x128xi32, #tpu.memory_space<vmem>>) target_semaphore(%arg13 : memref<!tpu.dma_semaphore, #tpu.memory_space<semaphore_mem>>)
        } else {
        }
        %mul3A_146 = arith.constant 3 : i32
        %mul3A_147 = arith.muli %mul3A_146, %scan3A_91 : i32
        %add3A_148 = arith.constant 2 : i32
        %add3A_149 = arith.addi %mul3A_147, %add3A_148 : i32
        %dma_wait3A_150 = arith.constant 0 : i32
        %dma_wait3A_151 = arith.constant 0 : i32
        %dma_wait3A_152 = tpu.memref_slice %arg7[%dma_wait3A_150, %dma_wait3A_151] : memref<2x128xi32, #tpu.memory_space<vmem>> -> memref<1x128xi32, #tpu.memory_space<vmem>>
        %dma_wait3A_153 = tpu.memref_squeeze %dma_wait3A_152 : memref<1x128xi32, #tpu.memory_space<vmem>> -> memref<128xi32, #tpu.memory_space<vmem>>
        %dma_wait3A_154 = arith.constant 0 : i32
        %dma_wait3A_155 = arith.constant 0 : i32
        %dma_wait3A_156 = tpu.memref_slice %arg2[%dma_wait3A_154, %dma_wait3A_155] : memref<10000x128xf32, #tpu.memory_space<hbm>> -> memref<10000x128xf32, #tpu.memory_space<hbm>>
        tpu.wait_indirect_dma semaphore(%arg17 : memref<!tpu.dma_semaphore, #tpu.memory_space<semaphore_mem>>) src(%dma_wait3A_156 : memref<10000x128xf32, #tpu.memory_space<hbm>>) dst(%arg10 : memref<128x128xf32, #tpu.memory_space<vmem>>)
        %add3A_157 = arith.constant 3 : i32
        %add3A_158 = arith.addi %add3A_149, %add3A_157 : i32
        %sub3A_159 = arith.constant 1 : i32
        %sub3A_160 = arith.subi %add3A_158, %sub3A_159 : i32
        %lt3A_161 = arith.constant 123 : i32
        %lt3A_162 = arith.cmpi slt, %sub3A_160, %lt3A_161 : i32
        %convert_element_type3A_163 = arith.extui %lt3A_162 : i1 to i32
        %cond3A_164 = arith.constant 0 : i32
        %cond3A_165 = arith.cmpi ne, %convert_element_type3A_163, %cond3A_164 : i32
        scf.if %cond3A_165 {
          %dma_wait3A_175 = arith.constant 0 : i32
          %dma_wait3A_176 = arith.constant 0 : i32
          %dma_wait3A_177 = arith.constant 0 : i32
          %dma_wait3A_178 = tpu.memref_slice %arg3[%add3A, %dma_wait3A_175, %dma_wait3A_176, %dma_wait3A_177] : memref<32x123x2x128xi32, #tpu.memory_space<hbm>> -> memref<1x1x2x128xi32, #tpu.memory_space<hbm>>
          %dma_wait3A_179 = tpu.memref_squeeze %dma_wait3A_178 : memref<1x1x2x128xi32, #tpu.memory_space<hbm>> -> memref<2x128xi32, #tpu.memory_space<hbm>>
          %dma_wait3A_180 = arith.constant 0 : i32
          %dma_wait3A_181 = arith.constant 0 : i32
          %dma_wait3A_182 = tpu.memref_slice %arg3[%add3A, %dma_wait3A_175, %dma_wait3A_180, %dma_wait3A_181] : memref<32x123x2x128xi32, #tpu.memory_space<hbm>> -> memref<1x1x2x128xi32, #tpu.memory_space<hbm>>
          %dma_wait3A_183 = tpu.memref_squeeze %dma_wait3A_182 : memref<1x1x2x128xi32, #tpu.memory_space<hbm>> -> memref<2x128xi32, #tpu.memory_space<hbm>>
          tpu.wait_dma2 semaphore(%arg13 : memref<!tpu.dma_semaphore, #tpu.memory_space<semaphore_mem>>) src(%dma_wait3A_183 : memref<2x128xi32, #tpu.memory_space<hbm>>) dst(%arg6 : memref<2x128xi32, #tpu.memory_space<vmem>>)
          %dma_start3A_184 = arith.constant 0 : i32
          %dma_start3A_185 = arith.constant 0 : i32
          %dma_start3A_186 = tpu.memref_slice %arg6[%dma_start3A_184, %dma_start3A_185] : memref<2x128xi32, #tpu.memory_space<vmem>> -> memref<1x128xi32, #tpu.memory_space<vmem>>
          %dma_start3A_187 = tpu.memref_squeeze %dma_start3A_186 : memref<1x128xi32, #tpu.memory_space<vmem>> -> memref<128xi32, #tpu.memory_space<vmem>>
          %dma_start3A_188 = arith.constant 0 : i32
          %dma_start3A_189 = arith.constant 0 : i32
          %dma_start3A_190 = tpu.memref_slice %arg2[%dma_start3A_188, %dma_start3A_189] : memref<10000x128xf32, #tpu.memory_space<hbm>> -> memref<10000x128xf32, #tpu.memory_space<hbm>>
          tpu.enqueue_indirect_dma source(%dma_start3A_190 : memref<10000x128xf32, #tpu.memory_space<hbm>>) target(%arg9 : memref<128x128xf32, #tpu.memory_space<vmem>>) offsets(%dma_start3A_187 : memref<128xi32, #tpu.memory_space<vmem>>) semaphore(%arg16 : memref<!tpu.dma_semaphore, #tpu.memory_space<semaphore_mem>>)
        } else {
        }
        %run_scoped3A_166 = arith.constant 1 : i32
        "tpu.region"() ({
          %run_scoped3A_175 = tpu.sem_alloc : memref<!tpu.dma_semaphore, #tpu.memory_space<semaphore_mem>>
          %dma_start3A_176 = arith.constant 0 : i32
          %dma_start3A_177 = tpu.memref_slice %arg7[%run_scoped3A_166, %dma_start3A_176] : memref<2x128xi32, #tpu.memory_space<vmem>> -> memref<1x128xi32, #tpu.memory_space<vmem>>
          %dma_start3A_178 = tpu.memref_squeeze %dma_start3A_177 : memref<1x128xi32, #tpu.memory_space<vmem>> -> memref<128xi32, #tpu.memory_space<vmem>>
          %dma_start3A_179 = arith.constant 0 : i32
          %dma_start3A_180 = arith.constant 0 : i32
          %dma_start3A_181 = tpu.memref_slice %arg11[%dma_start3A_179, %dma_start3A_180] : memref<10112x128xf32, #tpu.memory_space<vmem_shared>> -> memref<10112x128xf32, #tpu.memory_space<vmem_shared>>
          tpu.enqueue_indirect_dma source(%arg10 : memref<128x128xf32, #tpu.memory_space<vmem>>) target(%dma_start3A_181 : memref<10112x128xf32, #tpu.memory_space<vmem_shared>>) offsets(%dma_start3A_178 : memref<128xi32, #tpu.memory_space<vmem>>) semaphore(%run_scoped3A_175 : memref<!tpu.dma_semaphore, #tpu.memory_space<semaphore_mem>>) {add = true}
          %dma_wait3A_182 = arith.constant 0 : i32
          %dma_wait3A_183 = tpu.memref_slice %arg7[%run_scoped3A_166, %dma_wait3A_182] : memref<2x128xi32, #tpu.memory_space<vmem>> -> memref<1x128xi32, #tpu.memory_space<vmem>>
          %dma_wait3A_184 = tpu.memref_squeeze %dma_wait3A_183 : memref<1x128xi32, #tpu.memory_space<vmem>> -> memref<128xi32, #tpu.memory_space<vmem>>
          %dma_wait3A_185 = arith.constant 0 : i32
          %dma_wait3A_186 = arith.constant 0 : i32
          %dma_wait3A_187 = tpu.memref_slice %arg11[%dma_wait3A_185, %dma_wait3A_186] : memref<10112x128xf32, #tpu.memory_space<vmem_shared>> -> memref<10112x128xf32, #tpu.memory_space<vmem_shared>>
          tpu.wait_indirect_dma semaphore(%run_scoped3A_175 : memref<!tpu.dma_semaphore, #tpu.memory_space<semaphore_mem>>) src(%arg10 : memref<128x128xf32, #tpu.memory_space<vmem>>) dst(%dma_wait3A_187 : memref<10112x128xf32, #tpu.memory_space<vmem_shared>>)
          tpu.yield
        }) : () -> ()
        %add3A_167 = arith.constant 3 : i32
        %add3A_168 = arith.addi %add3A_149, %add3A_167 : i32
        %lt3A_169 = arith.constant 123 : i32
        %lt3A_170 = arith.cmpi slt, %add3A_168, %lt3A_169 : i32
        %convert_element_type3A_171 = arith.extui %lt3A_170 : i1 to i32
        %cond3A_172 = arith.constant 0 : i32
        %cond3A_173 = arith.cmpi ne, %convert_element_type3A_171, %cond3A_172 : i32
        scf.if %cond3A_173 {
          %add3A_175 = arith.constant 3 : i32
          %add3A_176 = arith.addi %add3A_149, %add3A_175 : i32
          %dma_start3A_177 = arith.constant 0 : i32
          %dma_start3A_178 = arith.constant 0 : i32
          %dma_start3A_179 = tpu.memref_slice %arg3[%add3A, %add3A_176, %dma_start3A_177, %dma_start3A_178] : memref<32x123x2x128xi32, #tpu.memory_space<hbm>> -> memref<1x1x2x128xi32, #tpu.memory_space<hbm>>
          %dma_start3A_180 = tpu.memref_squeeze %dma_start3A_179 : memref<1x1x2x128xi32, #tpu.memory_space<hbm>> -> memref<2x128xi32, #tpu.memory_space<hbm>>
          %dma_start3A_181 = arith.constant 0 : i32
          %dma_start3A_182 = arith.constant 0 : i32
          %dma_start3A_183 = tpu.memref_slice %arg3[%add3A, %add3A_176, %dma_start3A_181, %dma_start3A_182] : memref<32x123x2x128xi32, #tpu.memory_space<hbm>> -> memref<1x1x2x128xi32, #tpu.memory_space<hbm>>
          %dma_start3A_184 = tpu.memref_squeeze %dma_start3A_183 : memref<1x1x2x128xi32, #tpu.memory_space<hbm>> -> memref<2x128xi32, #tpu.memory_space<hbm>>
          tpu.enqueue_dma source(%dma_start3A_184 : memref<2x128xi32, #tpu.memory_space<hbm>>) target(%arg7 : memref<2x128xi32, #tpu.memory_space<vmem>>) target_semaphore(%arg14 : memref<!tpu.dma_semaphore, #tpu.memory_space<semaphore_mem>>)
        } else {
        }
        %scan3A_174 = arith.constant 0 : i32
        scf.yield %scan3A_174 : i32
      }
      %scan3A_90 = arith.constant 41 : i32
    } else {
    }
    %eq3A_21 = arith.constant 1 : i32
    %eq3A_22 = arith.cmpi eq, %arg0, %eq3A_21 : i32
    %convert_element_type3A_23 = arith.extui %eq3A_22 : i1 to i32
    %cond3A_24 = arith.constant 0 : i32
    %cond3A_25 = arith.cmpi ne, %convert_element_type3A_23, %cond3A_24 : i32
    scf.if %cond3A_25 {
      %dma_start3A = arith.constant 0 : i32
      %dma_start3A_27 = arith.constant 0 : i32
      %dma_start3A_28 = arith.constant 0 : i32
      %dma_start3A_29 = tpu.memref_slice %arg3[%add3A, %dma_start3A, %dma_start3A_27, %dma_start3A_28] : memref<32x123x2x128xi32, #tpu.memory_space<hbm>> -> memref<1x1x2x128xi32, #tpu.memory_space<hbm>>
      %dma_start3A_30 = tpu.memref_squeeze %dma_start3A_29 : memref<1x1x2x128xi32, #tpu.memory_space<hbm>> -> memref<2x128xi32, #tpu.memory_space<hbm>>
      %dma_start3A_31 = arith.constant 0 : i32
      %dma_start3A_32 = arith.constant 0 : i32
      %dma_start3A_33 = tpu.memref_slice %arg3[%add3A, %dma_start3A, %dma_start3A_31, %dma_start3A_32] : memref<32x123x2x128xi32, #tpu.memory_space<hbm>> -> memref<1x1x2x128xi32, #tpu.memory_space<hbm>>
      %dma_start3A_34 = tpu.memref_squeeze %dma_start3A_33 : memref<1x1x2x128xi32, #tpu.memory_space<hbm>> -> memref<2x128xi32, #tpu.memory_space<hbm>>
      tpu.enqueue_dma source(%dma_start3A_34 : memref<2x128xi32, #tpu.memory_space<hbm>>) target(%arg5 : memref<2x128xi32, #tpu.memory_space<vmem>>) target_semaphore(%arg12 : memref<!tpu.dma_semaphore, #tpu.memory_space<semaphore_mem>>)
      %dma_start3A_35 = arith.constant 1 : i32
      %dma_start3A_36 = arith.constant 0 : i32
      %dma_start3A_37 = arith.constant 0 : i32
      %dma_start3A_38 = tpu.memref_slice %arg3[%add3A, %dma_start3A_35, %dma_start3A_36, %dma_start3A_37] : memref<32x123x2x128xi32, #tpu.memory_space<hbm>> -> memref<1x1x2x128xi32, #tpu.memory_space<hbm>>
      %dma_start3A_39 = tpu.memref_squeeze %dma_start3A_38 : memref<1x1x2x128xi32, #tpu.memory_space<hbm>> -> memref<2x128xi32, #tpu.memory_space<hbm>>
      %dma_start3A_40 = arith.constant 0 : i32
      %dma_start3A_41 = arith.constant 0 : i32
      %dma_start3A_42 = tpu.memref_slice %arg3[%add3A, %dma_start3A_35, %dma_start3A_40, %dma_start3A_41] : memref<32x123x2x128xi32, #tpu.memory_space<hbm>> -> memref<1x1x2x128xi32, #tpu.memory_space<hbm>>
      %dma_start3A_43 = tpu.memref_squeeze %dma_start3A_42 : memref<1x1x2x128xi32, #tpu.memory_space<hbm>> -> memref<2x128xi32, #tpu.memory_space<hbm>>
      tpu.enqueue_dma source(%dma_start3A_43 : memref<2x128xi32, #tpu.memory_space<hbm>>) target(%arg6 : memref<2x128xi32, #tpu.memory_space<vmem>>) target_semaphore(%arg13 : memref<!tpu.dma_semaphore, #tpu.memory_space<semaphore_mem>>)
      %scan3A_44 = arith.constant 0 : i32
      %scan3A_45 = arith.constant 0 : i32
      %scan3A_46 = arith.constant 17 : i32
      %scan3A_47 = arith.addi %scan3A_45, %scan3A_46 : i32
      %scan3A_48 = arith.constant 1 : i32
      %scan3A_49 = scf.for %scan3A_51 = %scan3A_45 to %scan3A_47 step %scan3A_48 iter_args(%scan3A_52 = %scan3A_44) -> (i32)  : i32 {
        %mul3A_53 = arith.constant 2 : i32
        %mul3A_54 = arith.muli %mul3A_53, %scan3A_51 : i32
        %dma_wait3A = arith.constant 0 : i32
        %dma_wait3A_55 = arith.constant 0 : i32
        %dma_wait3A_56 = arith.constant 0 : i32
        %dma_wait3A_57 = tpu.memref_slice %arg3[%add3A, %dma_wait3A, %dma_wait3A_55, %dma_wait3A_56] : memref<32x123x2x128xi32, #tpu.memory_space<hbm>> -> memref<1x1x2x128xi32, #tpu.memory_space<hbm>>
        %dma_wait3A_58 = tpu.memref_squeeze %dma_wait3A_57 : memref<1x1x2x128xi32, #tpu.memory_space<hbm>> -> memref<2x128xi32, #tpu.memory_space<hbm>>
        %dma_wait3A_59 = arith.constant 0 : i32
        %dma_wait3A_60 = arith.constant 0 : i32
        %dma_wait3A_61 = tpu.memref_slice %arg3[%add3A, %dma_wait3A, %dma_wait3A_59, %dma_wait3A_60] : memref<32x123x2x128xi32, #tpu.memory_space<hbm>> -> memref<1x1x2x128xi32, #tpu.memory_space<hbm>>
        %dma_wait3A_62 = tpu.memref_squeeze %dma_wait3A_61 : memref<1x1x2x128xi32, #tpu.memory_space<hbm>> -> memref<2x128xi32, #tpu.memory_space<hbm>>
        tpu.wait_dma2 semaphore(%arg12 : memref<!tpu.dma_semaphore, #tpu.memory_space<semaphore_mem>>) src(%dma_wait3A_62 : memref<2x128xi32, #tpu.memory_space<hbm>>) dst(%arg5 : memref<2x128xi32, #tpu.memory_space<vmem>>)
        %dma_start3A_63 = arith.constant 0 : i32
        %dma_start3A_64 = arith.constant 0 : i32
        %dma_start3A_65 = tpu.memref_slice %arg5[%dma_start3A_63, %dma_start3A_64] : memref<2x128xi32, #tpu.memory_space<vmem>> -> memref<1x128xi32, #tpu.memory_space<vmem>>
        %dma_start3A_66 = tpu.memref_squeeze %dma_start3A_65 : memref<1x128xi32, #tpu.memory_space<vmem>> -> memref<128xi32, #tpu.memory_space<vmem>>
        %dma_start3A_67 = arith.constant 0 : i32
        %dma_start3A_68 = arith.constant 0 : i32
        %dma_start3A_69 = tpu.memref_slice %arg2[%dma_start3A_67, %dma_start3A_68] : memref<10000x128xf32, #tpu.memory_space<hbm>> -> memref<10000x128xf32, #tpu.memory_space<hbm>>
        tpu.enqueue_indirect_dma source(%dma_start3A_69 : memref<10000x128xf32, #tpu.memory_space<hbm>>) target(%arg8 : memref<128x128xf32, #tpu.memory_space<vmem>>) offsets(%dma_start3A_66 : memref<128xi32, #tpu.memory_space<vmem>>) semaphore(%arg15 : memref<!tpu.dma_semaphore, #tpu.memory_space<semaphore_mem>>)
        %dma_wait3A_70 = arith.constant 0 : i32
        %dma_wait3A_71 = arith.constant 0 : i32
        %dma_wait3A_72 = tpu.memref_slice %arg5[%dma_wait3A_70, %dma_wait3A_71] : memref<2x128xi32, #tpu.memory_space<vmem>> -> memref<1x128xi32, #tpu.memory_space<vmem>>
        %dma_wait3A_73 = tpu.memref_squeeze %dma_wait3A_72 : memref<1x128xi32, #tpu.memory_space<vmem>> -> memref<128xi32, #tpu.memory_space<vmem>>
        %dma_wait3A_74 = arith.constant 0 : i32
        %dma_wait3A_75 = arith.constant 0 : i32
        %dma_wait3A_76 = tpu.memref_slice %arg2[%dma_wait3A_74, %dma_wait3A_75] : memref<10000x128xf32, #tpu.memory_space<hbm>> -> memref<10000x128xf32, #tpu.memory_space<hbm>>
        tpu.wait_indirect_dma semaphore(%arg15 : memref<!tpu.dma_semaphore, #tpu.memory_space<semaphore_mem>>) src(%dma_wait3A_76 : memref<10000x128xf32, #tpu.memory_space<hbm>>) dst(%arg8 : memref<128x128xf32, #tpu.memory_space<vmem>>)
        %run_scoped3A = arith.constant 1 : i32
        "tpu.region"() ({
          %run_scoped3A_119 = tpu.sem_alloc : memref<!tpu.dma_semaphore, #tpu.memory_space<semaphore_mem>>
          %dma_start3A_120 = arith.constant 0 : i32
          %dma_start3A_121 = tpu.memref_slice %arg5[%run_scoped3A, %dma_start3A_120] : memref<2x128xi32, #tpu.memory_space<vmem>> -> memref<1x128xi32, #tpu.memory_space<vmem>>
          %dma_start3A_122 = tpu.memref_squeeze %dma_start3A_121 : memref<1x128xi32, #tpu.memory_space<vmem>> -> memref<128xi32, #tpu.memory_space<vmem>>
          %dma_start3A_123 = arith.constant 0 : i32
          %dma_start3A_124 = arith.constant 0 : i32
          %dma_start3A_125 = tpu.memref_slice %arg11[%dma_start3A_123, %dma_start3A_124] : memref<10112x128xf32, #tpu.memory_space<vmem_shared>> -> memref<10112x128xf32, #tpu.memory_space<vmem_shared>>
          tpu.enqueue_indirect_dma source(%arg8 : memref<128x128xf32, #tpu.memory_space<vmem>>) target(%dma_start3A_125 : memref<10112x128xf32, #tpu.memory_space<vmem_shared>>) offsets(%dma_start3A_122 : memref<128xi32, #tpu.memory_space<vmem>>) semaphore(%run_scoped3A_119 : memref<!tpu.dma_semaphore, #tpu.memory_space<semaphore_mem>>) {add = true}
          %dma_wait3A_126 = arith.constant 0 : i32
          %dma_wait3A_127 = tpu.memref_slice %arg5[%run_scoped3A, %dma_wait3A_126] : memref<2x128xi32, #tpu.memory_space<vmem>> -> memref<1x128xi32, #tpu.memory_space<vmem>>
          %dma_wait3A_128 = tpu.memref_squeeze %dma_wait3A_127 : memref<1x128xi32, #tpu.memory_space<vmem>> -> memref<128xi32, #tpu.memory_space<vmem>>
          %dma_wait3A_129 = arith.constant 0 : i32
          %dma_wait3A_130 = arith.constant 0 : i32
          %dma_wait3A_131 = tpu.memref_slice %arg11[%dma_wait3A_129, %dma_wait3A_130] : memref<10112x128xf32, #tpu.memory_space<vmem_shared>> -> memref<10112x128xf32, #tpu.memory_space<vmem_shared>>
          tpu.wait_indirect_dma semaphore(%run_scoped3A_119 : memref<!tpu.dma_semaphore, #tpu.memory_space<semaphore_mem>>) src(%arg8 : memref<128x128xf32, #tpu.memory_space<vmem>>) dst(%dma_wait3A_131 : memref<10112x128xf32, #tpu.memory_space<vmem_shared>>)
          tpu.yield
        }) : () -> ()
        %add3A_77 = arith.constant 2 : i32
        %add3A_78 = arith.addi %mul3A_54, %add3A_77 : i32
        %lt3A = arith.constant 34 : i32
        %lt3A_79 = arith.cmpi slt, %add3A_78, %lt3A : i32
        %convert_element_type3A_80 = arith.extui %lt3A_79 : i1 to i32
        %cond3A_81 = arith.constant 0 : i32
        %cond3A_82 = arith.cmpi ne, %convert_element_type3A_80, %cond3A_81 : i32
        scf.if %cond3A_82 {
          %add3A_119 = arith.constant 2 : i32
          %add3A_120 = arith.addi %mul3A_54, %add3A_119 : i32
          %dma_start3A_121 = arith.constant 0 : i32
          %dma_start3A_122 = arith.constant 0 : i32
          %dma_start3A_123 = tpu.memref_slice %arg3[%add3A, %add3A_120, %dma_start3A_121, %dma_start3A_122] : memref<32x123x2x128xi32, #tpu.memory_space<hbm>> -> memref<1x1x2x128xi32, #tpu.memory_space<hbm>>
          %dma_start3A_124 = tpu.memref_squeeze %dma_start3A_123 : memref<1x1x2x128xi32, #tpu.memory_space<hbm>> -> memref<2x128xi32, #tpu.memory_space<hbm>>
          %dma_start3A_125 = arith.constant 0 : i32
          %dma_start3A_126 = arith.constant 0 : i32
          %dma_start3A_127 = tpu.memref_slice %arg3[%add3A, %add3A_120, %dma_start3A_125, %dma_start3A_126] : memref<32x123x2x128xi32, #tpu.memory_space<hbm>> -> memref<1x1x2x128xi32, #tpu.memory_space<hbm>>
          %dma_start3A_128 = tpu.memref_squeeze %dma_start3A_127 : memref<1x1x2x128xi32, #tpu.memory_space<hbm>> -> memref<2x128xi32, #tpu.memory_space<hbm>>
          tpu.enqueue_dma source(%dma_start3A_128 : memref<2x128xi32, #tpu.memory_space<hbm>>) target(%arg5 : memref<2x128xi32, #tpu.memory_space<vmem>>) target_semaphore(%arg12 : memref<!tpu.dma_semaphore, #tpu.memory_space<semaphore_mem>>)
        } else {
        }
        %mul3A_83 = arith.constant 2 : i32
        %mul3A_84 = arith.muli %mul3A_83, %scan3A_51 : i32
        %add3A_85 = arith.constant 1 : i32
        %add3A_86 = arith.addi %mul3A_84, %add3A_85 : i32
        %dma_wait3A_87 = arith.constant 0 : i32
        %dma_wait3A_88 = arith.constant 0 : i32
        %dma_wait3A_89 = arith.constant 0 : i32
        %dma_wait3A_90 = tpu.memref_slice %arg3[%add3A, %dma_wait3A_87, %dma_wait3A_88, %dma_wait3A_89] : memref<32x123x2x128xi32, #tpu.memory_space<hbm>> -> memref<1x1x2x128xi32, #tpu.memory_space<hbm>>
        %dma_wait3A_91 = tpu.memref_squeeze %dma_wait3A_90 : memref<1x1x2x128xi32, #tpu.memory_space<hbm>> -> memref<2x128xi32, #tpu.memory_space<hbm>>
        %dma_wait3A_92 = arith.constant 0 : i32
        %dma_wait3A_93 = arith.constant 0 : i32
        %dma_wait3A_94 = tpu.memref_slice %arg3[%add3A, %dma_wait3A_87, %dma_wait3A_92, %dma_wait3A_93] : memref<32x123x2x128xi32, #tpu.memory_space<hbm>> -> memref<1x1x2x128xi32, #tpu.memory_space<hbm>>
        %dma_wait3A_95 = tpu.memref_squeeze %dma_wait3A_94 : memref<1x1x2x128xi32, #tpu.memory_space<hbm>> -> memref<2x128xi32, #tpu.memory_space<hbm>>
        tpu.wait_dma2 semaphore(%arg13 : memref<!tpu.dma_semaphore, #tpu.memory_space<semaphore_mem>>) src(%dma_wait3A_95 : memref<2x128xi32, #tpu.memory_space<hbm>>) dst(%arg6 : memref<2x128xi32, #tpu.memory_space<vmem>>)
        %dma_start3A_96 = arith.constant 0 : i32
        %dma_start3A_97 = arith.constant 0 : i32
        %dma_start3A_98 = tpu.memref_slice %arg6[%dma_start3A_96, %dma_start3A_97] : memref<2x128xi32, #tpu.memory_space<vmem>> -> memref<1x128xi32, #tpu.memory_space<vmem>>
        %dma_start3A_99 = tpu.memref_squeeze %dma_start3A_98 : memref<1x128xi32, #tpu.memory_space<vmem>> -> memref<128xi32, #tpu.memory_space<vmem>>
        %dma_start3A_100 = arith.constant 0 : i32
        %dma_start3A_101 = arith.constant 0 : i32
        %dma_start3A_102 = tpu.memref_slice %arg2[%dma_start3A_100, %dma_start3A_101] : memref<10000x128xf32, #tpu.memory_space<hbm>> -> memref<10000x128xf32, #tpu.memory_space<hbm>>
        tpu.enqueue_indirect_dma source(%dma_start3A_102 : memref<10000x128xf32, #tpu.memory_space<hbm>>) target(%arg9 : memref<128x128xf32, #tpu.memory_space<vmem>>) offsets(%dma_start3A_99 : memref<128xi32, #tpu.memory_space<vmem>>) semaphore(%arg16 : memref<!tpu.dma_semaphore, #tpu.memory_space<semaphore_mem>>)
        %dma_wait3A_103 = arith.constant 0 : i32
        %dma_wait3A_104 = arith.constant 0 : i32
        %dma_wait3A_105 = tpu.memref_slice %arg6[%dma_wait3A_103, %dma_wait3A_104] : memref<2x128xi32, #tpu.memory_space<vmem>> -> memref<1x128xi32, #tpu.memory_space<vmem>>
        %dma_wait3A_106 = tpu.memref_squeeze %dma_wait3A_105 : memref<1x128xi32, #tpu.memory_space<vmem>> -> memref<128xi32, #tpu.memory_space<vmem>>
        %dma_wait3A_107 = arith.constant 0 : i32
        %dma_wait3A_108 = arith.constant 0 : i32
        %dma_wait3A_109 = tpu.memref_slice %arg2[%dma_wait3A_107, %dma_wait3A_108] : memref<10000x128xf32, #tpu.memory_space<hbm>> -> memref<10000x128xf32, #tpu.memory_space<hbm>>
        tpu.wait_indirect_dma semaphore(%arg16 : memref<!tpu.dma_semaphore, #tpu.memory_space<semaphore_mem>>) src(%dma_wait3A_109 : memref<10000x128xf32, #tpu.memory_space<hbm>>) dst(%arg9 : memref<128x128xf32, #tpu.memory_space<vmem>>)
        %run_scoped3A_110 = arith.constant 1 : i32
        "tpu.region"() ({
          %run_scoped3A_119 = tpu.sem_alloc : memref<!tpu.dma_semaphore, #tpu.memory_space<semaphore_mem>>
          %dma_start3A_120 = arith.constant 0 : i32
          %dma_start3A_121 = tpu.memref_slice %arg6[%run_scoped3A_110, %dma_start3A_120] : memref<2x128xi32, #tpu.memory_space<vmem>> -> memref<1x128xi32, #tpu.memory_space<vmem>>
          %dma_start3A_122 = tpu.memref_squeeze %dma_start3A_121 : memref<1x128xi32, #tpu.memory_space<vmem>> -> memref<128xi32, #tpu.memory_space<vmem>>
          %dma_start3A_123 = arith.constant 0 : i32
          %dma_start3A_124 = arith.constant 0 : i32
          %dma_start3A_125 = tpu.memref_slice %arg11[%dma_start3A_123, %dma_start3A_124] : memref<10112x128xf32, #tpu.memory_space<vmem_shared>> -> memref<10112x128xf32, #tpu.memory_space<vmem_shared>>
          tpu.enqueue_indirect_dma source(%arg9 : memref<128x128xf32, #tpu.memory_space<vmem>>) target(%dma_start3A_125 : memref<10112x128xf32, #tpu.memory_space<vmem_shared>>) offsets(%dma_start3A_122 : memref<128xi32, #tpu.memory_space<vmem>>) semaphore(%run_scoped3A_119 : memref<!tpu.dma_semaphore, #tpu.memory_space<semaphore_mem>>) {add = true}
          %dma_wait3A_126 = arith.constant 0 : i32
          %dma_wait3A_127 = tpu.memref_slice %arg6[%run_scoped3A_110, %dma_wait3A_126] : memref<2x128xi32, #tpu.memory_space<vmem>> -> memref<1x128xi32, #tpu.memory_space<vmem>>
          %dma_wait3A_128 = tpu.memref_squeeze %dma_wait3A_127 : memref<1x128xi32, #tpu.memory_space<vmem>> -> memref<128xi32, #tpu.memory_space<vmem>>
          %dma_wait3A_129 = arith.constant 0 : i32
          %dma_wait3A_130 = arith.constant 0 : i32
          %dma_wait3A_131 = tpu.memref_slice %arg11[%dma_wait3A_129, %dma_wait3A_130] : memref<10112x128xf32, #tpu.memory_space<vmem_shared>> -> memref<10112x128xf32, #tpu.memory_space<vmem_shared>>
          tpu.wait_indirect_dma semaphore(%run_scoped3A_119 : memref<!tpu.dma_semaphore, #tpu.memory_space<semaphore_mem>>) src(%arg9 : memref<128x128xf32, #tpu.memory_space<vmem>>) dst(%dma_wait3A_131 : memref<10112x128xf32, #tpu.memory_space<vmem_shared>>)
          tpu.yield
        }) : () -> ()
        %add3A_111 = arith.constant 2 : i32
        %add3A_112 = arith.addi %add3A_86, %add3A_111 : i32
        %lt3A_113 = arith.constant 34 : i32
        %lt3A_114 = arith.cmpi slt, %add3A_112, %lt3A_113 : i32
        %convert_element_type3A_115 = arith.extui %lt3A_114 : i1 to i32
        %cond3A_116 = arith.constant 0 : i32
        %cond3A_117 = arith.cmpi ne, %convert_element_type3A_115, %cond3A_116 : i32
        scf.if %cond3A_117 {
          %add3A_119 = arith.constant 2 : i32
          %add3A_120 = arith.addi %add3A_86, %add3A_119 : i32
          %dma_start3A_121 = arith.constant 0 : i32
          %dma_start3A_122 = arith.constant 0 : i32
          %dma_start3A_123 = tpu.memref_slice %arg3[%add3A, %add3A_120, %dma_start3A_121, %dma_start3A_122] : memref<32x123x2x128xi32, #tpu.memory_space<hbm>> -> memref<1x1x2x128xi32, #tpu.memory_space<hbm>>
          %dma_start3A_124 = tpu.memref_squeeze %dma_start3A_123 : memref<1x1x2x128xi32, #tpu.memory_space<hbm>> -> memref<2x128xi32, #tpu.memory_space<hbm>>
          %dma_start3A_125 = arith.constant 0 : i32
          %dma_start3A_126 = arith.constant 0 : i32
          %dma_start3A_127 = tpu.memref_slice %arg3[%add3A, %add3A_120, %dma_start3A_125, %dma_start3A_126] : memref<32x123x2x128xi32, #tpu.memory_space<hbm>> -> memref<1x1x2x128xi32, #tpu.memory_space<hbm>>
          %dma_start3A_128 = tpu.memref_squeeze %dma_start3A_127 : memref<1x1x2x128xi32, #tpu.memory_space<hbm>> -> memref<2x128xi32, #tpu.memory_space<hbm>>
          tpu.enqueue_dma source(%dma_start3A_128 : memref<2x128xi32, #tpu.memory_space<hbm>>) target(%arg6 : memref<2x128xi32, #tpu.memory_space<vmem>>) target_semaphore(%arg13 : memref<!tpu.dma_semaphore, #tpu.memory_space<semaphore_mem>>)
        } else {
        }
        %scan3A_118 = arith.constant 0 : i32
        scf.yield %scan3A_118 : i32
      }
      %scan3A_50 = arith.constant 17 : i32
    } else {
    }
    %barrier3A_26 = arith.constant 0 : index
    tpu.barrier barrier_id(%barrier3A_26)
    "tpu.region"() ({
      %run_scoped3A = tpu.sem_alloc : memref<!tpu.dma_semaphore, #tpu.memory_space<semaphore_mem>>
      %dma_start3A = arith.constant 0 : i32
      %dma_start3A_27 = tpu.memref_slice %arg4[%arg0, %mul3A_8, %dma_start3A] : memref<2x10112x128xf32, #tpu.memory_space<hbm>> -> memref<1x632x128xf32, #tpu.memory_space<hbm>>
      %dma_start3A_28 = tpu.memref_squeeze %dma_start3A_27 : memref<1x632x128xf32, #tpu.memory_space<hbm>> -> memref<632x128xf32, #tpu.memory_space<hbm>>
      %dma_start3A_29 = arith.constant 0 : i32
      %dma_start3A_30 = tpu.memref_slice %arg11[%mul3A_8, %dma_start3A_29] : memref<10112x128xf32, #tpu.memory_space<vmem_shared>> -> memref<632x128xf32, #tpu.memory_space<vmem_shared>>
      tpu.enqueue_dma source(%dma_start3A_30 : memref<632x128xf32, #tpu.memory_space<vmem_shared>>) target(%dma_start3A_28 : memref<632x128xf32, #tpu.memory_space<hbm>>) target_semaphore(%run_scoped3A : memref<!tpu.dma_semaphore, #tpu.memory_space<semaphore_mem>>)
      %dma_wait3A = arith.constant 0 : i32
      %dma_wait3A_31 = tpu.memref_slice %arg4[%arg0, %mul3A_8, %dma_wait3A] : memref<2x10112x128xf32, #tpu.memory_space<hbm>> -> memref<1x632x128xf32, #tpu.memory_space<hbm>>
      %dma_wait3A_32 = tpu.memref_squeeze %dma_wait3A_31 : memref<1x632x128xf32, #tpu.memory_space<hbm>> -> memref<632x128xf32, #tpu.memory_space<hbm>>
      %dma_wait3A_33 = arith.constant 0 : i32
      %dma_wait3A_34 = tpu.memref_slice %arg11[%mul3A_8, %dma_wait3A_33] : memref<10112x128xf32, #tpu.memory_space<vmem_shared>> -> memref<632x128xf32, #tpu.memory_space<vmem_shared>>
      tpu.wait_dma2 semaphore(%run_scoped3A : memref<!tpu.dma_semaphore, #tpu.memory_space<semaphore_mem>>) src(%dma_wait3A_34 : memref<632x128xf32, #tpu.memory_space<vmem_shared>>) dst(%dma_wait3A_32 : memref<632x128xf32, #tpu.memory_space<hbm>>)
      tpu.yield
    }) : () -> ()
    return
  }
}

#map = affine_map<(d0, d1) -> (0, 0, 0, 0)>
#map1 = affine_map<(d0, d1) -> (0, 0, 0)>
module attributes {stable_mosaic.version = 14 : i64} {
  func.func @_deg_body(%arg0: i32, %arg1: i32, %arg2: memref<32x80x1x128xi32, #tpu.memory_space<hbm>>, %arg3: memref<2x10112x128xf32, #tpu.memory_space<hbm>>, %arg4: memref<1x128xi32, #tpu.memory_space<vmem>>, %arg5: memref<1x128xi32, #tpu.memory_space<vmem>>, %arg6: memref<128x128xf32, #tpu.memory_space<vmem>>, %arg7: memref<10112x128xf32, #tpu.memory_space<vmem_shared>>, %arg8: memref<!tpu.dma_semaphore, #tpu.memory_space<semaphore_mem>>, %arg9: memref<!tpu.dma_semaphore, #tpu.memory_space<semaphore_mem>>) attributes {dimension_semantics = [#tpu.dimension_semantics<core_parallel>, #tpu.dimension_semantics<subcore_parallel>], iteration_bounds = array<i64: 2, 16>, scalar_prefetch = 0 : i64, scratch_operands = 6 : i64, tpu.core_type = #tpu.core_type<sc_vector_subcore>, window_params = [{transform_indices = #map}, {transform_indices = #map1}]} {
    %mul3A = arith.constant 16 : i32
    %mul3A_0 = arith.muli %arg0, %mul3A : i32
    %add3A = arith.addi %mul3A_0, %arg1 : i32
    %scan3A = arith.constant 0 : i32
    %scan3A_1 = arith.constant 0 : i32
    %scan3A_2 = arith.constant 128 : i32
    %scan3A_3 = arith.addi %scan3A_1, %scan3A_2 : i32
    %scan3A_4 = arith.constant 1 : i32
    %scan3A_5 = scf.for %scan3A_51 = %scan3A_1 to %scan3A_3 step %scan3A_4 iter_args(%scan3A_52 = %scan3A) -> (i32)  : i32 {
      %broadcast_in_dim3A = arith.constant 0.000000e+00 : f32
      %broadcast_in_dim3A_53 = vector.broadcast %broadcast_in_dim3A : f32 to vector<16xf32>
      %swap3A = arith.index_cast %scan3A_51 : i32 to index
      %swap3A_54 = arith.constant 0 : index
      %swap3A_55 = tpu.vector_load %arg6[%swap3A, %swap3A_54] {strides = array<i32>} : memref<128x128xf32, #tpu.memory_space<vmem>>, vector<1x16xf32>,
      %swap3A_56 = vector.shape_cast %swap3A_55 : vector<1x16xf32> to vector<16xf32>
      %swap3A_57 = vector.shape_cast %broadcast_in_dim3A_53 : vector<16xf32> to vector<1x16xf32>
      tpu.vector_store %arg6[%swap3A, %swap3A_54], %swap3A_57 {strides = array<i32>} : memref<128x128xf32, #tpu.memory_space<vmem>>, vector<1x16xf32>,
      %broadcast_in_dim3A_58 = arith.constant 0.000000e+00 : f32
      %broadcast_in_dim3A_59 = vector.broadcast %broadcast_in_dim3A_58 : f32 to vector<16xf32>
      %swap3A_60 = arith.index_cast %scan3A_51 : i32 to index
      %swap3A_61 = arith.constant 16 : index
      %swap3A_62 = tpu.vector_load %arg6[%swap3A_60, %swap3A_61] {strides = array<i32>} : memref<128x128xf32, #tpu.memory_space<vmem>>, vector<1x16xf32>,
      %swap3A_63 = vector.shape_cast %swap3A_62 : vector<1x16xf32> to vector<16xf32>
      %swap3A_64 = vector.shape_cast %broadcast_in_dim3A_59 : vector<16xf32> to vector<1x16xf32>
      tpu.vector_store %arg6[%swap3A_60, %swap3A_61], %swap3A_64 {strides = array<i32>} : memref<128x128xf32, #tpu.memory_space<vmem>>, vector<1x16xf32>,
      %broadcast_in_dim3A_65 = arith.constant 0.000000e+00 : f32
      %broadcast_in_dim3A_66 = vector.broadcast %broadcast_in_dim3A_65 : f32 to vector<16xf32>
      %swap3A_67 = arith.index_cast %scan3A_51 : i32 to index
      %swap3A_68 = arith.constant 32 : index
      %swap3A_69 = tpu.vector_load %arg6[%swap3A_67, %swap3A_68] {strides = array<i32>} : memref<128x128xf32, #tpu.memory_space<vmem>>, vector<1x16xf32>,
      %swap3A_70 = vector.shape_cast %swap3A_69 : vector<1x16xf32> to vector<16xf32>
      %swap3A_71 = vector.shape_cast %broadcast_in_dim3A_66 : vector<16xf32> to vector<1x16xf32>
      tpu.vector_store %arg6[%swap3A_67, %swap3A_68], %swap3A_71 {strides = array<i32>} : memref<128x128xf32, #tpu.memory_space<vmem>>, vector<1x16xf32>,
      %broadcast_in_dim3A_72 = arith.constant 0.000000e+00 : f32
      %broadcast_in_dim3A_73 = vector.broadcast %broadcast_in_dim3A_72 : f32 to vector<16xf32>
      %swap3A_74 = arith.index_cast %scan3A_51 : i32 to index
      %swap3A_75 = arith.constant 48 : index
      %swap3A_76 = tpu.vector_load %arg6[%swap3A_74, %swap3A_75] {strides = array<i32>} : memref<128x128xf32, #tpu.memory_space<vmem>>, vector<1x16xf32>,
      %swap3A_77 = vector.shape_cast %swap3A_76 : vector<1x16xf32> to vector<16xf32>
      %swap3A_78 = vector.shape_cast %broadcast_in_dim3A_73 : vector<16xf32> to vector<1x16xf32>
      tpu.vector_store %arg6[%swap3A_74, %swap3A_75], %swap3A_78 {strides = array<i32>} : memref<128x128xf32, #tpu.memory_space<vmem>>, vector<1x16xf32>,
      %broadcast_in_dim3A_79 = arith.constant 0.000000e+00 : f32
      %broadcast_in_dim3A_80 = vector.broadcast %broadcast_in_dim3A_79 : f32 to vector<16xf32>
      %swap3A_81 = arith.index_cast %scan3A_51 : i32 to index
      %swap3A_82 = arith.constant 64 : index
      %swap3A_83 = tpu.vector_load %arg6[%swap3A_81, %swap3A_82] {strides = array<i32>} : memref<128x128xf32, #tpu.memory_space<vmem>>, vector<1x16xf32>,
      %swap3A_84 = vector.shape_cast %swap3A_83 : vector<1x16xf32> to vector<16xf32>
      %swap3A_85 = vector.shape_cast %broadcast_in_dim3A_80 : vector<16xf32> to vector<1x16xf32>
      tpu.vector_store %arg6[%swap3A_81, %swap3A_82], %swap3A_85 {strides = array<i32>} : memref<128x128xf32, #tpu.memory_space<vmem>>, vector<1x16xf32>,
      %broadcast_in_dim3A_86 = arith.constant 0.000000e+00 : f32
      %broadcast_in_dim3A_87 = vector.broadcast %broadcast_in_dim3A_86 : f32 to vector<16xf32>
      %swap3A_88 = arith.index_cast %scan3A_51 : i32 to index
      %swap3A_89 = arith.constant 80 : index
      %swap3A_90 = tpu.vector_load %arg6[%swap3A_88, %swap3A_89] {strides = array<i32>} : memref<128x128xf32, #tpu.memory_space<vmem>>, vector<1x16xf32>,
      %swap3A_91 = vector.shape_cast %swap3A_90 : vector<1x16xf32> to vector<16xf32>
      %swap3A_92 = vector.shape_cast %broadcast_in_dim3A_87 : vector<16xf32> to vector<1x16xf32>
      tpu.vector_store %arg6[%swap3A_88, %swap3A_89], %swap3A_92 {strides = array<i32>} : memref<128x128xf32, #tpu.memory_space<vmem>>, vector<1x16xf32>,
      %broadcast_in_dim3A_93 = arith.constant 0.000000e+00 : f32
      %broadcast_in_dim3A_94 = vector.broadcast %broadcast_in_dim3A_93 : f32 to vector<16xf32>
      %swap3A_95 = arith.index_cast %scan3A_51 : i32 to index
      %swap3A_96 = arith.constant 96 : index
      %swap3A_97 = tpu.vector_load %arg6[%swap3A_95, %swap3A_96] {strides = array<i32>} : memref<128x128xf32, #tpu.memory_space<vmem>>, vector<1x16xf32>,
      %swap3A_98 = vector.shape_cast %swap3A_97 : vector<1x16xf32> to vector<16xf32>
      %swap3A_99 = vector.shape_cast %broadcast_in_dim3A_94 : vector<16xf32> to vector<1x16xf32>
      tpu.vector_store %arg6[%swap3A_95, %swap3A_96], %swap3A_99 {strides = array<i32>} : memref<128x128xf32, #tpu.memory_space<vmem>>, vector<1x16xf32>,
      %broadcast_in_dim3A_100 = arith.constant 0.000000e+00 : f32
      %broadcast_in_dim3A_101 = vector.broadcast %broadcast_in_dim3A_100 : f32 to vector<16xf32>
      %swap3A_102 = arith.index_cast %scan3A_51 : i32 to index
      %swap3A_103 = arith.constant 112 : index
      %swap3A_104 = tpu.vector_load %arg6[%swap3A_102, %swap3A_103] {strides = array<i32>} : memref<128x128xf32, #tpu.memory_space<vmem>>, vector<1x16xf32>,
      %swap3A_105 = vector.shape_cast %swap3A_104 : vector<1x16xf32> to vector<16xf32>
      %swap3A_106 = vector.shape_cast %broadcast_in_dim3A_101 : vector<16xf32> to vector<1x16xf32>
      tpu.vector_store %arg6[%swap3A_102, %swap3A_103], %swap3A_106 {strides = array<i32>} : memref<128x128xf32, #tpu.memory_space<vmem>>, vector<1x16xf32>,
      %scan3A_107 = arith.constant 0 : i32
      scf.yield %scan3A_107 : i32
    }
    %scan3A_6 = arith.constant 128 : i32
    %mul3A_7 = arith.constant 632 : i32
    %mul3A_8 = arith.muli %arg1, %mul3A_7 : i32
    %add3A_9 = arith.constant 0 : i32
    %add3A_10 = arith.addi %mul3A_8, %add3A_9 : i32
    "tpu.region"() ({
      %run_scoped3A = tpu.sem_alloc : memref<!tpu.dma_semaphore, #tpu.memory_space<semaphore_mem>>
      %dma_start3A_51 = arith.constant 0 : i32
      %dma_start3A_52 = tpu.memref_slice %arg7[%add3A_10, %dma_start3A_51] : memref<10112x128xf32, #tpu.memory_space<vmem_shared>> -> memref<128x128xf32, #tpu.memory_space<vmem_shared>>
      %dma_start3A_53 = arith.constant 0 : i32
      %dma_start3A_54 = tpu.memref_slice %arg7[%add3A_10, %dma_start3A_53] : memref<10112x128xf32, #tpu.memory_space<vmem_shared>> -> memref<128x128xf32, #tpu.memory_space<vmem_shared>>
      tpu.enqueue_dma source(%arg6 : memref<128x128xf32, #tpu.memory_space<vmem>>) target(%dma_start3A_54 : memref<128x128xf32, #tpu.memory_space<vmem_shared>>) target_semaphore(%run_scoped3A : memref<!tpu.dma_semaphore, #tpu.memory_space<semaphore_mem>>)
      %dma_wait3A = arith.constant 0 : i32
      %dma_wait3A_55 = tpu.memref_slice %arg7[%add3A_10, %dma_wait3A] : memref<10112x128xf32, #tpu.memory_space<vmem_shared>> -> memref<128x128xf32, #tpu.memory_space<vmem_shared>>
      %dma_wait3A_56 = arith.constant 0 : i32
      %dma_wait3A_57 = tpu.memref_slice %arg7[%add3A_10, %dma_wait3A_56] : memref<10112x128xf32, #tpu.memory_space<vmem_shared>> -> memref<128x128xf32, #tpu.memory_space<vmem_shared>>
      tpu.wait_dma2 semaphore(%run_scoped3A : memref<!tpu.dma_semaphore, #tpu.memory_space<semaphore_mem>>) src(%arg6 : memref<128x128xf32, #tpu.memory_space<vmem>>) dst(%dma_wait3A_57 : memref<128x128xf32, #tpu.memory_space<vmem_shared>>)
      tpu.yield
    }) : () -> ()
    %add3A_11 = arith.constant 128 : i32
    %add3A_12 = arith.addi %mul3A_8, %add3A_11 : i32
    "tpu.region"() ({
      %run_scoped3A = tpu.sem_alloc : memref<!tpu.dma_semaphore, #tpu.memory_space<semaphore_mem>>
      %dma_start3A_51 = arith.constant 0 : i32
      %dma_start3A_52 = tpu.memref_slice %arg7[%add3A_12, %dma_start3A_51] : memref<10112x128xf32, #tpu.memory_space<vmem_shared>> -> memref<128x128xf32, #tpu.memory_space<vmem_shared>>
      %dma_start3A_53 = arith.constant 0 : i32
      %dma_start3A_54 = tpu.memref_slice %arg7[%add3A_12, %dma_start3A_53] : memref<10112x128xf32, #tpu.memory_space<vmem_shared>> -> memref<128x128xf32, #tpu.memory_space<vmem_shared>>
      tpu.enqueue_dma source(%arg6 : memref<128x128xf32, #tpu.memory_space<vmem>>) target(%dma_start3A_54 : memref<128x128xf32, #tpu.memory_space<vmem_shared>>) target_semaphore(%run_scoped3A : memref<!tpu.dma_semaphore, #tpu.memory_space<semaphore_mem>>)
      %dma_wait3A = arith.constant 0 : i32
      %dma_wait3A_55 = tpu.memref_slice %arg7[%add3A_12, %dma_wait3A] : memref<10112x128xf32, #tpu.memory_space<vmem_shared>> -> memref<128x128xf32, #tpu.memory_space<vmem_shared>>
      %dma_wait3A_56 = arith.constant 0 : i32
      %dma_wait3A_57 = tpu.memref_slice %arg7[%add3A_12, %dma_wait3A_56] : memref<10112x128xf32, #tpu.memory_space<vmem_shared>> -> memref<128x128xf32, #tpu.memory_space<vmem_shared>>
      tpu.wait_dma2 semaphore(%run_scoped3A : memref<!tpu.dma_semaphore, #tpu.memory_space<semaphore_mem>>) src(%arg6 : memref<128x128xf32, #tpu.memory_space<vmem>>) dst(%dma_wait3A_57 : memref<128x128xf32, #tpu.memory_space<vmem_shared>>)
      tpu.yield
    }) : () -> ()
    %add3A_13 = arith.constant 256 : i32
    %add3A_14 = arith.addi %mul3A_8, %add3A_13 : i32
    "tpu.region"() ({
      %run_scoped3A = tpu.sem_alloc : memref<!tpu.dma_semaphore, #tpu.memory_space<semaphore_mem>>
      %dma_start3A_51 = arith.constant 0 : i32
      %dma_start3A_52 = tpu.memref_slice %arg7[%add3A_14, %dma_start3A_51] : memref<10112x128xf32, #tpu.memory_space<vmem_shared>> -> memref<128x128xf32, #tpu.memory_space<vmem_shared>>
      %dma_start3A_53 = arith.constant 0 : i32
      %dma_start3A_54 = tpu.memref_slice %arg7[%add3A_14, %dma_start3A_53] : memref<10112x128xf32, #tpu.memory_space<vmem_shared>> -> memref<128x128xf32, #tpu.memory_space<vmem_shared>>
      tpu.enqueue_dma source(%arg6 : memref<128x128xf32, #tpu.memory_space<vmem>>) target(%dma_start3A_54 : memref<128x128xf32, #tpu.memory_space<vmem_shared>>) target_semaphore(%run_scoped3A : memref<!tpu.dma_semaphore, #tpu.memory_space<semaphore_mem>>)
      %dma_wait3A = arith.constant 0 : i32
      %dma_wait3A_55 = tpu.memref_slice %arg7[%add3A_14, %dma_wait3A] : memref<10112x128xf32, #tpu.memory_space<vmem_shared>> -> memref<128x128xf32, #tpu.memory_space<vmem_shared>>
      %dma_wait3A_56 = arith.constant 0 : i32
      %dma_wait3A_57 = tpu.memref_slice %arg7[%add3A_14, %dma_wait3A_56] : memref<10112x128xf32, #tpu.memory_space<vmem_shared>> -> memref<128x128xf32, #tpu.memory_space<vmem_shared>>
      tpu.wait_dma2 semaphore(%run_scoped3A : memref<!tpu.dma_semaphore, #tpu.memory_space<semaphore_mem>>) src(%arg6 : memref<128x128xf32, #tpu.memory_space<vmem>>) dst(%dma_wait3A_57 : memref<128x128xf32, #tpu.memory_space<vmem_shared>>)
      tpu.yield
    }) : () -> ()
    %add3A_15 = arith.constant 384 : i32
    %add3A_16 = arith.addi %mul3A_8, %add3A_15 : i32
    "tpu.region"() ({
      %run_scoped3A = tpu.sem_alloc : memref<!tpu.dma_semaphore, #tpu.memory_space<semaphore_mem>>
      %dma_start3A_51 = arith.constant 0 : i32
      %dma_start3A_52 = tpu.memref_slice %arg7[%add3A_16, %dma_start3A_51] : memref<10112x128xf32, #tpu.memory_space<vmem_shared>> -> memref<128x128xf32, #tpu.memory_space<vmem_shared>>
      %dma_start3A_53 = arith.constant 0 : i32
      %dma_start3A_54 = tpu.memref_slice %arg7[%add3A_16, %dma_start3A_53] : memref<10112x128xf32, #tpu.memory_space<vmem_shared>> -> memref<128x128xf32, #tpu.memory_space<vmem_shared>>
      tpu.enqueue_dma source(%arg6 : memref<128x128xf32, #tpu.memory_space<vmem>>) target(%dma_start3A_54 : memref<128x128xf32, #tpu.memory_space<vmem_shared>>) target_semaphore(%run_scoped3A : memref<!tpu.dma_semaphore, #tpu.memory_space<semaphore_mem>>)
      %dma_wait3A = arith.constant 0 : i32
      %dma_wait3A_55 = tpu.memref_slice %arg7[%add3A_16, %dma_wait3A] : memref<10112x128xf32, #tpu.memory_space<vmem_shared>> -> memref<128x128xf32, #tpu.memory_space<vmem_shared>>
      %dma_wait3A_56 = arith.constant 0 : i32
      %dma_wait3A_57 = tpu.memref_slice %arg7[%add3A_16, %dma_wait3A_56] : memref<10112x128xf32, #tpu.memory_space<vmem_shared>> -> memref<128x128xf32, #tpu.memory_space<vmem_shared>>
      tpu.wait_dma2 semaphore(%run_scoped3A : memref<!tpu.dma_semaphore, #tpu.memory_space<semaphore_mem>>) src(%arg6 : memref<128x128xf32, #tpu.memory_space<vmem>>) dst(%dma_wait3A_57 : memref<128x128xf32, #tpu.memory_space<vmem_shared>>)
      tpu.yield
    }) : () -> ()
    %add3A_17 = arith.constant 512 : i32
    %add3A_18 = arith.addi %mul3A_8, %add3A_17 : i32
    "tpu.region"() ({
      %run_scoped3A = tpu.sem_alloc : memref<!tpu.dma_semaphore, #tpu.memory_space<semaphore_mem>>
      %dma_start3A_51 = arith.constant 0 : i32
      %dma_start3A_52 = arith.constant 0 : i32
      %dma_start3A_53 = tpu.memref_slice %arg6[%dma_start3A_51, %dma_start3A_52] : memref<128x128xf32, #tpu.memory_space<vmem>> -> memref<120x128xf32, #tpu.memory_space<vmem>>
      %dma_start3A_54 = arith.constant 0 : i32
      %dma_start3A_55 = tpu.memref_slice %arg7[%add3A_18, %dma_start3A_54] : memref<10112x128xf32, #tpu.memory_space<vmem_shared>> -> memref<120x128xf32, #tpu.memory_space<vmem_shared>>
      %dma_start3A_56 = arith.constant 0 : i32
      %dma_start3A_57 = tpu.memref_slice %arg7[%add3A_18, %dma_start3A_56] : memref<10112x128xf32, #tpu.memory_space<vmem_shared>> -> memref<120x128xf32, #tpu.memory_space<vmem_shared>>
      %dma_start3A_58 = arith.constant 0 : i32
      %dma_start3A_59 = arith.constant 0 : i32
      %dma_start3A_60 = tpu.memref_slice %arg6[%dma_start3A_58, %dma_start3A_59] : memref<128x128xf32, #tpu.memory_space<vmem>> -> memref<120x128xf32, #tpu.memory_space<vmem>>
      tpu.enqueue_dma source(%dma_start3A_60 : memref<120x128xf32, #tpu.memory_space<vmem>>) target(%dma_start3A_57 : memref<120x128xf32, #tpu.memory_space<vmem_shared>>) target_semaphore(%run_scoped3A : memref<!tpu.dma_semaphore, #tpu.memory_space<semaphore_mem>>)
      %dma_wait3A = arith.constant 0 : i32
      %dma_wait3A_61 = arith.constant 0 : i32
      %dma_wait3A_62 = tpu.memref_slice %arg6[%dma_wait3A, %dma_wait3A_61] : memref<128x128xf32, #tpu.memory_space<vmem>> -> memref<120x128xf32, #tpu.memory_space<vmem>>
      %dma_wait3A_63 = arith.constant 0 : i32
      %dma_wait3A_64 = tpu.memref_slice %arg7[%add3A_18, %dma_wait3A_63] : memref<10112x128xf32, #tpu.memory_space<vmem_shared>> -> memref<120x128xf32, #tpu.memory_space<vmem_shared>>
      %dma_wait3A_65 = arith.constant 0 : i32
      %dma_wait3A_66 = tpu.memref_slice %arg7[%add3A_18, %dma_wait3A_65] : memref<10112x128xf32, #tpu.memory_space<vmem_shared>> -> memref<120x128xf32, #tpu.memory_space<vmem_shared>>
      %dma_wait3A_67 = arith.constant 0 : i32
      %dma_wait3A_68 = arith.constant 0 : i32
      %dma_wait3A_69 = tpu.memref_slice %arg6[%dma_wait3A_67, %dma_wait3A_68] : memref<128x128xf32, #tpu.memory_space<vmem>> -> memref<120x128xf32, #tpu.memory_space<vmem>>
      tpu.wait_dma2 semaphore(%run_scoped3A : memref<!tpu.dma_semaphore, #tpu.memory_space<semaphore_mem>>) src(%dma_wait3A_69 : memref<120x128xf32, #tpu.memory_space<vmem>>) dst(%dma_wait3A_66 : memref<120x128xf32, #tpu.memory_space<vmem_shared>>)
      tpu.yield
    }) : () -> ()
    %barrier3A = arith.constant 0 : index
    tpu.barrier barrier_id(%barrier3A)
    %scan3A_19 = arith.constant 0 : i32
    %scan3A_20 = arith.constant 0 : i32
    %scan3A_21 = arith.constant 128 : i32
    %scan3A_22 = arith.addi %scan3A_20, %scan3A_21 : i32
    %scan3A_23 = arith.constant 1 : i32
    %scan3A_24 = scf.for %scan3A_51 = %scan3A_20 to %scan3A_22 step %scan3A_23 iter_args(%scan3A_52 = %scan3A_19) -> (i32)  : i32 {
      %broadcast_in_dim3A = arith.constant 1.000000e+00 : f32
      %broadcast_in_dim3A_53 = vector.broadcast %broadcast_in_dim3A : f32 to vector<16xf32>
      %swap3A = arith.index_cast %scan3A_51 : i32 to index
      %swap3A_54 = arith.constant 0 : index
      %swap3A_55 = tpu.vector_load %arg6[%swap3A, %swap3A_54] {strides = array<i32>} : memref<128x128xf32, #tpu.memory_space<vmem>>, vector<1x16xf32>,
      %swap3A_56 = vector.shape_cast %swap3A_55 : vector<1x16xf32> to vector<16xf32>
      %swap3A_57 = vector.shape_cast %broadcast_in_dim3A_53 : vector<16xf32> to vector<1x16xf32>
      tpu.vector_store %arg6[%swap3A, %swap3A_54], %swap3A_57 {strides = array<i32>} : memref<128x128xf32, #tpu.memory_space<vmem>>, vector<1x16xf32>,
      %broadcast_in_dim3A_58 = arith.constant 1.000000e+00 : f32
      %broadcast_in_dim3A_59 = vector.broadcast %broadcast_in_dim3A_58 : f32 to vector<16xf32>
      %swap3A_60 = arith.index_cast %scan3A_51 : i32 to index
      %swap3A_61 = arith.constant 16 : index
      %swap3A_62 = tpu.vector_load %arg6[%swap3A_60, %swap3A_61] {strides = array<i32>} : memref<128x128xf32, #tpu.memory_space<vmem>>, vector<1x16xf32>,
      %swap3A_63 = vector.shape_cast %swap3A_62 : vector<1x16xf32> to vector<16xf32>
      %swap3A_64 = vector.shape_cast %broadcast_in_dim3A_59 : vector<16xf32> to vector<1x16xf32>
      tpu.vector_store %arg6[%swap3A_60, %swap3A_61], %swap3A_64 {strides = array<i32>} : memref<128x128xf32, #tpu.memory_space<vmem>>, vector<1x16xf32>,
      %broadcast_in_dim3A_65 = arith.constant 1.000000e+00 : f32
      %broadcast_in_dim3A_66 = vector.broadcast %broadcast_in_dim3A_65 : f32 to vector<16xf32>
      %swap3A_67 = arith.index_cast %scan3A_51 : i32 to index
      %swap3A_68 = arith.constant 32 : index
      %swap3A_69 = tpu.vector_load %arg6[%swap3A_67, %swap3A_68] {strides = array<i32>} : memref<128x128xf32, #tpu.memory_space<vmem>>, vector<1x16xf32>,
      %swap3A_70 = vector.shape_cast %swap3A_69 : vector<1x16xf32> to vector<16xf32>
      %swap3A_71 = vector.shape_cast %broadcast_in_dim3A_66 : vector<16xf32> to vector<1x16xf32>
      tpu.vector_store %arg6[%swap3A_67, %swap3A_68], %swap3A_71 {strides = array<i32>} : memref<128x128xf32, #tpu.memory_space<vmem>>, vector<1x16xf32>,
      %broadcast_in_dim3A_72 = arith.constant 1.000000e+00 : f32
      %broadcast_in_dim3A_73 = vector.broadcast %broadcast_in_dim3A_72 : f32 to vector<16xf32>
      %swap3A_74 = arith.index_cast %scan3A_51 : i32 to index
      %swap3A_75 = arith.constant 48 : index
      %swap3A_76 = tpu.vector_load %arg6[%swap3A_74, %swap3A_75] {strides = array<i32>} : memref<128x128xf32, #tpu.memory_space<vmem>>, vector<1x16xf32>,
      %swap3A_77 = vector.shape_cast %swap3A_76 : vector<1x16xf32> to vector<16xf32>
      %swap3A_78 = vector.shape_cast %broadcast_in_dim3A_73 : vector<16xf32> to vector<1x16xf32>
      tpu.vector_store %arg6[%swap3A_74, %swap3A_75], %swap3A_78 {strides = array<i32>} : memref<128x128xf32, #tpu.memory_space<vmem>>, vector<1x16xf32>,
      %broadcast_in_dim3A_79 = arith.constant 1.000000e+00 : f32
      %broadcast_in_dim3A_80 = vector.broadcast %broadcast_in_dim3A_79 : f32 to vector<16xf32>
      %swap3A_81 = arith.index_cast %scan3A_51 : i32 to index
      %swap3A_82 = arith.constant 64 : index
      %swap3A_83 = tpu.vector_load %arg6[%swap3A_81, %swap3A_82] {strides = array<i32>} : memref<128x128xf32, #tpu.memory_space<vmem>>, vector<1x16xf32>,
      %swap3A_84 = vector.shape_cast %swap3A_83 : vector<1x16xf32> to vector<16xf32>
      %swap3A_85 = vector.shape_cast %broadcast_in_dim3A_80 : vector<16xf32> to vector<1x16xf32>
      tpu.vector_store %arg6[%swap3A_81, %swap3A_82], %swap3A_85 {strides = array<i32>} : memref<128x128xf32, #tpu.memory_space<vmem>>, vector<1x16xf32>,
      %broadcast_in_dim3A_86 = arith.constant 1.000000e+00 : f32
      %broadcast_in_dim3A_87 = vector.broadcast %broadcast_in_dim3A_86 : f32 to vector<16xf32>
      %swap3A_88 = arith.index_cast %scan3A_51 : i32 to index
      %swap3A_89 = arith.constant 80 : index
      %swap3A_90 = tpu.vector_load %arg6[%swap3A_88, %swap3A_89] {strides = array<i32>} : memref<128x128xf32, #tpu.memory_space<vmem>>, vector<1x16xf32>,
      %swap3A_91 = vector.shape_cast %swap3A_90 : vector<1x16xf32> to vector<16xf32>
      %swap3A_92 = vector.shape_cast %broadcast_in_dim3A_87 : vector<16xf32> to vector<1x16xf32>
      tpu.vector_store %arg6[%swap3A_88, %swap3A_89], %swap3A_92 {strides = array<i32>} : memref<128x128xf32, #tpu.memory_space<vmem>>, vector<1x16xf32>,
      %broadcast_in_dim3A_93 = arith.constant 1.000000e+00 : f32
      %broadcast_in_dim3A_94 = vector.broadcast %broadcast_in_dim3A_93 : f32 to vector<16xf32>
      %swap3A_95 = arith.index_cast %scan3A_51 : i32 to index
      %swap3A_96 = arith.constant 96 : index
      %swap3A_97 = tpu.vector_load %arg6[%swap3A_95, %swap3A_96] {strides = array<i32>} : memref<128x128xf32, #tpu.memory_space<vmem>>, vector<1x16xf32>,
      %swap3A_98 = vector.shape_cast %swap3A_97 : vector<1x16xf32> to vector<16xf32>
      %swap3A_99 = vector.shape_cast %broadcast_in_dim3A_94 : vector<16xf32> to vector<1x16xf32>
      tpu.vector_store %arg6[%swap3A_95, %swap3A_96], %swap3A_99 {strides = array<i32>} : memref<128x128xf32, #tpu.memory_space<vmem>>, vector<1x16xf32>,
      %broadcast_in_dim3A_100 = arith.constant 1.000000e+00 : f32
      %broadcast_in_dim3A_101 = vector.broadcast %broadcast_in_dim3A_100 : f32 to vector<16xf32>
      %swap3A_102 = arith.index_cast %scan3A_51 : i32 to index
      %swap3A_103 = arith.constant 112 : index
      %swap3A_104 = tpu.vector_load %arg6[%swap3A_102, %swap3A_103] {strides = array<i32>} : memref<128x128xf32, #tpu.memory_space<vmem>>, vector<1x16xf32>,
      %swap3A_105 = vector.shape_cast %swap3A_104 : vector<1x16xf32> to vector<16xf32>
      %swap3A_106 = vector.shape_cast %broadcast_in_dim3A_101 : vector<16xf32> to vector<1x16xf32>
      tpu.vector_store %arg6[%swap3A_102, %swap3A_103], %swap3A_106 {strides = array<i32>} : memref<128x128xf32, #tpu.memory_space<vmem>>, vector<1x16xf32>,
      %scan3A_107 = arith.constant 0 : i32
      scf.yield %scan3A_107 : i32
    }
    %scan3A_25 = arith.constant 128 : i32
    %dma_start3A = arith.constant 0 : i32
    %dma_start3A_26 = arith.constant 0 : i32
    %dma_start3A_27 = arith.constant 0 : i32
    %dma_start3A_28 = tpu.memref_slice %arg2[%add3A, %dma_start3A, %dma_start3A_26, %dma_start3A_27] : memref<32x80x1x128xi32, #tpu.memory_space<hbm>> -> memref<1x1x1x128xi32, #tpu.memory_space<hbm>>
    %dma_start3A_29 = tpu.memref_squeeze %dma_start3A_28 : memref<1x1x1x128xi32, #tpu.memory_space<hbm>> -> memref<1x128xi32, #tpu.memory_space<hbm>>
    %dma_start3A_30 = arith.constant 0 : i32
    %dma_start3A_31 = arith.constant 0 : i32
    %dma_start3A_32 = tpu.memref_slice %arg2[%add3A, %dma_start3A, %dma_start3A_30, %dma_start3A_31] : memref<32x80x1x128xi32, #tpu.memory_space<hbm>> -> memref<1x1x1x128xi32, #tpu.memory_space<hbm>>
    %dma_start3A_33 = tpu.memref_squeeze %dma_start3A_32 : memref<1x1x1x128xi32, #tpu.memory_space<hbm>> -> memref<1x128xi32, #tpu.memory_space<hbm>>
    tpu.enqueue_dma source(%dma_start3A_33 : memref<1x128xi32, #tpu.memory_space<hbm>>) target(%arg4 : memref<1x128xi32, #tpu.memory_space<vmem>>) target_semaphore(%arg8 : memref<!tpu.dma_semaphore, #tpu.memory_space<semaphore_mem>>)
    %dma_start3A_34 = arith.constant 1 : i32
    %dma_start3A_35 = arith.constant 0 : i32
    %dma_start3A_36 = arith.constant 0 : i32
    %dma_start3A_37 = tpu.memref_slice %arg2[%add3A, %dma_start3A_34, %dma_start3A_35, %dma_start3A_36] : memref<32x80x1x128xi32, #tpu.memory_space<hbm>> -> memref<1x1x1x128xi32, #tpu.memory_space<hbm>>
    %dma_start3A_38 = tpu.memref_squeeze %dma_start3A_37 : memref<1x1x1x128xi32, #tpu.memory_space<hbm>> -> memref<1x128xi32, #tpu.memory_space<hbm>>
    %dma_start3A_39 = arith.constant 0 : i32
    %dma_start3A_40 = arith.constant 0 : i32
    %dma_start3A_41 = tpu.memref_slice %arg2[%add3A, %dma_start3A_34, %dma_start3A_39, %dma_start3A_40] : memref<32x80x1x128xi32, #tpu.memory_space<hbm>> -> memref<1x1x1x128xi32, #tpu.memory_space<hbm>>
    %dma_start3A_42 = tpu.memref_squeeze %dma_start3A_41 : memref<1x1x1x128xi32, #tpu.memory_space<hbm>> -> memref<1x128xi32, #tpu.memory_space<hbm>>
    tpu.enqueue_dma source(%dma_start3A_42 : memref<1x128xi32, #tpu.memory_space<hbm>>) target(%arg5 : memref<1x128xi32, #tpu.memory_space<vmem>>) target_semaphore(%arg9 : memref<!tpu.dma_semaphore, #tpu.memory_space<semaphore_mem>>)
    %scan3A_43 = arith.constant 0 : i32
    %scan3A_44 = arith.constant 0 : i32
    %scan3A_45 = arith.constant 40 : i32
    %scan3A_46 = arith.addi %scan3A_44, %scan3A_45 : i32
    %scan3A_47 = arith.constant 1 : i32
    %scan3A_48 = scf.for %scan3A_51 = %scan3A_44 to %scan3A_46 step %scan3A_47 iter_args(%scan3A_52 = %scan3A_43) -> (i32)  : i32 {
      %mul3A_53 = arith.constant 2 : i32
      %mul3A_54 = arith.muli %mul3A_53, %scan3A_51 : i32
      %dma_wait3A = arith.constant 0 : i32
      %dma_wait3A_55 = arith.constant 0 : i32
      %dma_wait3A_56 = arith.constant 0 : i32
      %dma_wait3A_57 = tpu.memref_slice %arg2[%add3A, %dma_wait3A, %dma_wait3A_55, %dma_wait3A_56] : memref<32x80x1x128xi32, #tpu.memory_space<hbm>> -> memref<1x1x1x128xi32, #tpu.memory_space<hbm>>
      %dma_wait3A_58 = tpu.memref_squeeze %dma_wait3A_57 : memref<1x1x1x128xi32, #tpu.memory_space<hbm>> -> memref<1x128xi32, #tpu.memory_space<hbm>>
      %dma_wait3A_59 = arith.constant 0 : i32
      %dma_wait3A_60 = arith.constant 0 : i32
      %dma_wait3A_61 = tpu.memref_slice %arg2[%add3A, %dma_wait3A, %dma_wait3A_59, %dma_wait3A_60] : memref<32x80x1x128xi32, #tpu.memory_space<hbm>> -> memref<1x1x1x128xi32, #tpu.memory_space<hbm>>
      %dma_wait3A_62 = tpu.memref_squeeze %dma_wait3A_61 : memref<1x1x1x128xi32, #tpu.memory_space<hbm>> -> memref<1x128xi32, #tpu.memory_space<hbm>>
      tpu.wait_dma2 semaphore(%arg8 : memref<!tpu.dma_semaphore, #tpu.memory_space<semaphore_mem>>) src(%dma_wait3A_62 : memref<1x128xi32, #tpu.memory_space<hbm>>) dst(%arg4 : memref<1x128xi32, #tpu.memory_space<vmem>>)
      %run_scoped3A = arith.constant 0 : i32
      "tpu.region"() ({
        %run_scoped3A_89 = tpu.sem_alloc : memref<!tpu.dma_semaphore, #tpu.memory_space<semaphore_mem>>
        %dma_start3A_90 = arith.constant 0 : i32
        %dma_start3A_91 = tpu.memref_slice %arg4[%run_scoped3A, %dma_start3A_90] : memref<1x128xi32, #tpu.memory_space<vmem>> -> memref<1x128xi32, #tpu.memory_space<vmem>>
        %dma_start3A_92 = tpu.memref_squeeze %dma_start3A_91 : memref<1x128xi32, #tpu.memory_space<vmem>> -> memref<128xi32, #tpu.memory_space<vmem>>
        %dma_start3A_93 = arith.constant 0 : i32
        %dma_start3A_94 = arith.constant 0 : i32
        %dma_start3A_95 = tpu.memref_slice %arg7[%dma_start3A_93, %dma_start3A_94] : memref<10112x128xf32, #tpu.memory_space<vmem_shared>> -> memref<10112x128xf32, #tpu.memory_space<vmem_shared>>
        tpu.enqueue_indirect_dma source(%arg6 : memref<128x128xf32, #tpu.memory_space<vmem>>) target(%dma_start3A_95 : memref<10112x128xf32, #tpu.memory_space<vmem_shared>>) offsets(%dma_start3A_92 : memref<128xi32, #tpu.memory_space<vmem>>) semaphore(%run_scoped3A_89 : memref<!tpu.dma_semaphore, #tpu.memory_space<semaphore_mem>>) {add = true}
        %dma_wait3A_96 = arith.constant 0 : i32
        %dma_wait3A_97 = tpu.memref_slice %arg4[%run_scoped3A, %dma_wait3A_96] : memref<1x128xi32, #tpu.memory_space<vmem>> -> memref<1x128xi32, #tpu.memory_space<vmem>>
        %dma_wait3A_98 = tpu.memref_squeeze %dma_wait3A_97 : memref<1x128xi32, #tpu.memory_space<vmem>> -> memref<128xi32, #tpu.memory_space<vmem>>
        %dma_wait3A_99 = arith.constant 0 : i32
        %dma_wait3A_100 = arith.constant 0 : i32
        %dma_wait3A_101 = tpu.memref_slice %arg7[%dma_wait3A_99, %dma_wait3A_100] : memref<10112x128xf32, #tpu.memory_space<vmem_shared>> -> memref<10112x128xf32, #tpu.memory_space<vmem_shared>>
        tpu.wait_indirect_dma semaphore(%run_scoped3A_89 : memref<!tpu.dma_semaphore, #tpu.memory_space<semaphore_mem>>) src(%arg6 : memref<128x128xf32, #tpu.memory_space<vmem>>) dst(%dma_wait3A_101 : memref<10112x128xf32, #tpu.memory_space<vmem_shared>>)
        tpu.yield
      }) : () -> ()
      %add3A_63 = arith.constant 2 : i32
      %add3A_64 = arith.addi %mul3A_54, %add3A_63 : i32
      %lt3A = arith.constant 80 : i32
      %lt3A_65 = arith.cmpi slt, %add3A_64, %lt3A : i32
      %convert_element_type3A = arith.extui %lt3A_65 : i1 to i32
      %cond3A = arith.constant 0 : i32
      %cond3A_66 = arith.cmpi ne, %convert_element_type3A, %cond3A : i32
      scf.if %cond3A_66 {
        %add3A_89 = arith.constant 2 : i32
        %add3A_90 = arith.addi %mul3A_54, %add3A_89 : i32
        %dma_start3A_91 = arith.constant 0 : i32
        %dma_start3A_92 = arith.constant 0 : i32
        %dma_start3A_93 = tpu.memref_slice %arg2[%add3A, %add3A_90, %dma_start3A_91, %dma_start3A_92] : memref<32x80x1x128xi32, #tpu.memory_space<hbm>> -> memref<1x1x1x128xi32, #tpu.memory_space<hbm>>
        %dma_start3A_94 = tpu.memref_squeeze %dma_start3A_93 : memref<1x1x1x128xi32, #tpu.memory_space<hbm>> -> memref<1x128xi32, #tpu.memory_space<hbm>>
        %dma_start3A_95 = arith.constant 0 : i32
        %dma_start3A_96 = arith.constant 0 : i32
        %dma_start3A_97 = tpu.memref_slice %arg2[%add3A, %add3A_90, %dma_start3A_95, %dma_start3A_96] : memref<32x80x1x128xi32, #tpu.memory_space<hbm>> -> memref<1x1x1x128xi32, #tpu.memory_space<hbm>>
        %dma_start3A_98 = tpu.memref_squeeze %dma_start3A_97 : memref<1x1x1x128xi32, #tpu.memory_space<hbm>> -> memref<1x128xi32, #tpu.memory_space<hbm>>
        tpu.enqueue_dma source(%dma_start3A_98 : memref<1x128xi32, #tpu.memory_space<hbm>>) target(%arg4 : memref<1x128xi32, #tpu.memory_space<vmem>>) target_semaphore(%arg8 : memref<!tpu.dma_semaphore, #tpu.memory_space<semaphore_mem>>)
      } else {
      }
      %mul3A_67 = arith.constant 2 : i32
      %mul3A_68 = arith.muli %mul3A_67, %scan3A_51 : i32
      %add3A_69 = arith.constant 1 : i32
      %add3A_70 = arith.addi %mul3A_68, %add3A_69 : i32
      %dma_wait3A_71 = arith.constant 0 : i32
      %dma_wait3A_72 = arith.constant 0 : i32
      %dma_wait3A_73 = arith.constant 0 : i32
      %dma_wait3A_74 = tpu.memref_slice %arg2[%add3A, %dma_wait3A_71, %dma_wait3A_72, %dma_wait3A_73] : memref<32x80x1x128xi32, #tpu.memory_space<hbm>> -> memref<1x1x1x128xi32, #tpu.memory_space<hbm>>
      %dma_wait3A_75 = tpu.memref_squeeze %dma_wait3A_74 : memref<1x1x1x128xi32, #tpu.memory_space<hbm>> -> memref<1x128xi32, #tpu.memory_space<hbm>>
      %dma_wait3A_76 = arith.constant 0 : i32
      %dma_wait3A_77 = arith.constant 0 : i32
      %dma_wait3A_78 = tpu.memref_slice %arg2[%add3A, %dma_wait3A_71, %dma_wait3A_76, %dma_wait3A_77] : memref<32x80x1x128xi32, #tpu.memory_space<hbm>> -> memref<1x1x1x128xi32, #tpu.memory_space<hbm>>
      %dma_wait3A_79 = tpu.memref_squeeze %dma_wait3A_78 : memref<1x1x1x128xi32, #tpu.memory_space<hbm>> -> memref<1x128xi32, #tpu.memory_space<hbm>>
      tpu.wait_dma2 semaphore(%arg9 : memref<!tpu.dma_semaphore, #tpu.memory_space<semaphore_mem>>) src(%dma_wait3A_79 : memref<1x128xi32, #tpu.memory_space<hbm>>) dst(%arg5 : memref<1x128xi32, #tpu.memory_space<vmem>>)
      %run_scoped3A_80 = arith.constant 0 : i32
      "tpu.region"() ({
        %run_scoped3A_89 = tpu.sem_alloc : memref<!tpu.dma_semaphore, #tpu.memory_space<semaphore_mem>>
        %dma_start3A_90 = arith.constant 0 : i32
        %dma_start3A_91 = tpu.memref_slice %arg5[%run_scoped3A_80, %dma_start3A_90] : memref<1x128xi32, #tpu.memory_space<vmem>> -> memref<1x128xi32, #tpu.memory_space<vmem>>
        %dma_start3A_92 = tpu.memref_squeeze %dma_start3A_91 : memref<1x128xi32, #tpu.memory_space<vmem>> -> memref<128xi32, #tpu.memory_space<vmem>>
        %dma_start3A_93 = arith.constant 0 : i32
        %dma_start3A_94 = arith.constant 0 : i32
        %dma_start3A_95 = tpu.memref_slice %arg7[%dma_start3A_93, %dma_start3A_94] : memref<10112x128xf32, #tpu.memory_space<vmem_shared>> -> memref<10112x128xf32, #tpu.memory_space<vmem_shared>>
        tpu.enqueue_indirect_dma source(%arg6 : memref<128x128xf32, #tpu.memory_space<vmem>>) target(%dma_start3A_95 : memref<10112x128xf32, #tpu.memory_space<vmem_shared>>) offsets(%dma_start3A_92 : memref<128xi32, #tpu.memory_space<vmem>>) semaphore(%run_scoped3A_89 : memref<!tpu.dma_semaphore, #tpu.memory_space<semaphore_mem>>) {add = true}
        %dma_wait3A_96 = arith.constant 0 : i32
        %dma_wait3A_97 = tpu.memref_slice %arg5[%run_scoped3A_80, %dma_wait3A_96] : memref<1x128xi32, #tpu.memory_space<vmem>> -> memref<1x128xi32, #tpu.memory_space<vmem>>
        %dma_wait3A_98 = tpu.memref_squeeze %dma_wait3A_97 : memref<1x128xi32, #tpu.memory_space<vmem>> -> memref<128xi32, #tpu.memory_space<vmem>>
        %dma_wait3A_99 = arith.constant 0 : i32
        %dma_wait3A_100 = arith.constant 0 : i32
        %dma_wait3A_101 = tpu.memref_slice %arg7[%dma_wait3A_99, %dma_wait3A_100] : memref<10112x128xf32, #tpu.memory_space<vmem_shared>> -> memref<10112x128xf32, #tpu.memory_space<vmem_shared>>
        tpu.wait_indirect_dma semaphore(%run_scoped3A_89 : memref<!tpu.dma_semaphore, #tpu.memory_space<semaphore_mem>>) src(%arg6 : memref<128x128xf32, #tpu.memory_space<vmem>>) dst(%dma_wait3A_101 : memref<10112x128xf32, #tpu.memory_space<vmem_shared>>)
        tpu.yield
      }) : () -> ()
      %add3A_81 = arith.constant 2 : i32
      %add3A_82 = arith.addi %add3A_70, %add3A_81 : i32
      %lt3A_83 = arith.constant 80 : i32
      %lt3A_84 = arith.cmpi slt, %add3A_82, %lt3A_83 : i32
      %convert_element_type3A_85 = arith.extui %lt3A_84 : i1 to i32
      %cond3A_86 = arith.constant 0 : i32
      %cond3A_87 = arith.cmpi ne, %convert_element_type3A_85, %cond3A_86 : i32
      scf.if %cond3A_87 {
        %add3A_89 = arith.constant 2 : i32
        %add3A_90 = arith.addi %add3A_70, %add3A_89 : i32
        %dma_start3A_91 = arith.constant 0 : i32
        %dma_start3A_92 = arith.constant 0 : i32
        %dma_start3A_93 = tpu.memref_slice %arg2[%add3A, %add3A_90, %dma_start3A_91, %dma_start3A_92] : memref<32x80x1x128xi32, #tpu.memory_space<hbm>> -> memref<1x1x1x128xi32, #tpu.memory_space<hbm>>
        %dma_start3A_94 = tpu.memref_squeeze %dma_start3A_93 : memref<1x1x1x128xi32, #tpu.memory_space<hbm>> -> memref<1x128xi32, #tpu.memory_space<hbm>>
        %dma_start3A_95 = arith.constant 0 : i32
        %dma_start3A_96 = arith.constant 0 : i32
        %dma_start3A_97 = tpu.memref_slice %arg2[%add3A, %add3A_90, %dma_start3A_95, %dma_start3A_96] : memref<32x80x1x128xi32, #tpu.memory_space<hbm>> -> memref<1x1x1x128xi32, #tpu.memory_space<hbm>>
        %dma_start3A_98 = tpu.memref_squeeze %dma_start3A_97 : memref<1x1x1x128xi32, #tpu.memory_space<hbm>> -> memref<1x128xi32, #tpu.memory_space<hbm>>
        tpu.enqueue_dma source(%dma_start3A_98 : memref<1x128xi32, #tpu.memory_space<hbm>>) target(%arg5 : memref<1x128xi32, #tpu.memory_space<vmem>>) target_semaphore(%arg9 : memref<!tpu.dma_semaphore, #tpu.memory_space<semaphore_mem>>)
      } else {
      }
      %scan3A_88 = arith.constant 0 : i32
      scf.yield %scan3A_88 : i32
    }
    %scan3A_49 = arith.constant 40 : i32
    %barrier3A_50 = arith.constant 0 : index
    tpu.barrier barrier_id(%barrier3A_50)
    "tpu.region"() ({
      %run_scoped3A = tpu.sem_alloc : memref<!tpu.dma_semaphore, #tpu.memory_space<semaphore_mem>>
      %dma_start3A_51 = arith.constant 0 : i32
      %dma_start3A_52 = tpu.memref_slice %arg3[%arg0, %mul3A_8, %dma_start3A_51] : memref<2x10112x128xf32, #tpu.memory_space<hbm>> -> memref<1x632x128xf32, #tpu.memory_space<hbm>>
      %dma_start3A_53 = tpu.memref_squeeze %dma_start3A_52 : memref<1x632x128xf32, #tpu.memory_space<hbm>> -> memref<632x128xf32, #tpu.memory_space<hbm>>
      %dma_start3A_54 = arith.constant 0 : i32
      %dma_start3A_55 = tpu.memref_slice %arg7[%mul3A_8, %dma_start3A_54] : memref<10112x128xf32, #tpu.memory_space<vmem_shared>> -> memref<632x128xf32, #tpu.memory_space<vmem_shared>>
      tpu.enqueue_dma source(%dma_start3A_55 : memref<632x128xf32, #tpu.memory_space<vmem_shared>>) target(%dma_start3A_53 : memref<632x128xf32, #tpu.memory_space<hbm>>) target_semaphore(%run_scoped3A : memref<!tpu.dma_semaphore, #tpu.memory_space<semaphore_mem>>)
      %dma_wait3A = arith.constant 0 : i32
      %dma_wait3A_56 = tpu.memref_slice %arg3[%arg0, %mul3A_8, %dma_wait3A] : memref<2x10112x128xf32, #tpu.memory_space<hbm>> -> memref<1x632x128xf32, #tpu.memory_space<hbm>>
      %dma_wait3A_57 = tpu.memref_squeeze %dma_wait3A_56 : memref<1x632x128xf32, #tpu.memory_space<hbm>> -> memref<632x128xf32, #tpu.memory_space<hbm>>
      %dma_wait3A_58 = arith.constant 0 : i32
      %dma_wait3A_59 = tpu.memref_slice %arg7[%mul3A_8, %dma_wait3A_58] : memref<10112x128xf32, #tpu.memory_space<vmem_shared>> -> memref<632x128xf32, #tpu.memory_space<vmem_shared>>
      tpu.wait_dma2 semaphore(%run_scoped3A : memref<!tpu.dma_semaphore, #tpu.memory_space<semaphore_mem>>) src(%dma_wait3A_59 : memref<632x128xf32, #tpu.memory_space<vmem_shared>>) dst(%dma_wait3A_57 : memref<632x128xf32, #tpu.memory_space<hbm>>)
      tpu.yield
    }) : () -> ()
    return
  }
}

#map = affine_map<(d0, d1) -> (0, 0)>
#map1 = affine_map<(d0, d1) -> (0, 0, 0, 0)>
#map2 = affine_map<(d0, d1) -> (0, 0, 0)>
module attributes {stable_mosaic.version = 14 : i64} {
  func.func @_agg_body(%arg0: i32, %arg1: i32, %arg2: memref<10000x128xf32, #tpu.memory_space<hbm>>, %arg3: memref<32x123x2x128xi32, #tpu.memory_space<hbm>>, %arg4: memref<2x10112x128xf32, #tpu.memory_space<hbm>>, %arg5: memref<2x128xi32, #tpu.memory_space<vmem>>, %arg6: memref<2x128xi32, #tpu.memory_space<vmem>>, %arg7: memref<2x128xi32, #tpu.memory_space<vmem>>, %arg8: memref<128x128xf32, #tpu.memory_space<vmem>>, %arg9: memref<128x128xf32, #tpu.memory_space<vmem>>, %arg10: memref<128x128xf32, #tpu.memory_space<vmem>>, %arg11: memref<10112x128xf32, #tpu.memory_space<vmem_shared>>, %arg12: memref<!tpu.dma_semaphore, #tpu.memory_space<semaphore_mem>>, %arg13: memref<!tpu.dma_semaphore, #tpu.memory_space<semaphore_mem>>, %arg14: memref<!tpu.dma_semaphore, #tpu.memory_space<semaphore_mem>>, %arg15: memref<!tpu.dma_semaphore, #tpu.memory_space<semaphore_mem>>, %arg16: memref<!tpu.dma_semaphore, #tpu.memory_space<semaphore_mem>>, %arg17: memref<!tpu.dma_semaphore, #tpu.memory_space<semaphore_mem>>) attributes {dimension_semantics = [#tpu.dimension_semantics<core_parallel>, #tpu.dimension_semantics<subcore_parallel>], iteration_bounds = array<i64: 2, 16>, scalar_prefetch = 0 : i64, scratch_operands = 13 : i64, tpu.core_type = #tpu.core_type<sc_vector_subcore>, window_params = [{transform_indices = #map}, {transform_indices = #map1}, {transform_indices = #map2}]} {
    %mul3A = arith.constant 16 : i32
    %mul3A_0 = arith.muli %arg0, %mul3A : i32
    %add3A = arith.addi %mul3A_0, %arg1 : i32
    %scan3A = arith.constant 0 : i32
    %scan3A_1 = arith.constant 0 : i32
    %scan3A_2 = arith.constant 128 : i32
    %scan3A_3 = arith.addi %scan3A_1, %scan3A_2 : i32
    %scan3A_4 = arith.constant 1 : i32
    %scan3A_5 = scf.for %scan3A_27 = %scan3A_1 to %scan3A_3 step %scan3A_4 iter_args(%scan3A_28 = %scan3A) -> (i32)  : i32 {
      %broadcast_in_dim3A = arith.constant 0.000000e+00 : f32
      %broadcast_in_dim3A_29 = vector.broadcast %broadcast_in_dim3A : f32 to vector<16xf32>
      %swap3A = arith.index_cast %scan3A_27 : i32 to index
      %swap3A_30 = arith.constant 0 : index
      %swap3A_31 = tpu.vector_load %arg8[%swap3A, %swap3A_30] {strides = array<i32>} : memref<128x128xf32, #tpu.memory_space<vmem>>, vector<1x16xf32>,
      %swap3A_32 = vector.shape_cast %swap3A_31 : vector<1x16xf32> to vector<16xf32>
      %swap3A_33 = vector.shape_cast %broadcast_in_dim3A_29 : vector<16xf32> to vector<1x16xf32>
      tpu.vector_store %arg8[%swap3A, %swap3A_30], %swap3A_33 {strides = array<i32>} : memref<128x128xf32, #tpu.memory_space<vmem>>, vector<1x16xf32>,
      %broadcast_in_dim3A_34 = arith.constant 0.000000e+00 : f32
      %broadcast_in_dim3A_35 = vector.broadcast %broadcast_in_dim3A_34 : f32 to vector<16xf32>
      %swap3A_36 = arith.index_cast %scan3A_27 : i32 to index
      %swap3A_37 = arith.constant 16 : index
      %swap3A_38 = tpu.vector_load %arg8[%swap3A_36, %swap3A_37] {strides = array<i32>} : memref<128x128xf32, #tpu.memory_space<vmem>>, vector<1x16xf32>,
      %swap3A_39 = vector.shape_cast %swap3A_38 : vector<1x16xf32> to vector<16xf32>
      %swap3A_40 = vector.shape_cast %broadcast_in_dim3A_35 : vector<16xf32> to vector<1x16xf32>
      tpu.vector_store %arg8[%swap3A_36, %swap3A_37], %swap3A_40 {strides = array<i32>} : memref<128x128xf32, #tpu.memory_space<vmem>>, vector<1x16xf32>,
      %broadcast_in_dim3A_41 = arith.constant 0.000000e+00 : f32
      %broadcast_in_dim3A_42 = vector.broadcast %broadcast_in_dim3A_41 : f32 to vector<16xf32>
      %swap3A_43 = arith.index_cast %scan3A_27 : i32 to index
      %swap3A_44 = arith.constant 32 : index
      %swap3A_45 = tpu.vector_load %arg8[%swap3A_43, %swap3A_44] {strides = array<i32>} : memref<128x128xf32, #tpu.memory_space<vmem>>, vector<1x16xf32>,
      %swap3A_46 = vector.shape_cast %swap3A_45 : vector<1x16xf32> to vector<16xf32>
      %swap3A_47 = vector.shape_cast %broadcast_in_dim3A_42 : vector<16xf32> to vector<1x16xf32>
      tpu.vector_store %arg8[%swap3A_43, %swap3A_44], %swap3A_47 {strides = array<i32>} : memref<128x128xf32, #tpu.memory_space<vmem>>, vector<1x16xf32>,
      %broadcast_in_dim3A_48 = arith.constant 0.000000e+00 : f32
      %broadcast_in_dim3A_49 = vector.broadcast %broadcast_in_dim3A_48 : f32 to vector<16xf32>
      %swap3A_50 = arith.index_cast %scan3A_27 : i32 to index
      %swap3A_51 = arith.constant 48 : index
      %swap3A_52 = tpu.vector_load %arg8[%swap3A_50, %swap3A_51] {strides = array<i32>} : memref<128x128xf32, #tpu.memory_space<vmem>>, vector<1x16xf32>,
      %swap3A_53 = vector.shape_cast %swap3A_52 : vector<1x16xf32> to vector<16xf32>
      %swap3A_54 = vector.shape_cast %broadcast_in_dim3A_49 : vector<16xf32> to vector<1x16xf32>
      tpu.vector_store %arg8[%swap3A_50, %swap3A_51], %swap3A_54 {strides = array<i32>} : memref<128x128xf32, #tpu.memory_space<vmem>>, vector<1x16xf32>,
      %broadcast_in_dim3A_55 = arith.constant 0.000000e+00 : f32
      %broadcast_in_dim3A_56 = vector.broadcast %broadcast_in_dim3A_55 : f32 to vector<16xf32>
      %swap3A_57 = arith.index_cast %scan3A_27 : i32 to index
      %swap3A_58 = arith.constant 64 : index
      %swap3A_59 = tpu.vector_load %arg8[%swap3A_57, %swap3A_58] {strides = array<i32>} : memref<128x128xf32, #tpu.memory_space<vmem>>, vector<1x16xf32>,
      %swap3A_60 = vector.shape_cast %swap3A_59 : vector<1x16xf32> to vector<16xf32>
      %swap3A_61 = vector.shape_cast %broadcast_in_dim3A_56 : vector<16xf32> to vector<1x16xf32>
      tpu.vector_store %arg8[%swap3A_57, %swap3A_58], %swap3A_61 {strides = array<i32>} : memref<128x128xf32, #tpu.memory_space<vmem>>, vector<1x16xf32>,
      %broadcast_in_dim3A_62 = arith.constant 0.000000e+00 : f32
      %broadcast_in_dim3A_63 = vector.broadcast %broadcast_in_dim3A_62 : f32 to vector<16xf32>
      %swap3A_64 = arith.index_cast %scan3A_27 : i32 to index
      %swap3A_65 = arith.constant 80 : index
      %swap3A_66 = tpu.vector_load %arg8[%swap3A_64, %swap3A_65] {strides = array<i32>} : memref<128x128xf32, #tpu.memory_space<vmem>>, vector<1x16xf32>,
      %swap3A_67 = vector.shape_cast %swap3A_66 : vector<1x16xf32> to vector<16xf32>
      %swap3A_68 = vector.shape_cast %broadcast_in_dim3A_63 : vector<16xf32> to vector<1x16xf32>
      tpu.vector_store %arg8[%swap3A_64, %swap3A_65], %swap3A_68 {strides = array<i32>} : memref<128x128xf32, #tpu.memory_space<vmem>>, vector<1x16xf32>,
      %broadcast_in_dim3A_69 = arith.constant 0.000000e+00 : f32
      %broadcast_in_dim3A_70 = vector.broadcast %broadcast_in_dim3A_69 : f32 to vector<16xf32>
      %swap3A_71 = arith.index_cast %scan3A_27 : i32 to index
      %swap3A_72 = arith.constant 96 : index
      %swap3A_73 = tpu.vector_load %arg8[%swap3A_71, %swap3A_72] {strides = array<i32>} : memref<128x128xf32, #tpu.memory_space<vmem>>, vector<1x16xf32>,
      %swap3A_74 = vector.shape_cast %swap3A_73 : vector<1x16xf32> to vector<16xf32>
      %swap3A_75 = vector.shape_cast %broadcast_in_dim3A_70 : vector<16xf32> to vector<1x16xf32>
      tpu.vector_store %arg8[%swap3A_71, %swap3A_72], %swap3A_75 {strides = array<i32>} : memref<128x128xf32, #tpu.memory_space<vmem>>, vector<1x16xf32>,
      %broadcast_in_dim3A_76 = arith.constant 0.000000e+00 : f32
      %broadcast_in_dim3A_77 = vector.broadcast %broadcast_in_dim3A_76 : f32 to vector<16xf32>
      %swap3A_78 = arith.index_cast %scan3A_27 : i32 to index
      %swap3A_79 = arith.constant 112 : index
      %swap3A_80 = tpu.vector_load %arg8[%swap3A_78, %swap3A_79] {strides = array<i32>} : memref<128x128xf32, #tpu.memory_space<vmem>>, vector<1x16xf32>,
      %swap3A_81 = vector.shape_cast %swap3A_80 : vector<1x16xf32> to vector<16xf32>
      %swap3A_82 = vector.shape_cast %broadcast_in_dim3A_77 : vector<16xf32> to vector<1x16xf32>
      tpu.vector_store %arg8[%swap3A_78, %swap3A_79], %swap3A_82 {strides = array<i32>} : memref<128x128xf32, #tpu.memory_space<vmem>>, vector<1x16xf32>,
      %scan3A_83 = arith.constant 0 : i32
      scf.yield %scan3A_83 : i32
    }
    %scan3A_6 = arith.constant 128 : i32
    %mul3A_7 = arith.constant 632 : i32
    %mul3A_8 = arith.muli %arg1, %mul3A_7 : i32
    %add3A_9 = arith.constant 0 : i32
    %add3A_10 = arith.addi %mul3A_8, %add3A_9 : i32
    "tpu.region"() ({
      %run_scoped3A = tpu.sem_alloc : memref<!tpu.dma_semaphore, #tpu.memory_space<semaphore_mem>>
      %dma_start3A = arith.constant 0 : i32
      %dma_start3A_27 = tpu.memref_slice %arg11[%add3A_10, %dma_start3A] : memref<10112x128xf32, #tpu.memory_space<vmem_shared>> -> memref<128x128xf32, #tpu.memory_space<vmem_shared>>
      %dma_start3A_28 = arith.constant 0 : i32
      %dma_start3A_29 = tpu.memref_slice %arg11[%add3A_10, %dma_start3A_28] : memref<10112x128xf32, #tpu.memory_space<vmem_shared>> -> memref<128x128xf32, #tpu.memory_space<vmem_shared>>
      tpu.enqueue_dma source(%arg8 : memref<128x128xf32, #tpu.memory_space<vmem>>) target(%dma_start3A_29 : memref<128x128xf32, #tpu.memory_space<vmem_shared>>) target_semaphore(%run_scoped3A : memref<!tpu.dma_semaphore, #tpu.memory_space<semaphore_mem>>)
      %dma_wait3A = arith.constant 0 : i32
      %dma_wait3A_30 = tpu.memref_slice %arg11[%add3A_10, %dma_wait3A] : memref<10112x128xf32, #tpu.memory_space<vmem_shared>> -> memref<128x128xf32, #tpu.memory_space<vmem_shared>>
      %dma_wait3A_31 = arith.constant 0 : i32
      %dma_wait3A_32 = tpu.memref_slice %arg11[%add3A_10, %dma_wait3A_31] : memref<10112x128xf32, #tpu.memory_space<vmem_shared>> -> memref<128x128xf32, #tpu.memory_space<vmem_shared>>
      tpu.wait_dma2 semaphore(%run_scoped3A : memref<!tpu.dma_semaphore, #tpu.memory_space<semaphore_mem>>) src(%arg8 : memref<128x128xf32, #tpu.memory_space<vmem>>) dst(%dma_wait3A_32 : memref<128x128xf32, #tpu.memory_space<vmem_shared>>)
      tpu.yield
    }) : () -> ()
    %add3A_11 = arith.constant 128 : i32
    %add3A_12 = arith.addi %mul3A_8, %add3A_11 : i32
    "tpu.region"() ({
      %run_scoped3A = tpu.sem_alloc : memref<!tpu.dma_semaphore, #tpu.memory_space<semaphore_mem>>
      %dma_start3A = arith.constant 0 : i32
      %dma_start3A_27 = tpu.memref_slice %arg11[%add3A_12, %dma_start3A] : memref<10112x128xf32, #tpu.memory_space<vmem_shared>> -> memref<128x128xf32, #tpu.memory_space<vmem_shared>>
      %dma_start3A_28 = arith.constant 0 : i32
      %dma_start3A_29 = tpu.memref_slice %arg11[%add3A_12, %dma_start3A_28] : memref<10112x128xf32, #tpu.memory_space<vmem_shared>> -> memref<128x128xf32, #tpu.memory_space<vmem_shared>>
      tpu.enqueue_dma source(%arg8 : memref<128x128xf32, #tpu.memory_space<vmem>>) target(%dma_start3A_29 : memref<128x128xf32, #tpu.memory_space<vmem_shared>>) target_semaphore(%run_scoped3A : memref<!tpu.dma_semaphore, #tpu.memory_space<semaphore_mem>>)
      %dma_wait3A = arith.constant 0 : i32
      %dma_wait3A_30 = tpu.memref_slice %arg11[%add3A_12, %dma_wait3A] : memref<10112x128xf32, #tpu.memory_space<vmem_shared>> -> memref<128x128xf32, #tpu.memory_space<vmem_shared>>
      %dma_wait3A_31 = arith.constant 0 : i32
      %dma_wait3A_32 = tpu.memref_slice %arg11[%add3A_12, %dma_wait3A_31] : memref<10112x128xf32, #tpu.memory_space<vmem_shared>> -> memref<128x128xf32, #tpu.memory_space<vmem_shared>>
      tpu.wait_dma2 semaphore(%run_scoped3A : memref<!tpu.dma_semaphore, #tpu.memory_space<semaphore_mem>>) src(%arg8 : memref<128x128xf32, #tpu.memory_space<vmem>>) dst(%dma_wait3A_32 : memref<128x128xf32, #tpu.memory_space<vmem_shared>>)
      tpu.yield
    }) : () -> ()
    %add3A_13 = arith.constant 256 : i32
    %add3A_14 = arith.addi %mul3A_8, %add3A_13 : i32
    "tpu.region"() ({
      %run_scoped3A = tpu.sem_alloc : memref<!tpu.dma_semaphore, #tpu.memory_space<semaphore_mem>>
      %dma_start3A = arith.constant 0 : i32
      %dma_start3A_27 = tpu.memref_slice %arg11[%add3A_14, %dma_start3A] : memref<10112x128xf32, #tpu.memory_space<vmem_shared>> -> memref<128x128xf32, #tpu.memory_space<vmem_shared>>
      %dma_start3A_28 = arith.constant 0 : i32
      %dma_start3A_29 = tpu.memref_slice %arg11[%add3A_14, %dma_start3A_28] : memref<10112x128xf32, #tpu.memory_space<vmem_shared>> -> memref<128x128xf32, #tpu.memory_space<vmem_shared>>
      tpu.enqueue_dma source(%arg8 : memref<128x128xf32, #tpu.memory_space<vmem>>) target(%dma_start3A_29 : memref<128x128xf32, #tpu.memory_space<vmem_shared>>) target_semaphore(%run_scoped3A : memref<!tpu.dma_semaphore, #tpu.memory_space<semaphore_mem>>)
      %dma_wait3A = arith.constant 0 : i32
      %dma_wait3A_30 = tpu.memref_slice %arg11[%add3A_14, %dma_wait3A] : memref<10112x128xf32, #tpu.memory_space<vmem_shared>> -> memref<128x128xf32, #tpu.memory_space<vmem_shared>>
      %dma_wait3A_31 = arith.constant 0 : i32
      %dma_wait3A_32 = tpu.memref_slice %arg11[%add3A_14, %dma_wait3A_31] : memref<10112x128xf32, #tpu.memory_space<vmem_shared>> -> memref<128x128xf32, #tpu.memory_space<vmem_shared>>
      tpu.wait_dma2 semaphore(%run_scoped3A : memref<!tpu.dma_semaphore, #tpu.memory_space<semaphore_mem>>) src(%arg8 : memref<128x128xf32, #tpu.memory_space<vmem>>) dst(%dma_wait3A_32 : memref<128x128xf32, #tpu.memory_space<vmem_shared>>)
      tpu.yield
    }) : () -> ()
    %add3A_15 = arith.constant 384 : i32
    %add3A_16 = arith.addi %mul3A_8, %add3A_15 : i32
    "tpu.region"() ({
      %run_scoped3A = tpu.sem_alloc : memref<!tpu.dma_semaphore, #tpu.memory_space<semaphore_mem>>
      %dma_start3A = arith.constant 0 : i32
      %dma_start3A_27 = tpu.memref_slice %arg11[%add3A_16, %dma_start3A] : memref<10112x128xf32, #tpu.memory_space<vmem_shared>> -> memref<128x128xf32, #tpu.memory_space<vmem_shared>>
      %dma_start3A_28 = arith.constant 0 : i32
      %dma_start3A_29 = tpu.memref_slice %arg11[%add3A_16, %dma_start3A_28] : memref<10112x128xf32, #tpu.memory_space<vmem_shared>> -> memref<128x128xf32, #tpu.memory_space<vmem_shared>>
      tpu.enqueue_dma source(%arg8 : memref<128x128xf32, #tpu.memory_space<vmem>>) target(%dma_start3A_29 : memref<128x128xf32, #tpu.memory_space<vmem_shared>>) target_semaphore(%run_scoped3A : memref<!tpu.dma_semaphore, #tpu.memory_space<semaphore_mem>>)
      %dma_wait3A = arith.constant 0 : i32
      %dma_wait3A_30 = tpu.memref_slice %arg11[%add3A_16, %dma_wait3A] : memref<10112x128xf32, #tpu.memory_space<vmem_shared>> -> memref<128x128xf32, #tpu.memory_space<vmem_shared>>
      %dma_wait3A_31 = arith.constant 0 : i32
      %dma_wait3A_32 = tpu.memref_slice %arg11[%add3A_16, %dma_wait3A_31] : memref<10112x128xf32, #tpu.memory_space<vmem_shared>> -> memref<128x128xf32, #tpu.memory_space<vmem_shared>>
      tpu.wait_dma2 semaphore(%run_scoped3A : memref<!tpu.dma_semaphore, #tpu.memory_space<semaphore_mem>>) src(%arg8 : memref<128x128xf32, #tpu.memory_space<vmem>>) dst(%dma_wait3A_32 : memref<128x128xf32, #tpu.memory_space<vmem_shared>>)
      tpu.yield
    }) : () -> ()
    %add3A_17 = arith.constant 512 : i32
    %add3A_18 = arith.addi %mul3A_8, %add3A_17 : i32
    "tpu.region"() ({
      %run_scoped3A = tpu.sem_alloc : memref<!tpu.dma_semaphore, #tpu.memory_space<semaphore_mem>>
      %dma_start3A = arith.constant 0 : i32
      %dma_start3A_27 = arith.constant 0 : i32
      %dma_start3A_28 = tpu.memref_slice %arg8[%dma_start3A, %dma_start3A_27] : memref<128x128xf32, #tpu.memory_space<vmem>> -> memref<120x128xf32, #tpu.memory_space<vmem>>
      %dma_start3A_29 = arith.constant 0 : i32
      %dma_start3A_30 = tpu.memref_slice %arg11[%add3A_18, %dma_start3A_29] : memref<10112x128xf32, #tpu.memory_space<vmem_shared>> -> memref<120x128xf32, #tpu.memory_space<vmem_shared>>
      %dma_start3A_31 = arith.constant 0 : i32
      %dma_start3A_32 = tpu.memref_slice %arg11[%add3A_18, %dma_start3A_31] : memref<10112x128xf32, #tpu.memory_space<vmem_shared>> -> memref<120x128xf32, #tpu.memory_space<vmem_shared>>
      %dma_start3A_33 = arith.constant 0 : i32
      %dma_start3A_34 = arith.constant 0 : i32
      %dma_start3A_35 = tpu.memref_slice %arg8[%dma_start3A_33, %dma_start3A_34] : memref<128x128xf32, #tpu.memory_space<vmem>> -> memref<120x128xf32, #tpu.memory_space<vmem>>
      tpu.enqueue_dma source(%dma_start3A_35 : memref<120x128xf32, #tpu.memory_space<vmem>>) target(%dma_start3A_32 : memref<120x128xf32, #tpu.memory_space<vmem_shared>>) target_semaphore(%run_scoped3A : memref<!tpu.dma_semaphore, #tpu.memory_space<semaphore_mem>>)
      %dma_wait3A = arith.constant 0 : i32
      %dma_wait3A_36 = arith.constant 0 : i32
      %dma_wait3A_37 = tpu.memref_slice %arg8[%dma_wait3A, %dma_wait3A_36] : memref<128x128xf32, #tpu.memory_space<vmem>> -> memref<120x128xf32, #tpu.memory_space<vmem>>
      %dma_wait3A_38 = arith.constant 0 : i32
      %dma_wait3A_39 = tpu.memref_slice %arg11[%add3A_18, %dma_wait3A_38] : memref<10112x128xf32, #tpu.memory_space<vmem_shared>> -> memref<120x128xf32, #tpu.memory_space<vmem_shared>>
      %dma_wait3A_40 = arith.constant 0 : i32
      %dma_wait3A_41 = tpu.memref_slice %arg11[%add3A_18, %dma_wait3A_40] : memref<10112x128xf32, #tpu.memory_space<vmem_shared>> -> memref<120x128xf32, #tpu.memory_space<vmem_shared>>
      %dma_wait3A_42 = arith.constant 0 : i32
      %dma_wait3A_43 = arith.constant 0 : i32
      %dma_wait3A_44 = tpu.memref_slice %arg8[%dma_wait3A_42, %dma_wait3A_43] : memref<128x128xf32, #tpu.memory_space<vmem>> -> memref<120x128xf32, #tpu.memory_space<vmem>>
      tpu.wait_dma2 semaphore(%run_scoped3A : memref<!tpu.dma_semaphore, #tpu.memory_space<semaphore_mem>>) src(%dma_wait3A_44 : memref<120x128xf32, #tpu.memory_space<vmem>>) dst(%dma_wait3A_41 : memref<120x128xf32, #tpu.memory_space<vmem_shared>>)
      tpu.yield
    }) : () -> ()
    %barrier3A = arith.constant 0 : index
    tpu.barrier barrier_id(%barrier3A)
    %eq3A = arith.constant 0 : i32
    %eq3A_19 = arith.cmpi eq, %arg0, %eq3A : i32
    %convert_element_type3A = arith.extui %eq3A_19 : i1 to i32
    %cond3A = arith.constant 0 : i32
    %cond3A_20 = arith.cmpi ne, %convert_element_type3A, %cond3A : i32
    scf.if %cond3A_20 {
      %dma_start3A = arith.constant 0 : i32
      %dma_start3A_27 = arith.constant 0 : i32
      %dma_start3A_28 = arith.constant 0 : i32
      %dma_start3A_29 = tpu.memref_slice %arg3[%add3A, %dma_start3A, %dma_start3A_27, %dma_start3A_28] : memref<32x123x2x128xi32, #tpu.memory_space<hbm>> -> memref<1x1x2x128xi32, #tpu.memory_space<hbm>>
      %dma_start3A_30 = tpu.memref_squeeze %dma_start3A_29 : memref<1x1x2x128xi32, #tpu.memory_space<hbm>> -> memref<2x128xi32, #tpu.memory_space<hbm>>
      %dma_start3A_31 = arith.constant 0 : i32
      %dma_start3A_32 = arith.constant 0 : i32
      %dma_start3A_33 = tpu.memref_slice %arg3[%add3A, %dma_start3A, %dma_start3A_31, %dma_start3A_32] : memref<32x123x2x128xi32, #tpu.memory_space<hbm>> -> memref<1x1x2x128xi32, #tpu.memory_space<hbm>>
      %dma_start3A_34 = tpu.memref_squeeze %dma_start3A_33 : memref<1x1x2x128xi32, #tpu.memory_space<hbm>> -> memref<2x128xi32, #tpu.memory_space<hbm>>
      tpu.enqueue_dma source(%dma_start3A_34 : memref<2x128xi32, #tpu.memory_space<hbm>>) target(%arg5 : memref<2x128xi32, #tpu.memory_space<vmem>>) target_semaphore(%arg12 : memref<!tpu.dma_semaphore, #tpu.memory_space<semaphore_mem>>)
      %dma_start3A_35 = arith.constant 1 : i32
      %dma_start3A_36 = arith.constant 0 : i32
      %dma_start3A_37 = arith.constant 0 : i32
      %dma_start3A_38 = tpu.memref_slice %arg3[%add3A, %dma_start3A_35, %dma_start3A_36, %dma_start3A_37] : memref<32x123x2x128xi32, #tpu.memory_space<hbm>> -> memref<1x1x2x128xi32, #tpu.memory_space<hbm>>
      %dma_start3A_39 = tpu.memref_squeeze %dma_start3A_38 : memref<1x1x2x128xi32, #tpu.memory_space<hbm>> -> memref<2x128xi32, #tpu.memory_space<hbm>>
      %dma_start3A_40 = arith.constant 0 : i32
      %dma_start3A_41 = arith.constant 0 : i32
      %dma_start3A_42 = tpu.memref_slice %arg3[%add3A, %dma_start3A_35, %dma_start3A_40, %dma_start3A_41] : memref<32x123x2x128xi32, #tpu.memory_space<hbm>> -> memref<1x1x2x128xi32, #tpu.memory_space<hbm>>
      %dma_start3A_43 = tpu.memref_squeeze %dma_start3A_42 : memref<1x1x2x128xi32, #tpu.memory_space<hbm>> -> memref<2x128xi32, #tpu.memory_space<hbm>>
      tpu.enqueue_dma source(%dma_start3A_43 : memref<2x128xi32, #tpu.memory_space<hbm>>) target(%arg6 : memref<2x128xi32, #tpu.memory_space<vmem>>) target_semaphore(%arg13 : memref<!tpu.dma_semaphore, #tpu.memory_space<semaphore_mem>>)
      %dma_start3A_44 = arith.constant 2 : i32
      %dma_start3A_45 = arith.constant 0 : i32
      %dma_start3A_46 = arith.constant 0 : i32
      %dma_start3A_47 = tpu.memref_slice %arg3[%add3A, %dma_start3A_44, %dma_start3A_45, %dma_start3A_46] : memref<32x123x2x128xi32, #tpu.memory_space<hbm>> -> memref<1x1x2x128xi32, #tpu.memory_space<hbm>>
      %dma_start3A_48 = tpu.memref_squeeze %dma_start3A_47 : memref<1x1x2x128xi32, #tpu.memory_space<hbm>> -> memref<2x128xi32, #tpu.memory_space<hbm>>
      %dma_start3A_49 = arith.constant 0 : i32
      %dma_start3A_50 = arith.constant 0 : i32
      %dma_start3A_51 = tpu.memref_slice %arg3[%add3A, %dma_start3A_44, %dma_start3A_49, %dma_start3A_50] : memref<32x123x2x128xi32, #tpu.memory_space<hbm>> -> memref<1x1x2x128xi32, #tpu.memory_space<hbm>>
      %dma_start3A_52 = tpu.memref_squeeze %dma_start3A_51 : memref<1x1x2x128xi32, #tpu.memory_space<hbm>> -> memref<2x128xi32, #tpu.memory_space<hbm>>
      tpu.enqueue_dma source(%dma_start3A_52 : memref<2x128xi32, #tpu.memory_space<hbm>>) target(%arg7 : memref<2x128xi32, #tpu.memory_space<vmem>>) target_semaphore(%arg14 : memref<!tpu.dma_semaphore, #tpu.memory_space<semaphore_mem>>)
      %dma_wait3A = arith.constant 0 : i32
      %dma_wait3A_53 = arith.constant 0 : i32
      %dma_wait3A_54 = arith.constant 0 : i32
      %dma_wait3A_55 = tpu.memref_slice %arg3[%add3A, %dma_wait3A, %dma_wait3A_53, %dma_wait3A_54] : memref<32x123x2x128xi32, #tpu.memory_space<hbm>> -> memref<1x1x2x128xi32, #tpu.memory_space<hbm>>
      %dma_wait3A_56 = tpu.memref_squeeze %dma_wait3A_55 : memref<1x1x2x128xi32, #tpu.memory_space<hbm>> -> memref<2x128xi32, #tpu.memory_space<hbm>>
      %dma_wait3A_57 = arith.constant 0 : i32
      %dma_wait3A_58 = arith.constant 0 : i32
      %dma_wait3A_59 = tpu.memref_slice %arg3[%add3A, %dma_wait3A, %dma_wait3A_57, %dma_wait3A_58] : memref<32x123x2x128xi32, #tpu.memory_space<hbm>> -> memref<1x1x2x128xi32, #tpu.memory_space<hbm>>
      %dma_wait3A_60 = tpu.memref_squeeze %dma_wait3A_59 : memref<1x1x2x128xi32, #tpu.memory_space<hbm>> -> memref<2x128xi32, #tpu.memory_space<hbm>>
      tpu.wait_dma2 semaphore(%arg12 : memref<!tpu.dma_semaphore, #tpu.memory_space<semaphore_mem>>) src(%dma_wait3A_60 : memref<2x128xi32, #tpu.memory_space<hbm>>) dst(%arg5 : memref<2x128xi32, #tpu.memory_space<vmem>>)
      %dma_start3A_61 = arith.constant 0 : i32
      %dma_start3A_62 = arith.constant 0 : i32
      %dma_start3A_63 = tpu.memref_slice %arg5[%dma_start3A_61, %dma_start3A_62] : memref<2x128xi32, #tpu.memory_space<vmem>> -> memref<1x128xi32, #tpu.memory_space<vmem>>
      %dma_start3A_64 = tpu.memref_squeeze %dma_start3A_63 : memref<1x128xi32, #tpu.memory_space<vmem>> -> memref<128xi32, #tpu.memory_space<vmem>>
      %dma_start3A_65 = arith.constant 0 : i32
      %dma_start3A_66 = arith.constant 0 : i32
      %dma_start3A_67 = tpu.memref_slice %arg2[%dma_start3A_65, %dma_start3A_66] : memref<10000x128xf32, #tpu.memory_space<hbm>> -> memref<10000x128xf32, #tpu.memory_space<hbm>>
      tpu.enqueue_indirect_dma source(%dma_start3A_67 : memref<10000x128xf32, #tpu.memory_space<hbm>>) target(%arg8 : memref<128x128xf32, #tpu.memory_space<vmem>>) offsets(%dma_start3A_64 : memref<128xi32, #tpu.memory_space<vmem>>) semaphore(%arg15 : memref<!tpu.dma_semaphore, #tpu.memory_space<semaphore_mem>>)
      %dma_wait3A_68 = arith.constant 0 : i32
      %dma_wait3A_69 = arith.constant 0 : i32
      %dma_wait3A_70 = arith.constant 0 : i32
      %dma_wait3A_71 = tpu.memref_slice %arg3[%add3A, %dma_wait3A_68, %dma_wait3A_69, %dma_wait3A_70] : memref<32x123x2x128xi32, #tpu.memory_space<hbm>> -> memref<1x1x2x128xi32, #tpu.memory_space<hbm>>
      %dma_wait3A_72 = tpu.memref_squeeze %dma_wait3A_71 : memref<1x1x2x128xi32, #tpu.memory_space<hbm>> -> memref<2x128xi32, #tpu.memory_space<hbm>>
      %dma_wait3A_73 = arith.constant 0 : i32
      %dma_wait3A_74 = arith.constant 0 : i32
      %dma_wait3A_75 = tpu.memref_slice %arg3[%add3A, %dma_wait3A_68, %dma_wait3A_73, %dma_wait3A_74] : memref<32x123x2x128xi32, #tpu.memory_space<hbm>> -> memref<1x1x2x128xi32, #tpu.memory_space<hbm>>
      %dma_wait3A_76 = tpu.memref_squeeze %dma_wait3A_75 : memref<1x1x2x128xi32, #tpu.memory_space<hbm>> -> memref<2x128xi32, #tpu.memory_space<hbm>>
      tpu.wait_dma2 semaphore(%arg13 : memref<!tpu.dma_semaphore, #tpu.memory_space<semaphore_mem>>) src(%dma_wait3A_76 : memref<2x128xi32, #tpu.memory_space<hbm>>) dst(%arg6 : memref<2x128xi32, #tpu.memory_space<vmem>>)
      %dma_start3A_77 = arith.constant 0 : i32
      %dma_start3A_78 = arith.constant 0 : i32
      %dma_start3A_79 = tpu.memref_slice %arg6[%dma_start3A_77, %dma_start3A_78] : memref<2x128xi32, #tpu.memory_space<vmem>> -> memref<1x128xi32, #tpu.memory_space<vmem>>
      %dma_start3A_80 = tpu.memref_squeeze %dma_start3A_79 : memref<1x128xi32, #tpu.memory_space<vmem>> -> memref<128xi32, #tpu.memory_space<vmem>>
      %dma_start3A_81 = arith.constant 0 : i32
      %dma_start3A_82 = arith.constant 0 : i32
      %dma_start3A_83 = tpu.memref_slice %arg2[%dma_start3A_81, %dma_start3A_82] : memref<10000x128xf32, #tpu.memory_space<hbm>> -> memref<10000x128xf32, #tpu.memory_space<hbm>>
      tpu.enqueue_indirect_dma source(%dma_start3A_83 : memref<10000x128xf32, #tpu.memory_space<hbm>>) target(%arg9 : memref<128x128xf32, #tpu.memory_space<vmem>>) offsets(%dma_start3A_80 : memref<128xi32, #tpu.memory_space<vmem>>) semaphore(%arg16 : memref<!tpu.dma_semaphore, #tpu.memory_space<semaphore_mem>>)
      %scan3A_84 = arith.constant 0 : i32
      %scan3A_85 = arith.constant 0 : i32
      %scan3A_86 = arith.constant 41 : i32
      %scan3A_87 = arith.addi %scan3A_85, %scan3A_86 : i32
      %scan3A_88 = arith.constant 1 : i32
      %scan3A_89 = scf.for %scan3A_91 = %scan3A_85 to %scan3A_87 step %scan3A_88 iter_args(%scan3A_92 = %scan3A_84) -> (i32)  : i32 {
        %mul3A_93 = arith.constant 3 : i32
        %mul3A_94 = arith.muli %mul3A_93, %scan3A_91 : i32
        %add3A_95 = arith.constant 0 : i32
        %add3A_96 = arith.addi %mul3A_94, %add3A_95 : i32
        %dma_wait3A_97 = arith.constant 0 : i32
        %dma_wait3A_98 = arith.constant 0 : i32
        %dma_wait3A_99 = tpu.memref_slice %arg5[%dma_wait3A_97, %dma_wait3A_98] : memref<2x128xi32, #tpu.memory_space<vmem>> -> memref<1x128xi32, #tpu.memory_space<vmem>>
        %dma_wait3A_100 = tpu.memref_squeeze %dma_wait3A_99 : memref<1x128xi32, #tpu.memory_space<vmem>> -> memref<128xi32, #tpu.memory_space<vmem>>
        %dma_wait3A_101 = arith.constant 0 : i32
        %dma_wait3A_102 = arith.constant 0 : i32
        %dma_wait3A_103 = tpu.memref_slice %arg2[%dma_wait3A_101, %dma_wait3A_102] : memref<10000x128xf32, #tpu.memory_space<hbm>> -> memref<10000x128xf32, #tpu.memory_space<hbm>>
        tpu.wait_indirect_dma semaphore(%arg15 : memref<!tpu.dma_semaphore, #tpu.memory_space<semaphore_mem>>) src(%dma_wait3A_103 : memref<10000x128xf32, #tpu.memory_space<hbm>>) dst(%arg8 : memref<128x128xf32, #tpu.memory_space<vmem>>)
        %add3A_104 = arith.constant 3 : i32
        %add3A_105 = arith.addi %add3A_96, %add3A_104 : i32
        %sub3A = arith.constant 1 : i32
        %sub3A_106 = arith.subi %add3A_105, %sub3A : i32
        %lt3A = arith.constant 123 : i32
        %lt3A_107 = arith.cmpi slt, %sub3A_106, %lt3A : i32
        %convert_element_type3A_108 = arith.extui %lt3A_107 : i1 to i32
        %cond3A_109 = arith.constant 0 : i32
        %cond3A_110 = arith.cmpi ne, %convert_element_type3A_108, %cond3A_109 : i32
        scf.if %cond3A_110 {
          %dma_wait3A_175 = arith.constant 0 : i32
          %dma_wait3A_176 = arith.constant 0 : i32
          %dma_wait3A_177 = arith.constant 0 : i32
          %dma_wait3A_178 = tpu.memref_slice %arg3[%add3A, %dma_wait3A_175, %dma_wait3A_176, %dma_wait3A_177] : memref<32x123x2x128xi32, #tpu.memory_space<hbm>> -> memref<1x1x2x128xi32, #tpu.memory_space<hbm>>
          %dma_wait3A_179 = tpu.memref_squeeze %dma_wait3A_178 : memref<1x1x2x128xi32, #tpu.memory_space<hbm>> -> memref<2x128xi32, #tpu.memory_space<hbm>>
          %dma_wait3A_180 = arith.constant 0 : i32
          %dma_wait3A_181 = arith.constant 0 : i32
          %dma_wait3A_182 = tpu.memref_slice %arg3[%add3A, %dma_wait3A_175, %dma_wait3A_180, %dma_wait3A_181] : memref<32x123x2x128xi32, #tpu.memory_space<hbm>> -> memref<1x1x2x128xi32, #tpu.memory_space<hbm>>
          %dma_wait3A_183 = tpu.memref_squeeze %dma_wait3A_182 : memref<1x1x2x128xi32, #tpu.memory_space<hbm>> -> memref<2x128xi32, #tpu.memory_space<hbm>>
          tpu.wait_dma2 semaphore(%arg14 : memref<!tpu.dma_semaphore, #tpu.memory_space<semaphore_mem>>) src(%dma_wait3A_183 : memref<2x128xi32, #tpu.memory_space<hbm>>) dst(%arg7 : memref<2x128xi32, #tpu.memory_space<vmem>>)
          %dma_start3A_184 = arith.constant 0 : i32
          %dma_start3A_185 = arith.constant 0 : i32
          %dma_start3A_186 = tpu.memref_slice %arg7[%dma_start3A_184, %dma_start3A_185] : memref<2x128xi32, #tpu.memory_space<vmem>> -> memref<1x128xi32, #tpu.memory_space<vmem>>
          %dma_start3A_187 = tpu.memref_squeeze %dma_start3A_186 : memref<1x128xi32, #tpu.memory_space<vmem>> -> memref<128xi32, #tpu.memory_space<vmem>>
          %dma_start3A_188 = arith.constant 0 : i32
          %dma_start3A_189 = arith.constant 0 : i32
          %dma_start3A_190 = tpu.memref_slice %arg2[%dma_start3A_188, %dma_start3A_189] : memref<10000x128xf32, #tpu.memory_space<hbm>> -> memref<10000x128xf32, #tpu.memory_space<hbm>>
          tpu.enqueue_indirect_dma source(%dma_start3A_190 : memref<10000x128xf32, #tpu.memory_space<hbm>>) target(%arg10 : memref<128x128xf32, #tpu.memory_space<vmem>>) offsets(%dma_start3A_187 : memref<128xi32, #tpu.memory_space<vmem>>) semaphore(%arg17 : memref<!tpu.dma_semaphore, #tpu.memory_space<semaphore_mem>>)
        } else {
        }
        %run_scoped3A = arith.constant 1 : i32
        "tpu.region"() ({
          %run_scoped3A_175 = tpu.sem_alloc : memref<!tpu.dma_semaphore, #tpu.memory_space<semaphore_mem>>
          %dma_start3A_176 = arith.constant 0 : i32
          %dma_start3A_177 = tpu.memref_slice %arg5[%run_scoped3A, %dma_start3A_176] : memref<2x128xi32, #tpu.memory_space<vmem>> -> memref<1x128xi32, #tpu.memory_space<vmem>>
          %dma_start3A_178 = tpu.memref_squeeze %dma_start3A_177 : memref<1x128xi32, #tpu.memory_space<vmem>> -> memref<128xi32, #tpu.memory_space<vmem>>
          %dma_start3A_179 = arith.constant 0 : i32
          %dma_start3A_180 = arith.constant 0 : i32
          %dma_start3A_181 = tpu.memref_slice %arg11[%dma_start3A_179, %dma_start3A_180] : memref<10112x128xf32, #tpu.memory_space<vmem_shared>> -> memref<10112x128xf32, #tpu.memory_space<vmem_shared>>
          tpu.enqueue_indirect_dma source(%arg8 : memref<128x128xf32, #tpu.memory_space<vmem>>) target(%dma_start3A_181 : memref<10112x128xf32, #tpu.memory_space<vmem_shared>>) offsets(%dma_start3A_178 : memref<128xi32, #tpu.memory_space<vmem>>) semaphore(%run_scoped3A_175 : memref<!tpu.dma_semaphore, #tpu.memory_space<semaphore_mem>>) {add = true}
          %dma_wait3A_182 = arith.constant 0 : i32
          %dma_wait3A_183 = tpu.memref_slice %arg5[%run_scoped3A, %dma_wait3A_182] : memref<2x128xi32, #tpu.memory_space<vmem>> -> memref<1x128xi32, #tpu.memory_space<vmem>>
          %dma_wait3A_184 = tpu.memref_squeeze %dma_wait3A_183 : memref<1x128xi32, #tpu.memory_space<vmem>> -> memref<128xi32, #tpu.memory_space<vmem>>
          %dma_wait3A_185 = arith.constant 0 : i32
          %dma_wait3A_186 = arith.constant 0 : i32
          %dma_wait3A_187 = tpu.memref_slice %arg11[%dma_wait3A_185, %dma_wait3A_186] : memref<10112x128xf32, #tpu.memory_space<vmem_shared>> -> memref<10112x128xf32, #tpu.memory_space<vmem_shared>>
          tpu.wait_indirect_dma semaphore(%run_scoped3A_175 : memref<!tpu.dma_semaphore, #tpu.memory_space<semaphore_mem>>) src(%arg8 : memref<128x128xf32, #tpu.memory_space<vmem>>) dst(%dma_wait3A_187 : memref<10112x128xf32, #tpu.memory_space<vmem_shared>>)
          tpu.yield
        }) : () -> ()
        %add3A_111 = arith.constant 3 : i32
        %add3A_112 = arith.addi %add3A_96, %add3A_111 : i32
        %lt3A_113 = arith.constant 123 : i32
        %lt3A_114 = arith.cmpi slt, %add3A_112, %lt3A_113 : i32
        %convert_element_type3A_115 = arith.extui %lt3A_114 : i1 to i32
        %cond3A_116 = arith.constant 0 : i32
        %cond3A_117 = arith.cmpi ne, %convert_element_type3A_115, %cond3A_116 : i32
        scf.if %cond3A_117 {
          %add3A_175 = arith.constant 3 : i32
          %add3A_176 = arith.addi %add3A_96, %add3A_175 : i32
          %dma_start3A_177 = arith.constant 0 : i32
          %dma_start3A_178 = arith.constant 0 : i32
          %dma_start3A_179 = tpu.memref_slice %arg3[%add3A, %add3A_176, %dma_start3A_177, %dma_start3A_178] : memref<32x123x2x128xi32, #tpu.memory_space<hbm>> -> memref<1x1x2x128xi32, #tpu.memory_space<hbm>>
          %dma_start3A_180 = tpu.memref_squeeze %dma_start3A_179 : memref<1x1x2x128xi32, #tpu.memory_space<hbm>> -> memref<2x128xi32, #tpu.memory_space<hbm>>
          %dma_start3A_181 = arith.constant 0 : i32
          %dma_start3A_182 = arith.constant 0 : i32
          %dma_start3A_183 = tpu.memref_slice %arg3[%add3A, %add3A_176, %dma_start3A_181, %dma_start3A_182] : memref<32x123x2x128xi32, #tpu.memory_space<hbm>> -> memref<1x1x2x128xi32, #tpu.memory_space<hbm>>
          %dma_start3A_184 = tpu.memref_squeeze %dma_start3A_183 : memref<1x1x2x128xi32, #tpu.memory_space<hbm>> -> memref<2x128xi32, #tpu.memory_space<hbm>>
          tpu.enqueue_dma source(%dma_start3A_184 : memref<2x128xi32, #tpu.memory_space<hbm>>) target(%arg5 : memref<2x128xi32, #tpu.memory_space<vmem>>) target_semaphore(%arg12 : memref<!tpu.dma_semaphore, #tpu.memory_space<semaphore_mem>>)
        } else {
        }
        %mul3A_118 = arith.constant 3 : i32
        %mul3A_119 = arith.muli %mul3A_118, %scan3A_91 : i32
        %add3A_120 = arith.constant 1 : i32
        %add3A_121 = arith.addi %mul3A_119, %add3A_120 : i32
        %dma_wait3A_122 = arith.constant 0 : i32
        %dma_wait3A_123 = arith.constant 0 : i32
        %dma_wait3A_124 = tpu.memref_slice %arg6[%dma_wait3A_122, %dma_wait3A_123] : memref<2x128xi32, #tpu.memory_space<vmem>> -> memref<1x128xi32, #tpu.memory_space<vmem>>
        %dma_wait3A_125 = tpu.memref_squeeze %dma_wait3A_124 : memref<1x128xi32, #tpu.memory_space<vmem>> -> memref<128xi32, #tpu.memory_space<vmem>>
        %dma_wait3A_126 = arith.constant 0 : i32
        %dma_wait3A_127 = arith.constant 0 : i32
        %dma_wait3A_128 = tpu.memref_slice %arg2[%dma_wait3A_126, %dma_wait3A_127] : memref<10000x128xf32, #tpu.memory_space<hbm>> -> memref<10000x128xf32, #tpu.memory_space<hbm>>
        tpu.wait_indirect_dma semaphore(%arg16 : memref<!tpu.dma_semaphore, #tpu.memory_space<semaphore_mem>>) src(%dma_wait3A_128 : memref<10000x128xf32, #tpu.memory_space<hbm>>) dst(%arg9 : memref<128x128xf32, #tpu.memory_space<vmem>>)
        %add3A_129 = arith.constant 3 : i32
        %add3A_130 = arith.addi %add3A_121, %add3A_129 : i32
        %sub3A_131 = arith.constant 1 : i32
        %sub3A_132 = arith.subi %add3A_130, %sub3A_131 : i32
        %lt3A_133 = arith.constant 123 : i32
        %lt3A_134 = arith.cmpi slt, %sub3A_132, %lt3A_133 : i32
        %convert_element_type3A_135 = arith.extui %lt3A_134 : i1 to i32
        %cond3A_136 = arith.constant 0 : i32
        %cond3A_137 = arith.cmpi ne, %convert_element_type3A_135, %cond3A_136 : i32
        scf.if %cond3A_137 {
          %dma_wait3A_175 = arith.constant 0 : i32
          %dma_wait3A_176 = arith.constant 0 : i32
          %dma_wait3A_177 = arith.constant 0 : i32
          %dma_wait3A_178 = tpu.memref_slice %arg3[%add3A, %dma_wait3A_175, %dma_wait3A_176, %dma_wait3A_177] : memref<32x123x2x128xi32, #tpu.memory_space<hbm>> -> memref<1x1x2x128xi32, #tpu.memory_space<hbm>>
          %dma_wait3A_179 = tpu.memref_squeeze %dma_wait3A_178 : memref<1x1x2x128xi32, #tpu.memory_space<hbm>> -> memref<2x128xi32, #tpu.memory_space<hbm>>
          %dma_wait3A_180 = arith.constant 0 : i32
          %dma_wait3A_181 = arith.constant 0 : i32
          %dma_wait3A_182 = tpu.memref_slice %arg3[%add3A, %dma_wait3A_175, %dma_wait3A_180, %dma_wait3A_181] : memref<32x123x2x128xi32, #tpu.memory_space<hbm>> -> memref<1x1x2x128xi32, #tpu.memory_space<hbm>>
          %dma_wait3A_183 = tpu.memref_squeeze %dma_wait3A_182 : memref<1x1x2x128xi32, #tpu.memory_space<hbm>> -> memref<2x128xi32, #tpu.memory_space<hbm>>
          tpu.wait_dma2 semaphore(%arg12 : memref<!tpu.dma_semaphore, #tpu.memory_space<semaphore_mem>>) src(%dma_wait3A_183 : memref<2x128xi32, #tpu.memory_space<hbm>>) dst(%arg5 : memref<2x128xi32, #tpu.memory_space<vmem>>)
          %dma_start3A_184 = arith.constant 0 : i32
          %dma_start3A_185 = arith.constant 0 : i32
          %dma_start3A_186 = tpu.memref_slice %arg5[%dma_start3A_184, %dma_start3A_185] : memref<2x128xi32, #tpu.memory_space<vmem>> -> memref<1x128xi32, #tpu.memory_space<vmem>>
          %dma_start3A_187 = tpu.memref_squeeze %dma_start3A_186 : memref<1x128xi32, #tpu.memory_space<vmem>> -> memref<128xi32, #tpu.memory_space<vmem>>
          %dma_start3A_188 = arith.constant 0 : i32
          %dma_start3A_189 = arith.constant 0 : i32
          %dma_start3A_190 = tpu.memref_slice %arg2[%dma_start3A_188, %dma_start3A_189] : memref<10000x128xf32, #tpu.memory_space<hbm>> -> memref<10000x128xf32, #tpu.memory_space<hbm>>
          tpu.enqueue_indirect_dma source(%dma_start3A_190 : memref<10000x128xf32, #tpu.memory_space<hbm>>) target(%arg8 : memref<128x128xf32, #tpu.memory_space<vmem>>) offsets(%dma_start3A_187 : memref<128xi32, #tpu.memory_space<vmem>>) semaphore(%arg15 : memref<!tpu.dma_semaphore, #tpu.memory_space<semaphore_mem>>)
        } else {
        }
        %run_scoped3A_138 = arith.constant 1 : i32
        "tpu.region"() ({
          %run_scoped3A_175 = tpu.sem_alloc : memref<!tpu.dma_semaphore, #tpu.memory_space<semaphore_mem>>
          %dma_start3A_176 = arith.constant 0 : i32
          %dma_start3A_177 = tpu.memref_slice %arg6[%run_scoped3A_138, %dma_start3A_176] : memref<2x128xi32, #tpu.memory_space<vmem>> -> memref<1x128xi32, #tpu.memory_space<vmem>>
          %dma_start3A_178 = tpu.memref_squeeze %dma_start3A_177 : memref<1x128xi32, #tpu.memory_space<vmem>> -> memref<128xi32, #tpu.memory_space<vmem>>
          %dma_start3A_179 = arith.constant 0 : i32
          %dma_start3A_180 = arith.constant 0 : i32
          %dma_start3A_181 = tpu.memref_slice %arg11[%dma_start3A_179, %dma_start3A_180] : memref<10112x128xf32, #tpu.memory_space<vmem_shared>> -> memref<10112x128xf32, #tpu.memory_space<vmem_shared>>
          tpu.enqueue_indirect_dma source(%arg9 : memref<128x128xf32, #tpu.memory_space<vmem>>) target(%dma_start3A_181 : memref<10112x128xf32, #tpu.memory_space<vmem_shared>>) offsets(%dma_start3A_178 : memref<128xi32, #tpu.memory_space<vmem>>) semaphore(%run_scoped3A_175 : memref<!tpu.dma_semaphore, #tpu.memory_space<semaphore_mem>>) {add = true}
          %dma_wait3A_182 = arith.constant 0 : i32
          %dma_wait3A_183 = tpu.memref_slice %arg6[%run_scoped3A_138, %dma_wait3A_182] : memref<2x128xi32, #tpu.memory_space<vmem>> -> memref<1x128xi32, #tpu.memory_space<vmem>>
          %dma_wait3A_184 = tpu.memref_squeeze %dma_wait3A_183 : memref<1x128xi32, #tpu.memory_space<vmem>> -> memref<128xi32, #tpu.memory_space<vmem>>
          %dma_wait3A_185 = arith.constant 0 : i32
          %dma_wait3A_186 = arith.constant 0 : i32
          %dma_wait3A_187 = tpu.memref_slice %arg11[%dma_wait3A_185, %dma_wait3A_186] : memref<10112x128xf32, #tpu.memory_space<vmem_shared>> -> memref<10112x128xf32, #tpu.memory_space<vmem_shared>>
          tpu.wait_indirect_dma semaphore(%run_scoped3A_175 : memref<!tpu.dma_semaphore, #tpu.memory_space<semaphore_mem>>) src(%arg9 : memref<128x128xf32, #tpu.memory_space<vmem>>) dst(%dma_wait3A_187 : memref<10112x128xf32, #tpu.memory_space<vmem_shared>>)
          tpu.yield
        }) : () -> ()
        %add3A_139 = arith.constant 3 : i32
        %add3A_140 = arith.addi %add3A_121, %add3A_139 : i32
        %lt3A_141 = arith.constant 123 : i32
        %lt3A_142 = arith.cmpi slt, %add3A_140, %lt3A_141 : i32
        %convert_element_type3A_143 = arith.extui %lt3A_142 : i1 to i32
        %cond3A_144 = arith.constant 0 : i32
        %cond3A_145 = arith.cmpi ne, %convert_element_type3A_143, %cond3A_144 : i32
        scf.if %cond3A_145 {
          %add3A_175 = arith.constant 3 : i32
          %add3A_176 = arith.addi %add3A_121, %add3A_175 : i32
          %dma_start3A_177 = arith.constant 0 : i32
          %dma_start3A_178 = arith.constant 0 : i32
          %dma_start3A_179 = tpu.memref_slice %arg3[%add3A, %add3A_176, %dma_start3A_177, %dma_start3A_178] : memref<32x123x2x128xi32, #tpu.memory_space<hbm>> -> memref<1x1x2x128xi32, #tpu.memory_space<hbm>>
          %dma_start3A_180 = tpu.memref_squeeze %dma_start3A_179 : memref<1x1x2x128xi32, #tpu.memory_space<hbm>> -> memref<2x128xi32, #tpu.memory_space<hbm>>
          %dma_start3A_181 = arith.constant 0 : i32
          %dma_start3A_182 = arith.constant 0 : i32
          %dma_start3A_183 = tpu.memref_slice %arg3[%add3A, %add3A_176, %dma_start3A_181, %dma_start3A_182] : memref<32x123x2x128xi32, #tpu.memory_space<hbm>> -> memref<1x1x2x128xi32, #tpu.memory_space<hbm>>
          %dma_start3A_184 = tpu.memref_squeeze %dma_start3A_183 : memref<1x1x2x128xi32, #tpu.memory_space<hbm>> -> memref<2x128xi32, #tpu.memory_space<hbm>>
          tpu.enqueue_dma source(%dma_start3A_184 : memref<2x128xi32, #tpu.memory_space<hbm>>) target(%arg6 : memref<2x128xi32, #tpu.memory_space<vmem>>) target_semaphore(%arg13 : memref<!tpu.dma_semaphore, #tpu.memory_space<semaphore_mem>>)
        } else {
        }
        %mul3A_146 = arith.constant 3 : i32
        %mul3A_147 = arith.muli %mul3A_146, %scan3A_91 : i32
        %add3A_148 = arith.constant 2 : i32
        %add3A_149 = arith.addi %mul3A_147, %add3A_148 : i32
        %dma_wait3A_150 = arith.constant 0 : i32
        %dma_wait3A_151 = arith.constant 0 : i32
        %dma_wait3A_152 = tpu.memref_slice %arg7[%dma_wait3A_150, %dma_wait3A_151] : memref<2x128xi32, #tpu.memory_space<vmem>> -> memref<1x128xi32, #tpu.memory_space<vmem>>
        %dma_wait3A_153 = tpu.memref_squeeze %dma_wait3A_152 : memref<1x128xi32, #tpu.memory_space<vmem>> -> memref<128xi32, #tpu.memory_space<vmem>>
        %dma_wait3A_154 = arith.constant 0 : i32
        %dma_wait3A_155 = arith.constant 0 : i32
        %dma_wait3A_156 = tpu.memref_slice %arg2[%dma_wait3A_154, %dma_wait3A_155] : memref<10000x128xf32, #tpu.memory_space<hbm>> -> memref<10000x128xf32, #tpu.memory_space<hbm>>
        tpu.wait_indirect_dma semaphore(%arg17 : memref<!tpu.dma_semaphore, #tpu.memory_space<semaphore_mem>>) src(%dma_wait3A_156 : memref<10000x128xf32, #tpu.memory_space<hbm>>) dst(%arg10 : memref<128x128xf32, #tpu.memory_space<vmem>>)
        %add3A_157 = arith.constant 3 : i32
        %add3A_158 = arith.addi %add3A_149, %add3A_157 : i32
        %sub3A_159 = arith.constant 1 : i32
        %sub3A_160 = arith.subi %add3A_158, %sub3A_159 : i32
        %lt3A_161 = arith.constant 123 : i32
        %lt3A_162 = arith.cmpi slt, %sub3A_160, %lt3A_161 : i32
        %convert_element_type3A_163 = arith.extui %lt3A_162 : i1 to i32
        %cond3A_164 = arith.constant 0 : i32
        %cond3A_165 = arith.cmpi ne, %convert_element_type3A_163, %cond3A_164 : i32
        scf.if %cond3A_165 {
          %dma_wait3A_175 = arith.constant 0 : i32
          %dma_wait3A_176 = arith.constant 0 : i32
          %dma_wait3A_177 = arith.constant 0 : i32
          %dma_wait3A_178 = tpu.memref_slice %arg3[%add3A, %dma_wait3A_175, %dma_wait3A_176, %dma_wait3A_177] : memref<32x123x2x128xi32, #tpu.memory_space<hbm>> -> memref<1x1x2x128xi32, #tpu.memory_space<hbm>>
          %dma_wait3A_179 = tpu.memref_squeeze %dma_wait3A_178 : memref<1x1x2x128xi32, #tpu.memory_space<hbm>> -> memref<2x128xi32, #tpu.memory_space<hbm>>
          %dma_wait3A_180 = arith.constant 0 : i32
          %dma_wait3A_181 = arith.constant 0 : i32
          %dma_wait3A_182 = tpu.memref_slice %arg3[%add3A, %dma_wait3A_175, %dma_wait3A_180, %dma_wait3A_181] : memref<32x123x2x128xi32, #tpu.memory_space<hbm>> -> memref<1x1x2x128xi32, #tpu.memory_space<hbm>>
          %dma_wait3A_183 = tpu.memref_squeeze %dma_wait3A_182 : memref<1x1x2x128xi32, #tpu.memory_space<hbm>> -> memref<2x128xi32, #tpu.memory_space<hbm>>
          tpu.wait_dma2 semaphore(%arg13 : memref<!tpu.dma_semaphore, #tpu.memory_space<semaphore_mem>>) src(%dma_wait3A_183 : memref<2x128xi32, #tpu.memory_space<hbm>>) dst(%arg6 : memref<2x128xi32, #tpu.memory_space<vmem>>)
          %dma_start3A_184 = arith.constant 0 : i32
          %dma_start3A_185 = arith.constant 0 : i32
          %dma_start3A_186 = tpu.memref_slice %arg6[%dma_start3A_184, %dma_start3A_185] : memref<2x128xi32, #tpu.memory_space<vmem>> -> memref<1x128xi32, #tpu.memory_space<vmem>>
          %dma_start3A_187 = tpu.memref_squeeze %dma_start3A_186 : memref<1x128xi32, #tpu.memory_space<vmem>> -> memref<128xi32, #tpu.memory_space<vmem>>
          %dma_start3A_188 = arith.constant 0 : i32
          %dma_start3A_189 = arith.constant 0 : i32
          %dma_start3A_190 = tpu.memref_slice %arg2[%dma_start3A_188, %dma_start3A_189] : memref<10000x128xf32, #tpu.memory_space<hbm>> -> memref<10000x128xf32, #tpu.memory_space<hbm>>
          tpu.enqueue_indirect_dma source(%dma_start3A_190 : memref<10000x128xf32, #tpu.memory_space<hbm>>) target(%arg9 : memref<128x128xf32, #tpu.memory_space<vmem>>) offsets(%dma_start3A_187 : memref<128xi32, #tpu.memory_space<vmem>>) semaphore(%arg16 : memref<!tpu.dma_semaphore, #tpu.memory_space<semaphore_mem>>)
        } else {
        }
        %run_scoped3A_166 = arith.constant 1 : i32
        "tpu.region"() ({
          %run_scoped3A_175 = tpu.sem_alloc : memref<!tpu.dma_semaphore, #tpu.memory_space<semaphore_mem>>
          %dma_start3A_176 = arith.constant 0 : i32
          %dma_start3A_177 = tpu.memref_slice %arg7[%run_scoped3A_166, %dma_start3A_176] : memref<2x128xi32, #tpu.memory_space<vmem>> -> memref<1x128xi32, #tpu.memory_space<vmem>>
          %dma_start3A_178 = tpu.memref_squeeze %dma_start3A_177 : memref<1x128xi32, #tpu.memory_space<vmem>> -> memref<128xi32, #tpu.memory_space<vmem>>
          %dma_start3A_179 = arith.constant 0 : i32
          %dma_start3A_180 = arith.constant 0 : i32
          %dma_start3A_181 = tpu.memref_slice %arg11[%dma_start3A_179, %dma_start3A_180] : memref<10112x128xf32, #tpu.memory_space<vmem_shared>> -> memref<10112x128xf32, #tpu.memory_space<vmem_shared>>
          tpu.enqueue_indirect_dma source(%arg10 : memref<128x128xf32, #tpu.memory_space<vmem>>) target(%dma_start3A_181 : memref<10112x128xf32, #tpu.memory_space<vmem_shared>>) offsets(%dma_start3A_178 : memref<128xi32, #tpu.memory_space<vmem>>) semaphore(%run_scoped3A_175 : memref<!tpu.dma_semaphore, #tpu.memory_space<semaphore_mem>>) {add = true}
          %dma_wait3A_182 = arith.constant 0 : i32
          %dma_wait3A_183 = tpu.memref_slice %arg7[%run_scoped3A_166, %dma_wait3A_182] : memref<2x128xi32, #tpu.memory_space<vmem>> -> memref<1x128xi32, #tpu.memory_space<vmem>>
          %dma_wait3A_184 = tpu.memref_squeeze %dma_wait3A_183 : memref<1x128xi32, #tpu.memory_space<vmem>> -> memref<128xi32, #tpu.memory_space<vmem>>
          %dma_wait3A_185 = arith.constant 0 : i32
          %dma_wait3A_186 = arith.constant 0 : i32
          %dma_wait3A_187 = tpu.memref_slice %arg11[%dma_wait3A_185, %dma_wait3A_186] : memref<10112x128xf32, #tpu.memory_space<vmem_shared>> -> memref<10112x128xf32, #tpu.memory_space<vmem_shared>>
          tpu.wait_indirect_dma semaphore(%run_scoped3A_175 : memref<!tpu.dma_semaphore, #tpu.memory_space<semaphore_mem>>) src(%arg10 : memref<128x128xf32, #tpu.memory_space<vmem>>) dst(%dma_wait3A_187 : memref<10112x128xf32, #tpu.memory_space<vmem_shared>>)
          tpu.yield
        }) : () -> ()
        %add3A_167 = arith.constant 3 : i32
        %add3A_168 = arith.addi %add3A_149, %add3A_167 : i32
        %lt3A_169 = arith.constant 123 : i32
        %lt3A_170 = arith.cmpi slt, %add3A_168, %lt3A_169 : i32
        %convert_element_type3A_171 = arith.extui %lt3A_170 : i1 to i32
        %cond3A_172 = arith.constant 0 : i32
        %cond3A_173 = arith.cmpi ne, %convert_element_type3A_171, %cond3A_172 : i32
        scf.if %cond3A_173 {
          %add3A_175 = arith.constant 3 : i32
          %add3A_176 = arith.addi %add3A_149, %add3A_175 : i32
          %dma_start3A_177 = arith.constant 0 : i32
          %dma_start3A_178 = arith.constant 0 : i32
          %dma_start3A_179 = tpu.memref_slice %arg3[%add3A, %add3A_176, %dma_start3A_177, %dma_start3A_178] : memref<32x123x2x128xi32, #tpu.memory_space<hbm>> -> memref<1x1x2x128xi32, #tpu.memory_space<hbm>>
          %dma_start3A_180 = tpu.memref_squeeze %dma_start3A_179 : memref<1x1x2x128xi32, #tpu.memory_space<hbm>> -> memref<2x128xi32, #tpu.memory_space<hbm>>
          %dma_start3A_181 = arith.constant 0 : i32
          %dma_start3A_182 = arith.constant 0 : i32
          %dma_start3A_183 = tpu.memref_slice %arg3[%add3A, %add3A_176, %dma_start3A_181, %dma_start3A_182] : memref<32x123x2x128xi32, #tpu.memory_space<hbm>> -> memref<1x1x2x128xi32, #tpu.memory_space<hbm>>
          %dma_start3A_184 = tpu.memref_squeeze %dma_start3A_183 : memref<1x1x2x128xi32, #tpu.memory_space<hbm>> -> memref<2x128xi32, #tpu.memory_space<hbm>>
          tpu.enqueue_dma source(%dma_start3A_184 : memref<2x128xi32, #tpu.memory_space<hbm>>) target(%arg7 : memref<2x128xi32, #tpu.memory_space<vmem>>) target_semaphore(%arg14 : memref<!tpu.dma_semaphore, #tpu.memory_space<semaphore_mem>>)
        } else {
        }
        %scan3A_174 = arith.constant 0 : i32
        scf.yield %scan3A_174 : i32
      }
      %scan3A_90 = arith.constant 41 : i32
    } else {
    }
    %eq3A_21 = arith.constant 1 : i32
    %eq3A_22 = arith.cmpi eq, %arg0, %eq3A_21 : i32
    %convert_element_type3A_23 = arith.extui %eq3A_22 : i1 to i32
    %cond3A_24 = arith.constant 0 : i32
    %cond3A_25 = arith.cmpi ne, %convert_element_type3A_23, %cond3A_24 : i32
    scf.if %cond3A_25 {
      %dma_start3A = arith.constant 0 : i32
      %dma_start3A_27 = arith.constant 0 : i32
      %dma_start3A_28 = arith.constant 0 : i32
      %dma_start3A_29 = tpu.memref_slice %arg3[%add3A, %dma_start3A, %dma_start3A_27, %dma_start3A_28] : memref<32x123x2x128xi32, #tpu.memory_space<hbm>> -> memref<1x1x2x128xi32, #tpu.memory_space<hbm>>
      %dma_start3A_30 = tpu.memref_squeeze %dma_start3A_29 : memref<1x1x2x128xi32, #tpu.memory_space<hbm>> -> memref<2x128xi32, #tpu.memory_space<hbm>>
      %dma_start3A_31 = arith.constant 0 : i32
      %dma_start3A_32 = arith.constant 0 : i32
      %dma_start3A_33 = tpu.memref_slice %arg3[%add3A, %dma_start3A, %dma_start3A_31, %dma_start3A_32] : memref<32x123x2x128xi32, #tpu.memory_space<hbm>> -> memref<1x1x2x128xi32, #tpu.memory_space<hbm>>
      %dma_start3A_34 = tpu.memref_squeeze %dma_start3A_33 : memref<1x1x2x128xi32, #tpu.memory_space<hbm>> -> memref<2x128xi32, #tpu.memory_space<hbm>>
      tpu.enqueue_dma source(%dma_start3A_34 : memref<2x128xi32, #tpu.memory_space<hbm>>) target(%arg5 : memref<2x128xi32, #tpu.memory_space<vmem>>) target_semaphore(%arg12 : memref<!tpu.dma_semaphore, #tpu.memory_space<semaphore_mem>>)
      %dma_start3A_35 = arith.constant 1 : i32
      %dma_start3A_36 = arith.constant 0 : i32
      %dma_start3A_37 = arith.constant 0 : i32
      %dma_start3A_38 = tpu.memref_slice %arg3[%add3A, %dma_start3A_35, %dma_start3A_36, %dma_start3A_37] : memref<32x123x2x128xi32, #tpu.memory_space<hbm>> -> memref<1x1x2x128xi32, #tpu.memory_space<hbm>>
      %dma_start3A_39 = tpu.memref_squeeze %dma_start3A_38 : memref<1x1x2x128xi32, #tpu.memory_space<hbm>> -> memref<2x128xi32, #tpu.memory_space<hbm>>
      %dma_start3A_40 = arith.constant 0 : i32
      %dma_start3A_41 = arith.constant 0 : i32
      %dma_start3A_42 = tpu.memref_slice %arg3[%add3A, %dma_start3A_35, %dma_start3A_40, %dma_start3A_41] : memref<32x123x2x128xi32, #tpu.memory_space<hbm>> -> memref<1x1x2x128xi32, #tpu.memory_space<hbm>>
      %dma_start3A_43 = tpu.memref_squeeze %dma_start3A_42 : memref<1x1x2x128xi32, #tpu.memory_space<hbm>> -> memref<2x128xi32, #tpu.memory_space<hbm>>
      tpu.enqueue_dma source(%dma_start3A_43 : memref<2x128xi32, #tpu.memory_space<hbm>>) target(%arg6 : memref<2x128xi32, #tpu.memory_space<vmem>>) target_semaphore(%arg13 : memref<!tpu.dma_semaphore, #tpu.memory_space<semaphore_mem>>)
      %scan3A_44 = arith.constant 0 : i32
      %scan3A_45 = arith.constant 0 : i32
      %scan3A_46 = arith.constant 17 : i32
      %scan3A_47 = arith.addi %scan3A_45, %scan3A_46 : i32
      %scan3A_48 = arith.constant 1 : i32
      %scan3A_49 = scf.for %scan3A_51 = %scan3A_45 to %scan3A_47 step %scan3A_48 iter_args(%scan3A_52 = %scan3A_44) -> (i32)  : i32 {
        %mul3A_53 = arith.constant 2 : i32
        %mul3A_54 = arith.muli %mul3A_53, %scan3A_51 : i32
        %dma_wait3A = arith.constant 0 : i32
        %dma_wait3A_55 = arith.constant 0 : i32
        %dma_wait3A_56 = arith.constant 0 : i32
        %dma_wait3A_57 = tpu.memref_slice %arg3[%add3A, %dma_wait3A, %dma_wait3A_55, %dma_wait3A_56] : memref<32x123x2x128xi32, #tpu.memory_space<hbm>> -> memref<1x1x2x128xi32, #tpu.memory_space<hbm>>
        %dma_wait3A_58 = tpu.memref_squeeze %dma_wait3A_57 : memref<1x1x2x128xi32, #tpu.memory_space<hbm>> -> memref<2x128xi32, #tpu.memory_space<hbm>>
        %dma_wait3A_59 = arith.constant 0 : i32
        %dma_wait3A_60 = arith.constant 0 : i32
        %dma_wait3A_61 = tpu.memref_slice %arg3[%add3A, %dma_wait3A, %dma_wait3A_59, %dma_wait3A_60] : memref<32x123x2x128xi32, #tpu.memory_space<hbm>> -> memref<1x1x2x128xi32, #tpu.memory_space<hbm>>
        %dma_wait3A_62 = tpu.memref_squeeze %dma_wait3A_61 : memref<1x1x2x128xi32, #tpu.memory_space<hbm>> -> memref<2x128xi32, #tpu.memory_space<hbm>>
        tpu.wait_dma2 semaphore(%arg12 : memref<!tpu.dma_semaphore, #tpu.memory_space<semaphore_mem>>) src(%dma_wait3A_62 : memref<2x128xi32, #tpu.memory_space<hbm>>) dst(%arg5 : memref<2x128xi32, #tpu.memory_space<vmem>>)
        %dma_start3A_63 = arith.constant 0 : i32
        %dma_start3A_64 = arith.constant 0 : i32
        %dma_start3A_65 = tpu.memref_slice %arg5[%dma_start3A_63, %dma_start3A_64] : memref<2x128xi32, #tpu.memory_space<vmem>> -> memref<1x128xi32, #tpu.memory_space<vmem>>
        %dma_start3A_66 = tpu.memref_squeeze %dma_start3A_65 : memref<1x128xi32, #tpu.memory_space<vmem>> -> memref<128xi32, #tpu.memory_space<vmem>>
        %dma_start3A_67 = arith.constant 0 : i32
        %dma_start3A_68 = arith.constant 0 : i32
        %dma_start3A_69 = tpu.memref_slice %arg2[%dma_start3A_67, %dma_start3A_68] : memref<10000x128xf32, #tpu.memory_space<hbm>> -> memref<10000x128xf32, #tpu.memory_space<hbm>>
        tpu.enqueue_indirect_dma source(%dma_start3A_69 : memref<10000x128xf32, #tpu.memory_space<hbm>>) target(%arg8 : memref<128x128xf32, #tpu.memory_space<vmem>>) offsets(%dma_start3A_66 : memref<128xi32, #tpu.memory_space<vmem>>) semaphore(%arg15 : memref<!tpu.dma_semaphore, #tpu.memory_space<semaphore_mem>>)
        %dma_wait3A_70 = arith.constant 0 : i32
        %dma_wait3A_71 = arith.constant 0 : i32
        %dma_wait3A_72 = tpu.memref_slice %arg5[%dma_wait3A_70, %dma_wait3A_71] : memref<2x128xi32, #tpu.memory_space<vmem>> -> memref<1x128xi32, #tpu.memory_space<vmem>>
        %dma_wait3A_73 = tpu.memref_squeeze %dma_wait3A_72 : memref<1x128xi32, #tpu.memory_space<vmem>> -> memref<128xi32, #tpu.memory_space<vmem>>
        %dma_wait3A_74 = arith.constant 0 : i32
        %dma_wait3A_75 = arith.constant 0 : i32
        %dma_wait3A_76 = tpu.memref_slice %arg2[%dma_wait3A_74, %dma_wait3A_75] : memref<10000x128xf32, #tpu.memory_space<hbm>> -> memref<10000x128xf32, #tpu.memory_space<hbm>>
        tpu.wait_indirect_dma semaphore(%arg15 : memref<!tpu.dma_semaphore, #tpu.memory_space<semaphore_mem>>) src(%dma_wait3A_76 : memref<10000x128xf32, #tpu.memory_space<hbm>>) dst(%arg8 : memref<128x128xf32, #tpu.memory_space<vmem>>)
        %run_scoped3A = arith.constant 1 : i32
        "tpu.region"() ({
          %run_scoped3A_119 = tpu.sem_alloc : memref<!tpu.dma_semaphore, #tpu.memory_space<semaphore_mem>>
          %dma_start3A_120 = arith.constant 0 : i32
          %dma_start3A_121 = tpu.memref_slice %arg5[%run_scoped3A, %dma_start3A_120] : memref<2x128xi32, #tpu.memory_space<vmem>> -> memref<1x128xi32, #tpu.memory_space<vmem>>
          %dma_start3A_122 = tpu.memref_squeeze %dma_start3A_121 : memref<1x128xi32, #tpu.memory_space<vmem>> -> memref<128xi32, #tpu.memory_space<vmem>>
          %dma_start3A_123 = arith.constant 0 : i32
          %dma_start3A_124 = arith.constant 0 : i32
          %dma_start3A_125 = tpu.memref_slice %arg11[%dma_start3A_123, %dma_start3A_124] : memref<10112x128xf32, #tpu.memory_space<vmem_shared>> -> memref<10112x128xf32, #tpu.memory_space<vmem_shared>>
          tpu.enqueue_indirect_dma source(%arg8 : memref<128x128xf32, #tpu.memory_space<vmem>>) target(%dma_start3A_125 : memref<10112x128xf32, #tpu.memory_space<vmem_shared>>) offsets(%dma_start3A_122 : memref<128xi32, #tpu.memory_space<vmem>>) semaphore(%run_scoped3A_119 : memref<!tpu.dma_semaphore, #tpu.memory_space<semaphore_mem>>) {add = true}
          %dma_wait3A_126 = arith.constant 0 : i32
          %dma_wait3A_127 = tpu.memref_slice %arg5[%run_scoped3A, %dma_wait3A_126] : memref<2x128xi32, #tpu.memory_space<vmem>> -> memref<1x128xi32, #tpu.memory_space<vmem>>
          %dma_wait3A_128 = tpu.memref_squeeze %dma_wait3A_127 : memref<1x128xi32, #tpu.memory_space<vmem>> -> memref<128xi32, #tpu.memory_space<vmem>>
          %dma_wait3A_129 = arith.constant 0 : i32
          %dma_wait3A_130 = arith.constant 0 : i32
          %dma_wait3A_131 = tpu.memref_slice %arg11[%dma_wait3A_129, %dma_wait3A_130] : memref<10112x128xf32, #tpu.memory_space<vmem_shared>> -> memref<10112x128xf32, #tpu.memory_space<vmem_shared>>
          tpu.wait_indirect_dma semaphore(%run_scoped3A_119 : memref<!tpu.dma_semaphore, #tpu.memory_space<semaphore_mem>>) src(%arg8 : memref<128x128xf32, #tpu.memory_space<vmem>>) dst(%dma_wait3A_131 : memref<10112x128xf32, #tpu.memory_space<vmem_shared>>)
          tpu.yield
        }) : () -> ()
        %add3A_77 = arith.constant 2 : i32
        %add3A_78 = arith.addi %mul3A_54, %add3A_77 : i32
        %lt3A = arith.constant 34 : i32
        %lt3A_79 = arith.cmpi slt, %add3A_78, %lt3A : i32
        %convert_element_type3A_80 = arith.extui %lt3A_79 : i1 to i32
        %cond3A_81 = arith.constant 0 : i32
        %cond3A_82 = arith.cmpi ne, %convert_element_type3A_80, %cond3A_81 : i32
        scf.if %cond3A_82 {
          %add3A_119 = arith.constant 2 : i32
          %add3A_120 = arith.addi %mul3A_54, %add3A_119 : i32
          %dma_start3A_121 = arith.constant 0 : i32
          %dma_start3A_122 = arith.constant 0 : i32
          %dma_start3A_123 = tpu.memref_slice %arg3[%add3A, %add3A_120, %dma_start3A_121, %dma_start3A_122] : memref<32x123x2x128xi32, #tpu.memory_space<hbm>> -> memref<1x1x2x128xi32, #tpu.memory_space<hbm>>
          %dma_start3A_124 = tpu.memref_squeeze %dma_start3A_123 : memref<1x1x2x128xi32, #tpu.memory_space<hbm>> -> memref<2x128xi32, #tpu.memory_space<hbm>>
          %dma_start3A_125 = arith.constant 0 : i32
          %dma_start3A_126 = arith.constant 0 : i32
          %dma_start3A_127 = tpu.memref_slice %arg3[%add3A, %add3A_120, %dma_start3A_125, %dma_start3A_126] : memref<32x123x2x128xi32, #tpu.memory_space<hbm>> -> memref<1x1x2x128xi32, #tpu.memory_space<hbm>>
          %dma_start3A_128 = tpu.memref_squeeze %dma_start3A_127 : memref<1x1x2x128xi32, #tpu.memory_space<hbm>> -> memref<2x128xi32, #tpu.memory_space<hbm>>
          tpu.enqueue_dma source(%dma_start3A_128 : memref<2x128xi32, #tpu.memory_space<hbm>>) target(%arg5 : memref<2x128xi32, #tpu.memory_space<vmem>>) target_semaphore(%arg12 : memref<!tpu.dma_semaphore, #tpu.memory_space<semaphore_mem>>)
        } else {
        }
        %mul3A_83 = arith.constant 2 : i32
        %mul3A_84 = arith.muli %mul3A_83, %scan3A_51 : i32
        %add3A_85 = arith.constant 1 : i32
        %add3A_86 = arith.addi %mul3A_84, %add3A_85 : i32
        %dma_wait3A_87 = arith.constant 0 : i32
        %dma_wait3A_88 = arith.constant 0 : i32
        %dma_wait3A_89 = arith.constant 0 : i32
        %dma_wait3A_90 = tpu.memref_slice %arg3[%add3A, %dma_wait3A_87, %dma_wait3A_88, %dma_wait3A_89] : memref<32x123x2x128xi32, #tpu.memory_space<hbm>> -> memref<1x1x2x128xi32, #tpu.memory_space<hbm>>
        %dma_wait3A_91 = tpu.memref_squeeze %dma_wait3A_90 : memref<1x1x2x128xi32, #tpu.memory_space<hbm>> -> memref<2x128xi32, #tpu.memory_space<hbm>>
        %dma_wait3A_92 = arith.constant 0 : i32
        %dma_wait3A_93 = arith.constant 0 : i32
        %dma_wait3A_94 = tpu.memref_slice %arg3[%add3A, %dma_wait3A_87, %dma_wait3A_92, %dma_wait3A_93] : memref<32x123x2x128xi32, #tpu.memory_space<hbm>> -> memref<1x1x2x128xi32, #tpu.memory_space<hbm>>
        %dma_wait3A_95 = tpu.memref_squeeze %dma_wait3A_94 : memref<1x1x2x128xi32, #tpu.memory_space<hbm>> -> memref<2x128xi32, #tpu.memory_space<hbm>>
        tpu.wait_dma2 semaphore(%arg13 : memref<!tpu.dma_semaphore, #tpu.memory_space<semaphore_mem>>) src(%dma_wait3A_95 : memref<2x128xi32, #tpu.memory_space<hbm>>) dst(%arg6 : memref<2x128xi32, #tpu.memory_space<vmem>>)
        %dma_start3A_96 = arith.constant 0 : i32
        %dma_start3A_97 = arith.constant 0 : i32
        %dma_start3A_98 = tpu.memref_slice %arg6[%dma_start3A_96, %dma_start3A_97] : memref<2x128xi32, #tpu.memory_space<vmem>> -> memref<1x128xi32, #tpu.memory_space<vmem>>
        %dma_start3A_99 = tpu.memref_squeeze %dma_start3A_98 : memref<1x128xi32, #tpu.memory_space<vmem>> -> memref<128xi32, #tpu.memory_space<vmem>>
        %dma_start3A_100 = arith.constant 0 : i32
        %dma_start3A_101 = arith.constant 0 : i32
        %dma_start3A_102 = tpu.memref_slice %arg2[%dma_start3A_100, %dma_start3A_101] : memref<10000x128xf32, #tpu.memory_space<hbm>> -> memref<10000x128xf32, #tpu.memory_space<hbm>>
        tpu.enqueue_indirect_dma source(%dma_start3A_102 : memref<10000x128xf32, #tpu.memory_space<hbm>>) target(%arg9 : memref<128x128xf32, #tpu.memory_space<vmem>>) offsets(%dma_start3A_99 : memref<128xi32, #tpu.memory_space<vmem>>) semaphore(%arg16 : memref<!tpu.dma_semaphore, #tpu.memory_space<semaphore_mem>>)
        %dma_wait3A_103 = arith.constant 0 : i32
        %dma_wait3A_104 = arith.constant 0 : i32
        %dma_wait3A_105 = tpu.memref_slice %arg6[%dma_wait3A_103, %dma_wait3A_104] : memref<2x128xi32, #tpu.memory_space<vmem>> -> memref<1x128xi32, #tpu.memory_space<vmem>>
        %dma_wait3A_106 = tpu.memref_squeeze %dma_wait3A_105 : memref<1x128xi32, #tpu.memory_space<vmem>> -> memref<128xi32, #tpu.memory_space<vmem>>
        %dma_wait3A_107 = arith.constant 0 : i32
        %dma_wait3A_108 = arith.constant 0 : i32
        %dma_wait3A_109 = tpu.memref_slice %arg2[%dma_wait3A_107, %dma_wait3A_108] : memref<10000x128xf32, #tpu.memory_space<hbm>> -> memref<10000x128xf32, #tpu.memory_space<hbm>>
        tpu.wait_indirect_dma semaphore(%arg16 : memref<!tpu.dma_semaphore, #tpu.memory_space<semaphore_mem>>) src(%dma_wait3A_109 : memref<10000x128xf32, #tpu.memory_space<hbm>>) dst(%arg9 : memref<128x128xf32, #tpu.memory_space<vmem>>)
        %run_scoped3A_110 = arith.constant 1 : i32
        "tpu.region"() ({
          %run_scoped3A_119 = tpu.sem_alloc : memref<!tpu.dma_semaphore, #tpu.memory_space<semaphore_mem>>
          %dma_start3A_120 = arith.constant 0 : i32
          %dma_start3A_121 = tpu.memref_slice %arg6[%run_scoped3A_110, %dma_start3A_120] : memref<2x128xi32, #tpu.memory_space<vmem>> -> memref<1x128xi32, #tpu.memory_space<vmem>>
          %dma_start3A_122 = tpu.memref_squeeze %dma_start3A_121 : memref<1x128xi32, #tpu.memory_space<vmem>> -> memref<128xi32, #tpu.memory_space<vmem>>
          %dma_start3A_123 = arith.constant 0 : i32
          %dma_start3A_124 = arith.constant 0 : i32
          %dma_start3A_125 = tpu.memref_slice %arg11[%dma_start3A_123, %dma_start3A_124] : memref<10112x128xf32, #tpu.memory_space<vmem_shared>> -> memref<10112x128xf32, #tpu.memory_space<vmem_shared>>
          tpu.enqueue_indirect_dma source(%arg9 : memref<128x128xf32, #tpu.memory_space<vmem>>) target(%dma_start3A_125 : memref<10112x128xf32, #tpu.memory_space<vmem_shared>>) offsets(%dma_start3A_122 : memref<128xi32, #tpu.memory_space<vmem>>) semaphore(%run_scoped3A_119 : memref<!tpu.dma_semaphore, #tpu.memory_space<semaphore_mem>>) {add = true}
          %dma_wait3A_126 = arith.constant 0 : i32
          %dma_wait3A_127 = tpu.memref_slice %arg6[%run_scoped3A_110, %dma_wait3A_126] : memref<2x128xi32, #tpu.memory_space<vmem>> -> memref<1x128xi32, #tpu.memory_space<vmem>>
          %dma_wait3A_128 = tpu.memref_squeeze %dma_wait3A_127 : memref<1x128xi32, #tpu.memory_space<vmem>> -> memref<128xi32, #tpu.memory_space<vmem>>
          %dma_wait3A_129 = arith.constant 0 : i32
          %dma_wait3A_130 = arith.constant 0 : i32
          %dma_wait3A_131 = tpu.memref_slice %arg11[%dma_wait3A_129, %dma_wait3A_130] : memref<10112x128xf32, #tpu.memory_space<vmem_shared>> -> memref<10112x128xf32, #tpu.memory_space<vmem_shared>>
          tpu.wait_indirect_dma semaphore(%run_scoped3A_119 : memref<!tpu.dma_semaphore, #tpu.memory_space<semaphore_mem>>) src(%arg9 : memref<128x128xf32, #tpu.memory_space<vmem>>) dst(%dma_wait3A_131 : memref<10112x128xf32, #tpu.memory_space<vmem_shared>>)
          tpu.yield
        }) : () -> ()
        %add3A_111 = arith.constant 2 : i32
        %add3A_112 = arith.addi %add3A_86, %add3A_111 : i32
        %lt3A_113 = arith.constant 34 : i32
        %lt3A_114 = arith.cmpi slt, %add3A_112, %lt3A_113 : i32
        %convert_element_type3A_115 = arith.extui %lt3A_114 : i1 to i32
        %cond3A_116 = arith.constant 0 : i32
        %cond3A_117 = arith.cmpi ne, %convert_element_type3A_115, %cond3A_116 : i32
        scf.if %cond3A_117 {
          %add3A_119 = arith.constant 2 : i32
          %add3A_120 = arith.addi %add3A_86, %add3A_119 : i32
          %dma_start3A_121 = arith.constant 0 : i32
          %dma_start3A_122 = arith.constant 0 : i32
          %dma_start3A_123 = tpu.memref_slice %arg3[%add3A, %add3A_120, %dma_start3A_121, %dma_start3A_122] : memref<32x123x2x128xi32, #tpu.memory_space<hbm>> -> memref<1x1x2x128xi32, #tpu.memory_space<hbm>>
          %dma_start3A_124 = tpu.memref_squeeze %dma_start3A_123 : memref<1x1x2x128xi32, #tpu.memory_space<hbm>> -> memref<2x128xi32, #tpu.memory_space<hbm>>
          %dma_start3A_125 = arith.constant 0 : i32
          %dma_start3A_126 = arith.constant 0 : i32
          %dma_start3A_127 = tpu.memref_slice %arg3[%add3A, %add3A_120, %dma_start3A_125, %dma_start3A_126] : memref<32x123x2x128xi32, #tpu.memory_space<hbm>> -> memref<1x1x2x128xi32, #tpu.memory_space<hbm>>
          %dma_start3A_128 = tpu.memref_squeeze %dma_start3A_127 : memref<1x1x2x128xi32, #tpu.memory_space<hbm>> -> memref<2x128xi32, #tpu.memory_space<hbm>>
          tpu.enqueue_dma source(%dma_start3A_128 : memref<2x128xi32, #tpu.memory_space<hbm>>) target(%arg6 : memref<2x128xi32, #tpu.memory_space<vmem>>) target_semaphore(%arg13 : memref<!tpu.dma_semaphore, #tpu.memory_space<semaphore_mem>>)
        } else {
        }
        %scan3A_118 = arith.constant 0 : i32
        scf.yield %scan3A_118 : i32
      }
      %scan3A_50 = arith.constant 17 : i32
    } else {
    }
    %barrier3A_26 = arith.constant 0 : index
    tpu.barrier barrier_id(%barrier3A_26)
    "tpu.region"() ({
      %run_scoped3A = tpu.sem_alloc : memref<!tpu.dma_semaphore, #tpu.memory_space<semaphore_mem>>
      %dma_start3A = arith.constant 0 : i32
      %dma_start3A_27 = tpu.memref_slice %arg4[%arg0, %mul3A_8, %dma_start3A] : memref<2x10112x128xf32, #tpu.memory_space<hbm>> -> memref<1x632x128xf32, #tpu.memory_space<hbm>>
      %dma_start3A_28 = tpu.memref_squeeze %dma_start3A_27 : memref<1x632x128xf32, #tpu.memory_space<hbm>> -> memref<632x128xf32, #tpu.memory_space<hbm>>
      %dma_start3A_29 = arith.constant 0 : i32
      %dma_start3A_30 = tpu.memref_slice %arg11[%mul3A_8, %dma_start3A_29] : memref<10112x128xf32, #tpu.memory_space<vmem_shared>> -> memref<632x128xf32, #tpu.memory_space<vmem_shared>>
      tpu.enqueue_dma source(%dma_start3A_30 : memref<632x128xf32, #tpu.memory_space<vmem_shared>>) target(%dma_start3A_28 : memref<632x128xf32, #tpu.memory_space<hbm>>) target_semaphore(%run_scoped3A : memref<!tpu.dma_semaphore, #tpu.memory_space<semaphore_mem>>)
      %dma_wait3A = arith.constant 0 : i32
      %dma_wait3A_31 = tpu.memref_slice %arg4[%arg0, %mul3A_8, %dma_wait3A] : memref<2x10112x128xf32, #tpu.memory_space<hbm>> -> memref<1x632x128xf32, #tpu.memory_space<hbm>>
      %dma_wait3A_32 = tpu.memref_squeeze %dma_wait3A_31 : memref<1x632x128xf32, #tpu.memory_space<hbm>> -> memref<632x128xf32, #tpu.memory_space<hbm>>
      %dma_wait3A_33 = arith.constant 0 : i32
      %dma_wait3A_34 = tpu.memref_slice %arg11[%mul3A_8, %dma_wait3A_33] : memref<10112x128xf32, #tpu.memory_space<vmem_shared>> -> memref<632x128xf32, #tpu.memory_space<vmem_shared>>
      tpu.wait_dma2 semaphore(%run_scoped3A : memref<!tpu.dma_semaphore, #tpu.memory_space<semaphore_mem>>) src(%dma_wait3A_34 : memref<632x128xf32, #tpu.memory_space<vmem_shared>>) dst(%dma_wait3A_32 : memref<632x128xf32, #tpu.memory_space<hbm>>)
      tpu.yield
    }) : () -> ()
    return
  }
}

#map = affine_map<(d0, d1) -> (0, 0)>
#map1 = affine_map<(d0, d1) -> (0, 0, 0, 0)>
#map2 = affine_map<(d0, d1) -> (0, 0, 0)>
module attributes {stable_mosaic.version = 14 : i64} {
  func.func @_agg_body(%arg0: i32, %arg1: i32, %arg2: memref<10000x128xf32, #tpu.memory_space<hbm>>, %arg3: memref<32x123x2x128xi32, #tpu.memory_space<hbm>>, %arg4: memref<2x10112x128xf32, #tpu.memory_space<hbm>>, %arg5: memref<2x128xi32, #tpu.memory_space<vmem>>, %arg6: memref<2x128xi32, #tpu.memory_space<vmem>>, %arg7: memref<2x128xi32, #tpu.memory_space<vmem>>, %arg8: memref<128x128xf32, #tpu.memory_space<vmem>>, %arg9: memref<128x128xf32, #tpu.memory_space<vmem>>, %arg10: memref<128x128xf32, #tpu.memory_space<vmem>>, %arg11: memref<10112x128xf32, #tpu.memory_space<vmem_shared>>, %arg12: memref<!tpu.dma_semaphore, #tpu.memory_space<semaphore_mem>>, %arg13: memref<!tpu.dma_semaphore, #tpu.memory_space<semaphore_mem>>, %arg14: memref<!tpu.dma_semaphore, #tpu.memory_space<semaphore_mem>>, %arg15: memref<!tpu.dma_semaphore, #tpu.memory_space<semaphore_mem>>, %arg16: memref<!tpu.dma_semaphore, #tpu.memory_space<semaphore_mem>>, %arg17: memref<!tpu.dma_semaphore, #tpu.memory_space<semaphore_mem>>) attributes {dimension_semantics = [#tpu.dimension_semantics<core_parallel>, #tpu.dimension_semantics<subcore_parallel>], iteration_bounds = array<i64: 2, 16>, scalar_prefetch = 0 : i64, scratch_operands = 13 : i64, tpu.core_type = #tpu.core_type<sc_vector_subcore>, window_params = [{transform_indices = #map}, {transform_indices = #map1}, {transform_indices = #map2}]} {
    %mul3A = arith.constant 16 : i32
    %mul3A_0 = arith.muli %arg0, %mul3A : i32
    %add3A = arith.addi %mul3A_0, %arg1 : i32
    %scan3A = arith.constant 0 : i32
    %scan3A_1 = arith.constant 0 : i32
    %scan3A_2 = arith.constant 128 : i32
    %scan3A_3 = arith.addi %scan3A_1, %scan3A_2 : i32
    %scan3A_4 = arith.constant 1 : i32
    %scan3A_5 = scf.for %scan3A_27 = %scan3A_1 to %scan3A_3 step %scan3A_4 iter_args(%scan3A_28 = %scan3A) -> (i32)  : i32 {
      %broadcast_in_dim3A = arith.constant 0.000000e+00 : f32
      %broadcast_in_dim3A_29 = vector.broadcast %broadcast_in_dim3A : f32 to vector<16xf32>
      %swap3A = arith.index_cast %scan3A_27 : i32 to index
      %swap3A_30 = arith.constant 0 : index
      %swap3A_31 = tpu.vector_load %arg8[%swap3A, %swap3A_30] {strides = array<i32>} : memref<128x128xf32, #tpu.memory_space<vmem>>, vector<1x16xf32>,
      %swap3A_32 = vector.shape_cast %swap3A_31 : vector<1x16xf32> to vector<16xf32>
      %swap3A_33 = vector.shape_cast %broadcast_in_dim3A_29 : vector<16xf32> to vector<1x16xf32>
      tpu.vector_store %arg8[%swap3A, %swap3A_30], %swap3A_33 {strides = array<i32>} : memref<128x128xf32, #tpu.memory_space<vmem>>, vector<1x16xf32>,
      %broadcast_in_dim3A_34 = arith.constant 0.000000e+00 : f32
      %broadcast_in_dim3A_35 = vector.broadcast %broadcast_in_dim3A_34 : f32 to vector<16xf32>
      %swap3A_36 = arith.index_cast %scan3A_27 : i32 to index
      %swap3A_37 = arith.constant 16 : index
      %swap3A_38 = tpu.vector_load %arg8[%swap3A_36, %swap3A_37] {strides = array<i32>} : memref<128x128xf32, #tpu.memory_space<vmem>>, vector<1x16xf32>,
      %swap3A_39 = vector.shape_cast %swap3A_38 : vector<1x16xf32> to vector<16xf32>
      %swap3A_40 = vector.shape_cast %broadcast_in_dim3A_35 : vector<16xf32> to vector<1x16xf32>
      tpu.vector_store %arg8[%swap3A_36, %swap3A_37], %swap3A_40 {strides = array<i32>} : memref<128x128xf32, #tpu.memory_space<vmem>>, vector<1x16xf32>,
      %broadcast_in_dim3A_41 = arith.constant 0.000000e+00 : f32
      %broadcast_in_dim3A_42 = vector.broadcast %broadcast_in_dim3A_41 : f32 to vector<16xf32>
      %swap3A_43 = arith.index_cast %scan3A_27 : i32 to index
      %swap3A_44 = arith.constant 32 : index
      %swap3A_45 = tpu.vector_load %arg8[%swap3A_43, %swap3A_44] {strides = array<i32>} : memref<128x128xf32, #tpu.memory_space<vmem>>, vector<1x16xf32>,
      %swap3A_46 = vector.shape_cast %swap3A_45 : vector<1x16xf32> to vector<16xf32>
      %swap3A_47 = vector.shape_cast %broadcast_in_dim3A_42 : vector<16xf32> to vector<1x16xf32>
      tpu.vector_store %arg8[%swap3A_43, %swap3A_44], %swap3A_47 {strides = array<i32>} : memref<128x128xf32, #tpu.memory_space<vmem>>, vector<1x16xf32>,
      %broadcast_in_dim3A_48 = arith.constant 0.000000e+00 : f32
      %broadcast_in_dim3A_49 = vector.broadcast %broadcast_in_dim3A_48 : f32 to vector<16xf32>
      %swap3A_50 = arith.index_cast %scan3A_27 : i32 to index
      %swap3A_51 = arith.constant 48 : index
      %swap3A_52 = tpu.vector_load %arg8[%swap3A_50, %swap3A_51] {strides = array<i32>} : memref<128x128xf32, #tpu.memory_space<vmem>>, vector<1x16xf32>,
      %swap3A_53 = vector.shape_cast %swap3A_52 : vector<1x16xf32> to vector<16xf32>
      %swap3A_54 = vector.shape_cast %broadcast_in_dim3A_49 : vector<16xf32> to vector<1x16xf32>
      tpu.vector_store %arg8[%swap3A_50, %swap3A_51], %swap3A_54 {strides = array<i32>} : memref<128x128xf32, #tpu.memory_space<vmem>>, vector<1x16xf32>,
      %broadcast_in_dim3A_55 = arith.constant 0.000000e+00 : f32
      %broadcast_in_dim3A_56 = vector.broadcast %broadcast_in_dim3A_55 : f32 to vector<16xf32>
      %swap3A_57 = arith.index_cast %scan3A_27 : i32 to index
      %swap3A_58 = arith.constant 64 : index
      %swap3A_59 = tpu.vector_load %arg8[%swap3A_57, %swap3A_58] {strides = array<i32>} : memref<128x128xf32, #tpu.memory_space<vmem>>, vector<1x16xf32>,
      %swap3A_60 = vector.shape_cast %swap3A_59 : vector<1x16xf32> to vector<16xf32>
      %swap3A_61 = vector.shape_cast %broadcast_in_dim3A_56 : vector<16xf32> to vector<1x16xf32>
      tpu.vector_store %arg8[%swap3A_57, %swap3A_58], %swap3A_61 {strides = array<i32>} : memref<128x128xf32, #tpu.memory_space<vmem>>, vector<1x16xf32>,
      %broadcast_in_dim3A_62 = arith.constant 0.000000e+00 : f32
      %broadcast_in_dim3A_63 = vector.broadcast %broadcast_in_dim3A_62 : f32 to vector<16xf32>
      %swap3A_64 = arith.index_cast %scan3A_27 : i32 to index
      %swap3A_65 = arith.constant 80 : index
      %swap3A_66 = tpu.vector_load %arg8[%swap3A_64, %swap3A_65] {strides = array<i32>} : memref<128x128xf32, #tpu.memory_space<vmem>>, vector<1x16xf32>,
      %swap3A_67 = vector.shape_cast %swap3A_66 : vector<1x16xf32> to vector<16xf32>
      %swap3A_68 = vector.shape_cast %broadcast_in_dim3A_63 : vector<16xf32> to vector<1x16xf32>
      tpu.vector_store %arg8[%swap3A_64, %swap3A_65], %swap3A_68 {strides = array<i32>} : memref<128x128xf32, #tpu.memory_space<vmem>>, vector<1x16xf32>,
      %broadcast_in_dim3A_69 = arith.constant 0.000000e+00 : f32
      %broadcast_in_dim3A_70 = vector.broadcast %broadcast_in_dim3A_69 : f32 to vector<16xf32>
      %swap3A_71 = arith.index_cast %scan3A_27 : i32 to index
      %swap3A_72 = arith.constant 96 : index
      %swap3A_73 = tpu.vector_load %arg8[%swap3A_71, %swap3A_72] {strides = array<i32>} : memref<128x128xf32, #tpu.memory_space<vmem>>, vector<1x16xf32>,
      %swap3A_74 = vector.shape_cast %swap3A_73 : vector<1x16xf32> to vector<16xf32>
      %swap3A_75 = vector.shape_cast %broadcast_in_dim3A_70 : vector<16xf32> to vector<1x16xf32>
      tpu.vector_store %arg8[%swap3A_71, %swap3A_72], %swap3A_75 {strides = array<i32>} : memref<128x128xf32, #tpu.memory_space<vmem>>, vector<1x16xf32>,
      %broadcast_in_dim3A_76 = arith.constant 0.000000e+00 : f32
      %broadcast_in_dim3A_77 = vector.broadcast %broadcast_in_dim3A_76 : f32 to vector<16xf32>
      %swap3A_78 = arith.index_cast %scan3A_27 : i32 to index
      %swap3A_79 = arith.constant 112 : index
      %swap3A_80 = tpu.vector_load %arg8[%swap3A_78, %swap3A_79] {strides = array<i32>} : memref<128x128xf32, #tpu.memory_space<vmem>>, vector<1x16xf32>,
      %swap3A_81 = vector.shape_cast %swap3A_80 : vector<1x16xf32> to vector<16xf32>
      %swap3A_82 = vector.shape_cast %broadcast_in_dim3A_77 : vector<16xf32> to vector<1x16xf32>
      tpu.vector_store %arg8[%swap3A_78, %swap3A_79], %swap3A_82 {strides = array<i32>} : memref<128x128xf32, #tpu.memory_space<vmem>>, vector<1x16xf32>,
      %scan3A_83 = arith.constant 0 : i32
      scf.yield %scan3A_83 : i32
    }
    %scan3A_6 = arith.constant 128 : i32
    %mul3A_7 = arith.constant 632 : i32
    %mul3A_8 = arith.muli %arg1, %mul3A_7 : i32
    %add3A_9 = arith.constant 0 : i32
    %add3A_10 = arith.addi %mul3A_8, %add3A_9 : i32
    "tpu.region"() ({
      %run_scoped3A = tpu.sem_alloc : memref<!tpu.dma_semaphore, #tpu.memory_space<semaphore_mem>>
      %dma_start3A = arith.constant 0 : i32
      %dma_start3A_27 = tpu.memref_slice %arg11[%add3A_10, %dma_start3A] : memref<10112x128xf32, #tpu.memory_space<vmem_shared>> -> memref<128x128xf32, #tpu.memory_space<vmem_shared>>
      %dma_start3A_28 = arith.constant 0 : i32
      %dma_start3A_29 = tpu.memref_slice %arg11[%add3A_10, %dma_start3A_28] : memref<10112x128xf32, #tpu.memory_space<vmem_shared>> -> memref<128x128xf32, #tpu.memory_space<vmem_shared>>
      tpu.enqueue_dma source(%arg8 : memref<128x128xf32, #tpu.memory_space<vmem>>) target(%dma_start3A_29 : memref<128x128xf32, #tpu.memory_space<vmem_shared>>) target_semaphore(%run_scoped3A : memref<!tpu.dma_semaphore, #tpu.memory_space<semaphore_mem>>)
      %dma_wait3A = arith.constant 0 : i32
      %dma_wait3A_30 = tpu.memref_slice %arg11[%add3A_10, %dma_wait3A] : memref<10112x128xf32, #tpu.memory_space<vmem_shared>> -> memref<128x128xf32, #tpu.memory_space<vmem_shared>>
      %dma_wait3A_31 = arith.constant 0 : i32
      %dma_wait3A_32 = tpu.memref_slice %arg11[%add3A_10, %dma_wait3A_31] : memref<10112x128xf32, #tpu.memory_space<vmem_shared>> -> memref<128x128xf32, #tpu.memory_space<vmem_shared>>
      tpu.wait_dma2 semaphore(%run_scoped3A : memref<!tpu.dma_semaphore, #tpu.memory_space<semaphore_mem>>) src(%arg8 : memref<128x128xf32, #tpu.memory_space<vmem>>) dst(%dma_wait3A_32 : memref<128x128xf32, #tpu.memory_space<vmem_shared>>)
      tpu.yield
    }) : () -> ()
    %add3A_11 = arith.constant 128 : i32
    %add3A_12 = arith.addi %mul3A_8, %add3A_11 : i32
    "tpu.region"() ({
      %run_scoped3A = tpu.sem_alloc : memref<!tpu.dma_semaphore, #tpu.memory_space<semaphore_mem>>
      %dma_start3A = arith.constant 0 : i32
      %dma_start3A_27 = tpu.memref_slice %arg11[%add3A_12, %dma_start3A] : memref<10112x128xf32, #tpu.memory_space<vmem_shared>> -> memref<128x128xf32, #tpu.memory_space<vmem_shared>>
      %dma_start3A_28 = arith.constant 0 : i32
      %dma_start3A_29 = tpu.memref_slice %arg11[%add3A_12, %dma_start3A_28] : memref<10112x128xf32, #tpu.memory_space<vmem_shared>> -> memref<128x128xf32, #tpu.memory_space<vmem_shared>>
      tpu.enqueue_dma source(%arg8 : memref<128x128xf32, #tpu.memory_space<vmem>>) target(%dma_start3A_29 : memref<128x128xf32, #tpu.memory_space<vmem_shared>>) target_semaphore(%run_scoped3A : memref<!tpu.dma_semaphore, #tpu.memory_space<semaphore_mem>>)
      %dma_wait3A = arith.constant 0 : i32
      %dma_wait3A_30 = tpu.memref_slice %arg11[%add3A_12, %dma_wait3A] : memref<10112x128xf32, #tpu.memory_space<vmem_shared>> -> memref<128x128xf32, #tpu.memory_space<vmem_shared>>
      %dma_wait3A_31 = arith.constant 0 : i32
      %dma_wait3A_32 = tpu.memref_slice %arg11[%add3A_12, %dma_wait3A_31] : memref<10112x128xf32, #tpu.memory_space<vmem_shared>> -> memref<128x128xf32, #tpu.memory_space<vmem_shared>>
      tpu.wait_dma2 semaphore(%run_scoped3A : memref<!tpu.dma_semaphore, #tpu.memory_space<semaphore_mem>>) src(%arg8 : memref<128x128xf32, #tpu.memory_space<vmem>>) dst(%dma_wait3A_32 : memref<128x128xf32, #tpu.memory_space<vmem_shared>>)
      tpu.yield
    }) : () -> ()
    %add3A_13 = arith.constant 256 : i32
    %add3A_14 = arith.addi %mul3A_8, %add3A_13 : i32
    "tpu.region"() ({
      %run_scoped3A = tpu.sem_alloc : memref<!tpu.dma_semaphore, #tpu.memory_space<semaphore_mem>>
      %dma_start3A = arith.constant 0 : i32
      %dma_start3A_27 = tpu.memref_slice %arg11[%add3A_14, %dma_start3A] : memref<10112x128xf32, #tpu.memory_space<vmem_shared>> -> memref<128x128xf32, #tpu.memory_space<vmem_shared>>
      %dma_start3A_28 = arith.constant 0 : i32
      %dma_start3A_29 = tpu.memref_slice %arg11[%add3A_14, %dma_start3A_28] : memref<10112x128xf32, #tpu.memory_space<vmem_shared>> -> memref<128x128xf32, #tpu.memory_space<vmem_shared>>
      tpu.enqueue_dma source(%arg8 : memref<128x128xf32, #tpu.memory_space<vmem>>) target(%dma_start3A_29 : memref<128x128xf32, #tpu.memory_space<vmem_shared>>) target_semaphore(%run_scoped3A : memref<!tpu.dma_semaphore, #tpu.memory_space<semaphore_mem>>)
      %dma_wait3A = arith.constant 0 : i32
      %dma_wait3A_30 = tpu.memref_slice %arg11[%add3A_14, %dma_wait3A] : memref<10112x128xf32, #tpu.memory_space<vmem_shared>> -> memref<128x128xf32, #tpu.memory_space<vmem_shared>>
      %dma_wait3A_31 = arith.constant 0 : i32
      %dma_wait3A_32 = tpu.memref_slice %arg11[%add3A_14, %dma_wait3A_31] : memref<10112x128xf32, #tpu.memory_space<vmem_shared>> -> memref<128x128xf32, #tpu.memory_space<vmem_shared>>
      tpu.wait_dma2 semaphore(%run_scoped3A : memref<!tpu.dma_semaphore, #tpu.memory_space<semaphore_mem>>) src(%arg8 : memref<128x128xf32, #tpu.memory_space<vmem>>) dst(%dma_wait3A_32 : memref<128x128xf32, #tpu.memory_space<vmem_shared>>)
      tpu.yield
    }) : () -> ()
    %add3A_15 = arith.constant 384 : i32
    %add3A_16 = arith.addi %mul3A_8, %add3A_15 : i32
    "tpu.region"() ({
      %run_scoped3A = tpu.sem_alloc : memref<!tpu.dma_semaphore, #tpu.memory_space<semaphore_mem>>
      %dma_start3A = arith.constant 0 : i32
      %dma_start3A_27 = tpu.memref_slice %arg11[%add3A_16, %dma_start3A] : memref<10112x128xf32, #tpu.memory_space<vmem_shared>> -> memref<128x128xf32, #tpu.memory_space<vmem_shared>>
      %dma_start3A_28 = arith.constant 0 : i32
      %dma_start3A_29 = tpu.memref_slice %arg11[%add3A_16, %dma_start3A_28] : memref<10112x128xf32, #tpu.memory_space<vmem_shared>> -> memref<128x128xf32, #tpu.memory_space<vmem_shared>>
      tpu.enqueue_dma source(%arg8 : memref<128x128xf32, #tpu.memory_space<vmem>>) target(%dma_start3A_29 : memref<128x128xf32, #tpu.memory_space<vmem_shared>>) target_semaphore(%run_scoped3A : memref<!tpu.dma_semaphore, #tpu.memory_space<semaphore_mem>>)
      %dma_wait3A = arith.constant 0 : i32
      %dma_wait3A_30 = tpu.memref_slice %arg11[%add3A_16, %dma_wait3A] : memref<10112x128xf32, #tpu.memory_space<vmem_shared>> -> memref<128x128xf32, #tpu.memory_space<vmem_shared>>
      %dma_wait3A_31 = arith.constant 0 : i32
      %dma_wait3A_32 = tpu.memref_slice %arg11[%add3A_16, %dma_wait3A_31] : memref<10112x128xf32, #tpu.memory_space<vmem_shared>> -> memref<128x128xf32, #tpu.memory_space<vmem_shared>>
      tpu.wait_dma2 semaphore(%run_scoped3A : memref<!tpu.dma_semaphore, #tpu.memory_space<semaphore_mem>>) src(%arg8 : memref<128x128xf32, #tpu.memory_space<vmem>>) dst(%dma_wait3A_32 : memref<128x128xf32, #tpu.memory_space<vmem_shared>>)
      tpu.yield
    }) : () -> ()
    %add3A_17 = arith.constant 512 : i32
    %add3A_18 = arith.addi %mul3A_8, %add3A_17 : i32
    "tpu.region"() ({
      %run_scoped3A = tpu.sem_alloc : memref<!tpu.dma_semaphore, #tpu.memory_space<semaphore_mem>>
      %dma_start3A = arith.constant 0 : i32
      %dma_start3A_27 = arith.constant 0 : i32
      %dma_start3A_28 = tpu.memref_slice %arg8[%dma_start3A, %dma_start3A_27] : memref<128x128xf32, #tpu.memory_space<vmem>> -> memref<120x128xf32, #tpu.memory_space<vmem>>
      %dma_start3A_29 = arith.constant 0 : i32
      %dma_start3A_30 = tpu.memref_slice %arg11[%add3A_18, %dma_start3A_29] : memref<10112x128xf32, #tpu.memory_space<vmem_shared>> -> memref<120x128xf32, #tpu.memory_space<vmem_shared>>
      %dma_start3A_31 = arith.constant 0 : i32
      %dma_start3A_32 = tpu.memref_slice %arg11[%add3A_18, %dma_start3A_31] : memref<10112x128xf32, #tpu.memory_space<vmem_shared>> -> memref<120x128xf32, #tpu.memory_space<vmem_shared>>
      %dma_start3A_33 = arith.constant 0 : i32
      %dma_start3A_34 = arith.constant 0 : i32
      %dma_start3A_35 = tpu.memref_slice %arg8[%dma_start3A_33, %dma_start3A_34] : memref<128x128xf32, #tpu.memory_space<vmem>> -> memref<120x128xf32, #tpu.memory_space<vmem>>
      tpu.enqueue_dma source(%dma_start3A_35 : memref<120x128xf32, #tpu.memory_space<vmem>>) target(%dma_start3A_32 : memref<120x128xf32, #tpu.memory_space<vmem_shared>>) target_semaphore(%run_scoped3A : memref<!tpu.dma_semaphore, #tpu.memory_space<semaphore_mem>>)
      %dma_wait3A = arith.constant 0 : i32
      %dma_wait3A_36 = arith.constant 0 : i32
      %dma_wait3A_37 = tpu.memref_slice %arg8[%dma_wait3A, %dma_wait3A_36] : memref<128x128xf32, #tpu.memory_space<vmem>> -> memref<120x128xf32, #tpu.memory_space<vmem>>
      %dma_wait3A_38 = arith.constant 0 : i32
      %dma_wait3A_39 = tpu.memref_slice %arg11[%add3A_18, %dma_wait3A_38] : memref<10112x128xf32, #tpu.memory_space<vmem_shared>> -> memref<120x128xf32, #tpu.memory_space<vmem_shared>>
      %dma_wait3A_40 = arith.constant 0 : i32
      %dma_wait3A_41 = tpu.memref_slice %arg11[%add3A_18, %dma_wait3A_40] : memref<10112x128xf32, #tpu.memory_space<vmem_shared>> -> memref<120x128xf32, #tpu.memory_space<vmem_shared>>
      %dma_wait3A_42 = arith.constant 0 : i32
      %dma_wait3A_43 = arith.constant 0 : i32
      %dma_wait3A_44 = tpu.memref_slice %arg8[%dma_wait3A_42, %dma_wait3A_43] : memref<128x128xf32, #tpu.memory_space<vmem>> -> memref<120x128xf32, #tpu.memory_space<vmem>>
      tpu.wait_dma2 semaphore(%run_scoped3A : memref<!tpu.dma_semaphore, #tpu.memory_space<semaphore_mem>>) src(%dma_wait3A_44 : memref<120x128xf32, #tpu.memory_space<vmem>>) dst(%dma_wait3A_41 : memref<120x128xf32, #tpu.memory_space<vmem_shared>>)
      tpu.yield
    }) : () -> ()
    %barrier3A = arith.constant 0 : index
    tpu.barrier barrier_id(%barrier3A)
    %eq3A = arith.constant 0 : i32
    %eq3A_19 = arith.cmpi eq, %arg0, %eq3A : i32
    %convert_element_type3A = arith.extui %eq3A_19 : i1 to i32
    %cond3A = arith.constant 0 : i32
    %cond3A_20 = arith.cmpi ne, %convert_element_type3A, %cond3A : i32
    scf.if %cond3A_20 {
      %dma_start3A = arith.constant 0 : i32
      %dma_start3A_27 = arith.constant 0 : i32
      %dma_start3A_28 = arith.constant 0 : i32
      %dma_start3A_29 = tpu.memref_slice %arg3[%add3A, %dma_start3A, %dma_start3A_27, %dma_start3A_28] : memref<32x123x2x128xi32, #tpu.memory_space<hbm>> -> memref<1x1x2x128xi32, #tpu.memory_space<hbm>>
      %dma_start3A_30 = tpu.memref_squeeze %dma_start3A_29 : memref<1x1x2x128xi32, #tpu.memory_space<hbm>> -> memref<2x128xi32, #tpu.memory_space<hbm>>
      %dma_start3A_31 = arith.constant 0 : i32
      %dma_start3A_32 = arith.constant 0 : i32
      %dma_start3A_33 = tpu.memref_slice %arg3[%add3A, %dma_start3A, %dma_start3A_31, %dma_start3A_32] : memref<32x123x2x128xi32, #tpu.memory_space<hbm>> -> memref<1x1x2x128xi32, #tpu.memory_space<hbm>>
      %dma_start3A_34 = tpu.memref_squeeze %dma_start3A_33 : memref<1x1x2x128xi32, #tpu.memory_space<hbm>> -> memref<2x128xi32, #tpu.memory_space<hbm>>
      tpu.enqueue_dma source(%dma_start3A_34 : memref<2x128xi32, #tpu.memory_space<hbm>>) target(%arg5 : memref<2x128xi32, #tpu.memory_space<vmem>>) target_semaphore(%arg12 : memref<!tpu.dma_semaphore, #tpu.memory_space<semaphore_mem>>)
      %dma_start3A_35 = arith.constant 1 : i32
      %dma_start3A_36 = arith.constant 0 : i32
      %dma_start3A_37 = arith.constant 0 : i32
      %dma_start3A_38 = tpu.memref_slice %arg3[%add3A, %dma_start3A_35, %dma_start3A_36, %dma_start3A_37] : memref<32x123x2x128xi32, #tpu.memory_space<hbm>> -> memref<1x1x2x128xi32, #tpu.memory_space<hbm>>
      %dma_start3A_39 = tpu.memref_squeeze %dma_start3A_38 : memref<1x1x2x128xi32, #tpu.memory_space<hbm>> -> memref<2x128xi32, #tpu.memory_space<hbm>>
      %dma_start3A_40 = arith.constant 0 : i32
      %dma_start3A_41 = arith.constant 0 : i32
      %dma_start3A_42 = tpu.memref_slice %arg3[%add3A, %dma_start3A_35, %dma_start3A_40, %dma_start3A_41] : memref<32x123x2x128xi32, #tpu.memory_space<hbm>> -> memref<1x1x2x128xi32, #tpu.memory_space<hbm>>
      %dma_start3A_43 = tpu.memref_squeeze %dma_start3A_42 : memref<1x1x2x128xi32, #tpu.memory_space<hbm>> -> memref<2x128xi32, #tpu.memory_space<hbm>>
      tpu.enqueue_dma source(%dma_start3A_43 : memref<2x128xi32, #tpu.memory_space<hbm>>) target(%arg6 : memref<2x128xi32, #tpu.memory_space<vmem>>) target_semaphore(%arg13 : memref<!tpu.dma_semaphore, #tpu.memory_space<semaphore_mem>>)
      %dma_start3A_44 = arith.constant 2 : i32
      %dma_start3A_45 = arith.constant 0 : i32
      %dma_start3A_46 = arith.constant 0 : i32
      %dma_start3A_47 = tpu.memref_slice %arg3[%add3A, %dma_start3A_44, %dma_start3A_45, %dma_start3A_46] : memref<32x123x2x128xi32, #tpu.memory_space<hbm>> -> memref<1x1x2x128xi32, #tpu.memory_space<hbm>>
      %dma_start3A_48 = tpu.memref_squeeze %dma_start3A_47 : memref<1x1x2x128xi32, #tpu.memory_space<hbm>> -> memref<2x128xi32, #tpu.memory_space<hbm>>
      %dma_start3A_49 = arith.constant 0 : i32
      %dma_start3A_50 = arith.constant 0 : i32
      %dma_start3A_51 = tpu.memref_slice %arg3[%add3A, %dma_start3A_44, %dma_start3A_49, %dma_start3A_50] : memref<32x123x2x128xi32, #tpu.memory_space<hbm>> -> memref<1x1x2x128xi32, #tpu.memory_space<hbm>>
      %dma_start3A_52 = tpu.memref_squeeze %dma_start3A_51 : memref<1x1x2x128xi32, #tpu.memory_space<hbm>> -> memref<2x128xi32, #tpu.memory_space<hbm>>
      tpu.enqueue_dma source(%dma_start3A_52 : memref<2x128xi32, #tpu.memory_space<hbm>>) target(%arg7 : memref<2x128xi32, #tpu.memory_space<vmem>>) target_semaphore(%arg14 : memref<!tpu.dma_semaphore, #tpu.memory_space<semaphore_mem>>)
      %dma_wait3A = arith.constant 0 : i32
      %dma_wait3A_53 = arith.constant 0 : i32
      %dma_wait3A_54 = arith.constant 0 : i32
      %dma_wait3A_55 = tpu.memref_slice %arg3[%add3A, %dma_wait3A, %dma_wait3A_53, %dma_wait3A_54] : memref<32x123x2x128xi32, #tpu.memory_space<hbm>> -> memref<1x1x2x128xi32, #tpu.memory_space<hbm>>
      %dma_wait3A_56 = tpu.memref_squeeze %dma_wait3A_55 : memref<1x1x2x128xi32, #tpu.memory_space<hbm>> -> memref<2x128xi32, #tpu.memory_space<hbm>>
      %dma_wait3A_57 = arith.constant 0 : i32
      %dma_wait3A_58 = arith.constant 0 : i32
      %dma_wait3A_59 = tpu.memref_slice %arg3[%add3A, %dma_wait3A, %dma_wait3A_57, %dma_wait3A_58] : memref<32x123x2x128xi32, #tpu.memory_space<hbm>> -> memref<1x1x2x128xi32, #tpu.memory_space<hbm>>
      %dma_wait3A_60 = tpu.memref_squeeze %dma_wait3A_59 : memref<1x1x2x128xi32, #tpu.memory_space<hbm>> -> memref<2x128xi32, #tpu.memory_space<hbm>>
      tpu.wait_dma2 semaphore(%arg12 : memref<!tpu.dma_semaphore, #tpu.memory_space<semaphore_mem>>) src(%dma_wait3A_60 : memref<2x128xi32, #tpu.memory_space<hbm>>) dst(%arg5 : memref<2x128xi32, #tpu.memory_space<vmem>>)
      %dma_start3A_61 = arith.constant 0 : i32
      %dma_start3A_62 = arith.constant 0 : i32
      %dma_start3A_63 = tpu.memref_slice %arg5[%dma_start3A_61, %dma_start3A_62] : memref<2x128xi32, #tpu.memory_space<vmem>> -> memref<1x128xi32, #tpu.memory_space<vmem>>
      %dma_start3A_64 = tpu.memref_squeeze %dma_start3A_63 : memref<1x128xi32, #tpu.memory_space<vmem>> -> memref<128xi32, #tpu.memory_space<vmem>>
      %dma_start3A_65 = arith.constant 0 : i32
      %dma_start3A_66 = arith.constant 0 : i32
      %dma_start3A_67 = tpu.memref_slice %arg2[%dma_start3A_65, %dma_start3A_66] : memref<10000x128xf32, #tpu.memory_space<hbm>> -> memref<10000x128xf32, #tpu.memory_space<hbm>>
      tpu.enqueue_indirect_dma source(%dma_start3A_67 : memref<10000x128xf32, #tpu.memory_space<hbm>>) target(%arg8 : memref<128x128xf32, #tpu.memory_space<vmem>>) offsets(%dma_start3A_64 : memref<128xi32, #tpu.memory_space<vmem>>) semaphore(%arg15 : memref<!tpu.dma_semaphore, #tpu.memory_space<semaphore_mem>>)
      %dma_wait3A_68 = arith.constant 0 : i32
      %dma_wait3A_69 = arith.constant 0 : i32
      %dma_wait3A_70 = arith.constant 0 : i32
      %dma_wait3A_71 = tpu.memref_slice %arg3[%add3A, %dma_wait3A_68, %dma_wait3A_69, %dma_wait3A_70] : memref<32x123x2x128xi32, #tpu.memory_space<hbm>> -> memref<1x1x2x128xi32, #tpu.memory_space<hbm>>
      %dma_wait3A_72 = tpu.memref_squeeze %dma_wait3A_71 : memref<1x1x2x128xi32, #tpu.memory_space<hbm>> -> memref<2x128xi32, #tpu.memory_space<hbm>>
      %dma_wait3A_73 = arith.constant 0 : i32
      %dma_wait3A_74 = arith.constant 0 : i32
      %dma_wait3A_75 = tpu.memref_slice %arg3[%add3A, %dma_wait3A_68, %dma_wait3A_73, %dma_wait3A_74] : memref<32x123x2x128xi32, #tpu.memory_space<hbm>> -> memref<1x1x2x128xi32, #tpu.memory_space<hbm>>
      %dma_wait3A_76 = tpu.memref_squeeze %dma_wait3A_75 : memref<1x1x2x128xi32, #tpu.memory_space<hbm>> -> memref<2x128xi32, #tpu.memory_space<hbm>>
      tpu.wait_dma2 semaphore(%arg13 : memref<!tpu.dma_semaphore, #tpu.memory_space<semaphore_mem>>) src(%dma_wait3A_76 : memref<2x128xi32, #tpu.memory_space<hbm>>) dst(%arg6 : memref<2x128xi32, #tpu.memory_space<vmem>>)
      %dma_start3A_77 = arith.constant 0 : i32
      %dma_start3A_78 = arith.constant 0 : i32
      %dma_start3A_79 = tpu.memref_slice %arg6[%dma_start3A_77, %dma_start3A_78] : memref<2x128xi32, #tpu.memory_space<vmem>> -> memref<1x128xi32, #tpu.memory_space<vmem>>
      %dma_start3A_80 = tpu.memref_squeeze %dma_start3A_79 : memref<1x128xi32, #tpu.memory_space<vmem>> -> memref<128xi32, #tpu.memory_space<vmem>>
      %dma_start3A_81 = arith.constant 0 : i32
      %dma_start3A_82 = arith.constant 0 : i32
      %dma_start3A_83 = tpu.memref_slice %arg2[%dma_start3A_81, %dma_start3A_82] : memref<10000x128xf32, #tpu.memory_space<hbm>> -> memref<10000x128xf32, #tpu.memory_space<hbm>>
      tpu.enqueue_indirect_dma source(%dma_start3A_83 : memref<10000x128xf32, #tpu.memory_space<hbm>>) target(%arg9 : memref<128x128xf32, #tpu.memory_space<vmem>>) offsets(%dma_start3A_80 : memref<128xi32, #tpu.memory_space<vmem>>) semaphore(%arg16 : memref<!tpu.dma_semaphore, #tpu.memory_space<semaphore_mem>>)
      %scan3A_84 = arith.constant 0 : i32
      %scan3A_85 = arith.constant 0 : i32
      %scan3A_86 = arith.constant 41 : i32
      %scan3A_87 = arith.addi %scan3A_85, %scan3A_86 : i32
      %scan3A_88 = arith.constant 1 : i32
      %scan3A_89 = scf.for %scan3A_91 = %scan3A_85 to %scan3A_87 step %scan3A_88 iter_args(%scan3A_92 = %scan3A_84) -> (i32)  : i32 {
        %mul3A_93 = arith.constant 3 : i32
        %mul3A_94 = arith.muli %mul3A_93, %scan3A_91 : i32
        %add3A_95 = arith.constant 0 : i32
        %add3A_96 = arith.addi %mul3A_94, %add3A_95 : i32
        %dma_wait3A_97 = arith.constant 0 : i32
        %dma_wait3A_98 = arith.constant 0 : i32
        %dma_wait3A_99 = tpu.memref_slice %arg5[%dma_wait3A_97, %dma_wait3A_98] : memref<2x128xi32, #tpu.memory_space<vmem>> -> memref<1x128xi32, #tpu.memory_space<vmem>>
        %dma_wait3A_100 = tpu.memref_squeeze %dma_wait3A_99 : memref<1x128xi32, #tpu.memory_space<vmem>> -> memref<128xi32, #tpu.memory_space<vmem>>
        %dma_wait3A_101 = arith.constant 0 : i32
        %dma_wait3A_102 = arith.constant 0 : i32
        %dma_wait3A_103 = tpu.memref_slice %arg2[%dma_wait3A_101, %dma_wait3A_102] : memref<10000x128xf32, #tpu.memory_space<hbm>> -> memref<10000x128xf32, #tpu.memory_space<hbm>>
        tpu.wait_indirect_dma semaphore(%arg15 : memref<!tpu.dma_semaphore, #tpu.memory_space<semaphore_mem>>) src(%dma_wait3A_103 : memref<10000x128xf32, #tpu.memory_space<hbm>>) dst(%arg8 : memref<128x128xf32, #tpu.memory_space<vmem>>)
        %add3A_104 = arith.constant 3 : i32
        %add3A_105 = arith.addi %add3A_96, %add3A_104 : i32
        %sub3A = arith.constant 1 : i32
        %sub3A_106 = arith.subi %add3A_105, %sub3A : i32
        %lt3A = arith.constant 123 : i32
        %lt3A_107 = arith.cmpi slt, %sub3A_106, %lt3A : i32
        %convert_element_type3A_108 = arith.extui %lt3A_107 : i1 to i32
        %cond3A_109 = arith.constant 0 : i32
        %cond3A_110 = arith.cmpi ne, %convert_element_type3A_108, %cond3A_109 : i32
        scf.if %cond3A_110 {
          %dma_wait3A_175 = arith.constant 0 : i32
          %dma_wait3A_176 = arith.constant 0 : i32
          %dma_wait3A_177 = arith.constant 0 : i32
          %dma_wait3A_178 = tpu.memref_slice %arg3[%add3A, %dma_wait3A_175, %dma_wait3A_176, %dma_wait3A_177] : memref<32x123x2x128xi32, #tpu.memory_space<hbm>> -> memref<1x1x2x128xi32, #tpu.memory_space<hbm>>
          %dma_wait3A_179 = tpu.memref_squeeze %dma_wait3A_178 : memref<1x1x2x128xi32, #tpu.memory_space<hbm>> -> memref<2x128xi32, #tpu.memory_space<hbm>>
          %dma_wait3A_180 = arith.constant 0 : i32
          %dma_wait3A_181 = arith.constant 0 : i32
          %dma_wait3A_182 = tpu.memref_slice %arg3[%add3A, %dma_wait3A_175, %dma_wait3A_180, %dma_wait3A_181] : memref<32x123x2x128xi32, #tpu.memory_space<hbm>> -> memref<1x1x2x128xi32, #tpu.memory_space<hbm>>
          %dma_wait3A_183 = tpu.memref_squeeze %dma_wait3A_182 : memref<1x1x2x128xi32, #tpu.memory_space<hbm>> -> memref<2x128xi32, #tpu.memory_space<hbm>>
          tpu.wait_dma2 semaphore(%arg14 : memref<!tpu.dma_semaphore, #tpu.memory_space<semaphore_mem>>) src(%dma_wait3A_183 : memref<2x128xi32, #tpu.memory_space<hbm>>) dst(%arg7 : memref<2x128xi32, #tpu.memory_space<vmem>>)
          %dma_start3A_184 = arith.constant 0 : i32
          %dma_start3A_185 = arith.constant 0 : i32
          %dma_start3A_186 = tpu.memref_slice %arg7[%dma_start3A_184, %dma_start3A_185] : memref<2x128xi32, #tpu.memory_space<vmem>> -> memref<1x128xi32, #tpu.memory_space<vmem>>
          %dma_start3A_187 = tpu.memref_squeeze %dma_start3A_186 : memref<1x128xi32, #tpu.memory_space<vmem>> -> memref<128xi32, #tpu.memory_space<vmem>>
          %dma_start3A_188 = arith.constant 0 : i32
          %dma_start3A_189 = arith.constant 0 : i32
          %dma_start3A_190 = tpu.memref_slice %arg2[%dma_start3A_188, %dma_start3A_189] : memref<10000x128xf32, #tpu.memory_space<hbm>> -> memref<10000x128xf32, #tpu.memory_space<hbm>>
          tpu.enqueue_indirect_dma source(%dma_start3A_190 : memref<10000x128xf32, #tpu.memory_space<hbm>>) target(%arg10 : memref<128x128xf32, #tpu.memory_space<vmem>>) offsets(%dma_start3A_187 : memref<128xi32, #tpu.memory_space<vmem>>) semaphore(%arg17 : memref<!tpu.dma_semaphore, #tpu.memory_space<semaphore_mem>>)
        } else {
        }
        %run_scoped3A = arith.constant 1 : i32
        "tpu.region"() ({
          %run_scoped3A_175 = tpu.sem_alloc : memref<!tpu.dma_semaphore, #tpu.memory_space<semaphore_mem>>
          %dma_start3A_176 = arith.constant 0 : i32
          %dma_start3A_177 = tpu.memref_slice %arg5[%run_scoped3A, %dma_start3A_176] : memref<2x128xi32, #tpu.memory_space<vmem>> -> memref<1x128xi32, #tpu.memory_space<vmem>>
          %dma_start3A_178 = tpu.memref_squeeze %dma_start3A_177 : memref<1x128xi32, #tpu.memory_space<vmem>> -> memref<128xi32, #tpu.memory_space<vmem>>
          %dma_start3A_179 = arith.constant 0 : i32
          %dma_start3A_180 = arith.constant 0 : i32
          %dma_start3A_181 = tpu.memref_slice %arg11[%dma_start3A_179, %dma_start3A_180] : memref<10112x128xf32, #tpu.memory_space<vmem_shared>> -> memref<10112x128xf32, #tpu.memory_space<vmem_shared>>
          tpu.enqueue_indirect_dma source(%arg8 : memref<128x128xf32, #tpu.memory_space<vmem>>) target(%dma_start3A_181 : memref<10112x128xf32, #tpu.memory_space<vmem_shared>>) offsets(%dma_start3A_178 : memref<128xi32, #tpu.memory_space<vmem>>) semaphore(%run_scoped3A_175 : memref<!tpu.dma_semaphore, #tpu.memory_space<semaphore_mem>>) {add = true}
          %dma_wait3A_182 = arith.constant 0 : i32
          %dma_wait3A_183 = tpu.memref_slice %arg5[%run_scoped3A, %dma_wait3A_182] : memref<2x128xi32, #tpu.memory_space<vmem>> -> memref<1x128xi32, #tpu.memory_space<vmem>>
          %dma_wait3A_184 = tpu.memref_squeeze %dma_wait3A_183 : memref<1x128xi32, #tpu.memory_space<vmem>> -> memref<128xi32, #tpu.memory_space<vmem>>
          %dma_wait3A_185 = arith.constant 0 : i32
          %dma_wait3A_186 = arith.constant 0 : i32
          %dma_wait3A_187 = tpu.memref_slice %arg11[%dma_wait3A_185, %dma_wait3A_186] : memref<10112x128xf32, #tpu.memory_space<vmem_shared>> -> memref<10112x128xf32, #tpu.memory_space<vmem_shared>>
          tpu.wait_indirect_dma semaphore(%run_scoped3A_175 : memref<!tpu.dma_semaphore, #tpu.memory_space<semaphore_mem>>) src(%arg8 : memref<128x128xf32, #tpu.memory_space<vmem>>) dst(%dma_wait3A_187 : memref<10112x128xf32, #tpu.memory_space<vmem_shared>>)
          tpu.yield
        }) : () -> ()
        %add3A_111 = arith.constant 3 : i32
        %add3A_112 = arith.addi %add3A_96, %add3A_111 : i32
        %lt3A_113 = arith.constant 123 : i32
        %lt3A_114 = arith.cmpi slt, %add3A_112, %lt3A_113 : i32
        %convert_element_type3A_115 = arith.extui %lt3A_114 : i1 to i32
        %cond3A_116 = arith.constant 0 : i32
        %cond3A_117 = arith.cmpi ne, %convert_element_type3A_115, %cond3A_116 : i32
        scf.if %cond3A_117 {
          %add3A_175 = arith.constant 3 : i32
          %add3A_176 = arith.addi %add3A_96, %add3A_175 : i32
          %dma_start3A_177 = arith.constant 0 : i32
          %dma_start3A_178 = arith.constant 0 : i32
          %dma_start3A_179 = tpu.memref_slice %arg3[%add3A, %add3A_176, %dma_start3A_177, %dma_start3A_178] : memref<32x123x2x128xi32, #tpu.memory_space<hbm>> -> memref<1x1x2x128xi32, #tpu.memory_space<hbm>>
          %dma_start3A_180 = tpu.memref_squeeze %dma_start3A_179 : memref<1x1x2x128xi32, #tpu.memory_space<hbm>> -> memref<2x128xi32, #tpu.memory_space<hbm>>
          %dma_start3A_181 = arith.constant 0 : i32
          %dma_start3A_182 = arith.constant 0 : i32
          %dma_start3A_183 = tpu.memref_slice %arg3[%add3A, %add3A_176, %dma_start3A_181, %dma_start3A_182] : memref<32x123x2x128xi32, #tpu.memory_space<hbm>> -> memref<1x1x2x128xi32, #tpu.memory_space<hbm>>
          %dma_start3A_184 = tpu.memref_squeeze %dma_start3A_183 : memref<1x1x2x128xi32, #tpu.memory_space<hbm>> -> memref<2x128xi32, #tpu.memory_space<hbm>>
          tpu.enqueue_dma source(%dma_start3A_184 : memref<2x128xi32, #tpu.memory_space<hbm>>) target(%arg5 : memref<2x128xi32, #tpu.memory_space<vmem>>) target_semaphore(%arg12 : memref<!tpu.dma_semaphore, #tpu.memory_space<semaphore_mem>>)
        } else {
        }
        %mul3A_118 = arith.constant 3 : i32
        %mul3A_119 = arith.muli %mul3A_118, %scan3A_91 : i32
        %add3A_120 = arith.constant 1 : i32
        %add3A_121 = arith.addi %mul3A_119, %add3A_120 : i32
        %dma_wait3A_122 = arith.constant 0 : i32
        %dma_wait3A_123 = arith.constant 0 : i32
        %dma_wait3A_124 = tpu.memref_slice %arg6[%dma_wait3A_122, %dma_wait3A_123] : memref<2x128xi32, #tpu.memory_space<vmem>> -> memref<1x128xi32, #tpu.memory_space<vmem>>
        %dma_wait3A_125 = tpu.memref_squeeze %dma_wait3A_124 : memref<1x128xi32, #tpu.memory_space<vmem>> -> memref<128xi32, #tpu.memory_space<vmem>>
        %dma_wait3A_126 = arith.constant 0 : i32
        %dma_wait3A_127 = arith.constant 0 : i32
        %dma_wait3A_128 = tpu.memref_slice %arg2[%dma_wait3A_126, %dma_wait3A_127] : memref<10000x128xf32, #tpu.memory_space<hbm>> -> memref<10000x128xf32, #tpu.memory_space<hbm>>
        tpu.wait_indirect_dma semaphore(%arg16 : memref<!tpu.dma_semaphore, #tpu.memory_space<semaphore_mem>>) src(%dma_wait3A_128 : memref<10000x128xf32, #tpu.memory_space<hbm>>) dst(%arg9 : memref<128x128xf32, #tpu.memory_space<vmem>>)
        %add3A_129 = arith.constant 3 : i32
        %add3A_130 = arith.addi %add3A_121, %add3A_129 : i32
        %sub3A_131 = arith.constant 1 : i32
        %sub3A_132 = arith.subi %add3A_130, %sub3A_131 : i32
        %lt3A_133 = arith.constant 123 : i32
        %lt3A_134 = arith.cmpi slt, %sub3A_132, %lt3A_133 : i32
        %convert_element_type3A_135 = arith.extui %lt3A_134 : i1 to i32
        %cond3A_136 = arith.constant 0 : i32
        %cond3A_137 = arith.cmpi ne, %convert_element_type3A_135, %cond3A_136 : i32
        scf.if %cond3A_137 {
          %dma_wait3A_175 = arith.constant 0 : i32
          %dma_wait3A_176 = arith.constant 0 : i32
          %dma_wait3A_177 = arith.constant 0 : i32
          %dma_wait3A_178 = tpu.memref_slice %arg3[%add3A, %dma_wait3A_175, %dma_wait3A_176, %dma_wait3A_177] : memref<32x123x2x128xi32, #tpu.memory_space<hbm>> -> memref<1x1x2x128xi32, #tpu.memory_space<hbm>>
          %dma_wait3A_179 = tpu.memref_squeeze %dma_wait3A_178 : memref<1x1x2x128xi32, #tpu.memory_space<hbm>> -> memref<2x128xi32, #tpu.memory_space<hbm>>
          %dma_wait3A_180 = arith.constant 0 : i32
          %dma_wait3A_181 = arith.constant 0 : i32
          %dma_wait3A_182 = tpu.memref_slice %arg3[%add3A, %dma_wait3A_175, %dma_wait3A_180, %dma_wait3A_181] : memref<32x123x2x128xi32, #tpu.memory_space<hbm>> -> memref<1x1x2x128xi32, #tpu.memory_space<hbm>>
          %dma_wait3A_183 = tpu.memref_squeeze %dma_wait3A_182 : memref<1x1x2x128xi32, #tpu.memory_space<hbm>> -> memref<2x128xi32, #tpu.memory_space<hbm>>
          tpu.wait_dma2 semaphore(%arg12 : memref<!tpu.dma_semaphore, #tpu.memory_space<semaphore_mem>>) src(%dma_wait3A_183 : memref<2x128xi32, #tpu.memory_space<hbm>>) dst(%arg5 : memref<2x128xi32, #tpu.memory_space<vmem>>)
          %dma_start3A_184 = arith.constant 0 : i32
          %dma_start3A_185 = arith.constant 0 : i32
          %dma_start3A_186 = tpu.memref_slice %arg5[%dma_start3A_184, %dma_start3A_185] : memref<2x128xi32, #tpu.memory_space<vmem>> -> memref<1x128xi32, #tpu.memory_space<vmem>>
          %dma_start3A_187 = tpu.memref_squeeze %dma_start3A_186 : memref<1x128xi32, #tpu.memory_space<vmem>> -> memref<128xi32, #tpu.memory_space<vmem>>
          %dma_start3A_188 = arith.constant 0 : i32
          %dma_start3A_189 = arith.constant 0 : i32
          %dma_start3A_190 = tpu.memref_slice %arg2[%dma_start3A_188, %dma_start3A_189] : memref<10000x128xf32, #tpu.memory_space<hbm>> -> memref<10000x128xf32, #tpu.memory_space<hbm>>
          tpu.enqueue_indirect_dma source(%dma_start3A_190 : memref<10000x128xf32, #tpu.memory_space<hbm>>) target(%arg8 : memref<128x128xf32, #tpu.memory_space<vmem>>) offsets(%dma_start3A_187 : memref<128xi32, #tpu.memory_space<vmem>>) semaphore(%arg15 : memref<!tpu.dma_semaphore, #tpu.memory_space<semaphore_mem>>)
        } else {
        }
        %run_scoped3A_138 = arith.constant 1 : i32
        "tpu.region"() ({
          %run_scoped3A_175 = tpu.sem_alloc : memref<!tpu.dma_semaphore, #tpu.memory_space<semaphore_mem>>
          %dma_start3A_176 = arith.constant 0 : i32
          %dma_start3A_177 = tpu.memref_slice %arg6[%run_scoped3A_138, %dma_start3A_176] : memref<2x128xi32, #tpu.memory_space<vmem>> -> memref<1x128xi32, #tpu.memory_space<vmem>>
          %dma_start3A_178 = tpu.memref_squeeze %dma_start3A_177 : memref<1x128xi32, #tpu.memory_space<vmem>> -> memref<128xi32, #tpu.memory_space<vmem>>
          %dma_start3A_179 = arith.constant 0 : i32
          %dma_start3A_180 = arith.constant 0 : i32
          %dma_start3A_181 = tpu.memref_slice %arg11[%dma_start3A_179, %dma_start3A_180] : memref<10112x128xf32, #tpu.memory_space<vmem_shared>> -> memref<10112x128xf32, #tpu.memory_space<vmem_shared>>
          tpu.enqueue_indirect_dma source(%arg9 : memref<128x128xf32, #tpu.memory_space<vmem>>) target(%dma_start3A_181 : memref<10112x128xf32, #tpu.memory_space<vmem_shared>>) offsets(%dma_start3A_178 : memref<128xi32, #tpu.memory_space<vmem>>) semaphore(%run_scoped3A_175 : memref<!tpu.dma_semaphore, #tpu.memory_space<semaphore_mem>>) {add = true}
          %dma_wait3A_182 = arith.constant 0 : i32
          %dma_wait3A_183 = tpu.memref_slice %arg6[%run_scoped3A_138, %dma_wait3A_182] : memref<2x128xi32, #tpu.memory_space<vmem>> -> memref<1x128xi32, #tpu.memory_space<vmem>>
          %dma_wait3A_184 = tpu.memref_squeeze %dma_wait3A_183 : memref<1x128xi32, #tpu.memory_space<vmem>> -> memref<128xi32, #tpu.memory_space<vmem>>
          %dma_wait3A_185 = arith.constant 0 : i32
          %dma_wait3A_186 = arith.constant 0 : i32
          %dma_wait3A_187 = tpu.memref_slice %arg11[%dma_wait3A_185, %dma_wait3A_186] : memref<10112x128xf32, #tpu.memory_space<vmem_shared>> -> memref<10112x128xf32, #tpu.memory_space<vmem_shared>>
          tpu.wait_indirect_dma semaphore(%run_scoped3A_175 : memref<!tpu.dma_semaphore, #tpu.memory_space<semaphore_mem>>) src(%arg9 : memref<128x128xf32, #tpu.memory_space<vmem>>) dst(%dma_wait3A_187 : memref<10112x128xf32, #tpu.memory_space<vmem_shared>>)
          tpu.yield
        }) : () -> ()
        %add3A_139 = arith.constant 3 : i32
        %add3A_140 = arith.addi %add3A_121, %add3A_139 : i32
        %lt3A_141 = arith.constant 123 : i32
        %lt3A_142 = arith.cmpi slt, %add3A_140, %lt3A_141 : i32
        %convert_element_type3A_143 = arith.extui %lt3A_142 : i1 to i32
        %cond3A_144 = arith.constant 0 : i32
        %cond3A_145 = arith.cmpi ne, %convert_element_type3A_143, %cond3A_144 : i32
        scf.if %cond3A_145 {
          %add3A_175 = arith.constant 3 : i32
          %add3A_176 = arith.addi %add3A_121, %add3A_175 : i32
          %dma_start3A_177 = arith.constant 0 : i32
          %dma_start3A_178 = arith.constant 0 : i32
          %dma_start3A_179 = tpu.memref_slice %arg3[%add3A, %add3A_176, %dma_start3A_177, %dma_start3A_178] : memref<32x123x2x128xi32, #tpu.memory_space<hbm>> -> memref<1x1x2x128xi32, #tpu.memory_space<hbm>>
          %dma_start3A_180 = tpu.memref_squeeze %dma_start3A_179 : memref<1x1x2x128xi32, #tpu.memory_space<hbm>> -> memref<2x128xi32, #tpu.memory_space<hbm>>
          %dma_start3A_181 = arith.constant 0 : i32
          %dma_start3A_182 = arith.constant 0 : i32
          %dma_start3A_183 = tpu.memref_slice %arg3[%add3A, %add3A_176, %dma_start3A_181, %dma_start3A_182] : memref<32x123x2x128xi32, #tpu.memory_space<hbm>> -> memref<1x1x2x128xi32, #tpu.memory_space<hbm>>
          %dma_start3A_184 = tpu.memref_squeeze %dma_start3A_183 : memref<1x1x2x128xi32, #tpu.memory_space<hbm>> -> memref<2x128xi32, #tpu.memory_space<hbm>>
          tpu.enqueue_dma source(%dma_start3A_184 : memref<2x128xi32, #tpu.memory_space<hbm>>) target(%arg6 : memref<2x128xi32, #tpu.memory_space<vmem>>) target_semaphore(%arg13 : memref<!tpu.dma_semaphore, #tpu.memory_space<semaphore_mem>>)
        } else {
        }
        %mul3A_146 = arith.constant 3 : i32
        %mul3A_147 = arith.muli %mul3A_146, %scan3A_91 : i32
        %add3A_148 = arith.constant 2 : i32
        %add3A_149 = arith.addi %mul3A_147, %add3A_148 : i32
        %dma_wait3A_150 = arith.constant 0 : i32
        %dma_wait3A_151 = arith.constant 0 : i32
        %dma_wait3A_152 = tpu.memref_slice %arg7[%dma_wait3A_150, %dma_wait3A_151] : memref<2x128xi32, #tpu.memory_space<vmem>> -> memref<1x128xi32, #tpu.memory_space<vmem>>
        %dma_wait3A_153 = tpu.memref_squeeze %dma_wait3A_152 : memref<1x128xi32, #tpu.memory_space<vmem>> -> memref<128xi32, #tpu.memory_space<vmem>>
        %dma_wait3A_154 = arith.constant 0 : i32
        %dma_wait3A_155 = arith.constant 0 : i32
        %dma_wait3A_156 = tpu.memref_slice %arg2[%dma_wait3A_154, %dma_wait3A_155] : memref<10000x128xf32, #tpu.memory_space<hbm>> -> memref<10000x128xf32, #tpu.memory_space<hbm>>
        tpu.wait_indirect_dma semaphore(%arg17 : memref<!tpu.dma_semaphore, #tpu.memory_space<semaphore_mem>>) src(%dma_wait3A_156 : memref<10000x128xf32, #tpu.memory_space<hbm>>) dst(%arg10 : memref<128x128xf32, #tpu.memory_space<vmem>>)
        %add3A_157 = arith.constant 3 : i32
        %add3A_158 = arith.addi %add3A_149, %add3A_157 : i32
        %sub3A_159 = arith.constant 1 : i32
        %sub3A_160 = arith.subi %add3A_158, %sub3A_159 : i32
        %lt3A_161 = arith.constant 123 : i32
        %lt3A_162 = arith.cmpi slt, %sub3A_160, %lt3A_161 : i32
        %convert_element_type3A_163 = arith.extui %lt3A_162 : i1 to i32
        %cond3A_164 = arith.constant 0 : i32
        %cond3A_165 = arith.cmpi ne, %convert_element_type3A_163, %cond3A_164 : i32
        scf.if %cond3A_165 {
          %dma_wait3A_175 = arith.constant 0 : i32
          %dma_wait3A_176 = arith.constant 0 : i32
          %dma_wait3A_177 = arith.constant 0 : i32
          %dma_wait3A_178 = tpu.memref_slice %arg3[%add3A, %dma_wait3A_175, %dma_wait3A_176, %dma_wait3A_177] : memref<32x123x2x128xi32, #tpu.memory_space<hbm>> -> memref<1x1x2x128xi32, #tpu.memory_space<hbm>>
          %dma_wait3A_179 = tpu.memref_squeeze %dma_wait3A_178 : memref<1x1x2x128xi32, #tpu.memory_space<hbm>> -> memref<2x128xi32, #tpu.memory_space<hbm>>
          %dma_wait3A_180 = arith.constant 0 : i32
          %dma_wait3A_181 = arith.constant 0 : i32
          %dma_wait3A_182 = tpu.memref_slice %arg3[%add3A, %dma_wait3A_175, %dma_wait3A_180, %dma_wait3A_181] : memref<32x123x2x128xi32, #tpu.memory_space<hbm>> -> memref<1x1x2x128xi32, #tpu.memory_space<hbm>>
          %dma_wait3A_183 = tpu.memref_squeeze %dma_wait3A_182 : memref<1x1x2x128xi32, #tpu.memory_space<hbm>> -> memref<2x128xi32, #tpu.memory_space<hbm>>
          tpu.wait_dma2 semaphore(%arg13 : memref<!tpu.dma_semaphore, #tpu.memory_space<semaphore_mem>>) src(%dma_wait3A_183 : memref<2x128xi32, #tpu.memory_space<hbm>>) dst(%arg6 : memref<2x128xi32, #tpu.memory_space<vmem>>)
          %dma_start3A_184 = arith.constant 0 : i32
          %dma_start3A_185 = arith.constant 0 : i32
          %dma_start3A_186 = tpu.memref_slice %arg6[%dma_start3A_184, %dma_start3A_185] : memref<2x128xi32, #tpu.memory_space<vmem>> -> memref<1x128xi32, #tpu.memory_space<vmem>>
          %dma_start3A_187 = tpu.memref_squeeze %dma_start3A_186 : memref<1x128xi32, #tpu.memory_space<vmem>> -> memref<128xi32, #tpu.memory_space<vmem>>
          %dma_start3A_188 = arith.constant 0 : i32
          %dma_start3A_189 = arith.constant 0 : i32
          %dma_start3A_190 = tpu.memref_slice %arg2[%dma_start3A_188, %dma_start3A_189] : memref<10000x128xf32, #tpu.memory_space<hbm>> -> memref<10000x128xf32, #tpu.memory_space<hbm>>
          tpu.enqueue_indirect_dma source(%dma_start3A_190 : memref<10000x128xf32, #tpu.memory_space<hbm>>) target(%arg9 : memref<128x128xf32, #tpu.memory_space<vmem>>) offsets(%dma_start3A_187 : memref<128xi32, #tpu.memory_space<vmem>>) semaphore(%arg16 : memref<!tpu.dma_semaphore, #tpu.memory_space<semaphore_mem>>)
        } else {
        }
        %run_scoped3A_166 = arith.constant 1 : i32
        "tpu.region"() ({
          %run_scoped3A_175 = tpu.sem_alloc : memref<!tpu.dma_semaphore, #tpu.memory_space<semaphore_mem>>
          %dma_start3A_176 = arith.constant 0 : i32
          %dma_start3A_177 = tpu.memref_slice %arg7[%run_scoped3A_166, %dma_start3A_176] : memref<2x128xi32, #tpu.memory_space<vmem>> -> memref<1x128xi32, #tpu.memory_space<vmem>>
          %dma_start3A_178 = tpu.memref_squeeze %dma_start3A_177 : memref<1x128xi32, #tpu.memory_space<vmem>> -> memref<128xi32, #tpu.memory_space<vmem>>
          %dma_start3A_179 = arith.constant 0 : i32
          %dma_start3A_180 = arith.constant 0 : i32
          %dma_start3A_181 = tpu.memref_slice %arg11[%dma_start3A_179, %dma_start3A_180] : memref<10112x128xf32, #tpu.memory_space<vmem_shared>> -> memref<10112x128xf32, #tpu.memory_space<vmem_shared>>
          tpu.enqueue_indirect_dma source(%arg10 : memref<128x128xf32, #tpu.memory_space<vmem>>) target(%dma_start3A_181 : memref<10112x128xf32, #tpu.memory_space<vmem_shared>>) offsets(%dma_start3A_178 : memref<128xi32, #tpu.memory_space<vmem>>) semaphore(%run_scoped3A_175 : memref<!tpu.dma_semaphore, #tpu.memory_space<semaphore_mem>>) {add = true}
          %dma_wait3A_182 = arith.constant 0 : i32
          %dma_wait3A_183 = tpu.memref_slice %arg7[%run_scoped3A_166, %dma_wait3A_182] : memref<2x128xi32, #tpu.memory_space<vmem>> -> memref<1x128xi32, #tpu.memory_space<vmem>>
          %dma_wait3A_184 = tpu.memref_squeeze %dma_wait3A_183 : memref<1x128xi32, #tpu.memory_space<vmem>> -> memref<128xi32, #tpu.memory_space<vmem>>
          %dma_wait3A_185 = arith.constant 0 : i32
          %dma_wait3A_186 = arith.constant 0 : i32
          %dma_wait3A_187 = tpu.memref_slice %arg11[%dma_wait3A_185, %dma_wait3A_186] : memref<10112x128xf32, #tpu.memory_space<vmem_shared>> -> memref<10112x128xf32, #tpu.memory_space<vmem_shared>>
          tpu.wait_indirect_dma semaphore(%run_scoped3A_175 : memref<!tpu.dma_semaphore, #tpu.memory_space<semaphore_mem>>) src(%arg10 : memref<128x128xf32, #tpu.memory_space<vmem>>) dst(%dma_wait3A_187 : memref<10112x128xf32, #tpu.memory_space<vmem_shared>>)
          tpu.yield
        }) : () -> ()
        %add3A_167 = arith.constant 3 : i32
        %add3A_168 = arith.addi %add3A_149, %add3A_167 : i32
        %lt3A_169 = arith.constant 123 : i32
        %lt3A_170 = arith.cmpi slt, %add3A_168, %lt3A_169 : i32
        %convert_element_type3A_171 = arith.extui %lt3A_170 : i1 to i32
        %cond3A_172 = arith.constant 0 : i32
        %cond3A_173 = arith.cmpi ne, %convert_element_type3A_171, %cond3A_172 : i32
        scf.if %cond3A_173 {
          %add3A_175 = arith.constant 3 : i32
          %add3A_176 = arith.addi %add3A_149, %add3A_175 : i32
          %dma_start3A_177 = arith.constant 0 : i32
          %dma_start3A_178 = arith.constant 0 : i32
          %dma_start3A_179 = tpu.memref_slice %arg3[%add3A, %add3A_176, %dma_start3A_177, %dma_start3A_178] : memref<32x123x2x128xi32, #tpu.memory_space<hbm>> -> memref<1x1x2x128xi32, #tpu.memory_space<hbm>>
          %dma_start3A_180 = tpu.memref_squeeze %dma_start3A_179 : memref<1x1x2x128xi32, #tpu.memory_space<hbm>> -> memref<2x128xi32, #tpu.memory_space<hbm>>
          %dma_start3A_181 = arith.constant 0 : i32
          %dma_start3A_182 = arith.constant 0 : i32
          %dma_start3A_183 = tpu.memref_slice %arg3[%add3A, %add3A_176, %dma_start3A_181, %dma_start3A_182] : memref<32x123x2x128xi32, #tpu.memory_space<hbm>> -> memref<1x1x2x128xi32, #tpu.memory_space<hbm>>
          %dma_start3A_184 = tpu.memref_squeeze %dma_start3A_183 : memref<1x1x2x128xi32, #tpu.memory_space<hbm>> -> memref<2x128xi32, #tpu.memory_space<hbm>>
          tpu.enqueue_dma source(%dma_start3A_184 : memref<2x128xi32, #tpu.memory_space<hbm>>) target(%arg7 : memref<2x128xi32, #tpu.memory_space<vmem>>) target_semaphore(%arg14 : memref<!tpu.dma_semaphore, #tpu.memory_space<semaphore_mem>>)
        } else {
        }
        %scan3A_174 = arith.constant 0 : i32
        scf.yield %scan3A_174 : i32
      }
      %scan3A_90 = arith.constant 41 : i32
    } else {
    }
    %eq3A_21 = arith.constant 1 : i32
    %eq3A_22 = arith.cmpi eq, %arg0, %eq3A_21 : i32
    %convert_element_type3A_23 = arith.extui %eq3A_22 : i1 to i32
    %cond3A_24 = arith.constant 0 : i32
    %cond3A_25 = arith.cmpi ne, %convert_element_type3A_23, %cond3A_24 : i32
    scf.if %cond3A_25 {
      %dma_start3A = arith.constant 0 : i32
      %dma_start3A_27 = arith.constant 0 : i32
      %dma_start3A_28 = arith.constant 0 : i32
      %dma_start3A_29 = tpu.memref_slice %arg3[%add3A, %dma_start3A, %dma_start3A_27, %dma_start3A_28] : memref<32x123x2x128xi32, #tpu.memory_space<hbm>> -> memref<1x1x2x128xi32, #tpu.memory_space<hbm>>
      %dma_start3A_30 = tpu.memref_squeeze %dma_start3A_29 : memref<1x1x2x128xi32, #tpu.memory_space<hbm>> -> memref<2x128xi32, #tpu.memory_space<hbm>>
      %dma_start3A_31 = arith.constant 0 : i32
      %dma_start3A_32 = arith.constant 0 : i32
      %dma_start3A_33 = tpu.memref_slice %arg3[%add3A, %dma_start3A, %dma_start3A_31, %dma_start3A_32] : memref<32x123x2x128xi32, #tpu.memory_space<hbm>> -> memref<1x1x2x128xi32, #tpu.memory_space<hbm>>
      %dma_start3A_34 = tpu.memref_squeeze %dma_start3A_33 : memref<1x1x2x128xi32, #tpu.memory_space<hbm>> -> memref<2x128xi32, #tpu.memory_space<hbm>>
      tpu.enqueue_dma source(%dma_start3A_34 : memref<2x128xi32, #tpu.memory_space<hbm>>) target(%arg5 : memref<2x128xi32, #tpu.memory_space<vmem>>) target_semaphore(%arg12 : memref<!tpu.dma_semaphore, #tpu.memory_space<semaphore_mem>>)
      %dma_start3A_35 = arith.constant 1 : i32
      %dma_start3A_36 = arith.constant 0 : i32
      %dma_start3A_37 = arith.constant 0 : i32
      %dma_start3A_38 = tpu.memref_slice %arg3[%add3A, %dma_start3A_35, %dma_start3A_36, %dma_start3A_37] : memref<32x123x2x128xi32, #tpu.memory_space<hbm>> -> memref<1x1x2x128xi32, #tpu.memory_space<hbm>>
      %dma_start3A_39 = tpu.memref_squeeze %dma_start3A_38 : memref<1x1x2x128xi32, #tpu.memory_space<hbm>> -> memref<2x128xi32, #tpu.memory_space<hbm>>
      %dma_start3A_40 = arith.constant 0 : i32
      %dma_start3A_41 = arith.constant 0 : i32
      %dma_start3A_42 = tpu.memref_slice %arg3[%add3A, %dma_start3A_35, %dma_start3A_40, %dma_start3A_41] : memref<32x123x2x128xi32, #tpu.memory_space<hbm>> -> memref<1x1x2x128xi32, #tpu.memory_space<hbm>>
      %dma_start3A_43 = tpu.memref_squeeze %dma_start3A_42 : memref<1x1x2x128xi32, #tpu.memory_space<hbm>> -> memref<2x128xi32, #tpu.memory_space<hbm>>
      tpu.enqueue_dma source(%dma_start3A_43 : memref<2x128xi32, #tpu.memory_space<hbm>>) target(%arg6 : memref<2x128xi32, #tpu.memory_space<vmem>>) target_semaphore(%arg13 : memref<!tpu.dma_semaphore, #tpu.memory_space<semaphore_mem>>)
      %scan3A_44 = arith.constant 0 : i32
      %scan3A_45 = arith.constant 0 : i32
      %scan3A_46 = arith.constant 17 : i32
      %scan3A_47 = arith.addi %scan3A_45, %scan3A_46 : i32
      %scan3A_48 = arith.constant 1 : i32
      %scan3A_49 = scf.for %scan3A_51 = %scan3A_45 to %scan3A_47 step %scan3A_48 iter_args(%scan3A_52 = %scan3A_44) -> (i32)  : i32 {
        %mul3A_53 = arith.constant 2 : i32
        %mul3A_54 = arith.muli %mul3A_53, %scan3A_51 : i32
        %dma_wait3A = arith.constant 0 : i32
        %dma_wait3A_55 = arith.constant 0 : i32
        %dma_wait3A_56 = arith.constant 0 : i32
        %dma_wait3A_57 = tpu.memref_slice %arg3[%add3A, %dma_wait3A, %dma_wait3A_55, %dma_wait3A_56] : memref<32x123x2x128xi32, #tpu.memory_space<hbm>> -> memref<1x1x2x128xi32, #tpu.memory_space<hbm>>
        %dma_wait3A_58 = tpu.memref_squeeze %dma_wait3A_57 : memref<1x1x2x128xi32, #tpu.memory_space<hbm>> -> memref<2x128xi32, #tpu.memory_space<hbm>>
        %dma_wait3A_59 = arith.constant 0 : i32
        %dma_wait3A_60 = arith.constant 0 : i32
        %dma_wait3A_61 = tpu.memref_slice %arg3[%add3A, %dma_wait3A, %dma_wait3A_59, %dma_wait3A_60] : memref<32x123x2x128xi32, #tpu.memory_space<hbm>> -> memref<1x1x2x128xi32, #tpu.memory_space<hbm>>
        %dma_wait3A_62 = tpu.memref_squeeze %dma_wait3A_61 : memref<1x1x2x128xi32, #tpu.memory_space<hbm>> -> memref<2x128xi32, #tpu.memory_space<hbm>>
        tpu.wait_dma2 semaphore(%arg12 : memref<!tpu.dma_semaphore, #tpu.memory_space<semaphore_mem>>) src(%dma_wait3A_62 : memref<2x128xi32, #tpu.memory_space<hbm>>) dst(%arg5 : memref<2x128xi32, #tpu.memory_space<vmem>>)
        %dma_start3A_63 = arith.constant 0 : i32
        %dma_start3A_64 = arith.constant 0 : i32
        %dma_start3A_65 = tpu.memref_slice %arg5[%dma_start3A_63, %dma_start3A_64] : memref<2x128xi32, #tpu.memory_space<vmem>> -> memref<1x128xi32, #tpu.memory_space<vmem>>
        %dma_start3A_66 = tpu.memref_squeeze %dma_start3A_65 : memref<1x128xi32, #tpu.memory_space<vmem>> -> memref<128xi32, #tpu.memory_space<vmem>>
        %dma_start3A_67 = arith.constant 0 : i32
        %dma_start3A_68 = arith.constant 0 : i32
        %dma_start3A_69 = tpu.memref_slice %arg2[%dma_start3A_67, %dma_start3A_68] : memref<10000x128xf32, #tpu.memory_space<hbm>> -> memref<10000x128xf32, #tpu.memory_space<hbm>>
        tpu.enqueue_indirect_dma source(%dma_start3A_69 : memref<10000x128xf32, #tpu.memory_space<hbm>>) target(%arg8 : memref<128x128xf32, #tpu.memory_space<vmem>>) offsets(%dma_start3A_66 : memref<128xi32, #tpu.memory_space<vmem>>) semaphore(%arg15 : memref<!tpu.dma_semaphore, #tpu.memory_space<semaphore_mem>>)
        %dma_wait3A_70 = arith.constant 0 : i32
        %dma_wait3A_71 = arith.constant 0 : i32
        %dma_wait3A_72 = tpu.memref_slice %arg5[%dma_wait3A_70, %dma_wait3A_71] : memref<2x128xi32, #tpu.memory_space<vmem>> -> memref<1x128xi32, #tpu.memory_space<vmem>>
        %dma_wait3A_73 = tpu.memref_squeeze %dma_wait3A_72 : memref<1x128xi32, #tpu.memory_space<vmem>> -> memref<128xi32, #tpu.memory_space<vmem>>
        %dma_wait3A_74 = arith.constant 0 : i32
        %dma_wait3A_75 = arith.constant 0 : i32
        %dma_wait3A_76 = tpu.memref_slice %arg2[%dma_wait3A_74, %dma_wait3A_75] : memref<10000x128xf32, #tpu.memory_space<hbm>> -> memref<10000x128xf32, #tpu.memory_space<hbm>>
        tpu.wait_indirect_dma semaphore(%arg15 : memref<!tpu.dma_semaphore, #tpu.memory_space<semaphore_mem>>) src(%dma_wait3A_76 : memref<10000x128xf32, #tpu.memory_space<hbm>>) dst(%arg8 : memref<128x128xf32, #tpu.memory_space<vmem>>)
        %run_scoped3A = arith.constant 1 : i32
        "tpu.region"() ({
          %run_scoped3A_119 = tpu.sem_alloc : memref<!tpu.dma_semaphore, #tpu.memory_space<semaphore_mem>>
          %dma_start3A_120 = arith.constant 0 : i32
          %dma_start3A_121 = tpu.memref_slice %arg5[%run_scoped3A, %dma_start3A_120] : memref<2x128xi32, #tpu.memory_space<vmem>> -> memref<1x128xi32, #tpu.memory_space<vmem>>
          %dma_start3A_122 = tpu.memref_squeeze %dma_start3A_121 : memref<1x128xi32, #tpu.memory_space<vmem>> -> memref<128xi32, #tpu.memory_space<vmem>>
          %dma_start3A_123 = arith.constant 0 : i32
          %dma_start3A_124 = arith.constant 0 : i32
          %dma_start3A_125 = tpu.memref_slice %arg11[%dma_start3A_123, %dma_start3A_124] : memref<10112x128xf32, #tpu.memory_space<vmem_shared>> -> memref<10112x128xf32, #tpu.memory_space<vmem_shared>>
          tpu.enqueue_indirect_dma source(%arg8 : memref<128x128xf32, #tpu.memory_space<vmem>>) target(%dma_start3A_125 : memref<10112x128xf32, #tpu.memory_space<vmem_shared>>) offsets(%dma_start3A_122 : memref<128xi32, #tpu.memory_space<vmem>>) semaphore(%run_scoped3A_119 : memref<!tpu.dma_semaphore, #tpu.memory_space<semaphore_mem>>) {add = true}
          %dma_wait3A_126 = arith.constant 0 : i32
          %dma_wait3A_127 = tpu.memref_slice %arg5[%run_scoped3A, %dma_wait3A_126] : memref<2x128xi32, #tpu.memory_space<vmem>> -> memref<1x128xi32, #tpu.memory_space<vmem>>
          %dma_wait3A_128 = tpu.memref_squeeze %dma_wait3A_127 : memref<1x128xi32, #tpu.memory_space<vmem>> -> memref<128xi32, #tpu.memory_space<vmem>>
          %dma_wait3A_129 = arith.constant 0 : i32
          %dma_wait3A_130 = arith.constant 0 : i32
          %dma_wait3A_131 = tpu.memref_slice %arg11[%dma_wait3A_129, %dma_wait3A_130] : memref<10112x128xf32, #tpu.memory_space<vmem_shared>> -> memref<10112x128xf32, #tpu.memory_space<vmem_shared>>
          tpu.wait_indirect_dma semaphore(%run_scoped3A_119 : memref<!tpu.dma_semaphore, #tpu.memory_space<semaphore_mem>>) src(%arg8 : memref<128x128xf32, #tpu.memory_space<vmem>>) dst(%dma_wait3A_131 : memref<10112x128xf32, #tpu.memory_space<vmem_shared>>)
          tpu.yield
        }) : () -> ()
        %add3A_77 = arith.constant 2 : i32
        %add3A_78 = arith.addi %mul3A_54, %add3A_77 : i32
        %lt3A = arith.constant 34 : i32
        %lt3A_79 = arith.cmpi slt, %add3A_78, %lt3A : i32
        %convert_element_type3A_80 = arith.extui %lt3A_79 : i1 to i32
        %cond3A_81 = arith.constant 0 : i32
        %cond3A_82 = arith.cmpi ne, %convert_element_type3A_80, %cond3A_81 : i32
        scf.if %cond3A_82 {
          %add3A_119 = arith.constant 2 : i32
          %add3A_120 = arith.addi %mul3A_54, %add3A_119 : i32
          %dma_start3A_121 = arith.constant 0 : i32
          %dma_start3A_122 = arith.constant 0 : i32
          %dma_start3A_123 = tpu.memref_slice %arg3[%add3A, %add3A_120, %dma_start3A_121, %dma_start3A_122] : memref<32x123x2x128xi32, #tpu.memory_space<hbm>> -> memref<1x1x2x128xi32, #tpu.memory_space<hbm>>
          %dma_start3A_124 = tpu.memref_squeeze %dma_start3A_123 : memref<1x1x2x128xi32, #tpu.memory_space<hbm>> -> memref<2x128xi32, #tpu.memory_space<hbm>>
          %dma_start3A_125 = arith.constant 0 : i32
          %dma_start3A_126 = arith.constant 0 : i32
          %dma_start3A_127 = tpu.memref_slice %arg3[%add3A, %add3A_120, %dma_start3A_125, %dma_start3A_126] : memref<32x123x2x128xi32, #tpu.memory_space<hbm>> -> memref<1x1x2x128xi32, #tpu.memory_space<hbm>>
          %dma_start3A_128 = tpu.memref_squeeze %dma_start3A_127 : memref<1x1x2x128xi32, #tpu.memory_space<hbm>> -> memref<2x128xi32, #tpu.memory_space<hbm>>
          tpu.enqueue_dma source(%dma_start3A_128 : memref<2x128xi32, #tpu.memory_space<hbm>>) target(%arg5 : memref<2x128xi32, #tpu.memory_space<vmem>>) target_semaphore(%arg12 : memref<!tpu.dma_semaphore, #tpu.memory_space<semaphore_mem>>)
        } else {
        }
        %mul3A_83 = arith.constant 2 : i32
        %mul3A_84 = arith.muli %mul3A_83, %scan3A_51 : i32
        %add3A_85 = arith.constant 1 : i32
        %add3A_86 = arith.addi %mul3A_84, %add3A_85 : i32
        %dma_wait3A_87 = arith.constant 0 : i32
        %dma_wait3A_88 = arith.constant 0 : i32
        %dma_wait3A_89 = arith.constant 0 : i32
        %dma_wait3A_90 = tpu.memref_slice %arg3[%add3A, %dma_wait3A_87, %dma_wait3A_88, %dma_wait3A_89] : memref<32x123x2x128xi32, #tpu.memory_space<hbm>> -> memref<1x1x2x128xi32, #tpu.memory_space<hbm>>
        %dma_wait3A_91 = tpu.memref_squeeze %dma_wait3A_90 : memref<1x1x2x128xi32, #tpu.memory_space<hbm>> -> memref<2x128xi32, #tpu.memory_space<hbm>>
        %dma_wait3A_92 = arith.constant 0 : i32
        %dma_wait3A_93 = arith.constant 0 : i32
        %dma_wait3A_94 = tpu.memref_slice %arg3[%add3A, %dma_wait3A_87, %dma_wait3A_92, %dma_wait3A_93] : memref<32x123x2x128xi32, #tpu.memory_space<hbm>> -> memref<1x1x2x128xi32, #tpu.memory_space<hbm>>
        %dma_wait3A_95 = tpu.memref_squeeze %dma_wait3A_94 : memref<1x1x2x128xi32, #tpu.memory_space<hbm>> -> memref<2x128xi32, #tpu.memory_space<hbm>>
        tpu.wait_dma2 semaphore(%arg13 : memref<!tpu.dma_semaphore, #tpu.memory_space<semaphore_mem>>) src(%dma_wait3A_95 : memref<2x128xi32, #tpu.memory_space<hbm>>) dst(%arg6 : memref<2x128xi32, #tpu.memory_space<vmem>>)
        %dma_start3A_96 = arith.constant 0 : i32
        %dma_start3A_97 = arith.constant 0 : i32
        %dma_start3A_98 = tpu.memref_slice %arg6[%dma_start3A_96, %dma_start3A_97] : memref<2x128xi32, #tpu.memory_space<vmem>> -> memref<1x128xi32, #tpu.memory_space<vmem>>
        %dma_start3A_99 = tpu.memref_squeeze %dma_start3A_98 : memref<1x128xi32, #tpu.memory_space<vmem>> -> memref<128xi32, #tpu.memory_space<vmem>>
        %dma_start3A_100 = arith.constant 0 : i32
        %dma_start3A_101 = arith.constant 0 : i32
        %dma_start3A_102 = tpu.memref_slice %arg2[%dma_start3A_100, %dma_start3A_101] : memref<10000x128xf32, #tpu.memory_space<hbm>> -> memref<10000x128xf32, #tpu.memory_space<hbm>>
        tpu.enqueue_indirect_dma source(%dma_start3A_102 : memref<10000x128xf32, #tpu.memory_space<hbm>>) target(%arg9 : memref<128x128xf32, #tpu.memory_space<vmem>>) offsets(%dma_start3A_99 : memref<128xi32, #tpu.memory_space<vmem>>) semaphore(%arg16 : memref<!tpu.dma_semaphore, #tpu.memory_space<semaphore_mem>>)
        %dma_wait3A_103 = arith.constant 0 : i32
        %dma_wait3A_104 = arith.constant 0 : i32
        %dma_wait3A_105 = tpu.memref_slice %arg6[%dma_wait3A_103, %dma_wait3A_104] : memref<2x128xi32, #tpu.memory_space<vmem>> -> memref<1x128xi32, #tpu.memory_space<vmem>>
        %dma_wait3A_106 = tpu.memref_squeeze %dma_wait3A_105 : memref<1x128xi32, #tpu.memory_space<vmem>> -> memref<128xi32, #tpu.memory_space<vmem>>
        %dma_wait3A_107 = arith.constant 0 : i32
        %dma_wait3A_108 = arith.constant 0 : i32
        %dma_wait3A_109 = tpu.memref_slice %arg2[%dma_wait3A_107, %dma_wait3A_108] : memref<10000x128xf32, #tpu.memory_space<hbm>> -> memref<10000x128xf32, #tpu.memory_space<hbm>>
        tpu.wait_indirect_dma semaphore(%arg16 : memref<!tpu.dma_semaphore, #tpu.memory_space<semaphore_mem>>) src(%dma_wait3A_109 : memref<10000x128xf32, #tpu.memory_space<hbm>>) dst(%arg9 : memref<128x128xf32, #tpu.memory_space<vmem>>)
        %run_scoped3A_110 = arith.constant 1 : i32
        "tpu.region"() ({
          %run_scoped3A_119 = tpu.sem_alloc : memref<!tpu.dma_semaphore, #tpu.memory_space<semaphore_mem>>
          %dma_start3A_120 = arith.constant 0 : i32
          %dma_start3A_121 = tpu.memref_slice %arg6[%run_scoped3A_110, %dma_start3A_120] : memref<2x128xi32, #tpu.memory_space<vmem>> -> memref<1x128xi32, #tpu.memory_space<vmem>>
          %dma_start3A_122 = tpu.memref_squeeze %dma_start3A_121 : memref<1x128xi32, #tpu.memory_space<vmem>> -> memref<128xi32, #tpu.memory_space<vmem>>
          %dma_start3A_123 = arith.constant 0 : i32
          %dma_start3A_124 = arith.constant 0 : i32
          %dma_start3A_125 = tpu.memref_slice %arg11[%dma_start3A_123, %dma_start3A_124] : memref<10112x128xf32, #tpu.memory_space<vmem_shared>> -> memref<10112x128xf32, #tpu.memory_space<vmem_shared>>
          tpu.enqueue_indirect_dma source(%arg9 : memref<128x128xf32, #tpu.memory_space<vmem>>) target(%dma_start3A_125 : memref<10112x128xf32, #tpu.memory_space<vmem_shared>>) offsets(%dma_start3A_122 : memref<128xi32, #tpu.memory_space<vmem>>) semaphore(%run_scoped3A_119 : memref<!tpu.dma_semaphore, #tpu.memory_space<semaphore_mem>>) {add = true}
          %dma_wait3A_126 = arith.constant 0 : i32
          %dma_wait3A_127 = tpu.memref_slice %arg6[%run_scoped3A_110, %dma_wait3A_126] : memref<2x128xi32, #tpu.memory_space<vmem>> -> memref<1x128xi32, #tpu.memory_space<vmem>>
          %dma_wait3A_128 = tpu.memref_squeeze %dma_wait3A_127 : memref<1x128xi32, #tpu.memory_space<vmem>> -> memref<128xi32, #tpu.memory_space<vmem>>
          %dma_wait3A_129 = arith.constant 0 : i32
          %dma_wait3A_130 = arith.constant 0 : i32
          %dma_wait3A_131 = tpu.memref_slice %arg11[%dma_wait3A_129, %dma_wait3A_130] : memref<10112x128xf32, #tpu.memory_space<vmem_shared>> -> memref<10112x128xf32, #tpu.memory_space<vmem_shared>>
          tpu.wait_indirect_dma semaphore(%run_scoped3A_119 : memref<!tpu.dma_semaphore, #tpu.memory_space<semaphore_mem>>) src(%arg9 : memref<128x128xf32, #tpu.memory_space<vmem>>) dst(%dma_wait3A_131 : memref<10112x128xf32, #tpu.memory_space<vmem_shared>>)
          tpu.yield
        }) : () -> ()
        %add3A_111 = arith.constant 2 : i32
        %add3A_112 = arith.addi %add3A_86, %add3A_111 : i32
        %lt3A_113 = arith.constant 34 : i32
        %lt3A_114 = arith.cmpi slt, %add3A_112, %lt3A_113 : i32
        %convert_element_type3A_115 = arith.extui %lt3A_114 : i1 to i32
        %cond3A_116 = arith.constant 0 : i32
        %cond3A_117 = arith.cmpi ne, %convert_element_type3A_115, %cond3A_116 : i32
        scf.if %cond3A_117 {
          %add3A_119 = arith.constant 2 : i32
          %add3A_120 = arith.addi %add3A_86, %add3A_119 : i32
          %dma_start3A_121 = arith.constant 0 : i32
          %dma_start3A_122 = arith.constant 0 : i32
          %dma_start3A_123 = tpu.memref_slice %arg3[%add3A, %add3A_120, %dma_start3A_121, %dma_start3A_122] : memref<32x123x2x128xi32, #tpu.memory_space<hbm>> -> memref<1x1x2x128xi32, #tpu.memory_space<hbm>>
          %dma_start3A_124 = tpu.memref_squeeze %dma_start3A_123 : memref<1x1x2x128xi32, #tpu.memory_space<hbm>> -> memref<2x128xi32, #tpu.memory_space<hbm>>
          %dma_start3A_125 = arith.constant 0 : i32
          %dma_start3A_126 = arith.constant 0 : i32
          %dma_start3A_127 = tpu.memref_slice %arg3[%add3A, %add3A_120, %dma_start3A_125, %dma_start3A_126] : memref<32x123x2x128xi32, #tpu.memory_space<hbm>> -> memref<1x1x2x128xi32, #tpu.memory_space<hbm>>
          %dma_start3A_128 = tpu.memref_squeeze %dma_start3A_127 : memref<1x1x2x128xi32, #tpu.memory_space<hbm>> -> memref<2x128xi32, #tpu.memory_space<hbm>>
          tpu.enqueue_dma source(%dma_start3A_128 : memref<2x128xi32, #tpu.memory_space<hbm>>) target(%arg6 : memref<2x128xi32, #tpu.memory_space<vmem>>) target_semaphore(%arg13 : memref<!tpu.dma_semaphore, #tpu.memory_space<semaphore_mem>>)
        } else {
        }
        %scan3A_118 = arith.constant 0 : i32
        scf.yield %scan3A_118 : i32
      }
      %scan3A_50 = arith.constant 17 : i32
    } else {
    }
    %barrier3A_26 = arith.constant 0 : index
    tpu.barrier barrier_id(%barrier3A_26)
    "tpu.region"() ({
      %run_scoped3A = tpu.sem_alloc : memref<!tpu.dma_semaphore, #tpu.memory_space<semaphore_mem>>
      %dma_start3A = arith.constant 0 : i32
      %dma_start3A_27 = tpu.memref_slice %arg4[%arg0, %mul3A_8, %dma_start3A] : memref<2x10112x128xf32, #tpu.memory_space<hbm>> -> memref<1x632x128xf32, #tpu.memory_space<hbm>>
      %dma_start3A_28 = tpu.memref_squeeze %dma_start3A_27 : memref<1x632x128xf32, #tpu.memory_space<hbm>> -> memref<632x128xf32, #tpu.memory_space<hbm>>
      %dma_start3A_29 = arith.constant 0 : i32
      %dma_start3A_30 = tpu.memref_slice %arg11[%mul3A_8, %dma_start3A_29] : memref<10112x128xf32, #tpu.memory_space<vmem_shared>> -> memref<632x128xf32, #tpu.memory_space<vmem_shared>>
      tpu.enqueue_dma source(%dma_start3A_30 : memref<632x128xf32, #tpu.memory_space<vmem_shared>>) target(%dma_start3A_28 : memref<632x128xf32, #tpu.memory_space<hbm>>) target_semaphore(%run_scoped3A : memref<!tpu.dma_semaphore, #tpu.memory_space<semaphore_mem>>)
      %dma_wait3A = arith.constant 0 : i32
      %dma_wait3A_31 = tpu.memref_slice %arg4[%arg0, %mul3A_8, %dma_wait3A] : memref<2x10112x128xf32, #tpu.memory_space<hbm>> -> memref<1x632x128xf32, #tpu.memory_space<hbm>>
      %dma_wait3A_32 = tpu.memref_squeeze %dma_wait3A_31 : memref<1x632x128xf32, #tpu.memory_space<hbm>> -> memref<632x128xf32, #tpu.memory_space<hbm>>
      %dma_wait3A_33 = arith.constant 0 : i32
      %dma_wait3A_34 = tpu.memref_slice %arg11[%mul3A_8, %dma_wait3A_33] : memref<10112x128xf32, #tpu.memory_space<vmem_shared>> -> memref<632x128xf32, #tpu.memory_space<vmem_shared>>
      tpu.wait_dma2 semaphore(%run_scoped3A : memref<!tpu.dma_semaphore, #tpu.memory_space<semaphore_mem>>) src(%dma_wait3A_34 : memref<632x128xf32, #tpu.memory_space<vmem_shared>>) dst(%dma_wait3A_32 : memref<632x128xf32, #tpu.memory_space<hbm>>)
      tpu.yield
    }) : () -> ()
    return
  }
}

module attributes {stable_mosaic.version = 14 : i64} {
  func.func @_mm_body(%arg0: i32, %arg1: memref<1000x128xf32, #tpu.memory_space<vmem>>, %arg2: memref<128x128xf32, #tpu.memory_space<vmem>>, %arg3: memref<1000x128xf32, #tpu.memory_space<vmem>>) attributes {dimension_semantics = [#tpu.dimension_semantics<arbitrary>], iteration_bounds = array<i64: 10>, scalar_prefetch = 0 : i64, scratch_operands = 0 : i64, tpu.core_type = #tpu.core_type<tc>, window_params = [{transform_indices = @transform_0, window_bounds = array<i64: 1000, 128>}, {pipeline_mode = #tpu.pipeline_mode<synchronous>, transform_indices = @transform_1, window_bounds = array<i64: 128, 128>}, {transform_indices = @transform_2, window_bounds = array<i64: 1000, 128>}]} {
    %get3A = arith.constant 0 : index
    %get3A_0 = arith.constant 0 : index
    %get3A_1 = vector.load %arg1[%get3A, %get3A_0] : memref<1000x128xf32, #tpu.memory_space<vmem>>, vector<1000x128xf32>
    %get3A_2 = arith.constant 0 : index
    %get3A_3 = arith.constant 0 : index
    %get3A_4 = vector.load %arg2[%get3A_2, %get3A_3] : memref<128x128xf32, #tpu.memory_space<vmem>>, vector<128x128xf32>
    %dot_general3A = arith.constant dense<0.000000e+00> : vector<1000x128xf32>
    %dot_general3A_5 = tpu.matmul %get3A_1, %get3A_4, %dot_general3A {dimension_numbers = #tpu.dot_dimension_numbers<[1], [0], [0], [1], [0, 0, 1, 1], [], []>, transpose_lhs_hint = false} : vector<1000x128xf32>, vector<128x128xf32>, vector<1000x128xf32> -> vector<1000x128xf32>
    %swap3A = arith.constant 0 : index
    %swap3A_6 = arith.constant 0 : index
    %swap3A_7 = vector.load %arg3[%swap3A, %swap3A_6] : memref<1000x128xf32, #tpu.memory_space<vmem>>, vector<1000x128xf32>
    tpu.vector_store %arg3[%swap3A, %swap3A_6], %dot_general3A_5 {strides = array<i32>} : memref<1000x128xf32, #tpu.memory_space<vmem>>, vector<1000x128xf32>,
    return
  }
  func.func @transform_0(%arg0: i32) -> (i32, i32) {
    %c0_i32 = arith.constant 0 : i32
    %c0_i32_0 = arith.constant 0 : i32
    return %arg0, %c0_i32 : i32, i32
  }
  func.func @transform_1(%arg0: i32) -> (i32, i32) {
    %c0_i32 = arith.constant 0 : i32
    %c0_i32_0 = arith.constant 0 : i32
    %c0_i32_1 = arith.constant 0 : i32
    return %c0_i32, %c0_i32_0 : i32, i32
  }
  func.func @transform_2(%arg0: i32) -> (i32, i32) {
    %c0_i32 = arith.constant 0 : i32
    %c0_i32_0 = arith.constant 0 : i32
    return %arg0, %c0_i32 : i32, i32
  }
}

module attributes {stable_mosaic.version = 14 : i64} {
  func.func @_dis_y1_body(%arg0: i32, %arg1: memref<1x1000x128xf32, #tpu.memory_space<vmem>>, %arg2: memref<1x1000x128xf32, #tpu.memory_space<vmem>>, %arg3: memref<1000x128xf32, #tpu.memory_space<vmem>>, %arg4: memref<1000x1xf32, #tpu.memory_space<vmem>>, %arg5: memref<1000x128xf32, #tpu.memory_space<vmem>>) attributes {dimension_semantics = [#tpu.dimension_semantics<arbitrary>], iteration_bounds = array<i64: 10>, scalar_prefetch = 0 : i64, scratch_operands = 0 : i64, tpu.core_type = #tpu.core_type<tc>, window_params = [{transform_indices = @transform_0, window_bounds = array<i64: 1, 1000, 128>}, {transform_indices = @transform_1, window_bounds = array<i64: 1, 1000, 128>}, {transform_indices = @transform_2, window_bounds = array<i64: 1000, 128>}, {transform_indices = @transform_3, window_bounds = array<i64: 1000, 1>}, {transform_indices = @transform_4, window_bounds = array<i64: 1000, 128>}]} {
    %get3A = arith.constant 0 : index
    %get3A_0 = arith.constant 0 : index
    %get3A_1 = arith.constant 0 : index
    %get3A_2 = vector.load %arg1[%get3A, %get3A_0, %get3A_1] : memref<1x1000x128xf32, #tpu.memory_space<vmem>>, vector<1x1000x128xf32>
    %get3A_3 = vector.shape_cast %get3A_2 : vector<1x1000x128xf32> to vector<1000x128xf32>
    %slice3A = vector.extract_strided_slice %get3A_3 {offsets = [0, 0], sizes = [1000, 1], strides = [1, 1]} : vector<1000x128xf32> to vector<1000x1xf32>
    %add3A = arith.constant 1.000000e+00 : f32
    %add3A_4 = vector.broadcast %add3A : f32 to vector<1000x1xf32>
    %add3A_5 = arith.addf %add3A_4, %slice3A : vector<1000x1xf32>
    %get3A_6 = arith.constant 0 : index
    %get3A_7 = arith.constant 0 : index
    %get3A_8 = arith.constant 0 : index
    %get3A_9 = vector.load %arg2[%get3A_6, %get3A_7, %get3A_8] : memref<1x1000x128xf32, #tpu.memory_space<vmem>>, vector<1x1000x128xf32>
    %get3A_10 = vector.shape_cast %get3A_9 : vector<1x1000x128xf32> to vector<1000x128xf32>
    %slice3A_11 = vector.extract_strided_slice %get3A_10 {offsets = [0, 0], sizes = [1000, 1], strides = [1, 1]} : vector<1000x128xf32> to vector<1000x1xf32>
    %add3A_12 = arith.addf %add3A_5, %slice3A_11 : vector<1000x1xf32>
    %rsqrt3A = math.rsqrt %add3A_12 : vector<1000x1xf32>
    %swap3A = arith.constant 0 : index
    %swap3A_13 = arith.constant 0 : index
    %swap3A_14 = vector.load %arg4[%swap3A, %swap3A_13] : memref<1000x1xf32, #tpu.memory_space<vmem>>, vector<1000x1xf32>
    tpu.vector_store %arg4[%swap3A, %swap3A_13], %rsqrt3A {strides = array<i32>} : memref<1000x1xf32, #tpu.memory_space<vmem>>, vector<1000x1xf32>,
    %get3A_15 = arith.constant 0 : index
    %get3A_16 = arith.constant 0 : index
    %get3A_17 = vector.load %arg3[%get3A_15, %get3A_16] : memref<1000x128xf32, #tpu.memory_space<vmem>>, vector<1000x128xf32>
    %mul3A = vector.broadcast %rsqrt3A : vector<1000x1xf32> to vector<1000x128xf32>
    %mul3A_18 = arith.mulf %mul3A, %get3A_17 : vector<1000x128xf32>
    %swap3A_19 = arith.constant 0 : index
    %swap3A_20 = arith.constant 0 : index
    %swap3A_21 = vector.load %arg5[%swap3A_19, %swap3A_20] : memref<1000x128xf32, #tpu.memory_space<vmem>>, vector<1000x128xf32>
    tpu.vector_store %arg5[%swap3A_19, %swap3A_20], %mul3A_18 {strides = array<i32>} : memref<1000x128xf32, #tpu.memory_space<vmem>>, vector<1000x128xf32>,
    return
  }
  func.func @transform_0(%arg0: i32) -> (i32, i32, i32) {
    %c0_i32 = arith.constant 0 : i32
    %c0_i32_0 = arith.constant 0 : i32
    %c0_i32_1 = arith.constant 0 : i32
    return %c0_i32, %arg0, %c0_i32_0 : i32, i32, i32
  }
  func.func @transform_1(%arg0: i32) -> (i32, i32, i32) {
    %c1_i32 = arith.constant 1 : i32
    %c0_i32 = arith.constant 0 : i32
    %c0_i32_0 = arith.constant 0 : i32
    return %c1_i32, %arg0, %c0_i32 : i32, i32, i32
  }
  func.func @transform_2(%arg0: i32) -> (i32, i32) {
    %c0_i32 = arith.constant 0 : i32
    %c0_i32_0 = arith.constant 0 : i32
    return %arg0, %c0_i32 : i32, i32
  }
  func.func @transform_3(%arg0: i32) -> (i32, i32) {
    %c0_i32 = arith.constant 0 : i32
    %c0_i32_0 = arith.constant 0 : i32
    return %arg0, %c0_i32 : i32, i32
  }
  func.func @transform_4(%arg0: i32) -> (i32, i32) {
    %c0_i32 = arith.constant 0 : i32
    %c0_i32_0 = arith.constant 0 : i32
    return %arg0, %c0_i32 : i32, i32
  }
}

module attributes {stable_mosaic.version = 14 : i64} {
  func.func @_post_body(%arg0: i32, %arg1: memref<1x1000x128xf32, #tpu.memory_space<vmem>>, %arg2: memref<1x1000x128xf32, #tpu.memory_space<vmem>>, %arg3: memref<1000x128xf32, #tpu.memory_space<vmem>>, %arg4: memref<1000x1xf32, #tpu.memory_space<vmem>>, %arg5: memref<1x128xf32, #tpu.memory_space<vmem>>, %arg6: memref<1000x128xf32, #tpu.memory_space<vmem>>, %arg7: memref<8x128xf32, #tpu.memory_space<vmem>>) attributes {dimension_semantics = [#tpu.dimension_semantics<arbitrary>], iteration_bounds = array<i64: 10>, scalar_prefetch = 0 : i64, scratch_operands = 0 : i64, tpu.core_type = #tpu.core_type<tc>, window_params = [{transform_indices = @transform_0, window_bounds = array<i64: 1, 1000, 128>}, {transform_indices = @transform_1, window_bounds = array<i64: 1, 1000, 128>}, {transform_indices = @transform_2, window_bounds = array<i64: 1000, 128>}, {transform_indices = @transform_3, window_bounds = array<i64: 1000, 1>}, {pipeline_mode = #tpu.pipeline_mode<synchronous>, transform_indices = @transform_4, window_bounds = array<i64: 1, 128>}, {transform_indices = @transform_5, window_bounds = array<i64: 1000, 128>}, {pipeline_mode = #tpu.pipeline_mode<synchronous>, transform_indices = @transform_6, window_bounds = array<i64: 8, 128>}]} {
    %get3A = arith.constant 0 : index
    %get3A_0 = arith.constant 0 : index
    %get3A_1 = vector.load %arg4[%get3A, %get3A_0] : memref<1000x1xf32, #tpu.memory_space<vmem>>, vector<1000x1xf32>
    %get3A_2 = arith.constant 0 : index
    %get3A_3 = arith.constant 0 : index
    %get3A_4 = arith.constant 0 : index
    %get3A_5 = vector.load %arg1[%get3A_2, %get3A_3, %get3A_4] : memref<1x1000x128xf32, #tpu.memory_space<vmem>>, vector<1x1000x128xf32>
    %get3A_6 = vector.shape_cast %get3A_5 : vector<1x1000x128xf32> to vector<1000x128xf32>
    %get3A_7 = arith.constant 0 : index
    %get3A_8 = arith.constant 0 : index
    %get3A_9 = arith.constant 0 : index
    %get3A_10 = vector.load %arg2[%get3A_7, %get3A_8, %get3A_9] : memref<1x1000x128xf32, #tpu.memory_space<vmem>>, vector<1x1000x128xf32>
    %get3A_11 = vector.shape_cast %get3A_10 : vector<1x1000x128xf32> to vector<1000x128xf32>
    %add3A = arith.addf %get3A_6, %get3A_11 : vector<1000x128xf32>
    %get3A_12 = arith.constant 0 : index
    %get3A_13 = arith.constant 0 : index
    %get3A_14 = vector.load %arg3[%get3A_12, %get3A_13] : memref<1000x128xf32, #tpu.memory_space<vmem>>, vector<1000x128xf32>
    %add3A_15 = arith.addf %add3A, %get3A_14 : vector<1000x128xf32>
    %mul3A = vector.broadcast %get3A_1 : vector<1000x1xf32> to vector<1000x128xf32>
    %mul3A_16 = arith.mulf %mul3A, %add3A_15 : vector<1000x128xf32>
    %get3A_17 = arith.constant 0 : index
    %get3A_18 = arith.constant 0 : index
    %get3A_19 = vector.load %arg5[%get3A_17, %get3A_18] : memref<1x128xf32, #tpu.memory_space<vmem>>, vector<1x128xf32>
    %add3A_20 = vector.broadcast %get3A_19 : vector<1x128xf32> to vector<1000x128xf32>
    %add3A_21 = arith.addf %mul3A_16, %add3A_20 : vector<1000x128xf32>
    %max3A = arith.constant 0.000000e+00 : f32
    %max3A_22 = vector.broadcast %max3A : f32 to vector<1000x128xf32>
    %max3A_23 = arith.maximumf %add3A_21, %max3A_22 : vector<1000x128xf32>
    %swap3A = arith.constant 0 : index
    %swap3A_24 = arith.constant 0 : index
    %swap3A_25 = vector.load %arg6[%swap3A, %swap3A_24] : memref<1000x128xf32, #tpu.memory_space<vmem>>, vector<1000x128xf32>
    tpu.vector_store %arg6[%swap3A, %swap3A_24], %max3A_23 {strides = array<i32>} : memref<1000x128xf32, #tpu.memory_space<vmem>>, vector<1000x128xf32>,
    %reduce_sum3A = arith.constant dense<0.000000e+00> : vector<128xf32>
    %reduce_sum3A_26 = vector.multi_reduction <add>, %max3A_23, %reduce_sum3A [0] : vector<1000x128xf32> to vector<128xf32>
    %broadcast_in_dim3A = vector.shape_cast %reduce_sum3A_26 : vector<128xf32> to vector<1x128xf32>
    %mul3A_27 = arith.mulf %max3A_23, %max3A_23 : vector<1000x128xf32>
    %reduce_sum3A_28 = arith.constant dense<0.000000e+00> : vector<128xf32>
    %reduce_sum3A_29 = vector.multi_reduction <add>, %mul3A_27, %reduce_sum3A_28 [0] : vector<1000x128xf32> to vector<128xf32>
    %broadcast_in_dim3A_30 = vector.shape_cast %reduce_sum3A_29 : vector<128xf32> to vector<1x128xf32>
    %broadcast_in_dim3A_31 = arith.constant 0.000000e+00 : f32
    %broadcast_in_dim3A_32 = vector.broadcast %broadcast_in_dim3A_31 : f32 to vector<6x128xf32>
    %concatenate3A = tpu.concatenate %broadcast_in_dim3A, %broadcast_in_dim3A_30, %broadcast_in_dim3A_32 in 0 : vector<1x128xf32>, vector<1x128xf32>, vector<6x128xf32> -> vector<8x128xf32>
    %eq3A = arith.constant 0 : i32
    %eq3A_33 = arith.cmpi eq, %arg0, %eq3A : i32
    %convert_element_type3A = arith.extui %eq3A_33 : i1 to i32
    %cond3A = arith.constant 0 : i32
    %cond3A_34 = arith.cmpi ne, %convert_element_type3A, %cond3A : i32
    scf.if %cond3A_34 {
      %swap3A_39 = arith.constant 0 : index
      %swap3A_40 = arith.constant 0 : index
      %swap3A_41 = vector.load %arg7[%swap3A_39, %swap3A_40] : memref<8x128xf32, #tpu.memory_space<vmem>>, vector<8x128xf32>
      tpu.vector_store %arg7[%swap3A_39, %swap3A_40], %concatenate3A {strides = array<i32>} : memref<8x128xf32, #tpu.memory_space<vmem>>, vector<8x128xf32>,
    } else {
    }
    %ne3A = arith.constant 0 : i32
    %ne3A_35 = arith.cmpi ne, %arg0, %ne3A : i32
    %convert_element_type3A_36 = arith.extui %ne3A_35 : i1 to i32
    %cond3A_37 = arith.constant 0 : i32
    %cond3A_38 = arith.cmpi ne, %convert_element_type3A_36, %cond3A_37 : i32
    scf.if %cond3A_38 {
      %get3A_39 = arith.constant 0 : index
      %get3A_40 = arith.constant 0 : index
      %get3A_41 = vector.load %arg7[%get3A_39, %get3A_40] : memref<8x128xf32, #tpu.memory_space<vmem>>, vector<8x128xf32>
      %add3A_42 = arith.addf %get3A_41, %concatenate3A : vector<8x128xf32>
      %swap3A_43 = arith.constant 0 : index
      %swap3A_44 = arith.constant 0 : index
      %swap3A_45 = vector.load %arg7[%swap3A_43, %swap3A_44] : memref<8x128xf32, #tpu.memory_space<vmem>>, vector<8x128xf32>
      tpu.vector_store %arg7[%swap3A_43, %swap3A_44], %add3A_42 {strides = array<i32>} : memref<8x128xf32, #tpu.memory_space<vmem>>, vector<8x128xf32>,
    } else {
    }
    return
  }
  func.func @transform_0(%arg0: i32) -> (i32, i32, i32) {
    %c0_i32 = arith.constant 0 : i32
    %c0_i32_0 = arith.constant 0 : i32
    %c0_i32_1 = arith.constant 0 : i32
    return %c0_i32, %arg0, %c0_i32_0 : i32, i32, i32
  }
  func.func @transform_1(%arg0: i32) -> (i32, i32, i32) {
    %c1_i32 = arith.constant 1 : i32
    %c0_i32 = arith.constant 0 : i32
    %c0_i32_0 = arith.constant 0 : i32
    return %c1_i32, %arg0, %c0_i32 : i32, i32, i32
  }
  func.func @transform_2(%arg0: i32) -> (i32, i32) {
    %c0_i32 = arith.constant 0 : i32
    %c0_i32_0 = arith.constant 0 : i32
    return %arg0, %c0_i32 : i32, i32
  }
  func.func @transform_3(%arg0: i32) -> (i32, i32) {
    %c0_i32 = arith.constant 0 : i32
    %c0_i32_0 = arith.constant 0 : i32
    return %arg0, %c0_i32 : i32, i32
  }
  func.func @transform_4(%arg0: i32) -> (i32, i32) {
    %c0_i32 = arith.constant 0 : i32
    %c0_i32_0 = arith.constant 0 : i32
    %c0_i32_1 = arith.constant 0 : i32
    return %c0_i32, %c0_i32_0 : i32, i32
  }
  func.func @transform_5(%arg0: i32) -> (i32, i32) {
    %c0_i32 = arith.constant 0 : i32
    %c0_i32_0 = arith.constant 0 : i32
    return %arg0, %c0_i32 : i32, i32
  }
  func.func @transform_6(%arg0: i32) -> (i32, i32) {
    %c0_i32 = arith.constant 0 : i32
    %c0_i32_0 = arith.constant 0 : i32
    %c0_i32_1 = arith.constant 0 : i32
    return %c0_i32, %c0_i32_0 : i32, i32
  }
}

module attributes {stable_mosaic.version = 14 : i64} {
  func.func @_mm_bn_body(%arg0: i32, %arg1: memref<1000x128xf32, #tpu.memory_space<vmem>>, %arg2: memref<8x128xf32, #tpu.memory_space<vmem>>, %arg3: memref<1x128xf32, #tpu.memory_space<vmem>>, %arg4: memref<1x128xf32, #tpu.memory_space<vmem>>, %arg5: memref<128x128xf32, #tpu.memory_space<vmem>>, %arg6: memref<1000x1xf32, #tpu.memory_space<vmem>>, %arg7: memref<1000x128xf32, #tpu.memory_space<vmem>>) attributes {dimension_semantics = [#tpu.dimension_semantics<arbitrary>], iteration_bounds = array<i64: 10>, scalar_prefetch = 0 : i64, scratch_operands = 0 : i64, tpu.core_type = #tpu.core_type<tc>, window_params = [{transform_indices = @transform_0, window_bounds = array<i64: 1000, 128>}, {pipeline_mode = #tpu.pipeline_mode<synchronous>, transform_indices = @transform_1, window_bounds = array<i64: 8, 128>}, {pipeline_mode = #tpu.pipeline_mode<synchronous>, transform_indices = @transform_2, window_bounds = array<i64: 1, 128>}, {pipeline_mode = #tpu.pipeline_mode<synchronous>, transform_indices = @transform_3, window_bounds = array<i64: 1, 128>}, {pipeline_mode = #tpu.pipeline_mode<synchronous>, transform_indices = @transform_4, window_bounds = array<i64: 128, 128>}, {transform_indices = @transform_5, window_bounds = array<i64: 1000, 1>}, {transform_indices = @transform_6, window_bounds = array<i64: 1000, 128>}]} {
    %get3A = arith.constant 0 : index
    %get3A_0 = arith.constant 0 : index
    %get3A_1 = vector.load %arg1[%get3A, %get3A_0] : memref<1000x128xf32, #tpu.memory_space<vmem>>, vector<1000x128xf32>
    %get3A_2 = arith.constant 0 : index
    %get3A_3 = arith.constant 0 : index
    %get3A_4 = vector.load %arg2[%get3A_2, %get3A_3] : memref<8x128xf32, #tpu.memory_space<vmem>>, vector<8x128xf32>
    %get3A_5 = arith.constant 0 : index
    %get3A_6 = arith.constant 0 : index
    %get3A_7 = vector.load %arg3[%get3A_5, %get3A_6] : memref<1x128xf32, #tpu.memory_space<vmem>>, vector<1x128xf32>
    %get3A_8 = arith.constant 0 : index
    %get3A_9 = arith.constant 0 : index
    %get3A_10 = vector.load %arg4[%get3A_8, %get3A_9] : memref<1x128xf32, #tpu.memory_space<vmem>>, vector<1x128xf32>
    %slice3A = vector.extract_strided_slice %get3A_4 {offsets = [0, 0], sizes = [1, 128], strides = [1, 1]} : vector<8x128xf32> to vector<1x128xf32>
    %mul3A = arith.constant 9.99999974E-5 : f32
    %mul3A_11 = vector.broadcast %mul3A : f32 to vector<1x128xf32>
    %mul3A_12 = arith.mulf %slice3A, %mul3A_11 : vector<1x128xf32>
    %slice3A_13 = vector.extract_strided_slice %get3A_4 {offsets = [1, 0], sizes = [1, 128], strides = [1, 1]} : vector<8x128xf32> to vector<1x128xf32>
    %mul3A_14 = arith.constant 9.99999974E-5 : f32
    %mul3A_15 = vector.broadcast %mul3A_14 : f32 to vector<1x128xf32>
    %mul3A_16 = arith.mulf %slice3A_13, %mul3A_15 : vector<1x128xf32>
    %mul3A_17 = arith.mulf %mul3A_12, %mul3A_12 : vector<1x128xf32>
    %sub3A = arith.subf %mul3A_16, %mul3A_17 : vector<1x128xf32>
    %add3A = arith.constant 9.99999974E-6 : f32
    %add3A_18 = vector.broadcast %add3A : f32 to vector<1x128xf32>
    %add3A_19 = arith.addf %sub3A, %add3A_18 : vector<1x128xf32>
    %rsqrt3A = math.rsqrt %add3A_19 : vector<1x128xf32>
    %sub3A_20 = vector.broadcast %mul3A_12 : vector<1x128xf32> to vector<1000x128xf32>
    %sub3A_21 = arith.subf %get3A_1, %sub3A_20 : vector<1000x128xf32>
    %mul3A_22 = vector.broadcast %rsqrt3A : vector<1x128xf32> to vector<1000x128xf32>
    %mul3A_23 = arith.mulf %sub3A_21, %mul3A_22 : vector<1000x128xf32>
    %mul3A_24 = vector.broadcast %get3A_7 : vector<1x128xf32> to vector<1000x128xf32>
    %mul3A_25 = arith.mulf %mul3A_23, %mul3A_24 : vector<1000x128xf32>
    %add3A_26 = vector.broadcast %get3A_10 : vector<1x128xf32> to vector<1000x128xf32>
    %add3A_27 = arith.addf %mul3A_25, %add3A_26 : vector<1000x128xf32>
    %get3A_28 = arith.constant 0 : index
    %get3A_29 = arith.constant 0 : index
    %get3A_30 = vector.load %arg6[%get3A_28, %get3A_29] : memref<1000x1xf32, #tpu.memory_space<vmem>>, vector<1000x1xf32>
    %get3A_31 = arith.constant 0 : index
    %get3A_32 = arith.constant 0 : index
    %get3A_33 = vector.load %arg5[%get3A_31, %get3A_32] : memref<128x128xf32, #tpu.memory_space<vmem>>, vector<128x128xf32>
    %dot_general3A = arith.constant dense<0.000000e+00> : vector<1000x128xf32>
    %dot_general3A_34 = tpu.matmul %add3A_27, %get3A_33, %dot_general3A {dimension_numbers = #tpu.dot_dimension_numbers<[1], [0], [0], [1], [0, 0, 1, 1], [], []>, transpose_lhs_hint = false} : vector<1000x128xf32>, vector<128x128xf32>, vector<1000x128xf32> -> vector<1000x128xf32>
    %mul3A_35 = vector.broadcast %get3A_30 : vector<1000x1xf32> to vector<1000x128xf32>
    %mul3A_36 = arith.mulf %mul3A_35, %dot_general3A_34 : vector<1000x128xf32>
    %swap3A = arith.constant 0 : index
    %swap3A_37 = arith.constant 0 : index
    %swap3A_38 = vector.load %arg7[%swap3A, %swap3A_37] : memref<1000x128xf32, #tpu.memory_space<vmem>>, vector<1000x128xf32>
    tpu.vector_store %arg7[%swap3A, %swap3A_37], %mul3A_36 {strides = array<i32>} : memref<1000x128xf32, #tpu.memory_space<vmem>>, vector<1000x128xf32>,
    return
  }
  func.func @transform_0(%arg0: i32) -> (i32, i32) {
    %c0_i32 = arith.constant 0 : i32
    %c0_i32_0 = arith.constant 0 : i32
    return %arg0, %c0_i32 : i32, i32
  }
  func.func @transform_1(%arg0: i32) -> (i32, i32) {
    %c0_i32 = arith.constant 0 : i32
    %c0_i32_0 = arith.constant 0 : i32
    %c0_i32_1 = arith.constant 0 : i32
    return %c0_i32, %c0_i32_0 : i32, i32
  }
  func.func @transform_2(%arg0: i32) -> (i32, i32) {
    %c0_i32 = arith.constant 0 : i32
    %c0_i32_0 = arith.constant 0 : i32
    %c0_i32_1 = arith.constant 0 : i32
    return %c0_i32, %c0_i32_0 : i32, i32
  }
  func.func @transform_3(%arg0: i32) -> (i32, i32) {
    %c0_i32 = arith.constant 0 : i32
    %c0_i32_0 = arith.constant 0 : i32
    %c0_i32_1 = arith.constant 0 : i32
    return %c0_i32, %c0_i32_0 : i32, i32
  }
  func.func @transform_4(%arg0: i32) -> (i32, i32) {
    %c0_i32 = arith.constant 0 : i32
    %c0_i32_0 = arith.constant 0 : i32
    %c0_i32_1 = arith.constant 0 : i32
    return %c0_i32, %c0_i32_0 : i32, i32
  }
  func.func @transform_5(%arg0: i32) -> (i32, i32) {
    %c0_i32 = arith.constant 0 : i32
    %c0_i32_0 = arith.constant 0 : i32
    return %arg0, %c0_i32 : i32, i32
  }
  func.func @transform_6(%arg0: i32) -> (i32, i32) {
    %c0_i32 = arith.constant 0 : i32
    %c0_i32_0 = arith.constant 0 : i32
    return %arg0, %c0_i32 : i32, i32
  }
}

module attributes {stable_mosaic.version = 14 : i64} {
  func.func @_mm3_body(%arg0: i32, %arg1: memref<1000x128xf32, #tpu.memory_space<vmem>>, %arg2: memref<1000x128xf32, #tpu.memory_space<vmem>>, %arg3: memref<8x128xf32, #tpu.memory_space<vmem>>, %arg4: memref<1000x128xf32, #tpu.memory_space<vmem>>, %arg5: memref<8x128xf32, #tpu.memory_space<vmem>>, %arg6: memref<1x128xf32, #tpu.memory_space<vmem>>, %arg7: memref<1x128xf32, #tpu.memory_space<vmem>>, %arg8: memref<128x128xf32, #tpu.memory_space<vmem>>, %arg9: memref<128x128xf32, #tpu.memory_space<vmem>>, %arg10: memref<128x128xf32, #tpu.memory_space<vmem>>, %arg11: memref<1000x1xf32, #tpu.memory_space<vmem>>, %arg12: memref<1000x128xf32, #tpu.memory_space<vmem>>) attributes {dimension_semantics = [#tpu.dimension_semantics<arbitrary>], iteration_bounds = array<i64: 10>, scalar_prefetch = 0 : i64, scratch_operands = 0 : i64, tpu.core_type = #tpu.core_type<tc>, window_params = [{transform_indices = @transform_0, window_bounds = array<i64: 1000, 128>}, {transform_indices = @transform_1, window_bounds = array<i64: 1000, 128>}, {pipeline_mode = #tpu.pipeline_mode<synchronous>, transform_indices = @transform_2, window_bounds = array<i64: 8, 128>}, {transform_indices = @transform_3, window_bounds = array<i64: 1000, 128>}, {pipeline_mode = #tpu.pipeline_mode<synchronous>, transform_indices = @transform_4, window_bounds = array<i64: 8, 128>}, {pipeline_mode = #tpu.pipeline_mode<synchronous>, transform_indices = @transform_5, window_bounds = array<i64: 1, 128>}, {pipeline_mode = #tpu.pipeline_mode<synchronous>, transform_indices = @transform_6, window_bounds = array<i64: 1, 128>}, {pipeline_mode = #tpu.pipeline_mode<synchronous>, transform_indices = @transform_7, window_bounds = array<i64: 128, 128>}, {pipeline_mode = #tpu.pipeline_mode<synchronous>, transform_indices = @transform_8, window_bounds = array<i64: 128, 128>}, {pipeline_mode = #tpu.pipeline_mode<synchronous>, transform_indices = @transform_9, window_bounds = array<i64: 128, 128>}, {transform_indices = @transform_10, window_bounds = array<i64: 1000, 1>}, {transform_indices = @transform_11, window_bounds = array<i64: 1000, 128>}]} {
    %get3A = arith.constant 0 : index
    %get3A_0 = arith.constant 0 : index
    %get3A_1 = vector.load %arg2[%get3A, %get3A_0] : memref<1000x128xf32, #tpu.memory_space<vmem>>, vector<1000x128xf32>
    %get3A_2 = arith.constant 0 : index
    %get3A_3 = arith.constant 0 : index
    %get3A_4 = vector.load %arg3[%get3A_2, %get3A_3] : memref<8x128xf32, #tpu.memory_space<vmem>>, vector<8x128xf32>
    %get3A_5 = arith.constant 0 : index
    %get3A_6 = arith.constant 0 : index
    %get3A_7 = vector.load %arg6[%get3A_5, %get3A_6] : memref<1x128xf32, #tpu.memory_space<vmem>>, vector<1x128xf32>
    %get3A_8 = arith.constant 0 : index
    %get3A_9 = arith.constant 0 : index
    %get3A_10 = vector.load %arg7[%get3A_8, %get3A_9] : memref<1x128xf32, #tpu.memory_space<vmem>>, vector<1x128xf32>
    %slice3A = vector.extract_strided_slice %get3A_4 {offsets = [0, 0], sizes = [1, 128], strides = [1, 1]} : vector<8x128xf32> to vector<1x128xf32>
    %mul3A = arith.constant 9.99999974E-5 : f32
    %mul3A_11 = vector.broadcast %mul3A : f32 to vector<1x128xf32>
    %mul3A_12 = arith.mulf %slice3A, %mul3A_11 : vector<1x128xf32>
    %slice3A_13 = vector.extract_strided_slice %get3A_4 {offsets = [1, 0], sizes = [1, 128], strides = [1, 1]} : vector<8x128xf32> to vector<1x128xf32>
    %mul3A_14 = arith.constant 9.99999974E-5 : f32
    %mul3A_15 = vector.broadcast %mul3A_14 : f32 to vector<1x128xf32>
    %mul3A_16 = arith.mulf %slice3A_13, %mul3A_15 : vector<1x128xf32>
    %mul3A_17 = arith.mulf %mul3A_12, %mul3A_12 : vector<1x128xf32>
    %sub3A = arith.subf %mul3A_16, %mul3A_17 : vector<1x128xf32>
    %add3A = arith.constant 9.99999974E-6 : f32
    %add3A_18 = vector.broadcast %add3A : f32 to vector<1x128xf32>
    %add3A_19 = arith.addf %sub3A, %add3A_18 : vector<1x128xf32>
    %rsqrt3A = math.rsqrt %add3A_19 : vector<1x128xf32>
    %sub3A_20 = vector.broadcast %mul3A_12 : vector<1x128xf32> to vector<1000x128xf32>
    %sub3A_21 = arith.subf %get3A_1, %sub3A_20 : vector<1000x128xf32>
    %mul3A_22 = vector.broadcast %rsqrt3A : vector<1x128xf32> to vector<1000x128xf32>
    %mul3A_23 = arith.mulf %sub3A_21, %mul3A_22 : vector<1000x128xf32>
    %mul3A_24 = vector.broadcast %get3A_7 : vector<1x128xf32> to vector<1000x128xf32>
    %mul3A_25 = arith.mulf %mul3A_23, %mul3A_24 : vector<1000x128xf32>
    %add3A_26 = vector.broadcast %get3A_10 : vector<1x128xf32> to vector<1000x128xf32>
    %add3A_27 = arith.addf %mul3A_25, %add3A_26 : vector<1000x128xf32>
    %get3A_28 = arith.constant 0 : index
    %get3A_29 = arith.constant 0 : index
    %get3A_30 = vector.load %arg4[%get3A_28, %get3A_29] : memref<1000x128xf32, #tpu.memory_space<vmem>>, vector<1000x128xf32>
    %get3A_31 = arith.constant 0 : index
    %get3A_32 = arith.constant 0 : index
    %get3A_33 = vector.load %arg5[%get3A_31, %get3A_32] : memref<8x128xf32, #tpu.memory_space<vmem>>, vector<8x128xf32>
    %get3A_34 = arith.constant 0 : index
    %get3A_35 = arith.constant 0 : index
    %get3A_36 = vector.load %arg6[%get3A_34, %get3A_35] : memref<1x128xf32, #tpu.memory_space<vmem>>, vector<1x128xf32>
    %get3A_37 = arith.constant 0 : index
    %get3A_38 = arith.constant 0 : index
    %get3A_39 = vector.load %arg7[%get3A_37, %get3A_38] : memref<1x128xf32, #tpu.memory_space<vmem>>, vector<1x128xf32>
    %slice3A_40 = vector.extract_strided_slice %get3A_33 {offsets = [0, 0], sizes = [1, 128], strides = [1, 1]} : vector<8x128xf32> to vector<1x128xf32>
    %mul3A_41 = arith.constant 9.99999974E-5 : f32
    %mul3A_42 = vector.broadcast %mul3A_41 : f32 to vector<1x128xf32>
    %mul3A_43 = arith.mulf %slice3A_40, %mul3A_42 : vector<1x128xf32>
    %slice3A_44 = vector.extract_strided_slice %get3A_33 {offsets = [1, 0], sizes = [1, 128], strides = [1, 1]} : vector<8x128xf32> to vector<1x128xf32>
    %mul3A_45 = arith.constant 9.99999974E-5 : f32
    %mul3A_46 = vector.broadcast %mul3A_45 : f32 to vector<1x128xf32>
    %mul3A_47 = arith.mulf %slice3A_44, %mul3A_46 : vector<1x128xf32>
    %mul3A_48 = arith.mulf %mul3A_43, %mul3A_43 : vector<1x128xf32>
    %sub3A_49 = arith.subf %mul3A_47, %mul3A_48 : vector<1x128xf32>
    %add3A_50 = arith.constant 9.99999974E-6 : f32
    %add3A_51 = vector.broadcast %add3A_50 : f32 to vector<1x128xf32>
    %add3A_52 = arith.addf %sub3A_49, %add3A_51 : vector<1x128xf32>
    %rsqrt3A_53 = math.rsqrt %add3A_52 : vector<1x128xf32>
    %sub3A_54 = vector.broadcast %mul3A_43 : vector<1x128xf32> to vector<1000x128xf32>
    %sub3A_55 = arith.subf %get3A_30, %sub3A_54 : vector<1000x128xf32>
    %mul3A_56 = vector.broadcast %rsqrt3A_53 : vector<1x128xf32> to vector<1000x128xf32>
    %mul3A_57 = arith.mulf %sub3A_55, %mul3A_56 : vector<1000x128xf32>
    %mul3A_58 = vector.broadcast %get3A_36 : vector<1x128xf32> to vector<1000x128xf32>
    %mul3A_59 = arith.mulf %mul3A_57, %mul3A_58 : vector<1000x128xf32>
    %add3A_60 = vector.broadcast %get3A_39 : vector<1x128xf32> to vector<1000x128xf32>
    %add3A_61 = arith.addf %mul3A_59, %add3A_60 : vector<1000x128xf32>
    %get3A_62 = arith.constant 0 : index
    %get3A_63 = arith.constant 0 : index
    %get3A_64 = vector.load %arg1[%get3A_62, %get3A_63] : memref<1000x128xf32, #tpu.memory_space<vmem>>, vector<1000x128xf32>
    %get3A_65 = arith.constant 0 : index
    %get3A_66 = arith.constant 0 : index
    %get3A_67 = vector.load %arg8[%get3A_65, %get3A_66] : memref<128x128xf32, #tpu.memory_space<vmem>>, vector<128x128xf32>
    %dot_general3A = arith.constant dense<0.000000e+00> : vector<1000x128xf32>
    %dot_general3A_68 = tpu.matmul %get3A_64, %get3A_67, %dot_general3A {dimension_numbers = #tpu.dot_dimension_numbers<[1], [0], [0], [1], [0, 0, 1, 1], [], []>, transpose_lhs_hint = false} : vector<1000x128xf32>, vector<128x128xf32>, vector<1000x128xf32> -> vector<1000x128xf32>
    %get3A_69 = arith.constant 0 : index
    %get3A_70 = arith.constant 0 : index
    %get3A_71 = vector.load %arg9[%get3A_69, %get3A_70] : memref<128x128xf32, #tpu.memory_space<vmem>>, vector<128x128xf32>
    %dot_general3A_72 = arith.constant dense<0.000000e+00> : vector<1000x128xf32>
    %dot_general3A_73 = tpu.matmul %add3A_27, %get3A_71, %dot_general3A_72 {dimension_numbers = #tpu.dot_dimension_numbers<[1], [0], [0], [1], [0, 0, 1, 1], [], []>, transpose_lhs_hint = false} : vector<1000x128xf32>, vector<128x128xf32>, vector<1000x128xf32> -> vector<1000x128xf32>
    %add3A_74 = arith.addf %dot_general3A_68, %dot_general3A_73 : vector<1000x128xf32>
    %get3A_75 = arith.constant 0 : index
    %get3A_76 = arith.constant 0 : index
    %get3A_77 = vector.load %arg10[%get3A_75, %get3A_76] : memref<128x128xf32, #tpu.memory_space<vmem>>, vector<128x128xf32>
    %dot_general3A_78 = arith.constant dense<0.000000e+00> : vector<1000x128xf32>
    %dot_general3A_79 = tpu.matmul %add3A_61, %get3A_77, %dot_general3A_78 {dimension_numbers = #tpu.dot_dimension_numbers<[1], [0], [0], [1], [0, 0, 1, 1], [], []>, transpose_lhs_hint = false} : vector<1000x128xf32>, vector<128x128xf32>, vector<1000x128xf32> -> vector<1000x128xf32>
    %add3A_80 = arith.addf %add3A_74, %dot_general3A_79 : vector<1000x128xf32>
    %get3A_81 = arith.constant 0 : index
    %get3A_82 = arith.constant 0 : index
    %get3A_83 = vector.load %arg11[%get3A_81, %get3A_82] : memref<1000x1xf32, #tpu.memory_space<vmem>>, vector<1000x1xf32>
    %mul3A_84 = vector.broadcast %get3A_83 : vector<1000x1xf32> to vector<1000x128xf32>
    %mul3A_85 = arith.mulf %mul3A_84, %add3A_80 : vector<1000x128xf32>
    %swap3A = arith.constant 0 : index
    %swap3A_86 = arith.constant 0 : index
    %swap3A_87 = vector.load %arg12[%swap3A, %swap3A_86] : memref<1000x128xf32, #tpu.memory_space<vmem>>, vector<1000x128xf32>
    tpu.vector_store %arg12[%swap3A, %swap3A_86], %mul3A_85 {strides = array<i32>} : memref<1000x128xf32, #tpu.memory_space<vmem>>, vector<1000x128xf32>,
    return
  }
  func.func @transform_0(%arg0: i32) -> (i32, i32) {
    %c0_i32 = arith.constant 0 : i32
    %c0_i32_0 = arith.constant 0 : i32
    return %arg0, %c0_i32 : i32, i32
  }
  func.func @transform_1(%arg0: i32) -> (i32, i32) {
    %c0_i32 = arith.constant 0 : i32
    %c0_i32_0 = arith.constant 0 : i32
    return %arg0, %c0_i32 : i32, i32
  }
  func.func @transform_2(%arg0: i32) -> (i32, i32) {
    %c0_i32 = arith.constant 0 : i32
    %c0_i32_0 = arith.constant 0 : i32
    %c0_i32_1 = arith.constant 0 : i32
    return %c0_i32, %c0_i32_0 : i32, i32
  }
  func.func @transform_3(%arg0: i32) -> (i32, i32) {
    %c0_i32 = arith.constant 0 : i32
    %c0_i32_0 = arith.constant 0 : i32
    return %arg0, %c0_i32 : i32, i32
  }
  func.func @transform_4(%arg0: i32) -> (i32, i32) {
    %c0_i32 = arith.constant 0 : i32
    %c0_i32_0 = arith.constant 0 : i32
    %c0_i32_1 = arith.constant 0 : i32
    return %c0_i32, %c0_i32_0 : i32, i32
  }
  func.func @transform_5(%arg0: i32) -> (i32, i32) {
    %c0_i32 = arith.constant 0 : i32
    %c0_i32_0 = arith.constant 0 : i32
    %c0_i32_1 = arith.constant 0 : i32
    return %c0_i32, %c0_i32_0 : i32, i32
  }
  func.func @transform_6(%arg0: i32) -> (i32, i32) {
    %c0_i32 = arith.constant 0 : i32
    %c0_i32_0 = arith.constant 0 : i32
    %c0_i32_1 = arith.constant 0 : i32
    return %c0_i32, %c0_i32_0 : i32, i32
  }
  func.func @transform_7(%arg0: i32) -> (i32, i32) {
    %c0_i32 = arith.constant 0 : i32
    %c0_i32_0 = arith.constant 0 : i32
    %c0_i32_1 = arith.constant 0 : i32
    return %c0_i32, %c0_i32_0 : i32, i32
  }
  func.func @transform_8(%arg0: i32) -> (i32, i32) {
    %c0_i32 = arith.constant 0 : i32
    %c0_i32_0 = arith.constant 0 : i32
    %c0_i32_1 = arith.constant 0 : i32
    return %c0_i32, %c0_i32_0 : i32, i32
  }
  func.func @transform_9(%arg0: i32) -> (i32, i32) {
    %c0_i32 = arith.constant 0 : i32
    %c0_i32_0 = arith.constant 0 : i32
    %c0_i32_1 = arith.constant 0 : i32
    return %c0_i32, %c0_i32_0 : i32, i32
  }
  func.func @transform_10(%arg0: i32) -> (i32, i32) {
    %c0_i32 = arith.constant 0 : i32
    %c0_i32_0 = arith.constant 0 : i32
    return %arg0, %c0_i32 : i32, i32
  }
  func.func @transform_11(%arg0: i32) -> (i32, i32) {
    %c0_i32 = arith.constant 0 : i32
    %c0_i32_0 = arith.constant 0 : i32
    return %arg0, %c0_i32 : i32, i32
  }
}

module attributes {stable_mosaic.version = 14 : i64} {
  func.func @_final_body(%arg0: i32, %arg1: memref<1x1000x128xf32, #tpu.memory_space<vmem>>, %arg2: memref<1x1000x128xf32, #tpu.memory_space<vmem>>, %arg3: memref<1000x128xf32, #tpu.memory_space<vmem>>, %arg4: memref<1000x1xf32, #tpu.memory_space<vmem>>, %arg5: memref<1x128xf32, #tpu.memory_space<vmem>>, %arg6: memref<1000x128xf32, #tpu.memory_space<vmem>>) attributes {dimension_semantics = [#tpu.dimension_semantics<arbitrary>], iteration_bounds = array<i64: 10>, scalar_prefetch = 0 : i64, scratch_operands = 0 : i64, tpu.core_type = #tpu.core_type<tc>, window_params = [{transform_indices = @transform_0, window_bounds = array<i64: 1, 1000, 128>}, {transform_indices = @transform_1, window_bounds = array<i64: 1, 1000, 128>}, {transform_indices = @transform_2, window_bounds = array<i64: 1000, 128>}, {transform_indices = @transform_3, window_bounds = array<i64: 1000, 1>}, {pipeline_mode = #tpu.pipeline_mode<synchronous>, transform_indices = @transform_4, window_bounds = array<i64: 1, 128>}, {transform_indices = @transform_5, window_bounds = array<i64: 1000, 128>}]} {
    %get3A = arith.constant 0 : index
    %get3A_0 = arith.constant 0 : index
    %get3A_1 = vector.load %arg4[%get3A, %get3A_0] : memref<1000x1xf32, #tpu.memory_space<vmem>>, vector<1000x1xf32>
    %get3A_2 = arith.constant 0 : index
    %get3A_3 = arith.constant 0 : index
    %get3A_4 = arith.constant 0 : index
    %get3A_5 = vector.load %arg1[%get3A_2, %get3A_3, %get3A_4] : memref<1x1000x128xf32, #tpu.memory_space<vmem>>, vector<1x1000x128xf32>
    %get3A_6 = vector.shape_cast %get3A_5 : vector<1x1000x128xf32> to vector<1000x128xf32>
    %get3A_7 = arith.constant 0 : index
    %get3A_8 = arith.constant 0 : index
    %get3A_9 = arith.constant 0 : index
    %get3A_10 = vector.load %arg2[%get3A_7, %get3A_8, %get3A_9] : memref<1x1000x128xf32, #tpu.memory_space<vmem>>, vector<1x1000x128xf32>
    %get3A_11 = vector.shape_cast %get3A_10 : vector<1x1000x128xf32> to vector<1000x128xf32>
    %add3A = arith.addf %get3A_6, %get3A_11 : vector<1000x128xf32>
    %get3A_12 = arith.constant 0 : index
    %get3A_13 = arith.constant 0 : index
    %get3A_14 = vector.load %arg3[%get3A_12, %get3A_13] : memref<1000x128xf32, #tpu.memory_space<vmem>>, vector<1000x128xf32>
    %add3A_15 = arith.addf %add3A, %get3A_14 : vector<1000x128xf32>
    %mul3A = vector.broadcast %get3A_1 : vector<1000x1xf32> to vector<1000x128xf32>
    %mul3A_16 = arith.mulf %mul3A, %add3A_15 : vector<1000x128xf32>
    %get3A_17 = arith.constant 0 : index
    %get3A_18 = arith.constant 0 : index
    %get3A_19 = vector.load %arg5[%get3A_17, %get3A_18] : memref<1x128xf32, #tpu.memory_space<vmem>>, vector<1x128xf32>
    %add3A_20 = vector.broadcast %get3A_19 : vector<1x128xf32> to vector<1000x128xf32>
    %add3A_21 = arith.addf %mul3A_16, %add3A_20 : vector<1000x128xf32>
    %max3A = arith.constant 0.000000e+00 : f32
    %max3A_22 = vector.broadcast %max3A : f32 to vector<1000x128xf32>
    %max3A_23 = arith.maximumf %add3A_21, %max3A_22 : vector<1000x128xf32>
    %swap3A = arith.constant 0 : index
    %swap3A_24 = arith.constant 0 : index
    %swap3A_25 = vector.load %arg6[%swap3A, %swap3A_24] : memref<1000x128xf32, #tpu.memory_space<vmem>>, vector<1000x128xf32>
    tpu.vector_store %arg6[%swap3A, %swap3A_24], %max3A_23 {strides = array<i32>} : memref<1000x128xf32, #tpu.memory_space<vmem>>, vector<1000x128xf32>,
    return
  }
  func.func @transform_0(%arg0: i32) -> (i32, i32, i32) {
    %c0_i32 = arith.constant 0 : i32
    %c0_i32_0 = arith.constant 0 : i32
    %c0_i32_1 = arith.constant 0 : i32
    return %c0_i32, %arg0, %c0_i32_0 : i32, i32, i32
  }
  func.func @transform_1(%arg0: i32) -> (i32, i32, i32) {
    %c1_i32 = arith.constant 1 : i32
    %c0_i32 = arith.constant 0 : i32
    %c0_i32_0 = arith.constant 0 : i32
    return %c1_i32, %arg0, %c0_i32 : i32, i32, i32
  }
  func.func @transform_2(%arg0: i32) -> (i32, i32) {
    %c0_i32 = arith.constant 0 : i32
    %c0_i32_0 = arith.constant 0 : i32
    return %arg0, %c0_i32 : i32, i32
  }
  func.func @transform_3(%arg0: i32) -> (i32, i32) {
    %c0_i32 = arith.constant 0 : i32
    %c0_i32_0 = arith.constant 0 : i32
    return %arg0, %c0_i32 : i32, i32
  }
  func.func @transform_4(%arg0: i32) -> (i32, i32) {
    %c0_i32 = arith.constant 0 : i32
    %c0_i32_0 = arith.constant 0 : i32
    %c0_i32_1 = arith.constant 0 : i32
    return %c0_i32, %c0_i32_0 : i32, i32
  }
  func.func @transform_5(%arg0: i32) -> (i32, i32) {
    %c0_i32 = arith.constant 0 : i32
    %c0_i32_0 = arith.constant 0 : i32
    return %arg0, %c0_i32 : i32, i32
  }
}

</mosaic_0001>

<sc_bundles>
// kernel: kernel.13.cloned.1.call-start
scs
__scs_entry_jumppad:
0x0: {  	(pc) =	sbr.rel $0x88, $3  }
0x1: {  	(tag) =	ssettag $0x0;
	lr =	simm.s32 $0x1  }
0x2: {  	[smem:$0x3F97] =	sst lr;
	_ =	strace $0xD0000000  }
0x3: {  	_ = 	snop  }
0x4: {  	_ = 	snop  }
0x5: {  	_ = 	snop  }
0x6: {  	_ = 	snop  }
0x7: {  	_ = 	snop  }
__scs_overlays_trampoline_lowered:
0x8: {  	[smem:$0x3FA6] =	sst s0  }
0x9: {  	[smem:$0x3FA7] =	sst s1  }
0xa: {  	[smem:$0x3FA8] =	sst s2  }
0xb: {  	[smem:$0x3FA9] =	sst s3  }
0xc: {  	[smem:$0x3FAA] =	sst s4  }
0xd: {  	[smem:$0x3FAB] =	sst s5  }
0xe: {  	[smem:$0x3FAC] =	sst s6  }
0xf: {  	[smem:$0x3FAD] =	sst s7  }
0x10: {  	[smem:$0x3FAE] =	sst s8  }
0x11: {  	[smem:$0x3FAF] =	sst s9;
	s0 =	simm.s32 @!p0 $0x0  }
0x12: {  	s1 =	sld [smem:$0x3F95];
	s0 =	simm.s32 @p0 $0x1  }
0x13: {  	[smem:$0x3FB0] =	sst s0;
	s0 =	simm.s32 @!p1 $0x0  }
0x14: {  	s2 =	sld [smem:$0x3F94];
	s0 =	simm.s32 @p1 $0x1  }
0x15: {  	[smem:$0x3FB1] =	sst s0;
	s0 =	simm.s32 @!p2 $0x0  }
0x16: {  	s3 =	sld [smem:$0x3FDB];
	s0 =	simm.s32 @p2 $0x1  }
0x17: {  	s4 =	simm.s32 $0x1BF5;
	[smem:$0x3FB3] =	sst s0  }
0x18: {  	s0 =	sld [smem:$0x3F96];
	_ =	swait.ge [sflag:s4], $0x0  }
0x19: {  	s7 =	sld [smem:$0x3F97]  }
0x1a: {  	s8 =	sadd.s32 $0xFFFFE003, lr  }
0x1b: {  	s9 =	sadd.s32 $0xFFFFFEF7, lr;
	s5 =	simm.s32 $0xFFFFFFFF;
	p2 =	slt.u32 s8, $0xFFFFF086  }
0x1c: {  	p1 =	slt.u32 s9, $0xF7A;
	s5 =	simm.s32 @!p2 $0x0  }
0x1d: {  	s5 =	simm.s32 @p1 $0x1;
	p0 =	seq.s32 s7, s2  }
0x1e: {  	s7 =	smul.u32 @!p0 $0xF7A, s2;
	p2 =	seq.s32 @!p0 s5, $0x0  }
0x1f: {  	s9 =	smul.u32 $0xF7A, s1;
	s8 =	simm.s32 @!p0 $0x1BF5;
	p2 =	por !p2, p0  }
0x20: {  	[sflag:s8] =	ssyncset.s32 @!p0 $0xFFFFF086;
	s6 =	sadd.s32 @!p0 s3, s7;
	s7 =	simm.s32 @!p0 $0x108  }
0x21: {  	s3 =	sadd.s32 s3, s9;
	s6 =	sadd.s32 @!p0 $0x88, s6;
	s7 =	simm.s32 @p2 $0x1082  }
0x22: {  	[simem:s7], [sflag:s8] =	dma.local @!p0 [hbm:s6], $0xF7A  }
0x23: {  	s9 =	sor.u32 $0xD0000000, s2;
	s6 =	simm.s32 $0x108;
	_ =	swait.ge @!p0 [sflag:s8], $0x0  }
0x24: {  	s3 =	sadd.s32 $0x88, s3;
	s6 =	simm.s32 @!p1 $0x1082;
	[sflag:s4] =	ssyncset.s32 $0xFFFFF086  }
0x25: {  	[simem:s6], [sflag:s4] =	dma.local [hbm:s3], $0xF7A  }
0x26: {  	[smem:$0x3F97] =	sst s1;
	(tag) =	ssettag s2;
	_ =	strace s9  }
0x27: {  	s1 =	sld [smem:$0x3FA7]  }
0x28: {  	s2 =	sld [smem:$0x3FA8]  }
0x29: {  	s4 =	sld [smem:$0x3FAA]  }
0x2a: {  	p0 =	seq.s32 s5, $0x0;
	s5 =	sld [smem:$0x3FAB]  }
0x2b: {  	s6 =	sld [smem:$0x3FAC]  }
0x2c: {  	s7 =	sld [smem:$0x3FAD]  }
0x2d: {  	s3 =	simm.s32 $0x108;
	s8 =	sld [smem:$0x3FAE]  }
0x2e: {  	s3 =	simm.s32 @!p0 $0x1082;
	s9 =	sld [smem:$0x3FAF]  }
0x2f: {  	lr =	sadd.s32 s0, s3;
	s0 =	sld [smem:$0x3FA6]  }
0x30: {  	s3 =	sld [smem:$0x3FA9]  }
0x31: {  	[smem:$0x3FB2] =	sst s10  }
0x32: {  	s10 =	sld [smem:$0x3FB0];
	_ =	sdelay $0x3  }
0x33: {  	p0 =	seq.s32 s10, $0x1;
	s10 =	sld [smem:$0x3FB2];
	_ =	sdelay $0x3  }
0x34: {  	[smem:$0x3FB2] =	sst s10  }
0x35: {  	s10 =	sld [smem:$0x3FB1];
	_ =	sdelay $0x3  }
0x36: {  	p1 =	seq.s32 s10, $0x1;
	s10 =	sld [smem:$0x3FB2];
	_ =	sdelay $0x3  }
0x37: {  	[smem:$0x3FB2] =	sst s10  }
0x38: {  	s10 =	sld [smem:$0x3FB3]  }
0x39: {  	_ = 	snop;
	(pc) =	sbr.ind lr, $3  }
0x3a: {  	_ = 	snop  }
0x3b: {  	_ = 	snop  }
0x3c: {  	p2 =	seq.s32 s10, $0x1;
	s10 =	sld [smem:$0x3FB2]  }
0x3d: {  	_ =	shalt  }
0x3e: {  	_ =	shalt  }
0x3f: {  	_ =	shalt  }
0x40: {  	_ =	shalt  }
0x41: {  	_ =	shalt  }
0x42: {  	_ =	shalt  }
0x43: {  	_ =	shalt  }
0x44: {  	_ =	shalt  }
0x45: {  	_ =	shalt  }
0x46: {  	_ =	shalt  }
0x47: {  	_ =	shalt  }
0x48: {  	_ =	shalt  }
0x49: {  	_ =	shalt  }
0x4a: {  	_ =	shalt  }
0x4b: {  	_ =	shalt  }
0x4c: {  	_ =	shalt  }
0x4d: {  	_ =	shalt  }
0x4e: {  	_ =	shalt  }
0x4f: {  	_ =	shalt  }
0x50: {  	_ =	shalt  }
0x51: {  	_ =	shalt  }
0x52: {  	_ =	shalt  }
0x53: {  	_ =	shalt  }
0x54: {  	_ =	shalt  }
0x55: {  	_ =	shalt  }
0x56: {  	_ =	shalt  }
0x57: {  	_ =	shalt  }
0x58: {  	_ =	shalt  }
0x59: {  	_ =	shalt  }
0x5a: {  	_ =	shalt  }
0x5b: {  	_ =	shalt  }
0x5c: {  	_ =	shalt  }
0x5d: {  	_ =	shalt  }
0x5e: {  	_ =	shalt  }
0x5f: {  	_ =	shalt  }
0x60: {  	_ =	shalt  }
0x61: {  	_ =	shalt  }
0x62: {  	_ =	shalt  }
0x63: {  	_ =	shalt  }
0x64: {  	_ =	shalt  }
0x65: {  	_ =	shalt  }
0x66: {  	_ =	shalt  }
0x67: {  	_ =	shalt  }
0x68: {  	_ =	shalt  }
0x69: {  	_ =	shalt  }
0x6a: {  	_ =	shalt  }
0x6b: {  	_ =	shalt  }
0x6c: {  	_ =	shalt  }
0x6d: {  	_ =	shalt  }
0x6e: {  	_ =	shalt  }
0x6f: {  	_ =	shalt  }
0x70: {  	_ =	shalt  }
0x71: {  	_ =	shalt  }
0x72: {  	_ =	shalt  }
0x73: {  	_ =	shalt  }
0x74: {  	_ =	shalt  }
0x75: {  	_ =	shalt  }
0x76: {  	_ =	shalt  }
0x77: {  	_ =	shalt  }
0x78: {  	_ =	shalt  }
0x79: {  	_ =	shalt  }
0x7a: {  	_ =	shalt  }
0x7b: {  	_ =	shalt  }
0x7c: {  	_ =	shalt  }
0x7d: {  	_ =	shalt  }
0x7e: {  	_ =	shalt  }
0x7f: {  	_ =	shalt  }
0x80: {  	_ =	shalt  }
0x81: {  	_ =	shalt  }
0x82: {  	_ =	shalt  }
0x83: {  	_ =	shalt  }
0x84: {  	_ =	shalt  }
0x85: {  	_ =	shalt  }
0x86: {  	_ =	shalt  }
0x87: {  	_ =	shalt  }
.Lfunc_end0:
.L_simem_size_0:
called_computation_lowered:
.L_overlay_start_0:
0x88: {  	s2 =	sld [smem:$0x3FD9]  }
0x89: {  	s3 =	sld [smem:$0x3FFE];
	_ =	sdelay $0x1  }
0x8a: {  	s1 =	srdreg.scid  }
0x8b: {  	s0 =	sand.u32 $0x1, s1  }
0x8c: {  	s17 =	sshll.u32 s0, $0xA;
	s2 =	sadd.s32 s3, s2  }
0x8d: {  	s2 =	sadd.s32 s2, s17  }
0x8e: {  	[smem:$0x3FBE] =	sst s2  }
0x8f: {  	_ = 	snop  }
0x90: {  	s2 =	sld [smem:$0x3FD0];
	(tm) =	ssettm $0x1  }
0x91: {  	s18 =	sld [smem:$0x3FFB];
	_ =	sdelay $0x3  }
0x92: {  	_ =	strace s18  }
0x93: {  	s3 =	sld [smem:$0x3FFC];
	_ =	sdelay $0x3  }
0x94: {  	_ =	strace s3  }
0x95: {  	s3 =	sld [smem:$0x3FFD];
	_ =	sdelay $0x3  }
0x96: {  	_ =	strace s3  }
0x97: {  	_ =	strace $0x8FFFFFFF  }
0x98: {  	s19 =	sld [smem:$0x3FDB];
	_ =	sdelay $0x1  }
0x99: {  	s4 =	simm.s32 $_scs_section_size  }
0x9a: {  	s5 =	simm.s32 $_size__tile_overlayer_lowered;
	s6 =	simm.s32 $_tile_overlayer_lowered  }
0x9b: {  	s22 =	simm.s32 $0x1BFF;
	s21 =	sshll.u32 s6, $0x1;
	s3 =	sadd.s32 s4, s19  }
0x9c: {  	s7 =	simm.s32 $0x0;
	s20 =	sshll.u32 s5, $0x1;
	s5 =	sadd.s32 s21, s3  }
0x9d: {  	[timem:s7], [sflag:s22] =	dma.local [hbm:s5], s20  }
0x9e: {  	_ =	swait.ge [sflag:s22], s20  }
0x9f: {  	s4 =	ssub.s32 $0x0, s20;
	[sflag:s22] =	ssyncset.done $0x0  }
0xa0: {  	[sflag:s22] =	ssyncadd.s32 s4;
	_ =	sdelay $0x1  }
0xa1: {  	s23 =	simm.s32 $0x1B8B  }
0xa2: {  	_ =	swait.ge [sflag:s23], $0x1  }
0xa3: {  	[sflag:s23] =	ssyncset.done $0x0  }
0xa4: {  	s25 =	simm.s32 $0x1B8E;
	s24 =	sld [smem:$0x3FFE];
	[sflag:s23] =	ssyncadd.s32 $0xFFFFFFFF  }
0xa5: {  	s26 =	simm.s32 $execute0_lowered;
	[smem:$0x3FD2] =	sst s25  }
0xa6: {  	s5 =	sshll.u32 s26, $0x1;
	_ =	strace $0x80000046;
	[dreg:$0x1] =	wrdreg $0xFFFFFFFF  }
0xa7: {  	s28 =	simm.s32 $_size_execute0_lowered;
	s3 =	sadd.s32 s3, s5;
	[dreg:$0x0] =	wrdreg $0x0  }
0xa8: {  	s5 =	sshll.u32 s28, $0x1;
	[dreg:$0x2] =	wrdreg s3  }
0xa9: {  	[dreg:$0x3] =	wrdreg s5  }
0xaa: {  	[dreg:$0x4] =	wrdreg $0xC0  }
0xab: {  	_ =	task [dreg:s7], $0x5FFFF  }
0xac: {  	[dreg:$0x1] =	wrdreg $0xFFFFFFFF  }
0xad: {  	[dreg:$0x0] =	wrdreg $0x60  }
0xae: {  	[dreg:$0x2] =	wrdreg s2  }
0xaf: {  	[dreg:$0x3] =	wrdreg s24  }
0xb0: {  	[dreg:$0x4] =	wrdreg $0x41000  }
0xb1: {  	[dreg:$0x5] =	wrdreg $0x9  }
0xb2: {  	_ =	task.clear_ibuf [dreg:s7], $0x6FFFF;
	_ =	strace $0x90000046  }
0xb3: {  	s29 =	simm.s32 $0x9;
	_ =	strace $0x80000048  }
0xb4: {  	_ =	swait.ge [sflag:s29], $0x1  }
0xb5: {  	[sflag:s29] =	ssyncadd.s32 $0xFFFFFFFF  }
0xb6: {  	_ =	strace $0x90000048  }
0xb7: {  	_ =	sfence  }
0xb8: {  	s30 =	sld [smem:$0x0];
	_ =	sdelay $0x2  }
0xb9: {  	s31 =	sshll.u32 s1, $0xD;
	s1 =	sshrl.u32 s1, $0x2  }
0xba: {  	s3 =	sand.u32 $0x4000, s31;
	s1 =	sadd.s32 s1, s30  }
0xbb: {  	s0 =	sor.u32 s3, s0;
	s1 =	sshll.u32 s1, $0x11  }
0xbc: {  	s0 =	sor.u32 s1, s0  }
0xbd: {  	s0 =	sadd.s32 $0x8F2B, s0  }
0xbe: {  	[sflag:s0] =	ssyncadd.remote.s32 $0x1  }
0xbf: {  	_ =	sfence.sel $0xFFFF  }
0xc0: {  	[dreg:$0x0] =	wrdreg $0xFFFFFFFF;
	(pc) =	sbr.abs _section_cstart, $3  }
0xc1: {  	[dreg:$0x1] =	wrdreg $0xFFFFFFFF  }
0xc2: {  	_ =	task.clear_ibuf [dreg:s7], $0x2FFFF;
	_ =	strace $0x9FFFFFFF  }
0xc3: {  	(tm) =	ssettm $0x7FFFFFFF  }
tec
execute0_lowered:
.L_overlay_start_1:
0x0: {  	(tag) =	ssettag $0x1  }
0x1: {  	s14 =	rddreg [dreg:$0x0]  }
0x2: {  	s4 =	rddreg [dreg:$0x1]  }
0x3: {  	s0 =	srdreg.scid;
	s2 =	rddreg [dreg:$0x2]  }
0x4: {  	s1 =	rddreg [dreg:$0x3];
	s5 =	sand.u32 $0x1, s0  }
0x5: {  	s3 =	simm.s32 $0x0;
	s0 =	stileid.u32;
	s6 =	smul.u32 $0x13C000, s5  }
0x6: {  	s17 =	simm.s32 $0x80;
	s18 =	simm.s32 $0x1;
	s7 =	smul.u32 $0x13C00, s0  }
0x7: {  	s19 =	simm.s32 $0x2;
	s22 =	simm.s32 $0x0;
	s8 =	smul.u32 $0x4F000, s0  }
0x8: {  	[smem:$0x7FF] =	sst s3;
	s25 =	sshll.u32 s5, $0x4;
	s10 =	smul.u32 $0x28000, s5  }
0x9: {  	_ =	strace $0x80000047;
	s28 =	ssub.s32 $0x2, s5;
	s13 =	smul.u32 $0x2800, s0  }
0xa: {  	s20 =	sshll.u32 s0, $0x6;
	s26 =	sor.u32 s0, s25;
	s9 =	sshrl.u32 s28, $0x1  }
0xb: {  	s20 =	sor.u32 $0x1C03, s20;
	s6 =	sadd.s32 s7, s6;
	s29 =	sshrl.u32 s8, $0x2  }
0xc: {  	s30 =	smul.u32 $0x2800, s26;
	s12 =	ssub.s32 s28, s9;
	s13 =	sadd.s32 s13, s10  }
0xd: {  	s6 =	sshrl.u32 s6, $0x3;
	s15 =	sor.u32 $0x180, s13;
	s13 =	sor.u32 $0x100, s13  }
0xe: {  	s12 =	smax.u32 s12, $0x1;
	s11 =	sadd.s32 s6, s4;
	s4 =	sadd.s32 s29, s2  }
0xf: {  	s31 =	sshrl.u32 s30, $0x3;
	s15 =	sshrl.u32 s15, $0x3;
	s16 =	sshrl.u32 s13, $0x3  }
0x10: {  	s5 =	sadd.s32 $0x4000, s4;
	s6 =	sadd.s32 $0x8000, s4;
	s7 =	sadd.s32 $0xC000, s4  }
0x11: {  	s8 =	sadd.s32 $0x10000, s4;
	s9 =	sadd.s32 s14, s31;
	s11 =	sadd.s32 $0x4600, s11  }
0x12: {  	s13 =	sadd.s32 s15, s14;
	s14 =	sadd.s32 s16, s14;
	s15 =	simm.s32 $0x100  }
0x13: {  	v0 =	vimm.f32 $0.0e+00;
	v1 =	vimm.f32 $1.000000000e+00;
	s16 =	simm.s32 $0x3;
	s21 =	sshrl.u32 s4, $0x3;
	s10 =	sadd.s32 $0x10, s9  }
.LBB2_1:
0x14: {  	s23 =	simm.s32 $0x0;
	s24 =	simm.s32 $0x200  }
.LBB2_2:
0x15: {  	p0 =	sne.s32 s24, $0xFE00;
	[tilespmem:s23+$0x170] =	vst v0  }
0x16: {  	[tilespmem:s23+$0x100] =	vst v0  }
0x17: {  	[tilespmem:s23+$0x110] =	vst v0  }
.Ltmp0:
0x18: {  	[tilespmem:s23+$0x120] =	vst v0;
	(pc) =	sbr.rel @p0 .LBB2_2-.Ltmp0, $4  }
0x19: {  	[tilespmem:s23+$0x130] =	vst v0  }
0x1a: {  	[tilespmem:s23+$0x140] =	vst v0  }
0x1b: {  	[tilespmem:s23+$0x150] =	vst v0  }
0x1c: {  	[tilespmem:s23+$0x160] =	vst v0;
	s23 =	sshra.s32 s24, $0x2;
	s24 =	sadd.s32 $0x200, s24  }
0x1d: {  	[tilespmem:s23+$0x170] =	vst v0  }
0x1e: {  	[tilespmem:s23+$0x100] =	vst v0  }
0x1f: {  	[tilespmem:s23+$0x110] =	vst v0  }
0x20: {  	[tilespmem:s23+$0x120] =	vst v0  }
0x21: {  	[tilespmem:s23+$0x130] =	vst v0  }
0x22: {  	[tilespmem:s23+$0x140] =	vst v0  }
0x23: {  	[tilespmem:s23+$0x150] =	vst v0  }
0x24: {  	[tilespmem:s23+$0x160] =	vst v0  }
0x25: {  	[spmem:s4] =	stream.linear.scatter [tilespmem:s15], [sflag:$0x3], $0x4000, $0x38;
	[tilespmem:$0x17D00] =	vst v63  }
0x26: {  	_ =	swait.ge [sflag:s16], $0x4000  }
0x27: {  	[sflag:s16] =	ssyncset.done $0x0  }
0x28: {  	[sflag:s16] =	ssyncadd.s32 $0xFFFFC000  }
0x29: {  	[spmem:s5] =	stream.linear.scatter [tilespmem:s15], [sflag:$0x3], $0x4000, $0x38;
	[tilespmem:$0x17D00] =	vst v63  }
0x2a: {  	_ =	swait.ge [sflag:s16], $0x4000  }
0x2b: {  	[sflag:s16] =	ssyncset.done $0x0  }
0x2c: {  	[sflag:s16] =	ssyncadd.s32 $0xFFFFC000  }
0x2d: {  	[spmem:s6] =	stream.linear.scatter [tilespmem:s15], [sflag:$0x3], $0x4000, $0x38;
	[tilespmem:$0x17D00] =	vst v63  }
0x2e: {  	_ =	swait.ge [sflag:s16], $0x4000  }
0x2f: {  	[sflag:s16] =	ssyncset.done $0x0  }
0x30: {  	[sflag:s16] =	ssyncadd.s32 $0xFFFFC000  }
0x31: {  	[spmem:s7] =	stream.linear.scatter [tilespmem:s15], [sflag:$0x3], $0x4000, $0x38;
	[tilespmem:$0x17D00] =	vst v63  }
0x32: {  	_ =	swait.ge [sflag:s16], $0x4000  }
0x33: {  	[sflag:s16] =	ssyncset.done $0x0  }
0x34: {  	[sflag:s16] =	ssyncadd.s32 $0xFFFFC000  }
0x35: {  	[spmem:s8] =	stream.linear.scatter [tilespmem:s15], [sflag:$0x3], $0x3C00, $0x38;
	[tilespmem:$0x17D00] =	vst v63  }
0x36: {  	_ =	swait.ge [sflag:s16], $0x3C00  }
0x37: {  	[sflag:s16] =	ssyncset.done $0x0  }
0x38: {  	[sflag:s16] =	ssyncadd.s32 $0xFFFFC400  }
0x39: {  	s23 =	simm.s32 $0x0;
	s24 =	simm.s32 $0x200;
	[bflag:$0x0] =	sbarrier.arrive $0xFFFF  }
.LBB2_4:
0x3a: {  	p0 =	sne.s32 s24, $0xFE00;
	[tilespmem:s23+$0x170] =	vst v1  }
0x3b: {  	[tilespmem:s23+$0x100] =	vst v1  }
0x3c: {  	[tilespmem:s23+$0x110] =	vst v1  }
.Ltmp1:
0x3d: {  	[tilespmem:s23+$0x120] =	vst v1;
	(pc) =	sbr.rel @p0 .LBB2_4-.Ltmp1, $4  }
0x3e: {  	[tilespmem:s23+$0x130] =	vst v1  }
0x3f: {  	[tilespmem:s23+$0x140] =	vst v1  }
0x40: {  	[tilespmem:s23+$0x150] =	vst v1  }
0x41: {  	[tilespmem:s23+$0x160] =	vst v1;
	s23 =	sshra.s32 s24, $0x2;
	s24 =	sadd.s32 $0x200, s24  }
0x42: {  	[tilespmem:s23+$0x170] =	vst v1  }
0x43: {  	[tilespmem:s23+$0x100] =	vst v1  }
0x44: {  	[tilespmem:s23+$0x110] =	vst v1  }
0x45: {  	[tilespmem:s23+$0x120] =	vst v1  }
0x46: {  	[tilespmem:s23+$0x130] =	vst v1  }
0x47: {  	[tilespmem:s23+$0x140] =	vst v1  }
0x48: {  	[tilespmem:s23+$0x150] =	vst v1  }
0x49: {  	[tilespmem:s23+$0x160] =	vst v1;
	s30 =	simm.s32 $0x0  }
0x4a: {  	[tilespmem:s30], [sflag:$0x1] =	stream.linear.gather [hbm4b:s9+s30], $0x80, $0x38;
	[tilespmem:$0x17D00] =	vst v63  }
0x4b: {  	_ = 	snop  }
0x4c: {  	[tilespmem:s17], [sflag:$0x2] =	stream.linear.gather [hbm4b:s10+s30], $0x80, $0x38;
	[tilespmem:$0x17D00] =	vst v63  }
0x4d: {  	_ =	swait.ge [sflag:s18], $0x80  }
0x4e: {  	[sflag:s18] =	ssyncset.done $0x0  }
0x4f: {  	[sflag:s18] =	ssyncadd.s32 $0xFFFFFF80  }
0x50: {  	[spmem:s2] =	stream.indirect.scatter.add.f32 [tilespmem:s15], [sflag:$0x3], $0x80, s3, s17, $0xb8;
	[tilespmem:$0x17D00] =	vst v63  }
0x51: {  	_ =	swait.ge [sflag:s16], $0x4000  }
0x52: {  	[sflag:s16] =	ssyncset.done $0x0  }
0x53: {  	s31 =	sadd.s32 $0x0, s14;
	[sflag:s16] =	ssyncadd.s32 $0xFFFFC000  }
0x54: {  	[tilespmem:s3], [sflag:$0x1] =	stream.linear.gather [hbm4b:s31+s3], $0x80, $0x38;
	[tilespmem:$0x17D00] =	vst v63  }
0x55: {  	_ =	swait.ge [sflag:s19], $0x80  }
0x56: {  	[sflag:s19] =	ssyncset.done $0x0  }
0x57: {  	[sflag:s19] =	ssyncadd.s32 $0xFFFFFF80  }
0x58: {  	[spmem:s2] =	stream.indirect.scatter.add.f32 [tilespmem:s15], [sflag:$0x3], $0x80, s17, s17, $0xb8;
	[tilespmem:$0x17D00] =	vst v63  }
0x59: {  	_ =	swait.ge [sflag:s16], $0x4000  }
0x5a: {  	[sflag:s16] =	ssyncset.done $0x0  }
0x5b: {  	s23 =	simm.s32 $0x20;
	s24 =	sadd.s32 $0x0, s13;
	[sflag:s16] =	ssyncadd.s32 $0xFFFFC000  }
.LBB2_6:
0x5c: {  	[tilespmem:s17], [sflag:$0x2] =	stream.linear.gather [hbm4b:s24+s3], $0x80, $0x38;
	[tilespmem:$0x17D00] =	vst v63  }
0x5d: {  	s24 =	smov.u32 s23  }
0x5e: {  	p0 =	sne.s32 s23, $0x4C0;
	s23 =	sadd.s32 $0x20, s23;
	_ =	swait.ge [sflag:s18], $0x80  }
0x5f: {  	[sflag:s18] =	ssyncset.done $0x0  }
0x60: {  	[sflag:s18] =	ssyncadd.s32 $0xFFFFFF80  }
0x61: {  	[spmem:s2] =	stream.indirect.scatter.add.f32 [tilespmem:s15], [sflag:$0x3], $0x80, s3, s17, $0xb8;
	[tilespmem:$0x17D00] =	vst v63  }
0x62: {  	_ =	swait.ge [sflag:s16], $0x4000  }
0x63: {  	[sflag:s16] =	ssyncset.done $0x0  }
0x64: {  	s25 =	sadd.s32 s24, s14;
	[sflag:s16] =	ssyncadd.s32 $0xFFFFC000  }
0x65: {  	[tilespmem:s3], [sflag:$0x1] =	stream.linear.gather [hbm4b:s25+s3], $0x80, $0x38;
	[tilespmem:$0x17D00] =	vst v63  }
0x66: {  	_ =	swait.ge [sflag:s19], $0x80  }
0x67: {  	[sflag:s19] =	ssyncset.done $0x0  }
.Ltmp2:
0x68: {  	[sflag:s19] =	ssyncadd.s32 $0xFFFFFF80;
	(pc) =	sbr.rel @p0 .LBB2_6-.Ltmp2, $4  }
0x69: {  	[spmem:s2] =	stream.indirect.scatter.add.f32 [tilespmem:s15], [sflag:$0x3], $0x80, s17, s17, $0xb8;
	[tilespmem:$0x17D00] =	vst v63  }
0x6a: {  	_ =	swait.ge [sflag:s16], $0x4000  }
0x6b: {  	[sflag:s16] =	ssyncset.done $0x0  }
0x6c: {  	s24 =	sadd.s32 s24, s13;
	[sflag:s16] =	ssyncadd.s32 $0xFFFFC000  }
0x6d: {  	[tilespmem:s17], [sflag:$0x2] =	stream.linear.gather [hbm4b:s24+s3], $0x80, $0x38;
	[tilespmem:$0x17D00] =	vst v63  }
0x6e: {  	_ =	swait.ge [sflag:s18], $0x80  }
0x6f: {  	[sflag:s18] =	ssyncset.done $0x0  }
0x70: {  	[sflag:s18] =	ssyncadd.s32 $0xFFFFFF80  }
0x71: {  	[spmem:s2] =	stream.indirect.scatter.add.f32 [tilespmem:s15], [sflag:$0x3], $0x80, s3, s17, $0xb8;
	[tilespmem:$0x17D00] =	vst v63  }
0x72: {  	_ =	swait.ge [sflag:s16], $0x4000  }
0x73: {  	[sflag:s16] =	ssyncset.done $0x0  }
0x74: {  	[sflag:s16] =	ssyncadd.s32 $0xFFFFC000  }
0x75: {  	_ =	swait.ge [sflag:s19], $0x80  }
0x76: {  	[sflag:s19] =	ssyncset.done $0x0  }
0x77: {  	[sflag:s19] =	ssyncadd.s32 $0xFFFFFF80  }
0x78: {  	[spmem:s2] =	stream.indirect.scatter.add.f32 [tilespmem:s15], [sflag:$0x3], $0x80, s17, s17, $0xb8;
	[tilespmem:$0x17D00] =	vst v63  }
0x79: {  	_ =	swait.ge [sflag:s16], $0x4000  }
0x7a: {  	s22 =	sadd.s32 $0x1, s22;
	[sflag:s16] =	ssyncset.done $0x0  }
0x7b: {  	p0 =	sne.s32 s22, s12;
	[sflag:s16] =	ssyncadd.s32 $0xFFFFC000  }
.Ltmp3:
0x7c: {  	[bflag:$0x0] =	sbarrier.arrive $0xFFFF;
	(pc) =	sbr.rel @p0 .LBB2_1-.Ltmp3, $4  }
0x7d: {  	[hbm:s11], [sflag:s20] =	dma.local [spmem:s21], $0x2780  }
0x7e: {  	_ =	swait.ge [sflag:s16], $0x2780  }
0x7f: {  	[sflag:s16] =	ssyncset.done $0x0  }
0x80: {  	[sflag:s16] =	ssyncadd.s32 $0xFFFFD880  }
0x81: {  	_ =	sfence.sel $0x180000  }
0x82: {  	[bflag:$0x0] =	sbarrier.arrive $0xFFFF  }
0x83: {  	p0 =	sne.s32 s0, $0x0;
	_ =	strace $0x90000047  }
0x84: {  	s0 =	sadd.s32 @!p0 $0x100000, s1;
	[bflag:$0x2] =	sbarrier.arrive $0xFFFF  }
0x85: {  	[sflag:s0] =	ssyncadd.tile.s32 @!p0 $0x1;
	_ =	shalt  }
.Lfunc_end2:
_tile_overlayer_lowered:
.L_overlay_start_2:
0x86: {  	(tag) =	ssettag $0x2  }
0x87: {  	s0 =	rddreg [dreg:$0x0];
	s2 =	stileid.u32  }
0x88: {  	s1 =	rddreg [dreg:$0x1];
	p0 =	sne.s32 s2, $0x0  }
0x89: {  	s3 =	rddreg [dreg:$0x2];
	[bflag:$0x3] =	sbarrier.arrive $0xFFFF;
	s2 =	simm.s32 @!p0 $0x1C03  }
0x8a: {  	[timem:s3], [sflag:s2] =	dma.local @!p0 [hbm:s0], s1  }
0x8b: {  	s0 =	simm.s32 @!p0 $0x3  }
0x8c: {  	_ =	swait.ge @!p0 [sflag:s0], s1  }
0x8d: {  	s1 =	ssub.s32 @!p0 $0x0, s1;
	[sflag:s0] =	ssyncset.done @!p0 $0x0  }
0x8e: {  	[sflag:s0] =	ssyncadd.s32 @!p0 s1  }
0x8f: {  	[bflag:$0x3] =	sbarrier.arrive $0xFFFF  }
0x90: {  	_ =	shalt  }

// kernel: kernel.16.cloned.1.call-start
scs
__scs_entry_jumppad:
0x0: {  	(pc) =	sbr.rel $0x88, $3  }
0x1: {  	(tag) =	ssettag $0x0;
	lr =	simm.s32 $0x1  }
0x2: {  	[smem:$0x3F97] =	sst lr;
	_ =	strace $0xD0000000  }
0x3: {  	_ = 	snop  }
0x4: {  	_ = 	snop  }
0x5: {  	_ = 	snop  }
0x6: {  	_ = 	snop  }
0x7: {  	_ = 	snop  }
__scs_overlays_trampoline_lowered:
0x8: {  	[smem:$0x3FA6] =	sst s0  }
0x9: {  	[smem:$0x3FA7] =	sst s1  }
0xa: {  	[smem:$0x3FA8] =	sst s2  }
0xb: {  	[smem:$0x3FA9] =	sst s3  }
0xc: {  	[smem:$0x3FAA] =	sst s4  }
0xd: {  	[smem:$0x3FAB] =	sst s5  }
0xe: {  	[smem:$0x3FAC] =	sst s6  }
0xf: {  	[smem:$0x3FAD] =	sst s7  }
0x10: {  	[smem:$0x3FAE] =	sst s8  }
0x11: {  	[smem:$0x3FAF] =	sst s9;
	s0 =	simm.s32 @!p0 $0x0  }
0x12: {  	s1 =	sld [smem:$0x3F95];
	s0 =	simm.s32 @p0 $0x1  }
0x13: {  	[smem:$0x3FB0] =	sst s0;
	s0 =	simm.s32 @!p1 $0x0  }
0x14: {  	s2 =	sld [smem:$0x3F94];
	s0 =	simm.s32 @p1 $0x1  }
0x15: {  	[smem:$0x3FB1] =	sst s0;
	s0 =	simm.s32 @!p2 $0x0  }
0x16: {  	s3 =	sld [smem:$0x3FDB];
	s0 =	simm.s32 @p2 $0x1  }
0x17: {  	s4 =	simm.s32 $0x1BF5;
	[smem:$0x3FB3] =	sst s0  }
0x18: {  	s0 =	sld [smem:$0x3F96];
	_ =	swait.ge [sflag:s4], $0x0  }
0x19: {  	s7 =	sld [smem:$0x3F97]  }
0x1a: {  	s8 =	sadd.s32 $0xFFFFE003, lr  }
0x1b: {  	s9 =	sadd.s32 $0xFFFFFEF7, lr;
	s5 =	simm.s32 $0xFFFFFFFF;
	p2 =	slt.u32 s8, $0xFFFFF086  }
0x1c: {  	p1 =	slt.u32 s9, $0xF7A;
	s5 =	simm.s32 @!p2 $0x0  }
0x1d: {  	s5 =	simm.s32 @p1 $0x1;
	p0 =	seq.s32 s7, s2  }
0x1e: {  	s7 =	smul.u32 @!p0 $0xF7A, s2;
	p2 =	seq.s32 @!p0 s5, $0x0  }
0x1f: {  	s9 =	smul.u32 $0xF7A, s1;
	s8 =	simm.s32 @!p0 $0x1BF5;
	p2 =	por !p2, p0  }
0x20: {  	[sflag:s8] =	ssyncset.s32 @!p0 $0xFFFFF086;
	s6 =	sadd.s32 @!p0 s3, s7;
	s7 =	simm.s32 @!p0 $0x108  }
0x21: {  	s3 =	sadd.s32 s3, s9;
	s6 =	sadd.s32 @!p0 $0x88, s6;
	s7 =	simm.s32 @p2 $0x1082  }
0x22: {  	[simem:s7], [sflag:s8] =	dma.local @!p0 [hbm:s6], $0xF7A  }
0x23: {  	s9 =	sor.u32 $0xD0000000, s2;
	s6 =	simm.s32 $0x108;
	_ =	swait.ge @!p0 [sflag:s8], $0x0  }
0x24: {  	s3 =	sadd.s32 $0x88, s3;
	s6 =	simm.s32 @!p1 $0x1082;
	[sflag:s4] =	ssyncset.s32 $0xFFFFF086  }
0x25: {  	[simem:s6], [sflag:s4] =	dma.local [hbm:s3], $0xF7A  }
0x26: {  	[smem:$0x3F97] =	sst s1;
	(tag) =	ssettag s2;
	_ =	strace s9  }
0x27: {  	s1 =	sld [smem:$0x3FA7]  }
0x28: {  	s2 =	sld [smem:$0x3FA8]  }
0x29: {  	s4 =	sld [smem:$0x3FAA]  }
0x2a: {  	p0 =	seq.s32 s5, $0x0;
	s5 =	sld [smem:$0x3FAB]  }
0x2b: {  	s6 =	sld [smem:$0x3FAC]  }
0x2c: {  	s7 =	sld [smem:$0x3FAD]  }
0x2d: {  	s3 =	simm.s32 $0x108;
	s8 =	sld [smem:$0x3FAE]  }
0x2e: {  	s3 =	simm.s32 @!p0 $0x1082;
	s9 =	sld [smem:$0x3FAF]  }
0x2f: {  	lr =	sadd.s32 s0, s3;
	s0 =	sld [smem:$0x3FA6]  }
0x30: {  	s3 =	sld [smem:$0x3FA9]  }
0x31: {  	[smem:$0x3FB2] =	sst s10  }
0x32: {  	s10 =	sld [smem:$0x3FB0];
	_ =	sdelay $0x3  }
0x33: {  	p0 =	seq.s32 s10, $0x1;
	s10 =	sld [smem:$0x3FB2];
	_ =	sdelay $0x3  }
0x34: {  	[smem:$0x3FB2] =	sst s10  }
0x35: {  	s10 =	sld [smem:$0x3FB1];
	_ =	sdelay $0x3  }
0x36: {  	p1 =	seq.s32 s10, $0x1;
	s10 =	sld [smem:$0x3FB2];
	_ =	sdelay $0x3  }
0x37: {  	[smem:$0x3FB2] =	sst s10  }
0x38: {  	s10 =	sld [smem:$0x3FB3]  }
0x39: {  	_ = 	snop;
	(pc) =	sbr.ind lr, $3  }
0x3a: {  	_ = 	snop  }
0x3b: {  	_ = 	snop  }
0x3c: {  	p2 =	seq.s32 s10, $0x1;
	s10 =	sld [smem:$0x3FB2]  }
0x3d: {  	_ =	shalt  }
0x3e: {  	_ =	shalt  }
0x3f: {  	_ =	shalt  }
0x40: {  	_ =	shalt  }
0x41: {  	_ =	shalt  }
0x42: {  	_ =	shalt  }
0x43: {  	_ =	shalt  }
0x44: {  	_ =	shalt  }
0x45: {  	_ =	shalt  }
0x46: {  	_ =	shalt  }
0x47: {  	_ =	shalt  }
0x48: {  	_ =	shalt  }
0x49: {  	_ =	shalt  }
0x4a: {  	_ =	shalt  }
0x4b: {  	_ =	shalt  }
0x4c: {  	_ =	shalt  }
0x4d: {  	_ =	shalt  }
0x4e: {  	_ =	shalt  }
0x4f: {  	_ =	shalt  }
0x50: {  	_ =	shalt  }
0x51: {  	_ =	shalt  }
0x52: {  	_ =	shalt  }
0x53: {  	_ =	shalt  }
0x54: {  	_ =	shalt  }
0x55: {  	_ =	shalt  }
0x56: {  	_ =	shalt  }
0x57: {  	_ =	shalt  }
0x58: {  	_ =	shalt  }
0x59: {  	_ =	shalt  }
0x5a: {  	_ =	shalt  }
0x5b: {  	_ =	shalt  }
0x5c: {  	_ =	shalt  }
0x5d: {  	_ =	shalt  }
0x5e: {  	_ =	shalt  }
0x5f: {  	_ =	shalt  }
0x60: {  	_ =	shalt  }
0x61: {  	_ =	shalt  }
0x62: {  	_ =	shalt  }
0x63: {  	_ =	shalt  }
0x64: {  	_ =	shalt  }
0x65: {  	_ =	shalt  }
0x66: {  	_ =	shalt  }
0x67: {  	_ =	shalt  }
0x68: {  	_ =	shalt  }
0x69: {  	_ =	shalt  }
0x6a: {  	_ =	shalt  }
0x6b: {  	_ =	shalt  }
0x6c: {  	_ =	shalt  }
0x6d: {  	_ =	shalt  }
0x6e: {  	_ =	shalt  }
0x6f: {  	_ =	shalt  }
0x70: {  	_ =	shalt  }
0x71: {  	_ =	shalt  }
0x72: {  	_ =	shalt  }
0x73: {  	_ =	shalt  }
0x74: {  	_ =	shalt  }
0x75: {  	_ =	shalt  }
0x76: {  	_ =	shalt  }
0x77: {  	_ =	shalt  }
0x78: {  	_ =	shalt  }
0x79: {  	_ =	shalt  }
0x7a: {  	_ =	shalt  }
0x7b: {  	_ =	shalt  }
0x7c: {  	_ =	shalt  }
0x7d: {  	_ =	shalt  }
0x7e: {  	_ =	shalt  }
0x7f: {  	_ =	shalt  }
0x80: {  	_ =	shalt  }
0x81: {  	_ =	shalt  }
0x82: {  	_ =	shalt  }
0x83: {  	_ =	shalt  }
0x84: {  	_ =	shalt  }
0x85: {  	_ =	shalt  }
0x86: {  	_ =	shalt  }
0x87: {  	_ =	shalt  }
.Lfunc_end0:
.L_simem_size_0:
called_computation.1_lowered:
.L_overlay_start_0:
0x88: {  	s2 =	sld [smem:$0x3FD9]  }
0x89: {  	s3 =	sld [smem:$0x3FFE];
	_ =	sdelay $0x1  }
0x8a: {  	s1 =	srdreg.scid  }
0x8b: {  	s0 =	sand.u32 $0x1, s1  }
0x8c: {  	s17 =	sshll.u32 s0, $0xA;
	s2 =	sadd.s32 s3, s2  }
0x8d: {  	s2 =	sadd.s32 s2, s17  }
0x8e: {  	[smem:$0x3FBE] =	sst s2  }
0x8f: {  	_ = 	snop  }
0x90: {  	s2 =	sld [smem:$0x3FD0];
	(tm) =	ssettm $0x1  }
0x91: {  	s18 =	sld [smem:$0x3FFB];
	_ =	sdelay $0x3  }
0x92: {  	_ =	strace s18  }
0x93: {  	s3 =	sld [smem:$0x3FFC];
	_ =	sdelay $0x3  }
0x94: {  	_ =	strace s3  }
0x95: {  	s3 =	sld [smem:$0x3FFD];
	_ =	sdelay $0x3  }
0x96: {  	_ =	strace s3  }
0x97: {  	_ =	strace $0x8FFFFFFF  }
0x98: {  	s19 =	sld [smem:$0x3FDB];
	_ =	sdelay $0x1  }
0x99: {  	s4 =	simm.s32 $_scs_section_size  }
0x9a: {  	s5 =	simm.s32 $_size__tile_overlayer_lowered;
	s6 =	simm.s32 $_tile_overlayer_lowered  }
0x9b: {  	s22 =	simm.s32 $0x1BFF;
	s21 =	sshll.u32 s6, $0x1;
	s3 =	sadd.s32 s4, s19  }
0x9c: {  	s7 =	simm.s32 $0x0;
	s20 =	sshll.u32 s5, $0x1;
	s5 =	sadd.s32 s21, s3  }
0x9d: {  	[timem:s7], [sflag:s22] =	dma.local [hbm:s5], s20  }
0x9e: {  	_ =	swait.ge [sflag:s22], s20  }
0x9f: {  	s4 =	ssub.s32 $0x0, s20;
	[sflag:s22] =	ssyncset.done $0x0  }
0xa0: {  	[sflag:s22] =	ssyncadd.s32 s4;
	_ =	sdelay $0x1  }
0xa1: {  	s23 =	simm.s32 $0x1B8B  }
0xa2: {  	_ =	swait.ge [sflag:s23], $0x1  }
0xa3: {  	[sflag:s23] =	ssyncset.done $0x0  }
0xa4: {  	s25 =	simm.s32 $0x1B8E;
	s24 =	sld [smem:$0x3FFE];
	[sflag:s23] =	ssyncadd.s32 $0xFFFFFFFF  }
0xa5: {  	s26 =	simm.s32 $execute0_lowered;
	[smem:$0x3FD2] =	sst s25  }
0xa6: {  	s5 =	sshll.u32 s26, $0x1;
	_ =	strace $0x80000049;
	[dreg:$0x1] =	wrdreg $0xFFFFFFFF  }
0xa7: {  	s28 =	simm.s32 $_size_execute0_lowered;
	s3 =	sadd.s32 s3, s5;
	[dreg:$0x0] =	wrdreg $0x0  }
0xa8: {  	s5 =	sshll.u32 s28, $0x1;
	[dreg:$0x2] =	wrdreg s3  }
0xa9: {  	[dreg:$0x3] =	wrdreg s5  }
0xaa: {  	[dreg:$0x4] =	wrdreg $0xC0  }
0xab: {  	_ =	task [dreg:s7], $0x5FFFF  }
0xac: {  	[dreg:$0x1] =	wrdreg $0xFFFFFFFF  }
0xad: {  	[dreg:$0x0] =	wrdreg $0x60  }
0xae: {  	[dreg:$0x2] =	wrdreg s2  }
0xaf: {  	[dreg:$0x3] =	wrdreg s24  }
0xb0: {  	[dreg:$0x4] =	wrdreg $0xC3000  }
0xb1: {  	[dreg:$0x5] =	wrdreg $0x9  }
0xb2: {  	_ =	task.clear_ibuf [dreg:s7], $0x6FFFF;
	_ =	strace $0x90000049  }
0xb3: {  	s29 =	simm.s32 $0x9;
	_ =	strace $0x8000004B  }
0xb4: {  	_ =	swait.ge [sflag:s29], $0x1  }
0xb5: {  	[sflag:s29] =	ssyncadd.s32 $0xFFFFFFFF  }
0xb6: {  	_ =	strace $0x9000004B  }
0xb7: {  	_ =	sfence  }
0xb8: {  	s30 =	sld [smem:$0x0];
	_ =	sdelay $0x2  }
0xb9: {  	s31 =	sshll.u32 s1, $0xD;
	s1 =	sshrl.u32 s1, $0x2  }
0xba: {  	s3 =	sand.u32 $0x4000, s31;
	s1 =	sadd.s32 s1, s30  }
0xbb: {  	s0 =	sor.u32 s3, s0;
	s1 =	sshll.u32 s1, $0x11  }
0xbc: {  	s0 =	sor.u32 s1, s0  }
0xbd: {  	s0 =	sadd.s32 $0x8F2B, s0  }
0xbe: {  	[sflag:s0] =	ssyncadd.remote.s32 $0x1  }
0xbf: {  	_ =	sfence.sel $0xFFFF  }
0xc0: {  	[dreg:$0x0] =	wrdreg $0xFFFFFFFF;
	(pc) =	sbr.abs _section_cstart, $3  }
0xc1: {  	[dreg:$0x1] =	wrdreg $0xFFFFFFFF  }
0xc2: {  	_ =	task.clear_ibuf [dreg:s7], $0x2FFFF;
	_ =	strace $0x9FFFFFFF  }
0xc3: {  	(tm) =	ssettm $0x7FFFFFFF  }
tec
execute0_lowered:
.L_overlay_start_1:
0x0: {  	(tag) =	ssettag $0x1  }
0x1: {  	s0 =	rddreg [dreg:$0x0]  }
0x2: {  	s1 =	rddreg [dreg:$0x1];
	s2 =	srdreg.scid  }
0x3: {  	s3 =	rddreg [dreg:$0x2];
	s11 =	stileid.u32  }
0x4: {  	s4 =	simm.s32 $0x0;
	s28 =	simm.s32 $0x4;
	s6 =	smul.u32 $0x13C00, s11  }
0x5: {  	s29 =	simm.s32 $0x2;
	s30 =	simm.s32 $0x4300;
	s7 =	smul.u32 $0x4F000, s11  }
0x6: {  	s2 =	sand.u32 $0x1, s2;
	[smem:$0x7FF] =	sst s4;
	s19 =	smul.u32 $0x7B00, s11  }
0x7: {  	s31 =	simm.s32 $0x5;
	s5 =	smul.u32 $0x13C000, s2;
	_ =	strace $0x8000004A  }
0x8: {  	s10 =	sshll.u32 s2, $0x4;
	s9 =	ssub.s32 $0x2, s2;
	s17 =	smul.u32 $0x7B000, s2  }
0x9: {  	p0 =	seq.s32 s2, $0x1;
	s10 =	sor.u32 s11, s10;
	s12 =	sshrl.u32 s7, $0x2  }
0xa: {  	s13 =	sshrl.u32 s9, $0x1;
	s6 =	sadd.s32 s6, s5;
	s5 =	sadd.s32 $0x53600, s1  }
0xb: {  	s10 =	smul.u32 $0x7B00, s10;
	s7 =	ssub.s32 s9, s13;
	s23 =	sadd.s32 s19, s17  }
0xc: {  	s13 =	simm.s32 $0x200;
	s19 =	simm.s32 $0x6;
	s8 =	sshrl.u32 s6, $0x3  }
0xd: {  	s6 =	sadd.s32 s12, s3;
	s24 =	sadd.s32 $0x500, s23;
	s25 =	sadd.s32 $0x400, s23  }
0xe: {  	s1 =	sadd.s32 s8, s1;
	s14 =	sadd.s32 $0x4000, s6;
	s15 =	sadd.s32 $0x8000, s6  }
0xf: {  	s16 =	sshrl.u32 s10, $0x3;
	s18 =	sadd.s32 $0xC000, s6;
	[dreg:$0x4] =	wrdreg s14  }
0x10: {  	s20 =	sadd.s32 $0x10000, s6;
	s2 =	sshrl.u32 s24, $0x3;
	[dreg:$0x5] =	wrdreg s15  }
0x11: {  	s8 =	sadd.s32 $0x300, s23;
	s24 =	simm.s32 $0x100;
	[dreg:$0x6] =	wrdreg s18  }
0x12: {  	s10 =	sadd.s32 s5, s16;
	[dreg:$0x7] =	wrdreg s20;
	s1 =	sadd.s32 $0x72200, s1  }
0x13: {  	s15 =	smax.u32 s7, $0x1;
	s7 =	sshrl.u32 s25, $0x3;
	s17 =	sadd.s32 s2, s5  }
0x14: {  	[dreg:$0xb] =	wrdreg s8;
	s26 =	sshrl.u32 s8, $0x3;
	s25 =	simm.s32 $0x1  }
0x15: {  	s2 =	simm.s32 $0x3;
	s16 =	simm.s32 $0x8300;
	s8 =	simm.s32 $0x0  }
.Ltmp0:
0x16: {  	s21 =	sadd.s32 $0x20, s10;
	[dreg:$0xa] =	wrdreg s1;
	(pc) =	sbr.rel .LBB2_1-.Ltmp0, $4  }
0x17: {  	s22 =	sadd.s32 $0x40, s10;
	s18 =	sadd.s32 s7, s5;
	[dreg:$0xc] =	wrdreg s26  }
0x18: {  	s20 =	sadd.s32 s26, s5;
	s26 =	simm.s32 $0x80;
	[dreg:$0x8] =	wrdreg s21  }
0x19: {  	s1 =	simm.s32 $0x180;
	s7 =	simm.s32 $0x280;
	[dreg:$0x9] =	wrdreg s22  }
0x1a: {  	v0 =	vimm.f32 $0.0e+00;
	s21 =	sadd.s32 $0x200, s23;
	s22 =	simm.s32 $0x300;
	s23 =	simm.s32 $0x7  }
.LBB2_6:
0x1b: {  	[tilespmem:s13], [sflag:$0x3] =	stream.linear.gather [hbm4b:s12+s4], $0x100, $0x38;
	[tilespmem:$0x1FF00] =	vst v63  }
0x1c: {  	_ =	swait.ge [sflag:s28], $0x4000  }
0x1d: {  	[sflag:s28] =	ssyncset.done $0x0  }
0x1e: {  	[sflag:s28] =	ssyncadd.s32 $0xFFFFC000  }
0x1f: {  	_ =	swait.ge [sflag:s2], $0x100  }
0x20: {  	[sflag:s2] =	ssyncset.done $0x0  }
0x21: {  	[sflag:s2] =	ssyncadd.s32 $0xFFFFFF00  }
0x22: {  	[tilespmem:s16], [sflag:$0x6] =	stream.indirect.gather [hbm4b:s0+s26], $0x80, s13, s26, $0xb8;
	[tilespmem:$0x1FF00] =	vst v63  }
0x23: {  	_ = 	snop  }
0x24: {  	[spmem:s3] =	stream.indirect.scatter.add.f32 [tilespmem:s22], [sflag:$0x7], $0x80, s26, s26, $0xb8;
	[tilespmem:$0x1FF00] =	vst v63  }
0x25: {  	_ =	swait.ge [sflag:s23], $0x4000  }
0x26: {  	[sflag:s23] =	ssyncset.done $0x0  }
0x27: {  	[sflag:s23] =	ssyncadd.s32 $0xFFFFC000  }
0x28: {  	_ =	swait.ge [sflag:s31], $0x4000  }
0x29: {  	[sflag:s31] =	ssyncset.done $0x0  }
0x2a: {  	[sflag:s31] =	ssyncadd.s32 $0xFFFFC000  }
0x2b: {  	[spmem:s3] =	stream.indirect.scatter.add.f32 [tilespmem:s30], [sflag:$0x7], $0x80, s1, s26, $0xb8;
	[tilespmem:$0x1FF00] =	vst v63  }
0x2c: {  	_ =	swait.ge [sflag:s23], $0x4000  }
0x2d: {  	[sflag:s23] =	ssyncset.done $0x0  }
0x2e: {  	[sflag:s23] =	ssyncadd.s32 $0xFFFFC000  }
0x2f: {  	_ =	swait.ge [sflag:s19], $0x4000  }
0x30: {  	[sflag:s19] =	ssyncset.done $0x0  }
0x31: {  	[sflag:s19] =	ssyncadd.s32 $0xFFFFC000  }
0x32: {  	[spmem:s3] =	stream.indirect.scatter.add.f32 [tilespmem:s16], [sflag:$0x7], $0x80, s7, s26, $0xb8;
	[tilespmem:$0x1FF00] =	vst v63  }
.LBB2_10:
0x33: {  	_ =	swait.ge [sflag:s23], $0x4000  }
0x34: {  	s9 =	stileid.u32;
	[sflag:s23] =	ssyncset.done $0x0  }
0x35: {  	s11 =	sshrl.u32 s6, $0x3;
	s8 =	sadd.s32 $0x1, s8;
	[sflag:s23] =	ssyncadd.s32 $0xFFFFC000  }
0x36: {  	s9 =	sshll.u32 s9, $0x6;
	p1 =	sne.s32 s8, s15;
	[bflag:$0x0] =	sbarrier.arrive $0xFFFF  }
.Ltmp1:
0x37: {  	s9 =	sor.u32 $0x1C07, s9;
	s12 =	rddreg [dreg:$0xa];
	(pc) =	sbr.rel @!p1 .LBB2_11-.Ltmp1, $4  }
0x38: {  	[hbm:s12], [sflag:s9] =	dma.local [spmem:s11], $0x2780  }
0x39: {  	_ =	swait.ge [sflag:s23], $0x2780  }
0x3a: {  	[sflag:s23] =	ssyncset.done $0x0  }
0x3b: {  	[sflag:s23] =	ssyncadd.s32 $0xFFFFD880  }
.LBB2_1:
0x3c: {  	s9 =	simm.s32 $0x0;
	s11 =	simm.s32 $0x200  }
.LBB2_2:
0x3d: {  	p1 =	sne.s32 s11, $0xFE00;
	[tilespmem:s9+$0x370] =	vst v0  }
0x3e: {  	[tilespmem:s9+$0x300] =	vst v0  }
0x3f: {  	[tilespmem:s9+$0x310] =	vst v0  }
.Ltmp2:
0x40: {  	[tilespmem:s9+$0x320] =	vst v0;
	(pc) =	sbr.rel @p1 .LBB2_2-.Ltmp2, $4  }
0x41: {  	[tilespmem:s9+$0x330] =	vst v0  }
0x42: {  	[tilespmem:s9+$0x340] =	vst v0  }
0x43: {  	[tilespmem:s9+$0x350] =	vst v0  }
0x44: {  	[tilespmem:s9+$0x360] =	vst v0;
	s9 =	sshra.s32 s11, $0x2;
	s11 =	sadd.s32 $0x200, s11  }
0x45: {  	[tilespmem:s9+$0x370] =	vst v0  }
0x46: {  	[tilespmem:s9+$0x300] =	vst v0  }
0x47: {  	[tilespmem:s9+$0x310] =	vst v0  }
0x48: {  	[tilespmem:s9+$0x320] =	vst v0  }
0x49: {  	[tilespmem:s9+$0x330] =	vst v0  }
0x4a: {  	[tilespmem:s9+$0x340] =	vst v0  }
0x4b: {  	[tilespmem:s9+$0x350] =	vst v0  }
0x4c: {  	[tilespmem:s9+$0x360] =	vst v0  }
0x4d: {  	[spmem:s6] =	stream.linear.scatter [tilespmem:s22], [sflag:$0x7], $0x4000, $0x38;
	[tilespmem:$0x1FF00] =	vst v63  }
0x4e: {  	_ =	swait.ge [sflag:s23], $0x4000  }
0x4f: {  	[sflag:s23] =	ssyncset.done $0x0  }
0x50: {  	s14 =	rddreg [dreg:$0x4];
	[sflag:s23] =	ssyncadd.s32 $0xFFFFC000  }
0x51: {  	[spmem:s14] =	stream.linear.scatter [tilespmem:s22], [sflag:$0x7], $0x4000, $0x38;
	[tilespmem:$0x1FF00] =	vst v63  }
0x52: {  	_ =	swait.ge [sflag:s23], $0x4000  }
0x53: {  	[sflag:s23] =	ssyncset.done $0x0  }
0x54: {  	s11 =	rddreg [dreg:$0x5];
	[sflag:s23] =	ssyncadd.s32 $0xFFFFC000  }
0x55: {  	[spmem:s11] =	stream.linear.scatter [tilespmem:s22], [sflag:$0x7], $0x4000, $0x38;
	[tilespmem:$0x1FF00] =	vst v63  }
0x56: {  	_ =	swait.ge [sflag:s23], $0x4000  }
0x57: {  	[sflag:s23] =	ssyncset.done $0x0  }
0x58: {  	s12 =	rddreg [dreg:$0x6];
	[sflag:s23] =	ssyncadd.s32 $0xFFFFC000  }
0x59: {  	[spmem:s12] =	stream.linear.scatter [tilespmem:s22], [sflag:$0x7], $0x4000, $0x38;
	[tilespmem:$0x1FF00] =	vst v63  }
0x5a: {  	_ =	swait.ge [sflag:s23], $0x4000  }
0x5b: {  	[sflag:s23] =	ssyncset.done $0x0  }
0x5c: {  	s14 =	rddreg [dreg:$0x7];
	[sflag:s23] =	ssyncadd.s32 $0xFFFFC000  }
0x5d: {  	[spmem:s14] =	stream.linear.scatter [tilespmem:s22], [sflag:$0x7], $0x3C00, $0x38;
	[tilespmem:$0x1FF00] =	vst v63  }
0x5e: {  	_ =	swait.ge [sflag:s23], $0x3C00  }
0x5f: {  	[sflag:s23] =	ssyncset.done $0x0  }
.Ltmp3:
0x60: {  	[sflag:s23] =	ssyncadd.s32 $0xFFFFC400;
	(pc) =	sbr.rel @!p0 .LBB2_4-.Ltmp3, $4  }
0x61: {  	s9 =	simm.s32 $0x0;
	[bflag:$0x0] =	sbarrier.arrive $0xFFFF  }
0x62: {  	[tilespmem:s9], [sflag:$0x1] =	stream.linear.gather [hbm4b:s10+s9], $0x100, $0x38;
	[tilespmem:$0x1FF00] =	vst v63  }
0x63: {  	s11 =	rddreg [dreg:$0x8]  }
0x64: {  	[tilespmem:s24], [sflag:$0x2] =	stream.linear.gather [hbm4b:s11+s9], $0x100, $0x38;
	[tilespmem:$0x1FF00] =	vst v63  }
0x65: {  	_ =	swait.ge [sflag:s25], $0x100  }
0x66: {  	[sflag:s25] =	ssyncset.done $0x0  }
0x67: {  	[sflag:s25] =	ssyncadd.s32 $0xFFFFFF00  }
0x68: {  	[tilespmem:s22], [sflag:$0x4] =	stream.indirect.gather [hbm4b:s0+s26], $0x80, s4, s26, $0xb8;
	[tilespmem:$0x1FF00] =	vst v63  }
0x69: {  	_ =	swait.ge [sflag:s28], $0x4000  }
0x6a: {  	[sflag:s28] =	ssyncset.done $0x0  }
0x6b: {  	[sflag:s28] =	ssyncadd.s32 $0xFFFFC000  }
0x6c: {  	[spmem:s3] =	stream.indirect.scatter.add.f32 [tilespmem:s22], [sflag:$0x7], $0x80, s26, s26, $0xb8;
	[tilespmem:$0x1FF00] =	vst v63  }
0x6d: {  	_ =	swait.ge [sflag:s23], $0x4000  }
0x6e: {  	s9 =	sshrl.u32 s21, $0x3;
	[sflag:s23] =	ssyncset.done $0x0  }
0x6f: {  	s9 =	sadd.s32 s5, s9;
	[sflag:s23] =	ssyncadd.s32 $0xFFFFC000  }
0x70: {  	[tilespmem:s4], [sflag:$0x1] =	stream.linear.gather [hbm4b:s9+s4], $0x100, $0x38;
	[tilespmem:$0x1FF00] =	vst v63  }
0x71: {  	_ =	swait.ge [sflag:s29], $0x100  }
0x72: {  	[sflag:s29] =	ssyncset.done $0x0  }
0x73: {  	[sflag:s29] =	ssyncadd.s32 $0xFFFFFF00  }
0x74: {  	[tilespmem:s30], [sflag:$0x5] =	stream.indirect.gather [hbm4b:s0+s26], $0x80, s24, s26, $0xb8;
	[tilespmem:$0x1FF00] =	vst v63  }
0x75: {  	_ =	swait.ge [sflag:s31], $0x4000  }
0x76: {  	[sflag:s31] =	ssyncset.done $0x0  }
0x77: {  	[sflag:s31] =	ssyncadd.s32 $0xFFFFC000  }
0x78: {  	[spmem:s3] =	stream.indirect.scatter.add.f32 [tilespmem:s30], [sflag:$0x7], $0x80, s1, s26, $0xb8;
	[tilespmem:$0x1FF00] =	vst v63  }
0x79: {  	_ =	swait.ge [sflag:s23], $0x4000  }
0x7a: {  	s12 =	sadd.s32 $0x0, s20;
	[sflag:s23] =	ssyncset.done $0x0  }
0x7b: {  	s11 =	sadd.s32 $0x200, s21;
	s9 =	simm.s32 $0x40;
	[sflag:s23] =	ssyncadd.s32 $0xFFFFC000  }
.LBB2_8:
0x7c: {  	[tilespmem:s24], [sflag:$0x2] =	stream.linear.gather [hbm4b:s12+s4], $0x100, $0x38;
	[tilespmem:$0x1FF00] =	vst v63  }
0x7d: {  	s12 =	smov.u32 s9  }
0x7e: {  	p1 =	sne.s32 s9, $0x3C0;
	s9 =	sadd.s32 $0x40, s9;
	_ =	swait.ge [sflag:s25], $0x100  }
0x7f: {  	[sflag:s25] =	ssyncset.done $0x0  }
0x80: {  	[sflag:s25] =	ssyncadd.s32 $0xFFFFFF00  }
0x81: {  	[tilespmem:s22], [sflag:$0x4] =	stream.indirect.gather [hbm4b:s0+s26], $0x80, s4, s26, $0xb8;
	[tilespmem:$0x1FF00] =	vst v63  }
0x82: {  	_ =	swait.ge [sflag:s28], $0x4000  }
0x83: {  	[sflag:s28] =	ssyncset.done $0x0  }
0x84: {  	[sflag:s28] =	ssyncadd.s32 $0xFFFFC000  }
0x85: {  	[spmem:s3] =	stream.indirect.scatter.add.f32 [tilespmem:s22], [sflag:$0x7], $0x80, s26, s26, $0xb8;
	[tilespmem:$0x1FF00] =	vst v63  }
0x86: {  	_ =	swait.ge [sflag:s23], $0x4000  }
0x87: {  	s14 =	sshrl.u32 s11, $0x3;
	[sflag:s23] =	ssyncset.done $0x0  }
0x88: {  	s14 =	sadd.s32 s5, s14;
	[sflag:s23] =	ssyncadd.s32 $0xFFFFC000  }
0x89: {  	[tilespmem:s4], [sflag:$0x1] =	stream.linear.gather [hbm4b:s14+s4], $0x100, $0x38;
	[tilespmem:$0x1FF00] =	vst v63  }
0x8a: {  	_ =	swait.ge [sflag:s29], $0x100  }
0x8b: {  	[sflag:s29] =	ssyncset.done $0x0  }
0x8c: {  	[sflag:s29] =	ssyncadd.s32 $0xFFFFFF00  }
0x8d: {  	[tilespmem:s30], [sflag:$0x5] =	stream.indirect.gather [hbm4b:s0+s26], $0x80, s24, s26, $0xb8;
	[tilespmem:$0x1FF00] =	vst v63  }
0x8e: {  	_ =	swait.ge [sflag:s31], $0x4000  }
0x8f: {  	[sflag:s31] =	ssyncset.done $0x0  }
.Ltmp4:
0x90: {  	[sflag:s31] =	ssyncadd.s32 $0xFFFFC000;
	(pc) =	sbr.rel @p1 .LBB2_8-.Ltmp4, $4  }
0x91: {  	[spmem:s3] =	stream.indirect.scatter.add.f32 [tilespmem:s30], [sflag:$0x7], $0x80, s1, s26, $0xb8;
	[tilespmem:$0x1FF00] =	vst v63  }
0x92: {  	_ =	swait.ge [sflag:s23], $0x4000  }
0x93: {  	[sflag:s23] =	ssyncset.done $0x0  }
0x94: {  	s11 =	sadd.s32 $0x200, s11;
	s12 =	sadd.s32 s12, s20;
	[sflag:s23] =	ssyncadd.s32 $0xFFFFC000  }
0x95: {  	[tilespmem:s24], [sflag:$0x2] =	stream.linear.gather [hbm4b:s12+s4], $0x100, $0x38;
	[tilespmem:$0x1FF00] =	vst v63  }
0x96: {  	_ =	swait.ge [sflag:s25], $0x100  }
0x97: {  	[sflag:s25] =	ssyncset.done $0x0  }
0x98: {  	[sflag:s25] =	ssyncadd.s32 $0xFFFFFF00  }
0x99: {  	[tilespmem:s22], [sflag:$0x4] =	stream.indirect.gather [hbm4b:s0+s26], $0x80, s4, s26, $0xb8;
	[tilespmem:$0x1FF00] =	vst v63  }
0x9a: {  	_ =	swait.ge [sflag:s28], $0x4000  }
0x9b: {  	[sflag:s28] =	ssyncset.done $0x0  }
0x9c: {  	[sflag:s28] =	ssyncadd.s32 $0xFFFFC000  }
0x9d: {  	[spmem:s3] =	stream.indirect.scatter.add.f32 [tilespmem:s22], [sflag:$0x7], $0x80, s26, s26, $0xb8;
	[tilespmem:$0x1FF00] =	vst v63  }
0x9e: {  	_ =	swait.ge [sflag:s23], $0x4000  }
0x9f: {  	[sflag:s23] =	ssyncset.done $0x0  }
0xa0: {  	[sflag:s23] =	ssyncadd.s32 $0xFFFFC000  }
0xa1: {  	_ =	swait.ge [sflag:s29], $0x100  }
0xa2: {  	[sflag:s29] =	ssyncset.done $0x0  }
0xa3: {  	[sflag:s29] =	ssyncadd.s32 $0xFFFFFF00  }
0xa4: {  	[tilespmem:s30], [sflag:$0x5] =	stream.indirect.gather [hbm4b:s0+s26], $0x80, s24, s26, $0xb8;
	[tilespmem:$0x1FF00] =	vst v63  }
.Ltmp5:
0xa5: {  	_ = 	snop;
	(pc) =	sbr.rel .LBB2_10-.Ltmp5, $4  }
0xa6: {  	_ =	swait.ge [sflag:s31], $0x4000  }
0xa7: {  	[sflag:s31] =	ssyncset.done $0x0  }
0xa8: {  	[sflag:s31] =	ssyncadd.s32 $0xFFFFC000  }
0xa9: {  	[spmem:s3] =	stream.indirect.scatter.add.f32 [tilespmem:s30], [sflag:$0x7], $0x80, s1, s26, $0xb8;
	[tilespmem:$0x1FF00] =	vst v63  }
.LBB2_4:
0xaa: {  	s11 =	rddreg [dreg:$0x9]  }
0xab: {  	[tilespmem:s13], [sflag:$0x3] =	stream.linear.gather [hbm4b:s11+s9], $0x100, $0x38;
	[tilespmem:$0x1FF00] =	vst v63  }
0xac: {  	_ =	swait.ge [sflag:s25], $0x100  }
0xad: {  	[sflag:s25] =	ssyncset.done $0x0  }
0xae: {  	[sflag:s25] =	ssyncadd.s32 $0xFFFFFF00  }
0xaf: {  	[tilespmem:s22], [sflag:$0x4] =	stream.indirect.gather [hbm4b:s0+s26], $0x80, s9, s26, $0xb8;
	[tilespmem:$0x1FF00] =	vst v63  }
0xb0: {  	_ =	swait.ge [sflag:s29], $0x100  }
0xb1: {  	[sflag:s29] =	ssyncset.done $0x0  }
0xb2: {  	[sflag:s29] =	ssyncadd.s32 $0xFFFFFF00  }
0xb3: {  	[tilespmem:s30], [sflag:$0x5] =	stream.indirect.gather [hbm4b:s0+s26], $0x80, s24, s26, $0xb8;
	[tilespmem:$0x1FF00] =	vst v63  }
0xb4: {  	_ =	swait.ge [sflag:s28], $0x4000  }
0xb5: {  	[sflag:s28] =	ssyncset.done $0x0  }
0xb6: {  	[sflag:s28] =	ssyncadd.s32 $0xFFFFC000  }
0xb7: {  	_ =	swait.ge [sflag:s2], $0x100  }
0xb8: {  	[sflag:s2] =	ssyncset.done $0x0  }
0xb9: {  	[sflag:s2] =	ssyncadd.s32 $0xFFFFFF00  }
0xba: {  	[tilespmem:s16], [sflag:$0x6] =	stream.indirect.gather [hbm4b:s0+s26], $0x80, s13, s26, $0xb8;
	[tilespmem:$0x1FF00] =	vst v63  }
0xbb: {  	_ = 	snop  }
0xbc: {  	[spmem:s3] =	stream.indirect.scatter.add.f32 [tilespmem:s22], [sflag:$0x7], $0x80, s26, s26, $0xb8;
	[tilespmem:$0x1FF00] =	vst v63  }
0xbd: {  	_ =	swait.ge [sflag:s23], $0x4000  }
0xbe: {  	[sflag:s23] =	ssyncset.done $0x0;
	s11 =	rddreg [dreg:$0xc]  }
0xbf: {  	[sflag:s23] =	ssyncadd.s32 $0xFFFFC000;
	s9 =	sadd.s32 s5, s11  }
0xc0: {  	[tilespmem:s4], [sflag:$0x1] =	stream.linear.gather [hbm4b:s9+s4], $0x100, $0x38;
	[tilespmem:$0x1FF00] =	vst v63  }
0xc1: {  	_ =	swait.ge [sflag:s31], $0x4000  }
0xc2: {  	[sflag:s31] =	ssyncset.done $0x0  }
0xc3: {  	[sflag:s31] =	ssyncadd.s32 $0xFFFFC000  }
0xc4: {  	_ =	swait.ge [sflag:s25], $0x100  }
0xc5: {  	[sflag:s25] =	ssyncset.done $0x0  }
0xc6: {  	[sflag:s25] =	ssyncadd.s32 $0xFFFFFF00  }
0xc7: {  	[tilespmem:s22], [sflag:$0x4] =	stream.indirect.gather [hbm4b:s0+s26], $0x80, s4, s26, $0xb8;
	[tilespmem:$0x1FF00] =	vst v63  }
0xc8: {  	_ = 	snop  }
0xc9: {  	[spmem:s3] =	stream.indirect.scatter.add.f32 [tilespmem:s30], [sflag:$0x7], $0x80, s1, s26, $0xb8;
	[tilespmem:$0x1FF00] =	vst v63  }
0xca: {  	_ =	swait.ge [sflag:s23], $0x4000  }
0xcb: {  	[sflag:s23] =	ssyncset.done $0x0  }
0xcc: {  	s12 =	sadd.s32 $0x0, s18;
	[sflag:s23] =	ssyncadd.s32 $0xFFFFC000  }
0xcd: {  	[tilespmem:s24], [sflag:$0x2] =	stream.linear.gather [hbm4b:s12+s4], $0x100, $0x38;
	[tilespmem:$0x1FF00] =	vst v63  }
0xce: {  	_ =	swait.ge [sflag:s19], $0x4000  }
0xcf: {  	[sflag:s19] =	ssyncset.done $0x0  }
0xd0: {  	[sflag:s19] =	ssyncadd.s32 $0xFFFFC000  }
0xd1: {  	_ =	swait.ge [sflag:s29], $0x100  }
0xd2: {  	[sflag:s29] =	ssyncset.done $0x0  }
0xd3: {  	[sflag:s29] =	ssyncadd.s32 $0xFFFFFF00  }
0xd4: {  	[tilespmem:s30], [sflag:$0x5] =	stream.indirect.gather [hbm4b:s0+s26], $0x80, s24, s26, $0xb8;
	[tilespmem:$0x1FF00] =	vst v63  }
0xd5: {  	_ = 	snop  }
0xd6: {  	[spmem:s3] =	stream.indirect.scatter.add.f32 [tilespmem:s16], [sflag:$0x7], $0x80, s7, s26, $0xb8;
	[tilespmem:$0x1FF00] =	vst v63  }
0xd7: {  	_ =	swait.ge [sflag:s23], $0x4000  }
0xd8: {  	s9 =	simm.s32 $0x60;
	[sflag:s23] =	ssyncset.done $0x0;
	s14 =	rddreg [dreg:$0xb]  }
0xd9: {  	s12 =	sadd.s32 $0x0, s17;
	[sflag:s23] =	ssyncadd.s32 $0xFFFFC000;
	s11 =	sadd.s32 $0x300, s14  }
.LBB2_5:
0xda: {  	[tilespmem:s13], [sflag:$0x3] =	stream.linear.gather [hbm4b:s12+s4], $0x100, $0x38;
	[tilespmem:$0x1FF00] =	vst v63  }
0xdb: {  	s12 =	smov.u32 s9  }
0xdc: {  	p1 =	seq.s32 s9, $0xEA0;
	s9 =	sadd.s32 $0x60, s9;
	_ =	swait.ge [sflag:s28], $0x4000  }
0xdd: {  	[sflag:s28] =	ssyncset.done $0x0  }
0xde: {  	[sflag:s28] =	ssyncadd.s32 $0xFFFFC000  }
0xdf: {  	_ =	swait.ge [sflag:s2], $0x100  }
0xe0: {  	[sflag:s2] =	ssyncset.done $0x0  }
0xe1: {  	[sflag:s2] =	ssyncadd.s32 $0xFFFFFF00  }
0xe2: {  	[tilespmem:s16], [sflag:$0x6] =	stream.indirect.gather [hbm4b:s0+s26], $0x80, s13, s26, $0xb8;
	[tilespmem:$0x1FF00] =	vst v63  }
0xe3: {  	_ = 	snop  }
0xe4: {  	[spmem:s3] =	stream.indirect.scatter.add.f32 [tilespmem:s22], [sflag:$0x7], $0x80, s26, s26, $0xb8;
	[tilespmem:$0x1FF00] =	vst v63  }
0xe5: {  	_ =	swait.ge [sflag:s23], $0x4000  }
0xe6: {  	s14 =	sshrl.u32 s11, $0x3;
	[sflag:s23] =	ssyncset.done $0x0  }
0xe7: {  	s14 =	sadd.s32 s5, s14;
	[sflag:s23] =	ssyncadd.s32 $0xFFFFC000  }
0xe8: {  	[tilespmem:s4], [sflag:$0x1] =	stream.linear.gather [hbm4b:s14+s4], $0x100, $0x38;
	[tilespmem:$0x1FF00] =	vst v63  }
0xe9: {  	_ =	swait.ge [sflag:s31], $0x4000  }
0xea: {  	[sflag:s31] =	ssyncset.done $0x0  }
0xeb: {  	[sflag:s31] =	ssyncadd.s32 $0xFFFFC000  }
0xec: {  	_ =	swait.ge [sflag:s25], $0x100  }
0xed: {  	[sflag:s25] =	ssyncset.done $0x0  }
0xee: {  	[sflag:s25] =	ssyncadd.s32 $0xFFFFFF00  }
0xef: {  	[tilespmem:s22], [sflag:$0x4] =	stream.indirect.gather [hbm4b:s0+s26], $0x80, s4, s26, $0xb8;
	[tilespmem:$0x1FF00] =	vst v63  }
0xf0: {  	_ = 	snop  }
0xf1: {  	[spmem:s3] =	stream.indirect.scatter.add.f32 [tilespmem:s30], [sflag:$0x7], $0x80, s1, s26, $0xb8;
	[tilespmem:$0x1FF00] =	vst v63  }
0xf2: {  	_ =	swait.ge [sflag:s23], $0x4000  }
0xf3: {  	[sflag:s23] =	ssyncset.done $0x0  }
0xf4: {  	s14 =	sadd.s32 s12, s18;
	[sflag:s23] =	ssyncadd.s32 $0xFFFFC000  }
0xf5: {  	[tilespmem:s24], [sflag:$0x2] =	stream.linear.gather [hbm4b:s14+s4], $0x100, $0x38;
	[tilespmem:$0x1FF00] =	vst v63  }
0xf6: {  	_ =	swait.ge [sflag:s19], $0x4000  }
0xf7: {  	[sflag:s19] =	ssyncset.done $0x0  }
0xf8: {  	[sflag:s19] =	ssyncadd.s32 $0xFFFFC000  }
0xf9: {  	_ =	swait.ge [sflag:s29], $0x100  }
0xfa: {  	[sflag:s29] =	ssyncset.done $0x0  }
0xfb: {  	[sflag:s29] =	ssyncadd.s32 $0xFFFFFF00  }
0xfc: {  	[tilespmem:s30], [sflag:$0x5] =	stream.indirect.gather [hbm4b:s0+s26], $0x80, s24, s26, $0xb8;
	[tilespmem:$0x1FF00] =	vst v63  }
.Ltmp6:
0xfd: {  	(pc) =	sbr.rel @!p1 .LBB2_5-.Ltmp6, $4  }
0xfe: {  	[spmem:s3] =	stream.indirect.scatter.add.f32 [tilespmem:s16], [sflag:$0x7], $0x80, s7, s26, $0xb8;
	[tilespmem:$0x1FF00] =	vst v63  }
0xff: {  	_ =	swait.ge [sflag:s23], $0x4000  }
0x100: {  	[sflag:s23] =	ssyncset.done $0x0  }
0x101: {  	s11 =	sadd.s32 $0x300, s11;
	s12 =	sadd.s32 s12, s17;
	[sflag:s23] =	ssyncadd.s32 $0xFFFFC000  }
.Ltmp7:
0x102: {  	_ = 	snop;
	(pc) =	sbr.rel .LBB2_6-.Ltmp7, $1  }
0x103: {  	_ =	sdelay $0x3  }
.LBB2_11:
0x104: {  	_ =	sfence.sel $0x180000  }
0x105: {  	[bflag:$0x0] =	sbarrier.arrive $0xFFFF  }
0x106: {  	_ =	strace $0x9000004A  }
0x107: {  	s0 =	stileid.u32;
	[bflag:$0x2] =	sbarrier.arrive $0xFFFF  }
0x108: {  	p0 =	sne.s32 s0, $0x0;
	s0 =	rddreg [dreg:$0x3]  }
0x109: {  	s0 =	sadd.s32 @!p0 $0x100000, s0  }
0x10a: {  	[sflag:s0] =	ssyncadd.tile.s32 @!p0 $0x1;
	_ =	shalt  }
.Lfunc_end2:
_tile_overlayer_lowered:
.L_overlay_start_2:
0x10b: {  	(tag) =	ssettag $0x2  }
0x10c: {  	s0 =	rddreg [dreg:$0x0];
	s2 =	stileid.u32  }
0x10d: {  	s1 =	rddreg [dreg:$0x1];
	p0 =	sne.s32 s2, $0x0  }
0x10e: {  	s3 =	rddreg [dreg:$0x2];
	[bflag:$0x3] =	sbarrier.arrive $0xFFFF;
	s2 =	simm.s32 @!p0 $0x1C07  }
0x10f: {  	[timem:s3], [sflag:s2] =	dma.local @!p0 [hbm:s0], s1  }
0x110: {  	s0 =	simm.s32 @!p0 $0x7  }
0x111: {  	_ =	swait.ge @!p0 [sflag:s0], s1  }
0x112: {  	s1 =	ssub.s32 @!p0 $0x0, s1;
	[sflag:s0] =	ssyncset.done @!p0 $0x0  }
0x113: {  	[sflag:s0] =	ssyncadd.s32 @!p0 s1  }
0x114: {  	[bflag:$0x3] =	sbarrier.arrive $0xFFFF  }
0x115: {  	_ =	shalt  }

// kernel: kernel.19.cloned.1.call-start
scs
__scs_entry_jumppad:
0x0: {  	(pc) =	sbr.rel $0x88, $3  }
0x1: {  	(tag) =	ssettag $0x0;
	lr =	simm.s32 $0x1  }
0x2: {  	[smem:$0x3F97] =	sst lr;
	_ =	strace $0xD0000000  }
0x3: {  	_ = 	snop  }
0x4: {  	_ = 	snop  }
0x5: {  	_ = 	snop  }
0x6: {  	_ = 	snop  }
0x7: {  	_ = 	snop  }
__scs_overlays_trampoline_lowered:
0x8: {  	[smem:$0x3FA6] =	sst s0  }
0x9: {  	[smem:$0x3FA7] =	sst s1  }
0xa: {  	[smem:$0x3FA8] =	sst s2  }
0xb: {  	[smem:$0x3FA9] =	sst s3  }
0xc: {  	[smem:$0x3FAA] =	sst s4  }
0xd: {  	[smem:$0x3FAB] =	sst s5  }
0xe: {  	[smem:$0x3FAC] =	sst s6  }
0xf: {  	[smem:$0x3FAD] =	sst s7  }
0x10: {  	[smem:$0x3FAE] =	sst s8  }
0x11: {  	[smem:$0x3FAF] =	sst s9;
	s0 =	simm.s32 @!p0 $0x0  }
0x12: {  	s1 =	sld [smem:$0x3F95];
	s0 =	simm.s32 @p0 $0x1  }
0x13: {  	[smem:$0x3FB0] =	sst s0;
	s0 =	simm.s32 @!p1 $0x0  }
0x14: {  	s2 =	sld [smem:$0x3F94];
	s0 =	simm.s32 @p1 $0x1  }
0x15: {  	[smem:$0x3FB1] =	sst s0;
	s0 =	simm.s32 @!p2 $0x0  }
0x16: {  	s3 =	sld [smem:$0x3FDB];
	s0 =	simm.s32 @p2 $0x1  }
0x17: {  	s4 =	simm.s32 $0x1BF5;
	[smem:$0x3FB3] =	sst s0  }
0x18: {  	s0 =	sld [smem:$0x3F96];
	_ =	swait.ge [sflag:s4], $0x0  }
0x19: {  	s7 =	sld [smem:$0x3F97]  }
0x1a: {  	s8 =	sadd.s32 $0xFFFFE003, lr  }
0x1b: {  	s9 =	sadd.s32 $0xFFFFFEF7, lr;
	s5 =	simm.s32 $0xFFFFFFFF;
	p2 =	slt.u32 s8, $0xFFFFF086  }
0x1c: {  	p1 =	slt.u32 s9, $0xF7A;
	s5 =	simm.s32 @!p2 $0x0  }
0x1d: {  	s5 =	simm.s32 @p1 $0x1;
	p0 =	seq.s32 s7, s2  }
0x1e: {  	s7 =	smul.u32 @!p0 $0xF7A, s2;
	p2 =	seq.s32 @!p0 s5, $0x0  }
0x1f: {  	s9 =	smul.u32 $0xF7A, s1;
	s8 =	simm.s32 @!p0 $0x1BF5;
	p2 =	por !p2, p0  }
0x20: {  	[sflag:s8] =	ssyncset.s32 @!p0 $0xFFFFF086;
	s6 =	sadd.s32 @!p0 s3, s7;
	s7 =	simm.s32 @!p0 $0x108  }
0x21: {  	s3 =	sadd.s32 s3, s9;
	s6 =	sadd.s32 @!p0 $0x88, s6;
	s7 =	simm.s32 @p2 $0x1082  }
0x22: {  	[simem:s7], [sflag:s8] =	dma.local @!p0 [hbm:s6], $0xF7A  }
0x23: {  	s9 =	sor.u32 $0xD0000000, s2;
	s6 =	simm.s32 $0x108;
	_ =	swait.ge @!p0 [sflag:s8], $0x0  }
0x24: {  	s3 =	sadd.s32 $0x88, s3;
	s6 =	simm.s32 @!p1 $0x1082;
	[sflag:s4] =	ssyncset.s32 $0xFFFFF086  }
0x25: {  	[simem:s6], [sflag:s4] =	dma.local [hbm:s3], $0xF7A  }
0x26: {  	[smem:$0x3F97] =	sst s1;
	(tag) =	ssettag s2;
	_ =	strace s9  }
0x27: {  	s1 =	sld [smem:$0x3FA7]  }
0x28: {  	s2 =	sld [smem:$0x3FA8]  }
0x29: {  	s4 =	sld [smem:$0x3FAA]  }
0x2a: {  	p0 =	seq.s32 s5, $0x0;
	s5 =	sld [smem:$0x3FAB]  }
0x2b: {  	s6 =	sld [smem:$0x3FAC]  }
0x2c: {  	s7 =	sld [smem:$0x3FAD]  }
0x2d: {  	s3 =	simm.s32 $0x108;
	s8 =	sld [smem:$0x3FAE]  }
0x2e: {  	s3 =	simm.s32 @!p0 $0x1082;
	s9 =	sld [smem:$0x3FAF]  }
0x2f: {  	lr =	sadd.s32 s0, s3;
	s0 =	sld [smem:$0x3FA6]  }
0x30: {  	s3 =	sld [smem:$0x3FA9]  }
0x31: {  	[smem:$0x3FB2] =	sst s10  }
0x32: {  	s10 =	sld [smem:$0x3FB0];
	_ =	sdelay $0x3  }
0x33: {  	p0 =	seq.s32 s10, $0x1;
	s10 =	sld [smem:$0x3FB2];
	_ =	sdelay $0x3  }
0x34: {  	[smem:$0x3FB2] =	sst s10  }
0x35: {  	s10 =	sld [smem:$0x3FB1];
	_ =	sdelay $0x3  }
0x36: {  	p1 =	seq.s32 s10, $0x1;
	s10 =	sld [smem:$0x3FB2];
	_ =	sdelay $0x3  }
0x37: {  	[smem:$0x3FB2] =	sst s10  }
0x38: {  	s10 =	sld [smem:$0x3FB3]  }
0x39: {  	_ = 	snop;
	(pc) =	sbr.ind lr, $3  }
0x3a: {  	_ = 	snop  }
0x3b: {  	_ = 	snop  }
0x3c: {  	p2 =	seq.s32 s10, $0x1;
	s10 =	sld [smem:$0x3FB2]  }
0x3d: {  	_ =	shalt  }
0x3e: {  	_ =	shalt  }
0x3f: {  	_ =	shalt  }
0x40: {  	_ =	shalt  }
0x41: {  	_ =	shalt  }
0x42: {  	_ =	shalt  }
0x43: {  	_ =	shalt  }
0x44: {  	_ =	shalt  }
0x45: {  	_ =	shalt  }
0x46: {  	_ =	shalt  }
0x47: {  	_ =	shalt  }
0x48: {  	_ =	shalt  }
0x49: {  	_ =	shalt  }
0x4a: {  	_ =	shalt  }
0x4b: {  	_ =	shalt  }
0x4c: {  	_ =	shalt  }
0x4d: {  	_ =	shalt  }
0x4e: {  	_ =	shalt  }
0x4f: {  	_ =	shalt  }
0x50: {  	_ =	shalt  }
0x51: {  	_ =	shalt  }
0x52: {  	_ =	shalt  }
0x53: {  	_ =	shalt  }
0x54: {  	_ =	shalt  }
0x55: {  	_ =	shalt  }
0x56: {  	_ =	shalt  }
0x57: {  	_ =	shalt  }
0x58: {  	_ =	shalt  }
0x59: {  	_ =	shalt  }
0x5a: {  	_ =	shalt  }
0x5b: {  	_ =	shalt  }
0x5c: {  	_ =	shalt  }
0x5d: {  	_ =	shalt  }
0x5e: {  	_ =	shalt  }
0x5f: {  	_ =	shalt  }
0x60: {  	_ =	shalt  }
0x61: {  	_ =	shalt  }
0x62: {  	_ =	shalt  }
0x63: {  	_ =	shalt  }
0x64: {  	_ =	shalt  }
0x65: {  	_ =	shalt  }
0x66: {  	_ =	shalt  }
0x67: {  	_ =	shalt  }
0x68: {  	_ =	shalt  }
0x69: {  	_ =	shalt  }
0x6a: {  	_ =	shalt  }
0x6b: {  	_ =	shalt  }
0x6c: {  	_ =	shalt  }
0x6d: {  	_ =	shalt  }
0x6e: {  	_ =	shalt  }
0x6f: {  	_ =	shalt  }
0x70: {  	_ =	shalt  }
0x71: {  	_ =	shalt  }
0x72: {  	_ =	shalt  }
0x73: {  	_ =	shalt  }
0x74: {  	_ =	shalt  }
0x75: {  	_ =	shalt  }
0x76: {  	_ =	shalt  }
0x77: {  	_ =	shalt  }
0x78: {  	_ =	shalt  }
0x79: {  	_ =	shalt  }
0x7a: {  	_ =	shalt  }
0x7b: {  	_ =	shalt  }
0x7c: {  	_ =	shalt  }
0x7d: {  	_ =	shalt  }
0x7e: {  	_ =	shalt  }
0x7f: {  	_ =	shalt  }
0x80: {  	_ =	shalt  }
0x81: {  	_ =	shalt  }
0x82: {  	_ =	shalt  }
0x83: {  	_ =	shalt  }
0x84: {  	_ =	shalt  }
0x85: {  	_ =	shalt  }
0x86: {  	_ =	shalt  }
0x87: {  	_ =	shalt  }
.Lfunc_end0:
.L_simem_size_0:
called_computation.2_lowered:
.L_overlay_start_0:
0x88: {  	s2 =	sld [smem:$0x3FD9]  }
0x89: {  	s3 =	sld [smem:$0x3FFE];
	_ =	sdelay $0x1  }
0x8a: {  	s1 =	srdreg.scid  }
0x8b: {  	s0 =	sand.u32 $0x1, s1  }
0x8c: {  	s17 =	sshll.u32 s0, $0xA;
	s2 =	sadd.s32 s3, s2  }
0x8d: {  	s2 =	sadd.s32 s2, s17  }
0x8e: {  	[smem:$0x3FBE] =	sst s2  }
0x8f: {  	_ = 	snop  }
0x90: {  	s2 =	sld [smem:$0x3FD0];
	(tm) =	ssettm $0x1  }
0x91: {  	s18 =	sld [smem:$0x3FFB];
	_ =	sdelay $0x3  }
0x92: {  	_ =	strace s18  }
0x93: {  	s3 =	sld [smem:$0x3FFC];
	_ =	sdelay $0x3  }
0x94: {  	_ =	strace s3  }
0x95: {  	s3 =	sld [smem:$0x3FFD];
	_ =	sdelay $0x3  }
0x96: {  	_ =	strace s3  }
0x97: {  	_ =	strace $0x8FFFFFFF  }
0x98: {  	s19 =	sld [smem:$0x3FDB];
	_ =	sdelay $0x1  }
0x99: {  	s4 =	simm.s32 $_scs_section_size  }
0x9a: {  	s5 =	simm.s32 $_size__tile_overlayer_lowered;
	s6 =	simm.s32 $_tile_overlayer_lowered  }
0x9b: {  	s22 =	simm.s32 $0x1BFF;
	s21 =	sshll.u32 s6, $0x1;
	s3 =	sadd.s32 s4, s19  }
0x9c: {  	s7 =	simm.s32 $0x0;
	s20 =	sshll.u32 s5, $0x1;
	s5 =	sadd.s32 s21, s3  }
0x9d: {  	[timem:s7], [sflag:s22] =	dma.local [hbm:s5], s20  }
0x9e: {  	_ =	swait.ge [sflag:s22], s20  }
0x9f: {  	s4 =	ssub.s32 $0x0, s20;
	[sflag:s22] =	ssyncset.done $0x0  }
0xa0: {  	[sflag:s22] =	ssyncadd.s32 s4;
	_ =	sdelay $0x1  }
0xa1: {  	s23 =	simm.s32 $0x1B8B  }
0xa2: {  	_ =	swait.ge [sflag:s23], $0x1  }
0xa3: {  	[sflag:s23] =	ssyncset.done $0x0  }
0xa4: {  	s25 =	simm.s32 $0x1B8E;
	s24 =	sld [smem:$0x3FFE];
	[sflag:s23] =	ssyncadd.s32 $0xFFFFFFFF  }
0xa5: {  	s26 =	simm.s32 $execute0_lowered;
	[smem:$0x3FD2] =	sst s25  }
0xa6: {  	s5 =	sshll.u32 s26, $0x1;
	_ =	strace $0x8000004C;
	[dreg:$0x1] =	wrdreg $0xFFFFFFFF  }
0xa7: {  	s28 =	simm.s32 $_size_execute0_lowered;
	s3 =	sadd.s32 s3, s5;
	[dreg:$0x0] =	wrdreg $0x0  }
0xa8: {  	s5 =	sshll.u32 s28, $0x1;
	[dreg:$0x2] =	wrdreg s3  }
0xa9: {  	[dreg:$0x3] =	wrdreg s5  }
0xaa: {  	[dreg:$0x4] =	wrdreg $0xC0  }
0xab: {  	_ =	task [dreg:s7], $0x5FFFF  }
0xac: {  	[dreg:$0x1] =	wrdreg $0xFFFFFFFF  }
0xad: {  	[dreg:$0x0] =	wrdreg $0x60  }
0xae: {  	[dreg:$0x2] =	wrdreg s2  }
0xaf: {  	[dreg:$0x3] =	wrdreg s24  }
0xb0: {  	[dreg:$0x4] =	wrdreg $0xC3000  }
0xb1: {  	[dreg:$0x5] =	wrdreg $0x9  }
0xb2: {  	_ =	task.clear_ibuf [dreg:s7], $0x6FFFF;
	_ =	strace $0x9000004C  }
0xb3: {  	s29 =	simm.s32 $0x9;
	_ =	strace $0x8000004E  }
0xb4: {  	_ =	swait.ge [sflag:s29], $0x1  }
0xb5: {  	[sflag:s29] =	ssyncadd.s32 $0xFFFFFFFF  }
0xb6: {  	_ =	strace $0x9000004E  }
0xb7: {  	_ =	sfence  }
0xb8: {  	s30 =	sld [smem:$0x0];
	_ =	sdelay $0x2  }
0xb9: {  	s31 =	sshll.u32 s1, $0xD;
	s1 =	sshrl.u32 s1, $0x2  }
0xba: {  	s3 =	sand.u32 $0x4000, s31;
	s1 =	sadd.s32 s1, s30  }
0xbb: {  	s0 =	sor.u32 s3, s0;
	s1 =	sshll.u32 s1, $0x11  }
0xbc: {  	s0 =	sor.u32 s1, s0  }
0xbd: {  	s0 =	sadd.s32 $0x8F2B, s0  }
0xbe: {  	[sflag:s0] =	ssyncadd.remote.s32 $0x1  }
0xbf: {  	_ =	sfence.sel $0xFFFF  }
0xc0: {  	[dreg:$0x0] =	wrdreg $0xFFFFFFFF;
	(pc) =	sbr.abs _section_cstart, $3  }
0xc1: {  	[dreg:$0x1] =	wrdreg $0xFFFFFFFF  }
0xc2: {  	_ =	task.clear_ibuf [dreg:s7], $0x2FFFF;
	_ =	strace $0x9FFFFFFF  }
0xc3: {  	(tm) =	ssettm $0x7FFFFFFF  }
tec
execute0_lowered:
.L_overlay_start_1:
0x0: {  	(tag) =	ssettag $0x1  }
0x1: {  	s0 =	rddreg [dreg:$0x0]  }
0x2: {  	s1 =	rddreg [dreg:$0x1];
	s2 =	srdreg.scid  }
0x3: {  	s3 =	rddreg [dreg:$0x2];
	s11 =	stileid.u32  }
0x4: {  	s4 =	simm.s32 $0x0;
	s28 =	simm.s32 $0x4;
	s6 =	smul.u32 $0x13C00, s11  }
0x5: {  	s29 =	simm.s32 $0x2;
	s30 =	simm.s32 $0x4300;
	s7 =	smul.u32 $0x4F000, s11  }
0x6: {  	s2 =	sand.u32 $0x1, s2;
	[smem:$0x7FF] =	sst s4;
	s19 =	smul.u32 $0x7B00, s11  }
0x7: {  	s31 =	simm.s32 $0x5;
	s5 =	smul.u32 $0x13C000, s2;
	_ =	strace $0x8000004D  }
0x8: {  	s10 =	sshll.u32 s2, $0x4;
	s9 =	ssub.s32 $0x2, s2;
	s17 =	smul.u32 $0x7B000, s2  }
0x9: {  	p0 =	seq.s32 s2, $0x1;
	s10 =	sor.u32 s11, s10;
	s12 =	sshrl.u32 s7, $0x2  }
0xa: {  	s13 =	sshrl.u32 s9, $0x1;
	s6 =	sadd.s32 s6, s5;
	s5 =	sadd.s32 $0x53600, s1  }
0xb: {  	s10 =	smul.u32 $0x7B00, s10;
	s7 =	ssub.s32 s9, s13;
	s23 =	sadd.s32 s19, s17  }
0xc: {  	s13 =	simm.s32 $0x200;
	s19 =	simm.s32 $0x6;
	s8 =	sshrl.u32 s6, $0x3  }
0xd: {  	s6 =	sadd.s32 s12, s3;
	s24 =	sadd.s32 $0x500, s23;
	s25 =	sadd.s32 $0x400, s23  }
0xe: {  	s1 =	sadd.s32 s8, s1;
	s14 =	sadd.s32 $0x4000, s6;
	s15 =	sadd.s32 $0x8000, s6  }
0xf: {  	s16 =	sshrl.u32 s10, $0x3;
	s18 =	sadd.s32 $0xC000, s6;
	[dreg:$0x4] =	wrdreg s14  }
0x10: {  	s20 =	sadd.s32 $0x10000, s6;
	s2 =	sshrl.u32 s24, $0x3;
	[dreg:$0x5] =	wrdreg s15  }
0x11: {  	s8 =	sadd.s32 $0x300, s23;
	s24 =	simm.s32 $0x100;
	[dreg:$0x6] =	wrdreg s18  }
0x12: {  	s10 =	sadd.s32 s5, s16;
	[dreg:$0x7] =	wrdreg s20;
	s1 =	sadd.s32 $0x72200, s1  }
0x13: {  	s15 =	smax.u32 s7, $0x1;
	s7 =	sshrl.u32 s25, $0x3;
	s17 =	sadd.s32 s2, s5  }
0x14: {  	[dreg:$0xb] =	wrdreg s8;
	s26 =	sshrl.u32 s8, $0x3;
	s25 =	simm.s32 $0x1  }
0x15: {  	s2 =	simm.s32 $0x3;
	s16 =	simm.s32 $0x8300;
	s8 =	simm.s32 $0x0  }
.Ltmp0:
0x16: {  	s21 =	sadd.s32 $0x20, s10;
	[dreg:$0xa] =	wrdreg s1;
	(pc) =	sbr.rel .LBB2_1-.Ltmp0, $4  }
0x17: {  	s22 =	sadd.s32 $0x40, s10;
	s18 =	sadd.s32 s7, s5;
	[dreg:$0xc] =	wrdreg s26  }
0x18: {  	s20 =	sadd.s32 s26, s5;
	s26 =	simm.s32 $0x80;
	[dreg:$0x8] =	wrdreg s21  }
0x19: {  	s1 =	simm.s32 $0x180;
	s7 =	simm.s32 $0x280;
	[dreg:$0x9] =	wrdreg s22  }
0x1a: {  	v0 =	vimm.f32 $0.0e+00;
	s21 =	sadd.s32 $0x200, s23;
	s22 =	simm.s32 $0x300;
	s23 =	simm.s32 $0x7  }
.LBB2_6:
0x1b: {  	[tilespmem:s13], [sflag:$0x3] =	stream.linear.gather [hbm4b:s12+s4], $0x100, $0x38;
	[tilespmem:$0x1FF00] =	vst v63  }
0x1c: {  	_ =	swait.ge [sflag:s28], $0x4000  }
0x1d: {  	[sflag:s28] =	ssyncset.done $0x0  }
0x1e: {  	[sflag:s28] =	ssyncadd.s32 $0xFFFFC000  }
0x1f: {  	_ =	swait.ge [sflag:s2], $0x100  }
0x20: {  	[sflag:s2] =	ssyncset.done $0x0  }
0x21: {  	[sflag:s2] =	ssyncadd.s32 $0xFFFFFF00  }
0x22: {  	[tilespmem:s16], [sflag:$0x6] =	stream.indirect.gather [hbm4b:s0+s26], $0x80, s13, s26, $0xb8;
	[tilespmem:$0x1FF00] =	vst v63  }
0x23: {  	_ = 	snop  }
0x24: {  	[spmem:s3] =	stream.indirect.scatter.add.f32 [tilespmem:s22], [sflag:$0x7], $0x80, s26, s26, $0xb8;
	[tilespmem:$0x1FF00] =	vst v63  }
0x25: {  	_ =	swait.ge [sflag:s23], $0x4000  }
0x26: {  	[sflag:s23] =	ssyncset.done $0x0  }
0x27: {  	[sflag:s23] =	ssyncadd.s32 $0xFFFFC000  }
0x28: {  	_ =	swait.ge [sflag:s31], $0x4000  }
0x29: {  	[sflag:s31] =	ssyncset.done $0x0  }
0x2a: {  	[sflag:s31] =	ssyncadd.s32 $0xFFFFC000  }
0x2b: {  	[spmem:s3] =	stream.indirect.scatter.add.f32 [tilespmem:s30], [sflag:$0x7], $0x80, s1, s26, $0xb8;
	[tilespmem:$0x1FF00] =	vst v63  }
0x2c: {  	_ =	swait.ge [sflag:s23], $0x4000  }
0x2d: {  	[sflag:s23] =	ssyncset.done $0x0  }
0x2e: {  	[sflag:s23] =	ssyncadd.s32 $0xFFFFC000  }
0x2f: {  	_ =	swait.ge [sflag:s19], $0x4000  }
0x30: {  	[sflag:s19] =	ssyncset.done $0x0  }
0x31: {  	[sflag:s19] =	ssyncadd.s32 $0xFFFFC000  }
0x32: {  	[spmem:s3] =	stream.indirect.scatter.add.f32 [tilespmem:s16], [sflag:$0x7], $0x80, s7, s26, $0xb8;
	[tilespmem:$0x1FF00] =	vst v63  }
.LBB2_10:
0x33: {  	_ =	swait.ge [sflag:s23], $0x4000  }
0x34: {  	s9 =	stileid.u32;
	[sflag:s23] =	ssyncset.done $0x0  }
0x35: {  	s11 =	sshrl.u32 s6, $0x3;
	s8 =	sadd.s32 $0x1, s8;
	[sflag:s23] =	ssyncadd.s32 $0xFFFFC000  }
0x36: {  	s9 =	sshll.u32 s9, $0x6;
	p1 =	sne.s32 s8, s15;
	[bflag:$0x0] =	sbarrier.arrive $0xFFFF  }
.Ltmp1:
0x37: {  	s9 =	sor.u32 $0x1C07, s9;
	s12 =	rddreg [dreg:$0xa];
	(pc) =	sbr.rel @!p1 .LBB2_11-.Ltmp1, $4  }
0x38: {  	[hbm:s12], [sflag:s9] =	dma.local [spmem:s11], $0x2780  }
0x39: {  	_ =	swait.ge [sflag:s23], $0x2780  }
0x3a: {  	[sflag:s23] =	ssyncset.done $0x0  }
0x3b: {  	[sflag:s23] =	ssyncadd.s32 $0xFFFFD880  }
.LBB2_1:
0x3c: {  	s9 =	simm.s32 $0x0;
	s11 =	simm.s32 $0x200  }
.LBB2_2:
0x3d: {  	p1 =	sne.s32 s11, $0xFE00;
	[tilespmem:s9+$0x370] =	vst v0  }
0x3e: {  	[tilespmem:s9+$0x300] =	vst v0  }
0x3f: {  	[tilespmem:s9+$0x310] =	vst v0  }
.Ltmp2:
0x40: {  	[tilespmem:s9+$0x320] =	vst v0;
	(pc) =	sbr.rel @p1 .LBB2_2-.Ltmp2, $4  }
0x41: {  	[tilespmem:s9+$0x330] =	vst v0  }
0x42: {  	[tilespmem:s9+$0x340] =	vst v0  }
0x43: {  	[tilespmem:s9+$0x350] =	vst v0  }
0x44: {  	[tilespmem:s9+$0x360] =	vst v0;
	s9 =	sshra.s32 s11, $0x2;
	s11 =	sadd.s32 $0x200, s11  }
0x45: {  	[tilespmem:s9+$0x370] =	vst v0  }
0x46: {  	[tilespmem:s9+$0x300] =	vst v0  }
0x47: {  	[tilespmem:s9+$0x310] =	vst v0  }
0x48: {  	[tilespmem:s9+$0x320] =	vst v0  }
0x49: {  	[tilespmem:s9+$0x330] =	vst v0  }
0x4a: {  	[tilespmem:s9+$0x340] =	vst v0  }
0x4b: {  	[tilespmem:s9+$0x350] =	vst v0  }
0x4c: {  	[tilespmem:s9+$0x360] =	vst v0  }
0x4d: {  	[spmem:s6] =	stream.linear.scatter [tilespmem:s22], [sflag:$0x7], $0x4000, $0x38;
	[tilespmem:$0x1FF00] =	vst v63  }
0x4e: {  	_ =	swait.ge [sflag:s23], $0x4000  }
0x4f: {  	[sflag:s23] =	ssyncset.done $0x0  }
0x50: {  	s14 =	rddreg [dreg:$0x4];
	[sflag:s23] =	ssyncadd.s32 $0xFFFFC000  }
0x51: {  	[spmem:s14] =	stream.linear.scatter [tilespmem:s22], [sflag:$0x7], $0x4000, $0x38;
	[tilespmem:$0x1FF00] =	vst v63  }
0x52: {  	_ =	swait.ge [sflag:s23], $0x4000  }
0x53: {  	[sflag:s23] =	ssyncset.done $0x0  }
0x54: {  	s11 =	rddreg [dreg:$0x5];
	[sflag:s23] =	ssyncadd.s32 $0xFFFFC000  }
0x55: {  	[spmem:s11] =	stream.linear.scatter [tilespmem:s22], [sflag:$0x7], $0x4000, $0x38;
	[tilespmem:$0x1FF00] =	vst v63  }
0x56: {  	_ =	swait.ge [sflag:s23], $0x4000  }
0x57: {  	[sflag:s23] =	ssyncset.done $0x0  }
0x58: {  	s12 =	rddreg [dreg:$0x6];
	[sflag:s23] =	ssyncadd.s32 $0xFFFFC000  }
0x59: {  	[spmem:s12] =	stream.linear.scatter [tilespmem:s22], [sflag:$0x7], $0x4000, $0x38;
	[tilespmem:$0x1FF00] =	vst v63  }
0x5a: {  	_ =	swait.ge [sflag:s23], $0x4000  }
0x5b: {  	[sflag:s23] =	ssyncset.done $0x0  }
0x5c: {  	s14 =	rddreg [dreg:$0x7];
	[sflag:s23] =	ssyncadd.s32 $0xFFFFC000  }
0x5d: {  	[spmem:s14] =	stream.linear.scatter [tilespmem:s22], [sflag:$0x7], $0x3C00, $0x38;
	[tilespmem:$0x1FF00] =	vst v63  }
0x5e: {  	_ =	swait.ge [sflag:s23], $0x3C00  }
0x5f: {  	[sflag:s23] =	ssyncset.done $0x0  }
.Ltmp3:
0x60: {  	[sflag:s23] =	ssyncadd.s32 $0xFFFFC400;
	(pc) =	sbr.rel @!p0 .LBB2_4-.Ltmp3, $4  }
0x61: {  	s9 =	simm.s32 $0x0;
	[bflag:$0x0] =	sbarrier.arrive $0xFFFF  }
0x62: {  	[tilespmem:s9], [sflag:$0x1] =	stream.linear.gather [hbm4b:s10+s9], $0x100, $0x38;
	[tilespmem:$0x1FF00] =	vst v63  }
0x63: {  	s11 =	rddreg [dreg:$0x8]  }
0x64: {  	[tilespmem:s24], [sflag:$0x2] =	stream.linear.gather [hbm4b:s11+s9], $0x100, $0x38;
	[tilespmem:$0x1FF00] =	vst v63  }
0x65: {  	_ =	swait.ge [sflag:s25], $0x100  }
0x66: {  	[sflag:s25] =	ssyncset.done $0x0  }
0x67: {  	[sflag:s25] =	ssyncadd.s32 $0xFFFFFF00  }
0x68: {  	[tilespmem:s22], [sflag:$0x4] =	stream.indirect.gather [hbm4b:s0+s26], $0x80, s4, s26, $0xb8;
	[tilespmem:$0x1FF00] =	vst v63  }
0x69: {  	_ =	swait.ge [sflag:s28], $0x4000  }
0x6a: {  	[sflag:s28] =	ssyncset.done $0x0  }
0x6b: {  	[sflag:s28] =	ssyncadd.s32 $0xFFFFC000  }
0x6c: {  	[spmem:s3] =	stream.indirect.scatter.add.f32 [tilespmem:s22], [sflag:$0x7], $0x80, s26, s26, $0xb8;
	[tilespmem:$0x1FF00] =	vst v63  }
0x6d: {  	_ =	swait.ge [sflag:s23], $0x4000  }
0x6e: {  	s9 =	sshrl.u32 s21, $0x3;
	[sflag:s23] =	ssyncset.done $0x0  }
0x6f: {  	s9 =	sadd.s32 s5, s9;
	[sflag:s23] =	ssyncadd.s32 $0xFFFFC000  }
0x70: {  	[tilespmem:s4], [sflag:$0x1] =	stream.linear.gather [hbm4b:s9+s4], $0x100, $0x38;
	[tilespmem:$0x1FF00] =	vst v63  }
0x71: {  	_ =	swait.ge [sflag:s29], $0x100  }
0x72: {  	[sflag:s29] =	ssyncset.done $0x0  }
0x73: {  	[sflag:s29] =	ssyncadd.s32 $0xFFFFFF00  }
0x74: {  	[tilespmem:s30], [sflag:$0x5] =	stream.indirect.gather [hbm4b:s0+s26], $0x80, s24, s26, $0xb8;
	[tilespmem:$0x1FF00] =	vst v63  }
0x75: {  	_ =	swait.ge [sflag:s31], $0x4000  }
0x76: {  	[sflag:s31] =	ssyncset.done $0x0  }
0x77: {  	[sflag:s31] =	ssyncadd.s32 $0xFFFFC000  }
0x78: {  	[spmem:s3] =	stream.indirect.scatter.add.f32 [tilespmem:s30], [sflag:$0x7], $0x80, s1, s26, $0xb8;
	[tilespmem:$0x1FF00] =	vst v63  }
0x79: {  	_ =	swait.ge [sflag:s23], $0x4000  }
0x7a: {  	s12 =	sadd.s32 $0x0, s20;
	[sflag:s23] =	ssyncset.done $0x0  }
0x7b: {  	s11 =	sadd.s32 $0x200, s21;
	s9 =	simm.s32 $0x40;
	[sflag:s23] =	ssyncadd.s32 $0xFFFFC000  }
.LBB2_8:
0x7c: {  	[tilespmem:s24], [sflag:$0x2] =	stream.linear.gather [hbm4b:s12+s4], $0x100, $0x38;
	[tilespmem:$0x1FF00] =	vst v63  }
0x7d: {  	s12 =	smov.u32 s9  }
0x7e: {  	p1 =	sne.s32 s9, $0x3C0;
	s9 =	sadd.s32 $0x40, s9;
	_ =	swait.ge [sflag:s25], $0x100  }
0x7f: {  	[sflag:s25] =	ssyncset.done $0x0  }
0x80: {  	[sflag:s25] =	ssyncadd.s32 $0xFFFFFF00  }
0x81: {  	[tilespmem:s22], [sflag:$0x4] =	stream.indirect.gather [hbm4b:s0+s26], $0x80, s4, s26, $0xb8;
	[tilespmem:$0x1FF00] =	vst v63  }
0x82: {  	_ =	swait.ge [sflag:s28], $0x4000  }
0x83: {  	[sflag:s28] =	ssyncset.done $0x0  }
0x84: {  	[sflag:s28] =	ssyncadd.s32 $0xFFFFC000  }
0x85: {  	[spmem:s3] =	stream.indirect.scatter.add.f32 [tilespmem:s22], [sflag:$0x7], $0x80, s26, s26, $0xb8;
	[tilespmem:$0x1FF00] =	vst v63  }
0x86: {  	_ =	swait.ge [sflag:s23], $0x4000  }
0x87: {  	s14 =	sshrl.u32 s11, $0x3;
	[sflag:s23] =	ssyncset.done $0x0  }
0x88: {  	s14 =	sadd.s32 s5, s14;
	[sflag:s23] =	ssyncadd.s32 $0xFFFFC000  }
0x89: {  	[tilespmem:s4], [sflag:$0x1] =	stream.linear.gather [hbm4b:s14+s4], $0x100, $0x38;
	[tilespmem:$0x1FF00] =	vst v63  }
0x8a: {  	_ =	swait.ge [sflag:s29], $0x100  }
0x8b: {  	[sflag:s29] =	ssyncset.done $0x0  }
0x8c: {  	[sflag:s29] =	ssyncadd.s32 $0xFFFFFF00  }
0x8d: {  	[tilespmem:s30], [sflag:$0x5] =	stream.indirect.gather [hbm4b:s0+s26], $0x80, s24, s26, $0xb8;
	[tilespmem:$0x1FF00] =	vst v63  }
0x8e: {  	_ =	swait.ge [sflag:s31], $0x4000  }
0x8f: {  	[sflag:s31] =	ssyncset.done $0x0  }
.Ltmp4:
0x90: {  	[sflag:s31] =	ssyncadd.s32 $0xFFFFC000;
	(pc) =	sbr.rel @p1 .LBB2_8-.Ltmp4, $4  }
0x91: {  	[spmem:s3] =	stream.indirect.scatter.add.f32 [tilespmem:s30], [sflag:$0x7], $0x80, s1, s26, $0xb8;
	[tilespmem:$0x1FF00] =	vst v63  }
0x92: {  	_ =	swait.ge [sflag:s23], $0x4000  }
0x93: {  	[sflag:s23] =	ssyncset.done $0x0  }
0x94: {  	s11 =	sadd.s32 $0x200, s11;
	s12 =	sadd.s32 s12, s20;
	[sflag:s23] =	ssyncadd.s32 $0xFFFFC000  }
0x95: {  	[tilespmem:s24], [sflag:$0x2] =	stream.linear.gather [hbm4b:s12+s4], $0x100, $0x38;
	[tilespmem:$0x1FF00] =	vst v63  }
0x96: {  	_ =	swait.ge [sflag:s25], $0x100  }
0x97: {  	[sflag:s25] =	ssyncset.done $0x0  }
0x98: {  	[sflag:s25] =	ssyncadd.s32 $0xFFFFFF00  }
0x99: {  	[tilespmem:s22], [sflag:$0x4] =	stream.indirect.gather [hbm4b:s0+s26], $0x80, s4, s26, $0xb8;
	[tilespmem:$0x1FF00] =	vst v63  }
0x9a: {  	_ =	swait.ge [sflag:s28], $0x4000  }
0x9b: {  	[sflag:s28] =	ssyncset.done $0x0  }
0x9c: {  	[sflag:s28] =	ssyncadd.s32 $0xFFFFC000  }
0x9d: {  	[spmem:s3] =	stream.indirect.scatter.add.f32 [tilespmem:s22], [sflag:$0x7], $0x80, s26, s26, $0xb8;
	[tilespmem:$0x1FF00] =	vst v63  }
0x9e: {  	_ =	swait.ge [sflag:s23], $0x4000  }
0x9f: {  	[sflag:s23] =	ssyncset.done $0x0  }
0xa0: {  	[sflag:s23] =	ssyncadd.s32 $0xFFFFC000  }
0xa1: {  	_ =	swait.ge [sflag:s29], $0x100  }
0xa2: {  	[sflag:s29] =	ssyncset.done $0x0  }
0xa3: {  	[sflag:s29] =	ssyncadd.s32 $0xFFFFFF00  }
0xa4: {  	[tilespmem:s30], [sflag:$0x5] =	stream.indirect.gather [hbm4b:s0+s26], $0x80, s24, s26, $0xb8;
	[tilespmem:$0x1FF00] =	vst v63  }
.Ltmp5:
0xa5: {  	_ = 	snop;
	(pc) =	sbr.rel .LBB2_10-.Ltmp5, $4  }
0xa6: {  	_ =	swait.ge [sflag:s31], $0x4000  }
0xa7: {  	[sflag:s31] =	ssyncset.done $0x0  }
0xa8: {  	[sflag:s31] =	ssyncadd.s32 $0xFFFFC000  }
0xa9: {  	[spmem:s3] =	stream.indirect.scatter.add.f32 [tilespmem:s30], [sflag:$0x7], $0x80, s1, s26, $0xb8;
	[tilespmem:$0x1FF00] =	vst v63  }
.LBB2_4:
0xaa: {  	s11 =	rddreg [dreg:$0x9]  }
0xab: {  	[tilespmem:s13], [sflag:$0x3] =	stream.linear.gather [hbm4b:s11+s9], $0x100, $0x38;
	[tilespmem:$0x1FF00] =	vst v63  }
0xac: {  	_ =	swait.ge [sflag:s25], $0x100  }
0xad: {  	[sflag:s25] =	ssyncset.done $0x0  }
0xae: {  	[sflag:s25] =	ssyncadd.s32 $0xFFFFFF00  }
0xaf: {  	[tilespmem:s22], [sflag:$0x4] =	stream.indirect.gather [hbm4b:s0+s26], $0x80, s9, s26, $0xb8;
	[tilespmem:$0x1FF00] =	vst v63  }
0xb0: {  	_ =	swait.ge [sflag:s29], $0x100  }
0xb1: {  	[sflag:s29] =	ssyncset.done $0x0  }
0xb2: {  	[sflag:s29] =	ssyncadd.s32 $0xFFFFFF00  }
0xb3: {  	[tilespmem:s30], [sflag:$0x5] =	stream.indirect.gather [hbm4b:s0+s26], $0x80, s24, s26, $0xb8;
	[tilespmem:$0x1FF00] =	vst v63  }
0xb4: {  	_ =	swait.ge [sflag:s28], $0x4000  }
0xb5: {  	[sflag:s28] =	ssyncset.done $0x0  }
0xb6: {  	[sflag:s28] =	ssyncadd.s32 $0xFFFFC000  }
0xb7: {  	_ =	swait.ge [sflag:s2], $0x100  }
0xb8: {  	[sflag:s2] =	ssyncset.done $0x0  }
0xb9: {  	[sflag:s2] =	ssyncadd.s32 $0xFFFFFF00  }
0xba: {  	[tilespmem:s16], [sflag:$0x6] =	stream.indirect.gather [hbm4b:s0+s26], $0x80, s13, s26, $0xb8;
	[tilespmem:$0x1FF00] =	vst v63  }
0xbb: {  	_ = 	snop  }
0xbc: {  	[spmem:s3] =	stream.indirect.scatter.add.f32 [tilespmem:s22], [sflag:$0x7], $0x80, s26, s26, $0xb8;
	[tilespmem:$0x1FF00] =	vst v63  }
0xbd: {  	_ =	swait.ge [sflag:s23], $0x4000  }
0xbe: {  	[sflag:s23] =	ssyncset.done $0x0;
	s11 =	rddreg [dreg:$0xc]  }
0xbf: {  	[sflag:s23] =	ssyncadd.s32 $0xFFFFC000;
	s9 =	sadd.s32 s5, s11  }
0xc0: {  	[tilespmem:s4], [sflag:$0x1] =	stream.linear.gather [hbm4b:s9+s4], $0x100, $0x38;
	[tilespmem:$0x1FF00] =	vst v63  }
0xc1: {  	_ =	swait.ge [sflag:s31], $0x4000  }
0xc2: {  	[sflag:s31] =	ssyncset.done $0x0  }
0xc3: {  	[sflag:s31] =	ssyncadd.s32 $0xFFFFC000  }
0xc4: {  	_ =	swait.ge [sflag:s25], $0x100  }
0xc5: {  	[sflag:s25] =	ssyncset.done $0x0  }
0xc6: {  	[sflag:s25] =	ssyncadd.s32 $0xFFFFFF00  }
0xc7: {  	[tilespmem:s22], [sflag:$0x4] =	stream.indirect.gather [hbm4b:s0+s26], $0x80, s4, s26, $0xb8;
	[tilespmem:$0x1FF00] =	vst v63  }
0xc8: {  	_ = 	snop  }
0xc9: {  	[spmem:s3] =	stream.indirect.scatter.add.f32 [tilespmem:s30], [sflag:$0x7], $0x80, s1, s26, $0xb8;
	[tilespmem:$0x1FF00] =	vst v63  }
0xca: {  	_ =	swait.ge [sflag:s23], $0x4000  }
0xcb: {  	[sflag:s23] =	ssyncset.done $0x0  }
0xcc: {  	s12 =	sadd.s32 $0x0, s18;
	[sflag:s23] =	ssyncadd.s32 $0xFFFFC000  }
0xcd: {  	[tilespmem:s24], [sflag:$0x2] =	stream.linear.gather [hbm4b:s12+s4], $0x100, $0x38;
	[tilespmem:$0x1FF00] =	vst v63  }
0xce: {  	_ =	swait.ge [sflag:s19], $0x4000  }
0xcf: {  	[sflag:s19] =	ssyncset.done $0x0  }
0xd0: {  	[sflag:s19] =	ssyncadd.s32 $0xFFFFC000  }
0xd1: {  	_ =	swait.ge [sflag:s29], $0x100  }
0xd2: {  	[sflag:s29] =	ssyncset.done $0x0  }
0xd3: {  	[sflag:s29] =	ssyncadd.s32 $0xFFFFFF00  }
0xd4: {  	[tilespmem:s30], [sflag:$0x5] =	stream.indirect.gather [hbm4b:s0+s26], $0x80, s24, s26, $0xb8;
	[tilespmem:$0x1FF00] =	vst v63  }
0xd5: {  	_ = 	snop  }
0xd6: {  	[spmem:s3] =	stream.indirect.scatter.add.f32 [tilespmem:s16], [sflag:$0x7], $0x80, s7, s26, $0xb8;
	[tilespmem:$0x1FF00] =	vst v63  }
0xd7: {  	_ =	swait.ge [sflag:s23], $0x4000  }
0xd8: {  	s9 =	simm.s32 $0x60;
	[sflag:s23] =	ssyncset.done $0x0;
	s14 =	rddreg [dreg:$0xb]  }
0xd9: {  	s12 =	sadd.s32 $0x0, s17;
	[sflag:s23] =	ssyncadd.s32 $0xFFFFC000;
	s11 =	sadd.s32 $0x300, s14  }
.LBB2_5:
0xda: {  	[tilespmem:s13], [sflag:$0x3] =	stream.linear.gather [hbm4b:s12+s4], $0x100, $0x38;
	[tilespmem:$0x1FF00] =	vst v63  }
0xdb: {  	s12 =	smov.u32 s9  }
0xdc: {  	p1 =	seq.s32 s9, $0xEA0;
	s9 =	sadd.s32 $0x60, s9;
	_ =	swait.ge [sflag:s28], $0x4000  }
0xdd: {  	[sflag:s28] =	ssyncset.done $0x0  }
0xde: {  	[sflag:s28] =	ssyncadd.s32 $0xFFFFC000  }
0xdf: {  	_ =	swait.ge [sflag:s2], $0x100  }
0xe0: {  	[sflag:s2] =	ssyncset.done $0x0  }
0xe1: {  	[sflag:s2] =	ssyncadd.s32 $0xFFFFFF00  }
0xe2: {  	[tilespmem:s16], [sflag:$0x6] =	stream.indirect.gather [hbm4b:s0+s26], $0x80, s13, s26, $0xb8;
	[tilespmem:$0x1FF00] =	vst v63  }
0xe3: {  	_ = 	snop  }
0xe4: {  	[spmem:s3] =	stream.indirect.scatter.add.f32 [tilespmem:s22], [sflag:$0x7], $0x80, s26, s26, $0xb8;
	[tilespmem:$0x1FF00] =	vst v63  }
0xe5: {  	_ =	swait.ge [sflag:s23], $0x4000  }
0xe6: {  	s14 =	sshrl.u32 s11, $0x3;
	[sflag:s23] =	ssyncset.done $0x0  }
0xe7: {  	s14 =	sadd.s32 s5, s14;
	[sflag:s23] =	ssyncadd.s32 $0xFFFFC000  }
0xe8: {  	[tilespmem:s4], [sflag:$0x1] =	stream.linear.gather [hbm4b:s14+s4], $0x100, $0x38;
	[tilespmem:$0x1FF00] =	vst v63  }
0xe9: {  	_ =	swait.ge [sflag:s31], $0x4000  }
0xea: {  	[sflag:s31] =	ssyncset.done $0x0  }
0xeb: {  	[sflag:s31] =	ssyncadd.s32 $0xFFFFC000  }
0xec: {  	_ =	swait.ge [sflag:s25], $0x100  }
0xed: {  	[sflag:s25] =	ssyncset.done $0x0  }
0xee: {  	[sflag:s25] =	ssyncadd.s32 $0xFFFFFF00  }
0xef: {  	[tilespmem:s22], [sflag:$0x4] =	stream.indirect.gather [hbm4b:s0+s26], $0x80, s4, s26, $0xb8;
	[tilespmem:$0x1FF00] =	vst v63  }
0xf0: {  	_ = 	snop  }
0xf1: {  	[spmem:s3] =	stream.indirect.scatter.add.f32 [tilespmem:s30], [sflag:$0x7], $0x80, s1, s26, $0xb8;
	[tilespmem:$0x1FF00] =	vst v63  }
0xf2: {  	_ =	swait.ge [sflag:s23], $0x4000  }
0xf3: {  	[sflag:s23] =	ssyncset.done $0x0  }
0xf4: {  	s14 =	sadd.s32 s12, s18;
	[sflag:s23] =	ssyncadd.s32 $0xFFFFC000  }
0xf5: {  	[tilespmem:s24], [sflag:$0x2] =	stream.linear.gather [hbm4b:s14+s4], $0x100, $0x38;
	[tilespmem:$0x1FF00] =	vst v63  }
0xf6: {  	_ =	swait.ge [sflag:s19], $0x4000  }
0xf7: {  	[sflag:s19] =	ssyncset.done $0x0  }
0xf8: {  	[sflag:s19] =	ssyncadd.s32 $0xFFFFC000  }
0xf9: {  	_ =	swait.ge [sflag:s29], $0x100  }
0xfa: {  	[sflag:s29] =	ssyncset.done $0x0  }
0xfb: {  	[sflag:s29] =	ssyncadd.s32 $0xFFFFFF00  }
0xfc: {  	[tilespmem:s30], [sflag:$0x5] =	stream.indirect.gather [hbm4b:s0+s26], $0x80, s24, s26, $0xb8;
	[tilespmem:$0x1FF00] =	vst v63  }
.Ltmp6:
0xfd: {  	(pc) =	sbr.rel @!p1 .LBB2_5-.Ltmp6, $4  }
0xfe: {  	[spmem:s3] =	stream.indirect.scatter.add.f32 [tilespmem:s16], [sflag:$0x7], $0x80, s7, s26, $0xb8;
	[tilespmem:$0x1FF00] =	vst v63  }
0xff: {  	_ =	swait.ge [sflag:s23], $0x4000  }
0x100: {  	[sflag:s23] =	ssyncset.done $0x0  }
0x101: {  	s11 =	sadd.s32 $0x300, s11;
	s12 =	sadd.s32 s12, s17;
	[sflag:s23] =	ssyncadd.s32 $0xFFFFC000  }
.Ltmp7:
0x102: {  	_ = 	snop;
	(pc) =	sbr.rel .LBB2_6-.Ltmp7, $1  }
0x103: {  	_ =	sdelay $0x3  }
.LBB2_11:
0x104: {  	_ =	sfence.sel $0x180000  }
0x105: {  	[bflag:$0x0] =	sbarrier.arrive $0xFFFF  }
0x106: {  	_ =	strace $0x9000004D  }
0x107: {  	s0 =	stileid.u32;
	[bflag:$0x2] =	sbarrier.arrive $0xFFFF  }
0x108: {  	p0 =	sne.s32 s0, $0x0;
	s0 =	rddreg [dreg:$0x3]  }
0x109: {  	s0 =	sadd.s32 @!p0 $0x100000, s0  }
0x10a: {  	[sflag:s0] =	ssyncadd.tile.s32 @!p0 $0x1;
	_ =	shalt  }
.Lfunc_end2:
_tile_overlayer_lowered:
.L_overlay_start_2:
0x10b: {  	(tag) =	ssettag $0x2  }
0x10c: {  	s0 =	rddreg [dreg:$0x0];
	s2 =	stileid.u32  }
0x10d: {  	s1 =	rddreg [dreg:$0x1];
	p0 =	sne.s32 s2, $0x0  }
0x10e: {  	s3 =	rddreg [dreg:$0x2];
	[bflag:$0x3] =	sbarrier.arrive $0xFFFF;
	s2 =	simm.s32 @!p0 $0x1C07  }
0x10f: {  	[timem:s3], [sflag:s2] =	dma.local @!p0 [hbm:s0], s1  }
0x110: {  	s0 =	simm.s32 @!p0 $0x7  }
0x111: {  	_ =	swait.ge @!p0 [sflag:s0], s1  }
0x112: {  	s1 =	ssub.s32 @!p0 $0x0, s1;
	[sflag:s0] =	ssyncset.done @!p0 $0x0  }
0x113: {  	[sflag:s0] =	ssyncadd.s32 @!p0 s1  }
0x114: {  	[bflag:$0x3] =	sbarrier.arrive $0xFFFF  }
0x115: {  	_ =	shalt  }

// kernel: kernel.22.cloned.1.call-start
scs
__scs_entry_jumppad:
0x0: {  	(pc) =	sbr.rel $0x88, $3  }
0x1: {  	(tag) =	ssettag $0x0;
	lr =	simm.s32 $0x1  }
0x2: {  	[smem:$0x3F97] =	sst lr;
	_ =	strace $0xD0000000  }
0x3: {  	_ = 	snop  }
0x4: {  	_ = 	snop  }
0x5: {  	_ = 	snop  }
0x6: {  	_ = 	snop  }
0x7: {  	_ = 	snop  }
__scs_overlays_trampoline_lowered:
0x8: {  	[smem:$0x3FA6] =	sst s0  }
0x9: {  	[smem:$0x3FA7] =	sst s1  }
0xa: {  	[smem:$0x3FA8] =	sst s2  }
0xb: {  	[smem:$0x3FA9] =	sst s3  }
0xc: {  	[smem:$0x3FAA] =	sst s4  }
0xd: {  	[smem:$0x3FAB] =	sst s5  }
0xe: {  	[smem:$0x3FAC] =	sst s6  }
0xf: {  	[smem:$0x3FAD] =	sst s7  }
0x10: {  	[smem:$0x3FAE] =	sst s8  }
0x11: {  	[smem:$0x3FAF] =	sst s9;
	s0 =	simm.s32 @!p0 $0x0  }
0x12: {  	s1 =	sld [smem:$0x3F95];
	s0 =	simm.s32 @p0 $0x1  }
0x13: {  	[smem:$0x3FB0] =	sst s0;
	s0 =	simm.s32 @!p1 $0x0  }
0x14: {  	s2 =	sld [smem:$0x3F94];
	s0 =	simm.s32 @p1 $0x1  }
0x15: {  	[smem:$0x3FB1] =	sst s0;
	s0 =	simm.s32 @!p2 $0x0  }
0x16: {  	s3 =	sld [smem:$0x3FDB];
	s0 =	simm.s32 @p2 $0x1  }
0x17: {  	s4 =	simm.s32 $0x1BF5;
	[smem:$0x3FB3] =	sst s0  }
0x18: {  	s0 =	sld [smem:$0x3F96];
	_ =	swait.ge [sflag:s4], $0x0  }
0x19: {  	s7 =	sld [smem:$0x3F97]  }
0x1a: {  	s8 =	sadd.s32 $0xFFFFE003, lr  }
0x1b: {  	s9 =	sadd.s32 $0xFFFFFEF7, lr;
	s5 =	simm.s32 $0xFFFFFFFF;
	p2 =	slt.u32 s8, $0xFFFFF086  }
0x1c: {  	p1 =	slt.u32 s9, $0xF7A;
	s5 =	simm.s32 @!p2 $0x0  }
0x1d: {  	s5 =	simm.s32 @p1 $0x1;
	p0 =	seq.s32 s7, s2  }
0x1e: {  	s7 =	smul.u32 @!p0 $0xF7A, s2;
	p2 =	seq.s32 @!p0 s5, $0x0  }
0x1f: {  	s9 =	smul.u32 $0xF7A, s1;
	s8 =	simm.s32 @!p0 $0x1BF5;
	p2 =	por !p2, p0  }
0x20: {  	[sflag:s8] =	ssyncset.s32 @!p0 $0xFFFFF086;
	s6 =	sadd.s32 @!p0 s3, s7;
	s7 =	simm.s32 @!p0 $0x108  }
0x21: {  	s3 =	sadd.s32 s3, s9;
	s6 =	sadd.s32 @!p0 $0x88, s6;
	s7 =	simm.s32 @p2 $0x1082  }
0x22: {  	[simem:s7], [sflag:s8] =	dma.local @!p0 [hbm:s6], $0xF7A  }
0x23: {  	s9 =	sor.u32 $0xD0000000, s2;
	s6 =	simm.s32 $0x108;
	_ =	swait.ge @!p0 [sflag:s8], $0x0  }
0x24: {  	s3 =	sadd.s32 $0x88, s3;
	s6 =	simm.s32 @!p1 $0x1082;
	[sflag:s4] =	ssyncset.s32 $0xFFFFF086  }
0x25: {  	[simem:s6], [sflag:s4] =	dma.local [hbm:s3], $0xF7A  }
0x26: {  	[smem:$0x3F97] =	sst s1;
	(tag) =	ssettag s2;
	_ =	strace s9  }
0x27: {  	s1 =	sld [smem:$0x3FA7]  }
0x28: {  	s2 =	sld [smem:$0x3FA8]  }
0x29: {  	s4 =	sld [smem:$0x3FAA]  }
0x2a: {  	p0 =	seq.s32 s5, $0x0;
	s5 =	sld [smem:$0x3FAB]  }
0x2b: {  	s6 =	sld [smem:$0x3FAC]  }
0x2c: {  	s7 =	sld [smem:$0x3FAD]  }
0x2d: {  	s3 =	simm.s32 $0x108;
	s8 =	sld [smem:$0x3FAE]  }
0x2e: {  	s3 =	simm.s32 @!p0 $0x1082;
	s9 =	sld [smem:$0x3FAF]  }
0x2f: {  	lr =	sadd.s32 s0, s3;
	s0 =	sld [smem:$0x3FA6]  }
0x30: {  	s3 =	sld [smem:$0x3FA9]  }
0x31: {  	[smem:$0x3FB2] =	sst s10  }
0x32: {  	s10 =	sld [smem:$0x3FB0];
	_ =	sdelay $0x3  }
0x33: {  	p0 =	seq.s32 s10, $0x1;
	s10 =	sld [smem:$0x3FB2];
	_ =	sdelay $0x3  }
0x34: {  	[smem:$0x3FB2] =	sst s10  }
0x35: {  	s10 =	sld [smem:$0x3FB1];
	_ =	sdelay $0x3  }
0x36: {  	p1 =	seq.s32 s10, $0x1;
	s10 =	sld [smem:$0x3FB2];
	_ =	sdelay $0x3  }
0x37: {  	[smem:$0x3FB2] =	sst s10  }
0x38: {  	s10 =	sld [smem:$0x3FB3]  }
0x39: {  	_ = 	snop;
	(pc) =	sbr.ind lr, $3  }
0x3a: {  	_ = 	snop  }
0x3b: {  	_ = 	snop  }
0x3c: {  	p2 =	seq.s32 s10, $0x1;
	s10 =	sld [smem:$0x3FB2]  }
0x3d: {  	_ =	shalt  }
0x3e: {  	_ =	shalt  }
0x3f: {  	_ =	shalt  }
0x40: {  	_ =	shalt  }
0x41: {  	_ =	shalt  }
0x42: {  	_ =	shalt  }
0x43: {  	_ =	shalt  }
0x44: {  	_ =	shalt  }
0x45: {  	_ =	shalt  }
0x46: {  	_ =	shalt  }
0x47: {  	_ =	shalt  }
0x48: {  	_ =	shalt  }
0x49: {  	_ =	shalt  }
0x4a: {  	_ =	shalt  }
0x4b: {  	_ =	shalt  }
0x4c: {  	_ =	shalt  }
0x4d: {  	_ =	shalt  }
0x4e: {  	_ =	shalt  }
0x4f: {  	_ =	shalt  }
0x50: {  	_ =	shalt  }
0x51: {  	_ =	shalt  }
0x52: {  	_ =	shalt  }
0x53: {  	_ =	shalt  }
0x54: {  	_ =	shalt  }
0x55: {  	_ =	shalt  }
0x56: {  	_ =	shalt  }
0x57: {  	_ =	shalt  }
0x58: {  	_ =	shalt  }
0x59: {  	_ =	shalt  }
0x5a: {  	_ =	shalt  }
0x5b: {  	_ =	shalt  }
0x5c: {  	_ =	shalt  }
0x5d: {  	_ =	shalt  }
0x5e: {  	_ =	shalt  }
0x5f: {  	_ =	shalt  }
0x60: {  	_ =	shalt  }
0x61: {  	_ =	shalt  }
0x62: {  	_ =	shalt  }
0x63: {  	_ =	shalt  }
0x64: {  	_ =	shalt  }
0x65: {  	_ =	shalt  }
0x66: {  	_ =	shalt  }
0x67: {  	_ =	shalt  }
0x68: {  	_ =	shalt  }
0x69: {  	_ =	shalt  }
0x6a: {  	_ =	shalt  }
0x6b: {  	_ =	shalt  }
0x6c: {  	_ =	shalt  }
0x6d: {  	_ =	shalt  }
0x6e: {  	_ =	shalt  }
0x6f: {  	_ =	shalt  }
0x70: {  	_ =	shalt  }
0x71: {  	_ =	shalt  }
0x72: {  	_ =	shalt  }
0x73: {  	_ =	shalt  }
0x74: {  	_ =	shalt  }
0x75: {  	_ =	shalt  }
0x76: {  	_ =	shalt  }
0x77: {  	_ =	shalt  }
0x78: {  	_ =	shalt  }
0x79: {  	_ =	shalt  }
0x7a: {  	_ =	shalt  }
0x7b: {  	_ =	shalt  }
0x7c: {  	_ =	shalt  }
0x7d: {  	_ =	shalt  }
0x7e: {  	_ =	shalt  }
0x7f: {  	_ =	shalt  }
0x80: {  	_ =	shalt  }
0x81: {  	_ =	shalt  }
0x82: {  	_ =	shalt  }
0x83: {  	_ =	shalt  }
0x84: {  	_ =	shalt  }
0x85: {  	_ =	shalt  }
0x86: {  	_ =	shalt  }
0x87: {  	_ =	shalt  }
.Lfunc_end0:
.L_simem_size_0:
called_computation.3_lowered:
.L_overlay_start_0:
0x88: {  	s2 =	sld [smem:$0x3FD9]  }
0x89: {  	s3 =	sld [smem:$0x3FFE];
	_ =	sdelay $0x1  }
0x8a: {  	s1 =	srdreg.scid  }
0x8b: {  	s0 =	sand.u32 $0x1, s1  }
0x8c: {  	s17 =	sshll.u32 s0, $0xA;
	s2 =	sadd.s32 s3, s2  }
0x8d: {  	s2 =	sadd.s32 s2, s17  }
0x8e: {  	[smem:$0x3FBE] =	sst s2  }
0x8f: {  	_ = 	snop  }
0x90: {  	s2 =	sld [smem:$0x3FD0];
	(tm) =	ssettm $0x1  }
0x91: {  	s18 =	sld [smem:$0x3FFB];
	_ =	sdelay $0x3  }
0x92: {  	_ =	strace s18  }
0x93: {  	s3 =	sld [smem:$0x3FFC];
	_ =	sdelay $0x3  }
0x94: {  	_ =	strace s3  }
0x95: {  	s3 =	sld [smem:$0x3FFD];
	_ =	sdelay $0x3  }
0x96: {  	_ =	strace s3  }
0x97: {  	_ =	strace $0x8FFFFFFF  }
0x98: {  	s19 =	sld [smem:$0x3FDB];
	_ =	sdelay $0x1  }
0x99: {  	s4 =	simm.s32 $_scs_section_size  }
0x9a: {  	s5 =	simm.s32 $_size__tile_overlayer_lowered;
	s6 =	simm.s32 $_tile_overlayer_lowered  }
0x9b: {  	s22 =	simm.s32 $0x1BFF;
	s21 =	sshll.u32 s6, $0x1;
	s3 =	sadd.s32 s4, s19  }
0x9c: {  	s7 =	simm.s32 $0x0;
	s20 =	sshll.u32 s5, $0x1;
	s5 =	sadd.s32 s21, s3  }
0x9d: {  	[timem:s7], [sflag:s22] =	dma.local [hbm:s5], s20  }
0x9e: {  	_ =	swait.ge [sflag:s22], s20  }
0x9f: {  	s4 =	ssub.s32 $0x0, s20;
	[sflag:s22] =	ssyncset.done $0x0  }
0xa0: {  	[sflag:s22] =	ssyncadd.s32 s4;
	_ =	sdelay $0x1  }
0xa1: {  	s23 =	simm.s32 $0x1B8B  }
0xa2: {  	_ =	swait.ge [sflag:s23], $0x1  }
0xa3: {  	[sflag:s23] =	ssyncset.done $0x0  }
0xa4: {  	s25 =	simm.s32 $0x1B8E;
	s24 =	sld [smem:$0x3FFE];
	[sflag:s23] =	ssyncadd.s32 $0xFFFFFFFF  }
0xa5: {  	s26 =	simm.s32 $execute0_lowered;
	[smem:$0x3FD2] =	sst s25  }
0xa6: {  	s5 =	sshll.u32 s26, $0x1;
	_ =	strace $0x8000004F;
	[dreg:$0x1] =	wrdreg $0xFFFFFFFF  }
0xa7: {  	s28 =	simm.s32 $_size_execute0_lowered;
	s3 =	sadd.s32 s3, s5;
	[dreg:$0x0] =	wrdreg $0x0  }
0xa8: {  	s5 =	sshll.u32 s28, $0x1;
	[dreg:$0x2] =	wrdreg s3  }
0xa9: {  	[dreg:$0x3] =	wrdreg s5  }
0xaa: {  	[dreg:$0x4] =	wrdreg $0xC0  }
0xab: {  	_ =	task [dreg:s7], $0x5FFFF  }
0xac: {  	[dreg:$0x1] =	wrdreg $0xFFFFFFFF  }
0xad: {  	[dreg:$0x0] =	wrdreg $0x60  }
0xae: {  	[dreg:$0x2] =	wrdreg s2  }
0xaf: {  	[dreg:$0x3] =	wrdreg s24  }
0xb0: {  	[dreg:$0x4] =	wrdreg $0xC3000  }
0xb1: {  	[dreg:$0x5] =	wrdreg $0x9  }
0xb2: {  	_ =	task.clear_ibuf [dreg:s7], $0x6FFFF;
	_ =	strace $0x9000004F  }
0xb3: {  	s29 =	simm.s32 $0x9;
	_ =	strace $0x80000051  }
0xb4: {  	_ =	swait.ge [sflag:s29], $0x1  }
0xb5: {  	[sflag:s29] =	ssyncadd.s32 $0xFFFFFFFF  }
0xb6: {  	_ =	strace $0x90000051  }
0xb7: {  	_ =	sfence  }
0xb8: {  	s30 =	sld [smem:$0x0];
	_ =	sdelay $0x2  }
0xb9: {  	s31 =	sshll.u32 s1, $0xD;
	s1 =	sshrl.u32 s1, $0x2  }
0xba: {  	s3 =	sand.u32 $0x4000, s31;
	s1 =	sadd.s32 s1, s30  }
0xbb: {  	s0 =	sor.u32 s3, s0;
	s1 =	sshll.u32 s1, $0x11  }
0xbc: {  	s0 =	sor.u32 s1, s0  }
0xbd: {  	s0 =	sadd.s32 $0x8F2B, s0  }
0xbe: {  	[sflag:s0] =	ssyncadd.remote.s32 $0x1  }
0xbf: {  	_ =	sfence.sel $0xFFFF  }
0xc0: {  	[dreg:$0x0] =	wrdreg $0xFFFFFFFF;
	(pc) =	sbr.abs _section_cstart, $3  }
0xc1: {  	[dreg:$0x1] =	wrdreg $0xFFFFFFFF  }
0xc2: {  	_ =	task.clear_ibuf [dreg:s7], $0x2FFFF;
	_ =	strace $0x9FFFFFFF  }
0xc3: {  	(tm) =	ssettm $0x7FFFFFFF  }
tec
execute0_lowered:
.L_overlay_start_1:
0x0: {  	(tag) =	ssettag $0x1  }
0x1: {  	s0 =	rddreg [dreg:$0x0]  }
0x2: {  	s1 =	rddreg [dreg:$0x1];
	s2 =	srdreg.scid  }
0x3: {  	s3 =	rddreg [dreg:$0x2];
	s11 =	stileid.u32  }
0x4: {  	s4 =	simm.s32 $0x0;
	s28 =	simm.s32 $0x4;
	s6 =	smul.u32 $0x13C00, s11  }
0x5: {  	s29 =	simm.s32 $0x2;
	s30 =	simm.s32 $0x4300;
	s7 =	smul.u32 $0x4F000, s11  }
0x6: {  	s2 =	sand.u32 $0x1, s2;
	[smem:$0x7FF] =	sst s4;
	s19 =	smul.u32 $0x7B00, s11  }
0x7: {  	s31 =	simm.s32 $0x5;
	s5 =	smul.u32 $0x13C000, s2;
	_ =	strace $0x80000050  }
0x8: {  	s10 =	sshll.u32 s2, $0x4;
	s9 =	ssub.s32 $0x2, s2;
	s17 =	smul.u32 $0x7B000, s2  }
0x9: {  	p0 =	seq.s32 s2, $0x1;
	s10 =	sor.u32 s11, s10;
	s12 =	sshrl.u32 s7, $0x2  }
0xa: {  	s13 =	sshrl.u32 s9, $0x1;
	s6 =	sadd.s32 s6, s5;
	s5 =	sadd.s32 $0x53600, s1  }
0xb: {  	s10 =	smul.u32 $0x7B00, s10;
	s7 =	ssub.s32 s9, s13;
	s23 =	sadd.s32 s19, s17  }
0xc: {  	s13 =	simm.s32 $0x200;
	s19 =	simm.s32 $0x6;
	s8 =	sshrl.u32 s6, $0x3  }
0xd: {  	s6 =	sadd.s32 s12, s3;
	s24 =	sadd.s32 $0x500, s23;
	s25 =	sadd.s32 $0x400, s23  }
0xe: {  	s1 =	sadd.s32 s8, s1;
	s14 =	sadd.s32 $0x4000, s6;
	s15 =	sadd.s32 $0x8000, s6  }
0xf: {  	s16 =	sshrl.u32 s10, $0x3;
	s18 =	sadd.s32 $0xC000, s6;
	[dreg:$0x4] =	wrdreg s14  }
0x10: {  	s20 =	sadd.s32 $0x10000, s6;
	s2 =	sshrl.u32 s24, $0x3;
	[dreg:$0x5] =	wrdreg s15  }
0x11: {  	s8 =	sadd.s32 $0x300, s23;
	s24 =	simm.s32 $0x100;
	[dreg:$0x6] =	wrdreg s18  }
0x12: {  	s10 =	sadd.s32 s5, s16;
	[dreg:$0x7] =	wrdreg s20;
	s1 =	sadd.s32 $0x72200, s1  }
0x13: {  	s15 =	smax.u32 s7, $0x1;
	s7 =	sshrl.u32 s25, $0x3;
	s17 =	sadd.s32 s2, s5  }
0x14: {  	[dreg:$0xb] =	wrdreg s8;
	s26 =	sshrl.u32 s8, $0x3;
	s25 =	simm.s32 $0x1  }
0x15: {  	s2 =	simm.s32 $0x3;
	s16 =	simm.s32 $0x8300;
	s8 =	simm.s32 $0x0  }
.Ltmp0:
0x16: {  	s21 =	sadd.s32 $0x20, s10;
	[dreg:$0xa] =	wrdreg s1;
	(pc) =	sbr.rel .LBB2_1-.Ltmp0, $4  }
0x17: {  	s22 =	sadd.s32 $0x40, s10;
	s18 =	sadd.s32 s7, s5;
	[dreg:$0xc] =	wrdreg s26  }
0x18: {  	s20 =	sadd.s32 s26, s5;
	s26 =	simm.s32 $0x80;
	[dreg:$0x8] =	wrdreg s21  }
0x19: {  	s1 =	simm.s32 $0x180;
	s7 =	simm.s32 $0x280;
	[dreg:$0x9] =	wrdreg s22  }
0x1a: {  	v0 =	vimm.f32 $0.0e+00;
	s21 =	sadd.s32 $0x200, s23;
	s22 =	simm.s32 $0x300;
	s23 =	simm.s32 $0x7  }
.LBB2_6:
0x1b: {  	[tilespmem:s13], [sflag:$0x3] =	stream.linear.gather [hbm4b:s12+s4], $0x100, $0x38;
	[tilespmem:$0x1FF00] =	vst v63  }
0x1c: {  	_ =	swait.ge [sflag:s28], $0x4000  }
0x1d: {  	[sflag:s28] =	ssyncset.done $0x0  }
0x1e: {  	[sflag:s28] =	ssyncadd.s32 $0xFFFFC000  }
0x1f: {  	_ =	swait.ge [sflag:s2], $0x100  }
0x20: {  	[sflag:s2] =	ssyncset.done $0x0  }
0x21: {  	[sflag:s2] =	ssyncadd.s32 $0xFFFFFF00  }
0x22: {  	[tilespmem:s16], [sflag:$0x6] =	stream.indirect.gather [hbm4b:s0+s26], $0x80, s13, s26, $0xb8;
	[tilespmem:$0x1FF00] =	vst v63  }
0x23: {  	_ = 	snop  }
0x24: {  	[spmem:s3] =	stream.indirect.scatter.add.f32 [tilespmem:s22], [sflag:$0x7], $0x80, s26, s26, $0xb8;
	[tilespmem:$0x1FF00] =	vst v63  }
0x25: {  	_ =	swait.ge [sflag:s23], $0x4000  }
0x26: {  	[sflag:s23] =	ssyncset.done $0x0  }
0x27: {  	[sflag:s23] =	ssyncadd.s32 $0xFFFFC000  }
0x28: {  	_ =	swait.ge [sflag:s31], $0x4000  }
0x29: {  	[sflag:s31] =	ssyncset.done $0x0  }
0x2a: {  	[sflag:s31] =	ssyncadd.s32 $0xFFFFC000  }
0x2b: {  	[spmem:s3] =	stream.indirect.scatter.add.f32 [tilespmem:s30], [sflag:$0x7], $0x80, s1, s26, $0xb8;
	[tilespmem:$0x1FF00] =	vst v63  }
0x2c: {  	_ =	swait.ge [sflag:s23], $0x4000  }
0x2d: {  	[sflag:s23] =	ssyncset.done $0x0  }
0x2e: {  	[sflag:s23] =	ssyncadd.s32 $0xFFFFC000  }
0x2f: {  	_ =	swait.ge [sflag:s19], $0x4000  }
0x30: {  	[sflag:s19] =	ssyncset.done $0x0  }
0x31: {  	[sflag:s19] =	ssyncadd.s32 $0xFFFFC000  }
0x32: {  	[spmem:s3] =	stream.indirect.scatter.add.f32 [tilespmem:s16], [sflag:$0x7], $0x80, s7, s26, $0xb8;
	[tilespmem:$0x1FF00] =	vst v63  }
.LBB2_10:
0x33: {  	_ =	swait.ge [sflag:s23], $0x4000  }
0x34: {  	s9 =	stileid.u32;
	[sflag:s23] =	ssyncset.done $0x0  }
0x35: {  	s11 =	sshrl.u32 s6, $0x3;
	s8 =	sadd.s32 $0x1, s8;
	[sflag:s23] =	ssyncadd.s32 $0xFFFFC000  }
0x36: {  	s9 =	sshll.u32 s9, $0x6;
	p1 =	sne.s32 s8, s15;
	[bflag:$0x0] =	sbarrier.arrive $0xFFFF  }
.Ltmp1:
0x37: {  	s9 =	sor.u32 $0x1C07, s9;
	s12 =	rddreg [dreg:$0xa];
	(pc) =	sbr.rel @!p1 .LBB2_11-.Ltmp1, $4  }
0x38: {  	[hbm:s12], [sflag:s9] =	dma.local [spmem:s11], $0x2780  }
0x39: {  	_ =	swait.ge [sflag:s23], $0x2780  }
0x3a: {  	[sflag:s23] =	ssyncset.done $0x0  }
0x3b: {  	[sflag:s23] =	ssyncadd.s32 $0xFFFFD880  }
.LBB2_1:
0x3c: {  	s9 =	simm.s32 $0x0;
	s11 =	simm.s32 $0x200  }
.LBB2_2:
0x3d: {  	p1 =	sne.s32 s11, $0xFE00;
	[tilespmem:s9+$0x370] =	vst v0  }
0x3e: {  	[tilespmem:s9+$0x300] =	vst v0  }
0x3f: {  	[tilespmem:s9+$0x310] =	vst v0  }
.Ltmp2:
0x40: {  	[tilespmem:s9+$0x320] =	vst v0;
	(pc) =	sbr.rel @p1 .LBB2_2-.Ltmp2, $4  }
0x41: {  	[tilespmem:s9+$0x330] =	vst v0  }
0x42: {  	[tilespmem:s9+$0x340] =	vst v0  }
0x43: {  	[tilespmem:s9+$0x350] =	vst v0  }
0x44: {  	[tilespmem:s9+$0x360] =	vst v0;
	s9 =	sshra.s32 s11, $0x2;
	s11 =	sadd.s32 $0x200, s11  }
0x45: {  	[tilespmem:s9+$0x370] =	vst v0  }
0x46: {  	[tilespmem:s9+$0x300] =	vst v0  }
0x47: {  	[tilespmem:s9+$0x310] =	vst v0  }
0x48: {  	[tilespmem:s9+$0x320] =	vst v0  }
0x49: {  	[tilespmem:s9+$0x330] =	vst v0  }
0x4a: {  	[tilespmem:s9+$0x340] =	vst v0  }
0x4b: {  	[tilespmem:s9+$0x350] =	vst v0  }
0x4c: {  	[tilespmem:s9+$0x360] =	vst v0  }
0x4d: {  	[spmem:s6] =	stream.linear.scatter [tilespmem:s22], [sflag:$0x7], $0x4000, $0x38;
	[tilespmem:$0x1FF00] =	vst v63  }
0x4e: {  	_ =	swait.ge [sflag:s23], $0x4000  }
0x4f: {  	[sflag:s23] =	ssyncset.done $0x0  }
0x50: {  	s14 =	rddreg [dreg:$0x4];
	[sflag:s23] =	ssyncadd.s32 $0xFFFFC000  }
0x51: {  	[spmem:s14] =	stream.linear.scatter [tilespmem:s22], [sflag:$0x7], $0x4000, $0x38;
	[tilespmem:$0x1FF00] =	vst v63  }
0x52: {  	_ =	swait.ge [sflag:s23], $0x4000  }
0x53: {  	[sflag:s23] =	ssyncset.done $0x0  }
0x54: {  	s11 =	rddreg [dreg:$0x5];
	[sflag:s23] =	ssyncadd.s32 $0xFFFFC000  }
0x55: {  	[spmem:s11] =	stream.linear.scatter [tilespmem:s22], [sflag:$0x7], $0x4000, $0x38;
	[tilespmem:$0x1FF00] =	vst v63  }
0x56: {  	_ =	swait.ge [sflag:s23], $0x4000  }
0x57: {  	[sflag:s23] =	ssyncset.done $0x0  }
0x58: {  	s12 =	rddreg [dreg:$0x6];
	[sflag:s23] =	ssyncadd.s32 $0xFFFFC000  }
0x59: {  	[spmem:s12] =	stream.linear.scatter [tilespmem:s22], [sflag:$0x7], $0x4000, $0x38;
	[tilespmem:$0x1FF00] =	vst v63  }
0x5a: {  	_ =	swait.ge [sflag:s23], $0x4000  }
0x5b: {  	[sflag:s23] =	ssyncset.done $0x0  }
0x5c: {  	s14 =	rddreg [dreg:$0x7];
	[sflag:s23] =	ssyncadd.s32 $0xFFFFC000  }
0x5d: {  	[spmem:s14] =	stream.linear.scatter [tilespmem:s22], [sflag:$0x7], $0x3C00, $0x38;
	[tilespmem:$0x1FF00] =	vst v63  }
0x5e: {  	_ =	swait.ge [sflag:s23], $0x3C00  }
0x5f: {  	[sflag:s23] =	ssyncset.done $0x0  }
.Ltmp3:
0x60: {  	[sflag:s23] =	ssyncadd.s32 $0xFFFFC400;
	(pc) =	sbr.rel @!p0 .LBB2_4-.Ltmp3, $4  }
0x61: {  	s9 =	simm.s32 $0x0;
	[bflag:$0x0] =	sbarrier.arrive $0xFFFF  }
0x62: {  	[tilespmem:s9], [sflag:$0x1] =	stream.linear.gather [hbm4b:s10+s9], $0x100, $0x38;
	[tilespmem:$0x1FF00] =	vst v63  }
0x63: {  	s11 =	rddreg [dreg:$0x8]  }
0x64: {  	[tilespmem:s24], [sflag:$0x2] =	stream.linear.gather [hbm4b:s11+s9], $0x100, $0x38;
	[tilespmem:$0x1FF00] =	vst v63  }
0x65: {  	_ =	swait.ge [sflag:s25], $0x100  }
0x66: {  	[sflag:s25] =	ssyncset.done $0x0  }
0x67: {  	[sflag:s25] =	ssyncadd.s32 $0xFFFFFF00  }
0x68: {  	[tilespmem:s22], [sflag:$0x4] =	stream.indirect.gather [hbm4b:s0+s26], $0x80, s4, s26, $0xb8;
	[tilespmem:$0x1FF00] =	vst v63  }
0x69: {  	_ =	swait.ge [sflag:s28], $0x4000  }
0x6a: {  	[sflag:s28] =	ssyncset.done $0x0  }
0x6b: {  	[sflag:s28] =	ssyncadd.s32 $0xFFFFC000  }
0x6c: {  	[spmem:s3] =	stream.indirect.scatter.add.f32 [tilespmem:s22], [sflag:$0x7], $0x80, s26, s26, $0xb8;
	[tilespmem:$0x1FF00] =	vst v63  }
0x6d: {  	_ =	swait.ge [sflag:s23], $0x4000  }
0x6e: {  	s9 =	sshrl.u32 s21, $0x3;
	[sflag:s23] =	ssyncset.done $0x0  }
0x6f: {  	s9 =	sadd.s32 s5, s9;
	[sflag:s23] =	ssyncadd.s32 $0xFFFFC000  }
0x70: {  	[tilespmem:s4], [sflag:$0x1] =	stream.linear.gather [hbm4b:s9+s4], $0x100, $0x38;
	[tilespmem:$0x1FF00] =	vst v63  }
0x71: {  	_ =	swait.ge [sflag:s29], $0x100  }
0x72: {  	[sflag:s29] =	ssyncset.done $0x0  }
0x73: {  	[sflag:s29] =	ssyncadd.s32 $0xFFFFFF00  }
0x74: {  	[tilespmem:s30], [sflag:$0x5] =	stream.indirect.gather [hbm4b:s0+s26], $0x80, s24, s26, $0xb8;
	[tilespmem:$0x1FF00] =	vst v63  }
0x75: {  	_ =	swait.ge [sflag:s31], $0x4000  }
0x76: {  	[sflag:s31] =	ssyncset.done $0x0  }
0x77: {  	[sflag:s31] =	ssyncadd.s32 $0xFFFFC000  }
0x78: {  	[spmem:s3] =	stream.indirect.scatter.add.f32 [tilespmem:s30], [sflag:$0x7], $0x80, s1, s26, $0xb8;
	[tilespmem:$0x1FF00] =	vst v63  }
0x79: {  	_ =	swait.ge [sflag:s23], $0x4000  }
0x7a: {  	s12 =	sadd.s32 $0x0, s20;
	[sflag:s23] =	ssyncset.done $0x0  }
0x7b: {  	s11 =	sadd.s32 $0x200, s21;
	s9 =	simm.s32 $0x40;
	[sflag:s23] =	ssyncadd.s32 $0xFFFFC000  }
.LBB2_8:
0x7c: {  	[tilespmem:s24], [sflag:$0x2] =	stream.linear.gather [hbm4b:s12+s4], $0x100, $0x38;
	[tilespmem:$0x1FF00] =	vst v63  }
0x7d: {  	s12 =	smov.u32 s9  }
0x7e: {  	p1 =	sne.s32 s9, $0x3C0;
	s9 =	sadd.s32 $0x40, s9;
	_ =	swait.ge [sflag:s25], $0x100  }
0x7f: {  	[sflag:s25] =	ssyncset.done $0x0  }
0x80: {  	[sflag:s25] =	ssyncadd.s32 $0xFFFFFF00  }
0x81: {  	[tilespmem:s22], [sflag:$0x4] =	stream.indirect.gather [hbm4b:s0+s26], $0x80, s4, s26, $0xb8;
	[tilespmem:$0x1FF00] =	vst v63  }
0x82: {  	_ =	swait.ge [sflag:s28], $0x4000  }
0x83: {  	[sflag:s28] =	ssyncset.done $0x0  }
0x84: {  	[sflag:s28] =	ssyncadd.s32 $0xFFFFC000  }
0x85: {  	[spmem:s3] =	stream.indirect.scatter.add.f32 [tilespmem:s22], [sflag:$0x7], $0x80, s26, s26, $0xb8;
	[tilespmem:$0x1FF00] =	vst v63  }
0x86: {  	_ =	swait.ge [sflag:s23], $0x4000  }
0x87: {  	s14 =	sshrl.u32 s11, $0x3;
	[sflag:s23] =	ssyncset.done $0x0  }
0x88: {  	s14 =	sadd.s32 s5, s14;
	[sflag:s23] =	ssyncadd.s32 $0xFFFFC000  }
0x89: {  	[tilespmem:s4], [sflag:$0x1] =	stream.linear.gather [hbm4b:s14+s4], $0x100, $0x38;
	[tilespmem:$0x1FF00] =	vst v63  }
0x8a: {  	_ =	swait.ge [sflag:s29], $0x100  }
0x8b: {  	[sflag:s29] =	ssyncset.done $0x0  }
0x8c: {  	[sflag:s29] =	ssyncadd.s32 $0xFFFFFF00  }
0x8d: {  	[tilespmem:s30], [sflag:$0x5] =	stream.indirect.gather [hbm4b:s0+s26], $0x80, s24, s26, $0xb8;
	[tilespmem:$0x1FF00] =	vst v63  }
0x8e: {  	_ =	swait.ge [sflag:s31], $0x4000  }
0x8f: {  	[sflag:s31] =	ssyncset.done $0x0  }
.Ltmp4:
0x90: {  	[sflag:s31] =	ssyncadd.s32 $0xFFFFC000;
	(pc) =	sbr.rel @p1 .LBB2_8-.Ltmp4, $4  }
0x91: {  	[spmem:s3] =	stream.indirect.scatter.add.f32 [tilespmem:s30], [sflag:$0x7], $0x80, s1, s26, $0xb8;
	[tilespmem:$0x1FF00] =	vst v63  }
0x92: {  	_ =	swait.ge [sflag:s23], $0x4000  }
0x93: {  	[sflag:s23] =	ssyncset.done $0x0  }
0x94: {  	s11 =	sadd.s32 $0x200, s11;
	s12 =	sadd.s32 s12, s20;
	[sflag:s23] =	ssyncadd.s32 $0xFFFFC000  }
0x95: {  	[tilespmem:s24], [sflag:$0x2] =	stream.linear.gather [hbm4b:s12+s4], $0x100, $0x38;
	[tilespmem:$0x1FF00] =	vst v63  }
0x96: {  	_ =	swait.ge [sflag:s25], $0x100  }
0x97: {  	[sflag:s25] =	ssyncset.done $0x0  }
0x98: {  	[sflag:s25] =	ssyncadd.s32 $0xFFFFFF00  }
0x99: {  	[tilespmem:s22], [sflag:$0x4] =	stream.indirect.gather [hbm4b:s0+s26], $0x80, s4, s26, $0xb8;
	[tilespmem:$0x1FF00] =	vst v63  }
0x9a: {  	_ =	swait.ge [sflag:s28], $0x4000  }
0x9b: {  	[sflag:s28] =	ssyncset.done $0x0  }
0x9c: {  	[sflag:s28] =	ssyncadd.s32 $0xFFFFC000  }
0x9d: {  	[spmem:s3] =	stream.indirect.scatter.add.f32 [tilespmem:s22], [sflag:$0x7], $0x80, s26, s26, $0xb8;
	[tilespmem:$0x1FF00] =	vst v63  }
0x9e: {  	_ =	swait.ge [sflag:s23], $0x4000  }
0x9f: {  	[sflag:s23] =	ssyncset.done $0x0  }
0xa0: {  	[sflag:s23] =	ssyncadd.s32 $0xFFFFC000  }
0xa1: {  	_ =	swait.ge [sflag:s29], $0x100  }
0xa2: {  	[sflag:s29] =	ssyncset.done $0x0  }
0xa3: {  	[sflag:s29] =	ssyncadd.s32 $0xFFFFFF00  }
0xa4: {  	[tilespmem:s30], [sflag:$0x5] =	stream.indirect.gather [hbm4b:s0+s26], $0x80, s24, s26, $0xb8;
	[tilespmem:$0x1FF00] =	vst v63  }
.Ltmp5:
0xa5: {  	_ = 	snop;
	(pc) =	sbr.rel .LBB2_10-.Ltmp5, $4  }
0xa6: {  	_ =	swait.ge [sflag:s31], $0x4000  }
0xa7: {  	[sflag:s31] =	ssyncset.done $0x0  }
0xa8: {  	[sflag:s31] =	ssyncadd.s32 $0xFFFFC000  }
0xa9: {  	[spmem:s3] =	stream.indirect.scatter.add.f32 [tilespmem:s30], [sflag:$0x7], $0x80, s1, s26, $0xb8;
	[tilespmem:$0x1FF00] =	vst v63  }
.LBB2_4:
0xaa: {  	s11 =	rddreg [dreg:$0x9]  }
0xab: {  	[tilespmem:s13], [sflag:$0x3] =	stream.linear.gather [hbm4b:s11+s9], $0x100, $0x38;
	[tilespmem:$0x1FF00] =	vst v63  }
0xac: {  	_ =	swait.ge [sflag:s25], $0x100  }
0xad: {  	[sflag:s25] =	ssyncset.done $0x0  }
0xae: {  	[sflag:s25] =	ssyncadd.s32 $0xFFFFFF00  }
0xaf: {  	[tilespmem:s22], [sflag:$0x4] =	stream.indirect.gather [hbm4b:s0+s26], $0x80, s9, s26, $0xb8;
	[tilespmem:$0x1FF00] =	vst v63  }
0xb0: {  	_ =	swait.ge [sflag:s29], $0x100  }
0xb1: {  	[sflag:s29] =	ssyncset.done $0x0  }
0xb2: {  	[sflag:s29] =	ssyncadd.s32 $0xFFFFFF00  }
0xb3: {  	[tilespmem:s30], [sflag:$0x5] =	stream.indirect.gather [hbm4b:s0+s26], $0x80, s24, s26, $0xb8;
	[tilespmem:$0x1FF00] =	vst v63  }
0xb4: {  	_ =	swait.ge [sflag:s28], $0x4000  }
0xb5: {  	[sflag:s28] =	ssyncset.done $0x0  }
0xb6: {  	[sflag:s28] =	ssyncadd.s32 $0xFFFFC000  }
0xb7: {  	_ =	swait.ge [sflag:s2], $0x100  }
0xb8: {  	[sflag:s2] =	ssyncset.done $0x0  }
0xb9: {  	[sflag:s2] =	ssyncadd.s32 $0xFFFFFF00  }
0xba: {  	[tilespmem:s16], [sflag:$0x6] =	stream.indirect.gather [hbm4b:s0+s26], $0x80, s13, s26, $0xb8;
	[tilespmem:$0x1FF00] =	vst v63  }
0xbb: {  	_ = 	snop  }
0xbc: {  	[spmem:s3] =	stream.indirect.scatter.add.f32 [tilespmem:s22], [sflag:$0x7], $0x80, s26, s26, $0xb8;
	[tilespmem:$0x1FF00] =	vst v63  }
0xbd: {  	_ =	swait.ge [sflag:s23], $0x4000  }
0xbe: {  	[sflag:s23] =	ssyncset.done $0x0;
	s11 =	rddreg [dreg:$0xc]  }
0xbf: {  	[sflag:s23] =	ssyncadd.s32 $0xFFFFC000;
	s9 =	sadd.s32 s5, s11  }
0xc0: {  	[tilespmem:s4], [sflag:$0x1] =	stream.linear.gather [hbm4b:s9+s4], $0x100, $0x38;
	[tilespmem:$0x1FF00] =	vst v63  }
0xc1: {  	_ =	swait.ge [sflag:s31], $0x4000  }
0xc2: {  	[sflag:s31] =	ssyncset.done $0x0  }
0xc3: {  	[sflag:s31] =	ssyncadd.s32 $0xFFFFC000  }
0xc4: {  	_ =	swait.ge [sflag:s25], $0x100  }
0xc5: {  	[sflag:s25] =	ssyncset.done $0x0  }
0xc6: {  	[sflag:s25] =	ssyncadd.s32 $0xFFFFFF00  }
0xc7: {  	[tilespmem:s22], [sflag:$0x4] =	stream.indirect.gather [hbm4b:s0+s26], $0x80, s4, s26, $0xb8;
	[tilespmem:$0x1FF00] =	vst v63  }
0xc8: {  	_ = 	snop  }
0xc9: {  	[spmem:s3] =	stream.indirect.scatter.add.f32 [tilespmem:s30], [sflag:$0x7], $0x80, s1, s26, $0xb8;
	[tilespmem:$0x1FF00] =	vst v63  }
0xca: {  	_ =	swait.ge [sflag:s23], $0x4000  }
0xcb: {  	[sflag:s23] =	ssyncset.done $0x0  }
0xcc: {  	s12 =	sadd.s32 $0x0, s18;
	[sflag:s23] =	ssyncadd.s32 $0xFFFFC000  }
0xcd: {  	[tilespmem:s24], [sflag:$0x2] =	stream.linear.gather [hbm4b:s12+s4], $0x100, $0x38;
	[tilespmem:$0x1FF00] =	vst v63  }
0xce: {  	_ =	swait.ge [sflag:s19], $0x4000  }
0xcf: {  	[sflag:s19] =	ssyncset.done $0x0  }
0xd0: {  	[sflag:s19] =	ssyncadd.s32 $0xFFFFC000  }
0xd1: {  	_ =	swait.ge [sflag:s29], $0x100  }
0xd2: {  	[sflag:s29] =	ssyncset.done $0x0  }
0xd3: {  	[sflag:s29] =	ssyncadd.s32 $0xFFFFFF00  }
0xd4: {  	[tilespmem:s30], [sflag:$0x5] =	stream.indirect.gather [hbm4b:s0+s26], $0x80, s24, s26, $0xb8;
	[tilespmem:$0x1FF00] =	vst v63  }
0xd5: {  	_ = 	snop  }
0xd6: {  	[spmem:s3] =	stream.indirect.scatter.add.f32 [tilespmem:s16], [sflag:$0x7], $0x80, s7, s26, $0xb8;
	[tilespmem:$0x1FF00] =	vst v63  }
0xd7: {  	_ =	swait.ge [sflag:s23], $0x4000  }
0xd8: {  	s9 =	simm.s32 $0x60;
	[sflag:s23] =	ssyncset.done $0x0;
	s14 =	rddreg [dreg:$0xb]  }
0xd9: {  	s12 =	sadd.s32 $0x0, s17;
	[sflag:s23] =	ssyncadd.s32 $0xFFFFC000;
	s11 =	sadd.s32 $0x300, s14  }
.LBB2_5:
0xda: {  	[tilespmem:s13], [sflag:$0x3] =	stream.linear.gather [hbm4b:s12+s4], $0x100, $0x38;
	[tilespmem:$0x1FF00] =	vst v63  }
0xdb: {  	s12 =	smov.u32 s9  }
0xdc: {  	p1 =	seq.s32 s9, $0xEA0;
	s9 =	sadd.s32 $0x60, s9;
	_ =	swait.ge [sflag:s28], $0x4000  }
0xdd: {  	[sflag:s28] =	ssyncset.done $0x0  }
0xde: {  	[sflag:s28] =	ssyncadd.s32 $0xFFFFC000  }
0xdf: {  	_ =	swait.ge [sflag:s2], $0x100  }
0xe0: {  	[sflag:s2] =	ssyncset.done $0x0  }
0xe1: {  	[sflag:s2] =	ssyncadd.s32 $0xFFFFFF00  }
0xe2: {  	[tilespmem:s16], [sflag:$0x6] =	stream.indirect.gather [hbm4b:s0+s26], $0x80, s13, s26, $0xb8;
	[tilespmem:$0x1FF00] =	vst v63  }
0xe3: {  	_ = 	snop  }
0xe4: {  	[spmem:s3] =	stream.indirect.scatter.add.f32 [tilespmem:s22], [sflag:$0x7], $0x80, s26, s26, $0xb8;
	[tilespmem:$0x1FF00] =	vst v63  }
0xe5: {  	_ =	swait.ge [sflag:s23], $0x4000  }
0xe6: {  	s14 =	sshrl.u32 s11, $0x3;
	[sflag:s23] =	ssyncset.done $0x0  }
0xe7: {  	s14 =	sadd.s32 s5, s14;
	[sflag:s23] =	ssyncadd.s32 $0xFFFFC000  }
0xe8: {  	[tilespmem:s4], [sflag:$0x1] =	stream.linear.gather [hbm4b:s14+s4], $0x100, $0x38;
	[tilespmem:$0x1FF00] =	vst v63  }
0xe9: {  	_ =	swait.ge [sflag:s31], $0x4000  }
0xea: {  	[sflag:s31] =	ssyncset.done $0x0  }
0xeb: {  	[sflag:s31] =	ssyncadd.s32 $0xFFFFC000  }
0xec: {  	_ =	swait.ge [sflag:s25], $0x100  }
0xed: {  	[sflag:s25] =	ssyncset.done $0x0  }
0xee: {  	[sflag:s25] =	ssyncadd.s32 $0xFFFFFF00  }
0xef: {  	[tilespmem:s22], [sflag:$0x4] =	stream.indirect.gather [hbm4b:s0+s26], $0x80, s4, s26, $0xb8;
	[tilespmem:$0x1FF00] =	vst v63  }
0xf0: {  	_ = 	snop  }
0xf1: {  	[spmem:s3] =	stream.indirect.scatter.add.f32 [tilespmem:s30], [sflag:$0x7], $0x80, s1, s26, $0xb8;
	[tilespmem:$0x1FF00] =	vst v63  }
0xf2: {  	_ =	swait.ge [sflag:s23], $0x4000  }
0xf3: {  	[sflag:s23] =	ssyncset.done $0x0  }
0xf4: {  	s14 =	sadd.s32 s12, s18;
	[sflag:s23] =	ssyncadd.s32 $0xFFFFC000  }
0xf5: {  	[tilespmem:s24], [sflag:$0x2] =	stream.linear.gather [hbm4b:s14+s4], $0x100, $0x38;
	[tilespmem:$0x1FF00] =	vst v63  }
0xf6: {  	_ =	swait.ge [sflag:s19], $0x4000  }
0xf7: {  	[sflag:s19] =	ssyncset.done $0x0  }
0xf8: {  	[sflag:s19] =	ssyncadd.s32 $0xFFFFC000  }
0xf9: {  	_ =	swait.ge [sflag:s29], $0x100  }
0xfa: {  	[sflag:s29] =	ssyncset.done $0x0  }
0xfb: {  	[sflag:s29] =	ssyncadd.s32 $0xFFFFFF00  }
0xfc: {  	[tilespmem:s30], [sflag:$0x5] =	stream.indirect.gather [hbm4b:s0+s26], $0x80, s24, s26, $0xb8;
	[tilespmem:$0x1FF00] =	vst v63  }
.Ltmp6:
0xfd: {  	(pc) =	sbr.rel @!p1 .LBB2_5-.Ltmp6, $4  }
0xfe: {  	[spmem:s3] =	stream.indirect.scatter.add.f32 [tilespmem:s16], [sflag:$0x7], $0x80, s7, s26, $0xb8;
	[tilespmem:$0x1FF00] =	vst v63  }
0xff: {  	_ =	swait.ge [sflag:s23], $0x4000  }
0x100: {  	[sflag:s23] =	ssyncset.done $0x0  }
0x101: {  	s11 =	sadd.s32 $0x300, s11;
	s12 =	sadd.s32 s12, s17;
	[sflag:s23] =	ssyncadd.s32 $0xFFFFC000  }
.Ltmp7:
0x102: {  	_ = 	snop;
	(pc) =	sbr.rel .LBB2_6-.Ltmp7, $1  }
0x103: {  	_ =	sdelay $0x3  }
.LBB2_11:
0x104: {  	_ =	sfence.sel $0x180000  }
0x105: {  	[bflag:$0x0] =	sbarrier.arrive $0xFFFF  }
0x106: {  	_ =	strace $0x90000050  }
0x107: {  	s0 =	stileid.u32;
	[bflag:$0x2] =	sbarrier.arrive $0xFFFF  }
0x108: {  	p0 =	sne.s32 s0, $0x0;
	s0 =	rddreg [dreg:$0x3]  }
0x109: {  	s0 =	sadd.s32 @!p0 $0x100000, s0  }
0x10a: {  	[sflag:s0] =	ssyncadd.tile.s32 @!p0 $0x1;
	_ =	shalt  }
.Lfunc_end2:
_tile_overlayer_lowered:
.L_overlay_start_2:
0x10b: {  	(tag) =	ssettag $0x2  }
0x10c: {  	s0 =	rddreg [dreg:$0x0];
	s2 =	stileid.u32  }
0x10d: {  	s1 =	rddreg [dreg:$0x1];
	p0 =	sne.s32 s2, $0x0  }
0x10e: {  	s3 =	rddreg [dreg:$0x2];
	[bflag:$0x3] =	sbarrier.arrive $0xFFFF;
	s2 =	simm.s32 @!p0 $0x1C07  }
0x10f: {  	[timem:s3], [sflag:s2] =	dma.local @!p0 [hbm:s0], s1  }
0x110: {  	s0 =	simm.s32 @!p0 $0x7  }
0x111: {  	_ =	swait.ge @!p0 [sflag:s0], s1  }
0x112: {  	s1 =	ssub.s32 @!p0 $0x0, s1;
	[sflag:s0] =	ssyncset.done @!p0 $0x0  }
0x113: {  	[sflag:s0] =	ssyncadd.s32 @!p0 s1  }
0x114: {  	[bflag:$0x3] =	sbarrier.arrive $0xFFFF  }
0x115: {  	_ =	shalt  }

</sc_bundles>
